<compile_context>
chip_gen: v7x
topology: tpu7x:2x2x1
jax: 0.10.2.dev20260603
libtpu: 0.0.44.dev20260713+nightly
codegen_flags: <defaults>
</compile_context>

<pallas_src>
import jax
import jax.numpy as jnp
from jax import lax
from jax.experimental import pallas as pl
from jax.experimental.pallas import tpu as pltpu
from jax.experimental.pallas import tpu_sc as plsc

N = 10000
E = 320000
D = 128
D2 = 2 * D
DE = 16
H = 8
C = 16
SCALE = 0.25

NC = 2
NS = 16
NW = NC * NS
EPW = E // NW
B = 80
NCH = EPW // B
N_PAD = 10240
RPT = N_PAD // NS



def _proj_body(x_ref, w_ref, b_ref, o_ref):
    o_ref[...] = jnp.dot(x_ref[...], w_ref[...],
                         preferred_element_type=jnp.float32) + b_ref[...]


def _proj(x, w, b2d):
    bn = 2000
    grid = N // bn
    row = pl.BlockSpec((bn, D), lambda i: (i, 0))
    return pl.pallas_call(
        _proj_body,
        grid=(grid,),
        in_specs=[row, pl.BlockSpec((D, D), lambda i: (0, 0)),
                  pl.BlockSpec((1, D), lambda i: (0, 0))],
        out_specs=row,
        out_shape=jax.ShapeDtypeStruct((N, D), jnp.float32),
    )(x, w, b2d)


def _qkvs_body(h_ref, wq_ref, wk_ref, wv_ref, ws_ref, bq_ref, bk_ref, bv_ref,
               bs_ref, q_ref, kv_ref, s_ref):
    hb = h_ref[...]
    q_ref[...] = jnp.dot(hb, wq_ref[...], preferred_element_type=jnp.float32) + bq_ref[...]
    k = jnp.dot(hb, wk_ref[...], preferred_element_type=jnp.float32) + bk_ref[...]
    v = jnp.dot(hb, wv_ref[...], preferred_element_type=jnp.float32) + bv_ref[...]
    kv_ref[...] = jnp.concatenate([k, v], axis=1)
    s_ref[...] = jnp.dot(hb, ws_ref[...], preferred_element_type=jnp.float32) + bs_ref[...]


def _qkvs(h, wq, wk, wv, ws, bq, bk, bv, bs):
    bn = 2000
    grid = N // bn
    row = pl.BlockSpec((bn, D), lambda i: (i, 0))
    mat = pl.BlockSpec((D, D), lambda i: (0, 0))
    bias = pl.BlockSpec((1, D), lambda i: (0, 0))
    return pl.pallas_call(
        _qkvs_body,
        grid=(grid,),
        in_specs=[row, mat, mat, mat, mat, bias, bias, bias, bias],
        out_specs=[row, pl.BlockSpec((bn, D2), lambda i: (i, 0)), row],
        out_shape=[jax.ShapeDtypeStruct((N, D), jnp.float32),
                   jax.ShapeDtypeStruct((N, D2), jnp.float32),
                   jax.ShapeDtypeStruct((N, D), jnp.float32)],
    )(h, wq, wk, wv, ws, bq, bk, bv, bs)


def _edge_body(qi_ref, kvj_ref, ea_ref, ew_ref, we_ref, eb_ref, g_ref, s_ref,
               m_ref, w_ref):
    w2 = jnp.dot(ew_ref[...], we_ref[...], preferred_element_type=jnp.float32)
    b2 = jnp.dot(eb_ref[...], we_ref[...], preferred_element_type=jnp.float32)
    eeb = jnp.dot(ea_ref[...], w2, preferred_element_type=jnp.float32) + b2
    kvj = kvj_ref[...]
    kj = kvj[:, :D] + eeb
    vj = kvj[:, D:] + eeb
    t = qi_ref[...] * kj
    alpha = jnp.dot(t, g_ref[...], preferred_element_type=jnp.float32)
    ex = jnp.exp(alpha * SCALE)
    exb = jnp.dot(ex, s_ref[...], preferred_element_type=jnp.float32)
    w_ref[...] = exb
    m_ref[...] = exb * vj


def _edge_compute(qi, kvj, edge_attr, edge_W, We_l, edge_b2, gsel, ssel):
    be = 2000
    grid = E // be
    row = pl.BlockSpec((be, D), lambda i: (i, 0))
    return pl.pallas_call(
        _edge_body,
        grid=(grid,),
        in_specs=[row,
                  pl.BlockSpec((be, D2), lambda i: (i, 0)),
                  pl.BlockSpec((be, DE), lambda i: (i, 0)),
                  pl.BlockSpec((DE, D), lambda i: (0, 0)),
                  pl.BlockSpec((D, D), lambda i: (0, 0)),
                  pl.BlockSpec((1, D), lambda i: (0, 0)),
                  pl.BlockSpec((D, H), lambda i: (0, 0)),
                  pl.BlockSpec((H, D), lambda i: (0, 0))],
        out_specs=[row, row],
        out_shape=[jax.ShapeDtypeStruct((E, D), jnp.float32),
                   jax.ShapeDtypeStruct((E, D), jnp.float32)],
    )(qi, kvj, edge_attr, edge_W, We_l, edge_b2, gsel, ssel)


def _norm_body(a0_ref, a1_ref, d0_ref, d1_ref, skip_ref, h_ref, o_ref):
    denb = d0_ref[...] + d1_ref[...]
    agg = (a0_ref[...] + a1_ref[...]) / (denb + 1e-16) + skip_ref[...]
    o_ref[...] = h_ref[...] + jnp.maximum(agg, 0.0)


def _norm_update(acc0, acc1, den0, den1, skip, h):
    bn = 2000
    grid = N // bn
    row = pl.BlockSpec((bn, D), lambda i: (i, 0))
    return pl.pallas_call(
        _norm_body,
        grid=(grid,),
        in_specs=[row, row, row, row, row, row],
        out_specs=row,
        out_shape=jax.ShapeDtypeStruct((N, D), jnp.float32),
    )(acc0, acc1, den0, den1, skip, h)


def _final_body(h_ref, g_ref, b_ref, ow_ref, ob_ref, o_ref, acc_ref):
    i = pl.program_id(0)
    nblk = pl.num_programs(0)
    hb = h_ref[...]
    mu = jnp.mean(hb, axis=1, keepdims=True)
    var = jnp.mean((hb - mu) ** 2, axis=1, keepdims=True)
    hn = (hb - mu) / jnp.sqrt(var + 1e-5) * g_ref[...] + b_ref[...]
    psum = jnp.sum(hn, axis=0, keepdims=True)

    @pl.when(i == 0)
    def _():
        acc_ref[...] = jnp.zeros_like(acc_ref)

    acc_ref[...] += psum

    @pl.when(i == nblk - 1)
    def _():
        o_ref[...] = jnp.dot(acc_ref[...] * (1.0 / N), ow_ref[...],
                             preferred_element_type=jnp.float32) + ob_ref[...]


def _final(h, ln_g2d, ln_b2d, out_W, out_b2d):
    bn = 2000
    grid = N // bn
    return pl.pallas_call(
        _final_body,
        grid=(grid,),
        in_specs=[pl.BlockSpec((bn, D), lambda i: (i, 0)),
                  pl.BlockSpec((1, D), lambda i: (0, 0)),
                  pl.BlockSpec((1, D), lambda i: (0, 0)),
                  pl.BlockSpec((D, D), lambda i: (0, 0)),
                  pl.BlockSpec((1, D), lambda i: (0, 0))],
        out_specs=pl.BlockSpec((1, D), lambda i: (0, 0)),
        out_shape=jax.ShapeDtypeStruct((1, D), jnp.float32),
        scratch_shapes=[pltpu.VMEM((1, D), jnp.float32)],
    )(h, ln_g2d, ln_b2d, out_W, out_b2d)



def _sc_gather_body(kvT, qT, src, dst, kvj_out, qi_out,
                    idxs, idxd, kvb, qb, sg0, sg1, sw0, sw1):
    cid = lax.axis_index("c")
    sid = lax.axis_index("s")
    wid = cid * NS + sid
    base = wid * EPW
    sg = (sg0, sg1)
    sw = (sw0, sw1)

    def issue_gather(c, p):
        eb = base + c * B
        pltpu.sync_copy(src.at[pl.ds(eb, B)], idxs.at[p])
        pltpu.sync_copy(dst.at[pl.ds(eb, B)], idxd.at[p])
        pltpu.async_copy(kvT.at[idxs.at[p]], kvb.at[p], sg[p])
        pltpu.async_copy(qT.at[idxd.at[p]], qb.at[p], sg[p])

    def wait_gather(p):
        pltpu.make_async_copy(kvT.at[idxs.at[p]], kvb.at[p], sg[p]).wait()
        pltpu.make_async_copy(qT.at[idxd.at[p]], qb.at[p], sg[p]).wait()

    def issue_write(c, p):
        eb = base + c * B
        pltpu.async_copy(kvb.at[p], kvj_out.at[pl.ds(eb, B)], sw[p])
        pltpu.async_copy(qb.at[p], qi_out.at[pl.ds(eb, B)], sw[p])

    def wait_write(p):
        pltpu.make_async_copy(kvb.at[p], kvj_out.at[pl.ds(base, B)], sw[p]).wait()
        pltpu.make_async_copy(qb.at[p], qi_out.at[pl.ds(base, B)], sw[p]).wait()

    issue_gather(0, 0)

    @pl.loop(0, NCH - 1, step=2)
    def _(c):
        @pl.when(c > 0)
        def _():
            wait_write(1)

        issue_gather(c + 1, 1)
        wait_gather(0)
        issue_write(c, 0)
        wait_gather(1)
        issue_write(c + 1, 1)
        wait_write(0)
        issue_gather(c + 2, 0)

    wait_gather(0)
    wait_write(1)
    issue_write(NCH - 1, 0)
    wait_write(0)


def _sc_gather(kvT, qT, src, dst):
    mesh = plsc.VectorSubcoreMesh(core_axis_name="c", subcore_axis_name="s")
    f = pl.kernel(
        _sc_gather_body,
        out_type=[jax.ShapeDtypeStruct((E, D2), jnp.float32),
                  jax.ShapeDtypeStruct((E, D), jnp.float32)],
        mesh=mesh,
        scratch_types=[
            pltpu.VMEM((2, B), jnp.int32),
            pltpu.VMEM((2, B), jnp.int32),
            pltpu.VMEM((2, B, D2), jnp.float32),
            pltpu.VMEM((2, B, D), jnp.float32),
            pltpu.SemaphoreType.DMA,
            pltpu.SemaphoreType.DMA,
            pltpu.SemaphoreType.DMA,
            pltpu.SemaphoreType.DMA,
        ],
    )
    return f(kvT, qT, src, dst)


def _sc_scatter_body(msg, dst, znode, acc_out,
                     tab_sh, idx, mb, sl0, sl1):
    cid = lax.axis_index("c")
    sid = lax.axis_index("s")
    wid = cid * NS + sid
    base = wid * EPW
    r0 = sid * RPT
    off = cid * N_PAD + r0
    sl = (sl0, sl1)

    def accumulate(src_arr, out_arr):
        pltpu.sync_copy(znode.at[pl.ds(r0, RPT)], tab_sh.at[pl.ds(r0, RPT)])
        plsc.subcore_barrier()

        def issue_load(c, p):
            eb = base + c * B
            pltpu.async_copy(dst.at[pl.ds(eb, B)], idx.at[p], sl[p])
            pltpu.async_copy(src_arr.at[pl.ds(eb, B)], mb.at[p], sl[p])

        def wait_load(p):
            pltpu.make_async_copy(dst.at[pl.ds(base, B)], idx.at[p], sl[p]).wait()
            pltpu.make_async_copy(src_arr.at[pl.ds(base, B)], mb.at[p], sl[p]).wait()

        def scatter(p):
            pltpu.sync_copy(mb.at[p], tab_sh.at[idx.at[p]], add=True)

        issue_load(0, 0)

        @pl.loop(0, NCH - 1, step=2)
        def _(c):
            issue_load(c + 1, 1)
            wait_load(0)
            scatter(0)
            issue_load(c + 2, 0)
            wait_load(1)
            scatter(1)

        wait_load(0)
        scatter(0)
        plsc.subcore_barrier()
        pltpu.sync_copy(tab_sh.at[pl.ds(r0, RPT)], out_arr.at[pl.ds(off, RPT)])
        plsc.subcore_barrier()

    accumulate(msg, acc_out)


def _sc_scatter(msg, dst, znode):
    mesh = plsc.VectorSubcoreMesh(core_axis_name="c", subcore_axis_name="s")
    f = pl.kernel(
        _sc_scatter_body,
        out_type=jax.ShapeDtypeStruct((NC * N_PAD, D), jnp.float32),
        mesh=mesh,
        scratch_types=[
            pltpu.VMEM_SHARED((N_PAD, D), jnp.float32),
            pltpu.VMEM((2, B), jnp.int32),
            pltpu.VMEM((2, B, D), jnp.float32),
            pltpu.SemaphoreType.DMA,
            pltpu.SemaphoreType.DMA,
        ],
    )
    accP = f(msg, dst, znode)
    return accP.reshape(NC, N_PAD, D)



def kernel(x, edge_index, edge_attr, node_W, node_b, edge_W, edge_b, Wq, bq,
           Wk, bk, Wv, bv, We, Wskip, bskip, ln_g, ln_b, out_W, out_b):
    src = edge_index[0]
    dst = edge_index[1]

    lane = jnp.arange(D, dtype=jnp.int32)
    head = jnp.arange(H, dtype=jnp.int32)
    gsel = (lane[:, None] // C == head[None, :]).astype(jnp.float32)
    ssel = gsel.T.copy()

    znode = jnp.zeros((N_PAD, D), jnp.float32)

    node_b2 = node_b.reshape(1, D)
    edge_b2 = edge_b.reshape(1, D)

    h = _proj(x, node_W, node_b2)

    for l in range(2):
        q, kv, skip = _qkvs(h, Wq[l], Wk[l], Wv[l], Wskip[l],
                            bq[l].reshape(1, D), bk[l].reshape(1, D),
                            bv[l].reshape(1, D), bskip[l].reshape(1, D))
        kvj, qi = _sc_gather(kv, q, src, dst)
        msg, w8 = _edge_compute(qi, kvj, edge_attr, edge_W, We[l], edge_b2,
                                gsel, ssel)
        accP = _sc_scatter(msg, dst, znode)
        denP = _sc_scatter(w8, dst, znode)
        h = _norm_update(accP[0, :N], accP[1, :N], denP[0, :N], denP[1, :N],
                         skip, h)

    return _final(h, ln_g.reshape(1, D), ln_b.reshape(1, D), out_W,
                  out_b.reshape(1, D))

# --- scband reference (transcript-rebuilt; emitter-appended) ---
"""Pipeline reference for scband-graph-transformer-59090160058446 (READ-ONLY COPY).

The authoritative reference and input builder live on the scoring server;
editing this copy changes nothing except your own understanding.
"""

import jax, jax.numpy as jnp
import numpy as np

N = 10000
E = 320000
D = 128
DE = 16
L = 2
H = 8
C = D // H


def setup_inputs(seed: int = 0):
    key = jax.random.key(seed)
    ks = jax.random.split(key, 16)
    inp = {}
    inp["x"] = jax.random.normal(ks[0], (N, D), dtype=jnp.float32)
    inp["edge_index"] = jax.random.randint(ks[1], (2, E), 0, N, dtype=jnp.int32)
    inp["edge_attr"] = jax.random.normal(ks[2], (E, DE), dtype=jnp.float32)
    inp["node_W"] = 0.05 * jax.random.normal(ks[3], (D, D), dtype=jnp.float32)
    inp["node_b"] = jnp.zeros((D,), dtype=jnp.float32)
    inp["edge_W"] = 0.05 * jax.random.normal(ks[4], (DE, D), dtype=jnp.float32)
    inp["edge_b"] = jnp.zeros((D,), dtype=jnp.float32)
    inp["Wq"] = 0.05 * jax.random.normal(ks[5], (L, D, D), dtype=jnp.float32)
    inp["bq"] = jnp.zeros((L, D), dtype=jnp.float32)
    inp["Wk"] = 0.05 * jax.random.normal(ks[6], (L, D, D), dtype=jnp.float32)
    inp["bk"] = jnp.zeros((L, D), dtype=jnp.float32)
    inp["Wv"] = 0.05 * jax.random.normal(ks[7], (L, D, D), dtype=jnp.float32)
    inp["bv"] = jnp.zeros((L, D), dtype=jnp.float32)
    inp["We"] = 0.05 * jax.random.normal(ks[8], (L, D, D), dtype=jnp.float32)
    inp["Wskip"] = 0.05 * jax.random.normal(ks[9], (L, D, D), dtype=jnp.float32)
    inp["bskip"] = jnp.zeros((L, D), dtype=jnp.float32)
    inp["ln_g"] = jnp.ones((D,), dtype=jnp.float32)
    inp["ln_b"] = jnp.zeros((D,), dtype=jnp.float32)
    inp["out_W"] = 0.05 * jax.random.normal(ks[10], (D, D), dtype=jnp.float32)
    inp["out_b"] = jnp.zeros((D,), dtype=jnp.float32)
    return inp


def _forward(x, edge_attr, node_W, node_b, edge_W, edge_b, Wq, bq, Wk, bk, Wv, bv, We, Wskip, bskip, ln_g, ln_b, out_W, out_b, edge_index):
    src = edge_index[0]
    dst = edge_index[1]
    h = x @ node_W + node_b
    e = edge_attr @ edge_W + edge_b
    scale = 1.0 / jnp.sqrt(jnp.asarray(C, dtype=jnp.float32))
    for l in range(L):
        q = (h @ Wq[l] + bq[l]).reshape(N, H, C)
        k = (h @ Wk[l] + bk[l]).reshape(N, H, C)
        v = (h @ Wv[l] + bv[l]).reshape(N, H, C)
        ee = (e @ We[l]).reshape(E, H, C)
        k_j = k[src] + ee
        v_j = v[src] + ee
        q_i = q[dst]
        alpha = jnp.sum(q_i * k_j, axis=-1) * scale
        amax = jax.ops.segment_max(alpha, dst, num_segments=N)
        amax = jnp.where(jnp.isfinite(amax), amax, 0.0)
        amax = jax.lax.stop_gradient(amax)
        ex = jnp.exp(alpha - amax[dst])
        denom = jax.ops.segment_sum(ex, dst, num_segments=N)
        a = ex / (denom[dst] + 1e-16)
        msg = a[:, :, None] * v_j
        agg = jax.ops.segment_sum(msg, dst, num_segments=N).reshape(N, D)
        agg = agg + (h @ Wskip[l] + bskip[l])
        h = h + jax.nn.relu(agg)
    mu = jnp.mean(h, axis=-1, keepdims=True)
    var = jnp.var(h, axis=-1, keepdims=True)
    h = (h - mu) / jnp.sqrt(var + 1e-5) * ln_g + ln_b
    pooled = jnp.mean(h, axis=0, keepdims=True)
    return pooled @ out_W + out_b


def reference(x, edge_index, edge_attr, node_W, node_b, edge_W, edge_b, Wq, bq, Wk, bk, Wv, bv, We, Wskip, bskip, ln_g, ln_b, out_W, out_b):
    return _forward(x, edge_attr, node_W, node_b, edge_W, edge_b, Wq, bq, Wk, bk, Wv, bv, We, Wskip, bskip, ln_g, ln_b, out_W, out_b, edge_index)

if __name__ == "__main__":
    import jax
    _d = setup_inputs()
    print(jax.jit(kernel)(*tuple(_d.values())))

</pallas_src>

<mosaic_0001>
#map = affine_map<(d0, d1) -> (0, 0)>
#map1 = affine_map<(d0, d1) -> (0)>
module attributes {stable_mosaic.version = 14 : i64} {
  func.func @_sc_gather_body(%arg0: i32, %arg1: i32, %arg2: memref<10000x256xf32, #tpu.memory_space<hbm>>, %arg3: memref<10000x128xf32, #tpu.memory_space<hbm>>, %arg4: memref<320000xi32, #tpu.memory_space<hbm>>, %arg5: memref<320000xi32, #tpu.memory_space<hbm>>, %arg6: memref<320000x256xf32, #tpu.memory_space<hbm>>, %arg7: memref<320000x128xf32, #tpu.memory_space<hbm>>, %arg8: memref<2x80xi32, #tpu.memory_space<vmem>>, %arg9: memref<2x80xi32, #tpu.memory_space<vmem>>, %arg10: memref<2x80x256xf32, #tpu.memory_space<vmem>>, %arg11: memref<2x80x128xf32, #tpu.memory_space<vmem>>, %arg12: memref<!tpu.dma_semaphore, #tpu.memory_space<semaphore_mem>>, %arg13: memref<!tpu.dma_semaphore, #tpu.memory_space<semaphore_mem>>, %arg14: memref<!tpu.dma_semaphore, #tpu.memory_space<semaphore_mem>>, %arg15: memref<!tpu.dma_semaphore, #tpu.memory_space<semaphore_mem>>) attributes {dimension_semantics = [#tpu.dimension_semantics<core_parallel>, #tpu.dimension_semantics<subcore_parallel>], iteration_bounds = array<i64: 2, 16>, scalar_prefetch = 0 : i64, scratch_operands = 8 : i64, tpu.core_type = #tpu.core_type<sc_vector_subcore>, window_params = [{transform_indices = #map}, {transform_indices = #map}, {transform_indices = #map1}, {transform_indices = #map1}, {transform_indices = #map}, {transform_indices = #map}]} {
    %mul3A = arith.constant 16 : i32
    %mul3A_0 = arith.muli %arg0, %mul3A : i32
    %add3A = arith.addi %mul3A_0, %arg1 : i32
    %mul3A_1 = arith.constant 10000 : i32
    %mul3A_2 = arith.muli %add3A, %mul3A_1 : i32
    %add3A_3 = arith.constant 0 : i32
    %add3A_4 = arith.addi %mul3A_2, %add3A_3 : i32
    %run_scoped3A = arith.constant 0 : i32
    "tpu.region"() ({
      %run_scoped3A_136 = tpu.sem_alloc : memref<!tpu.dma_semaphore, #tpu.memory_space<semaphore_mem>>
      %dma_start3A_137 = arith.constant 0 : i32
      %dma_start3A_138 = tpu.memref_slice %arg8[%run_scoped3A, %dma_start3A_137] : memref<2x80xi32, #tpu.memory_space<vmem>> -> memref<1x80xi32, #tpu.memory_space<vmem>>
      %dma_start3A_139 = tpu.memref_squeeze %dma_start3A_138 : memref<1x80xi32, #tpu.memory_space<vmem>> -> memref<80xi32, #tpu.memory_space<vmem>>
      %dma_start3A_140 = tpu.memref_slice %arg4[%add3A_4] : memref<320000xi32, #tpu.memory_space<hbm>> -> memref<80xi32, #tpu.memory_space<hbm>>
      %dma_start3A_141 = arith.constant 0 : i32
      %dma_start3A_142 = tpu.memref_slice %arg8[%run_scoped3A, %dma_start3A_141] : memref<2x80xi32, #tpu.memory_space<vmem>> -> memref<1x80xi32, #tpu.memory_space<vmem>>
      %dma_start3A_143 = tpu.memref_squeeze %dma_start3A_142 : memref<1x80xi32, #tpu.memory_space<vmem>> -> memref<80xi32, #tpu.memory_space<vmem>>
      %dma_start3A_144 = tpu.memref_slice %arg4[%add3A_4] : memref<320000xi32, #tpu.memory_space<hbm>> -> memref<80xi32, #tpu.memory_space<hbm>>
      tpu.enqueue_dma source(%dma_start3A_144 : memref<80xi32, #tpu.memory_space<hbm>>) target(%dma_start3A_143 : memref<80xi32, #tpu.memory_space<vmem>>) target_semaphore(%run_scoped3A_136 : memref<!tpu.dma_semaphore, #tpu.memory_space<semaphore_mem>>)
      %dma_wait3A_145 = arith.constant 0 : i32
      %dma_wait3A_146 = tpu.memref_slice %arg8[%run_scoped3A, %dma_wait3A_145] : memref<2x80xi32, #tpu.memory_space<vmem>> -> memref<1x80xi32, #tpu.memory_space<vmem>>
      %dma_wait3A_147 = tpu.memref_squeeze %dma_wait3A_146 : memref<1x80xi32, #tpu.memory_space<vmem>> -> memref<80xi32, #tpu.memory_space<vmem>>
      %dma_wait3A_148 = tpu.memref_slice %arg4[%add3A_4] : memref<320000xi32, #tpu.memory_space<hbm>> -> memref<80xi32, #tpu.memory_space<hbm>>
      %dma_wait3A_149 = arith.constant 0 : i32
      %dma_wait3A_150 = tpu.memref_slice %arg8[%run_scoped3A, %dma_wait3A_149] : memref<2x80xi32, #tpu.memory_space<vmem>> -> memref<1x80xi32, #tpu.memory_space<vmem>>
      %dma_wait3A_151 = tpu.memref_squeeze %dma_wait3A_150 : memref<1x80xi32, #tpu.memory_space<vmem>> -> memref<80xi32, #tpu.memory_space<vmem>>
      %dma_wait3A_152 = tpu.memref_slice %arg4[%add3A_4] : memref<320000xi32, #tpu.memory_space<hbm>> -> memref<80xi32, #tpu.memory_space<hbm>>
      tpu.wait_dma2 semaphore(%run_scoped3A_136 : memref<!tpu.dma_semaphore, #tpu.memory_space<semaphore_mem>>) src(%dma_wait3A_152 : memref<80xi32, #tpu.memory_space<hbm>>) dst(%dma_wait3A_151 : memref<80xi32, #tpu.memory_space<vmem>>)
      tpu.yield
    }) : () -> ()
    %run_scoped3A_5 = arith.constant 0 : i32
    "tpu.region"() ({
      %run_scoped3A_136 = tpu.sem_alloc : memref<!tpu.dma_semaphore, #tpu.memory_space<semaphore_mem>>
      %dma_start3A_137 = arith.constant 0 : i32
      %dma_start3A_138 = tpu.memref_slice %arg9[%run_scoped3A_5, %dma_start3A_137] : memref<2x80xi32, #tpu.memory_space<vmem>> -> memref<1x80xi32, #tpu.memory_space<vmem>>
      %dma_start3A_139 = tpu.memref_squeeze %dma_start3A_138 : memref<1x80xi32, #tpu.memory_space<vmem>> -> memref<80xi32, #tpu.memory_space<vmem>>
      %dma_start3A_140 = tpu.memref_slice %arg5[%add3A_4] : memref<320000xi32, #tpu.memory_space<hbm>> -> memref<80xi32, #tpu.memory_space<hbm>>
      %dma_start3A_141 = arith.constant 0 : i32
      %dma_start3A_142 = tpu.memref_slice %arg9[%run_scoped3A_5, %dma_start3A_141] : memref<2x80xi32, #tpu.memory_space<vmem>> -> memref<1x80xi32, #tpu.memory_space<vmem>>
      %dma_start3A_143 = tpu.memref_squeeze %dma_start3A_142 : memref<1x80xi32, #tpu.memory_space<vmem>> -> memref<80xi32, #tpu.memory_space<vmem>>
      %dma_start3A_144 = tpu.memref_slice %arg5[%add3A_4] : memref<320000xi32, #tpu.memory_space<hbm>> -> memref<80xi32, #tpu.memory_space<hbm>>
      tpu.enqueue_dma source(%dma_start3A_144 : memref<80xi32, #tpu.memory_space<hbm>>) target(%dma_start3A_143 : memref<80xi32, #tpu.memory_space<vmem>>) target_semaphore(%run_scoped3A_136 : memref<!tpu.dma_semaphore, #tpu.memory_space<semaphore_mem>>)
      %dma_wait3A_145 = arith.constant 0 : i32
      %dma_wait3A_146 = tpu.memref_slice %arg9[%run_scoped3A_5, %dma_wait3A_145] : memref<2x80xi32, #tpu.memory_space<vmem>> -> memref<1x80xi32, #tpu.memory_space<vmem>>
      %dma_wait3A_147 = tpu.memref_squeeze %dma_wait3A_146 : memref<1x80xi32, #tpu.memory_space<vmem>> -> memref<80xi32, #tpu.memory_space<vmem>>
      %dma_wait3A_148 = tpu.memref_slice %arg5[%add3A_4] : memref<320000xi32, #tpu.memory_space<hbm>> -> memref<80xi32, #tpu.memory_space<hbm>>
      %dma_wait3A_149 = arith.constant 0 : i32
      %dma_wait3A_150 = tpu.memref_slice %arg9[%run_scoped3A_5, %dma_wait3A_149] : memref<2x80xi32, #tpu.memory_space<vmem>> -> memref<1x80xi32, #tpu.memory_space<vmem>>
      %dma_wait3A_151 = tpu.memref_squeeze %dma_wait3A_150 : memref<1x80xi32, #tpu.memory_space<vmem>> -> memref<80xi32, #tpu.memory_space<vmem>>
      %dma_wait3A_152 = tpu.memref_slice %arg5[%add3A_4] : memref<320000xi32, #tpu.memory_space<hbm>> -> memref<80xi32, #tpu.memory_space<hbm>>
      tpu.wait_dma2 semaphore(%run_scoped3A_136 : memref<!tpu.dma_semaphore, #tpu.memory_space<semaphore_mem>>) src(%dma_wait3A_152 : memref<80xi32, #tpu.memory_space<hbm>>) dst(%dma_wait3A_151 : memref<80xi32, #tpu.memory_space<vmem>>)
      tpu.yield
    }) : () -> ()
    %dma_start3A = arith.constant 0 : i32
    %dma_start3A_6 = arith.constant 0 : i32
    %dma_start3A_7 = arith.constant 0 : i32
    %dma_start3A_8 = arith.constant 0 : i32
    %dma_start3A_9 = tpu.memref_slice %arg10[%dma_start3A_6, %dma_start3A_7, %dma_start3A_8] : memref<2x80x256xf32, #tpu.memory_space<vmem>> -> memref<1x80x256xf32, #tpu.memory_space<vmem>>
    %dma_start3A_10 = tpu.memref_squeeze %dma_start3A_9 : memref<1x80x256xf32, #tpu.memory_space<vmem>> -> memref<80x256xf32, #tpu.memory_space<vmem>>
    %dma_start3A_11 = arith.constant 0 : i32
    %dma_start3A_12 = tpu.memref_slice %arg8[%dma_start3A, %dma_start3A_11] : memref<2x80xi32, #tpu.memory_space<vmem>> -> memref<1x80xi32, #tpu.memory_space<vmem>>
    %dma_start3A_13 = tpu.memref_squeeze %dma_start3A_12 : memref<1x80xi32, #tpu.memory_space<vmem>> -> memref<80xi32, #tpu.memory_space<vmem>>
    %dma_start3A_14 = arith.constant 0 : i32
    %dma_start3A_15 = arith.constant 0 : i32
    %dma_start3A_16 = tpu.memref_slice %arg2[%dma_start3A_14, %dma_start3A_15] : memref<10000x256xf32, #tpu.memory_space<hbm>> -> memref<10000x256xf32, #tpu.memory_space<hbm>>
    tpu.enqueue_indirect_dma source(%dma_start3A_16 : memref<10000x256xf32, #tpu.memory_space<hbm>>) target(%dma_start3A_10 : memref<80x256xf32, #tpu.memory_space<vmem>>) offsets(%dma_start3A_13 : memref<80xi32, #tpu.memory_space<vmem>>) semaphore(%arg12 : memref<!tpu.dma_semaphore, #tpu.memory_space<semaphore_mem>>)
    %dma_start3A_17 = arith.constant 0 : i32
    %dma_start3A_18 = arith.constant 0 : i32
    %dma_start3A_19 = arith.constant 0 : i32
    %dma_start3A_20 = arith.constant 0 : i32
    %dma_start3A_21 = tpu.memref_slice %arg11[%dma_start3A_18, %dma_start3A_19, %dma_start3A_20] : memref<2x80x128xf32, #tpu.memory_space<vmem>> -> memref<1x80x128xf32, #tpu.memory_space<vmem>>
    %dma_start3A_22 = tpu.memref_squeeze %dma_start3A_21 : memref<1x80x128xf32, #tpu.memory_space<vmem>> -> memref<80x128xf32, #tpu.memory_space<vmem>>
    %dma_start3A_23 = arith.constant 0 : i32
    %dma_start3A_24 = tpu.memref_slice %arg9[%dma_start3A_17, %dma_start3A_23] : memref<2x80xi32, #tpu.memory_space<vmem>> -> memref<1x80xi32, #tpu.memory_space<vmem>>
    %dma_start3A_25 = tpu.memref_squeeze %dma_start3A_24 : memref<1x80xi32, #tpu.memory_space<vmem>> -> memref<80xi32, #tpu.memory_space<vmem>>
    %dma_start3A_26 = arith.constant 0 : i32
    %dma_start3A_27 = arith.constant 0 : i32
    %dma_start3A_28 = tpu.memref_slice %arg3[%dma_start3A_26, %dma_start3A_27] : memref<10000x128xf32, #tpu.memory_space<hbm>> -> memref<10000x128xf32, #tpu.memory_space<hbm>>
    tpu.enqueue_indirect_dma source(%dma_start3A_28 : memref<10000x128xf32, #tpu.memory_space<hbm>>) target(%dma_start3A_22 : memref<80x128xf32, #tpu.memory_space<vmem>>) offsets(%dma_start3A_25 : memref<80xi32, #tpu.memory_space<vmem>>) semaphore(%arg12 : memref<!tpu.dma_semaphore, #tpu.memory_space<semaphore_mem>>)
    %scan3A = arith.constant 0 : i32
    %scan3A_29 = arith.constant 62 : i32
    %scan3A_30 = arith.addi %scan3A, %scan3A_29 : i32
    %scan3A_31 = arith.constant 1 : i32
    scf.for %scan3A_136 = %scan3A to %scan3A_30 step %scan3A_31  : i32 {
      %mul3A_137 = arith.constant 2 : i32
      %mul3A_138 = arith.muli %scan3A_136, %mul3A_137 : i32
      %add3A_139 = arith.constant 0 : i32
      %add3A_140 = arith.addi %add3A_139, %mul3A_138 : i32
      %gt3A = arith.constant 0 : i32
      %gt3A_141 = arith.cmpi sgt, %add3A_140, %gt3A : i32
      %convert_element_type3A = arith.extui %gt3A_141 : i1 to i32
      %cond3A = arith.constant 0 : i32
      %cond3A_142 = arith.cmpi ne, %convert_element_type3A, %cond3A : i32
      scf.if %cond3A_142 {
        %dma_wait3A_339 = arith.constant 1 : i32
        %dma_wait3A_340 = arith.constant 0 : i32
        %dma_wait3A_341 = arith.constant 0 : i32
        %dma_wait3A_342 = tpu.memref_slice %arg10[%dma_wait3A_339, %dma_wait3A_340, %dma_wait3A_341] : memref<2x80x256xf32, #tpu.memory_space<vmem>> -> memref<1x80x256xf32, #tpu.memory_space<vmem>>
        %dma_wait3A_343 = tpu.memref_squeeze %dma_wait3A_342 : memref<1x80x256xf32, #tpu.memory_space<vmem>> -> memref<80x256xf32, #tpu.memory_space<vmem>>
        %dma_wait3A_344 = arith.constant 0 : i32
        %dma_wait3A_345 = tpu.memref_slice %arg6[%mul3A_2, %dma_wait3A_344] : memref<320000x256xf32, #tpu.memory_space<hbm>> -> memref<80x256xf32, #tpu.memory_space<hbm>>
        %dma_wait3A_346 = arith.constant 0 : i32
        %dma_wait3A_347 = tpu.memref_slice %arg6[%mul3A_2, %dma_wait3A_346] : memref<320000x256xf32, #tpu.memory_space<hbm>> -> memref<80x256xf32, #tpu.memory_space<hbm>>
        %dma_wait3A_348 = arith.constant 0 : i32
        %dma_wait3A_349 = arith.constant 0 : i32
        %dma_wait3A_350 = tpu.memref_slice %arg10[%dma_wait3A_339, %dma_wait3A_348, %dma_wait3A_349] : memref<2x80x256xf32, #tpu.memory_space<vmem>> -> memref<1x80x256xf32, #tpu.memory_space<vmem>>
        %dma_wait3A_351 = tpu.memref_squeeze %dma_wait3A_350 : memref<1x80x256xf32, #tpu.memory_space<vmem>> -> memref<80x256xf32, #tpu.memory_space<vmem>>
        tpu.wait_dma2 semaphore(%arg15 : memref<!tpu.dma_semaphore, #tpu.memory_space<semaphore_mem>>) src(%dma_wait3A_351 : memref<80x256xf32, #tpu.memory_space<vmem>>) dst(%dma_wait3A_347 : memref<80x256xf32, #tpu.memory_space<hbm>>)
        %dma_wait3A_352 = arith.constant 1 : i32
        %dma_wait3A_353 = arith.constant 0 : i32
        %dma_wait3A_354 = arith.constant 0 : i32
        %dma_wait3A_355 = tpu.memref_slice %arg11[%dma_wait3A_352, %dma_wait3A_353, %dma_wait3A_354] : memref<2x80x128xf32, #tpu.memory_space<vmem>> -> memref<1x80x128xf32, #tpu.memory_space<vmem>>
        %dma_wait3A_356 = tpu.memref_squeeze %dma_wait3A_355 : memref<1x80x128xf32, #tpu.memory_space<vmem>> -> memref<80x128xf32, #tpu.memory_space<vmem>>
        %dma_wait3A_357 = arith.constant 0 : i32
        %dma_wait3A_358 = tpu.memref_slice %arg7[%mul3A_2, %dma_wait3A_357] : memref<320000x128xf32, #tpu.memory_space<hbm>> -> memref<80x128xf32, #tpu.memory_space<hbm>>
        %dma_wait3A_359 = arith.constant 0 : i32
        %dma_wait3A_360 = tpu.memref_slice %arg7[%mul3A_2, %dma_wait3A_359] : memref<320000x128xf32, #tpu.memory_space<hbm>> -> memref<80x128xf32, #tpu.memory_space<hbm>>
        %dma_wait3A_361 = arith.constant 0 : i32
        %dma_wait3A_362 = arith.constant 0 : i32
        %dma_wait3A_363 = tpu.memref_slice %arg11[%dma_wait3A_352, %dma_wait3A_361, %dma_wait3A_362] : memref<2x80x128xf32, #tpu.memory_space<vmem>> -> memref<1x80x128xf32, #tpu.memory_space<vmem>>
        %dma_wait3A_364 = tpu.memref_squeeze %dma_wait3A_363 : memref<1x80x128xf32, #tpu.memory_space<vmem>> -> memref<80x128xf32, #tpu.memory_space<vmem>>
        tpu.wait_dma2 semaphore(%arg15 : memref<!tpu.dma_semaphore, #tpu.memory_space<semaphore_mem>>) src(%dma_wait3A_364 : memref<80x128xf32, #tpu.memory_space<vmem>>) dst(%dma_wait3A_360 : memref<80x128xf32, #tpu.memory_space<hbm>>)
      } else {
      }
      %add3A_143 = arith.constant 1 : i32
      %add3A_144 = arith.addi %add3A_140, %add3A_143 : i32
      %mul3A_145 = arith.constant 80 : i32
      %mul3A_146 = arith.muli %add3A_144, %mul3A_145 : i32
      %add3A_147 = arith.addi %mul3A_2, %mul3A_146 : i32
      %run_scoped3A_148 = arith.constant 1 : i32
      "tpu.region"() ({
        %run_scoped3A_339 = tpu.sem_alloc : memref<!tpu.dma_semaphore, #tpu.memory_space<semaphore_mem>>
        %dma_start3A_340 = arith.constant 0 : i32
        %dma_start3A_341 = tpu.memref_slice %arg8[%run_scoped3A_148, %dma_start3A_340] : memref<2x80xi32, #tpu.memory_space<vmem>> -> memref<1x80xi32, #tpu.memory_space<vmem>>
        %dma_start3A_342 = tpu.memref_squeeze %dma_start3A_341 : memref<1x80xi32, #tpu.memory_space<vmem>> -> memref<80xi32, #tpu.memory_space<vmem>>
        %dma_start3A_343 = tpu.memref_slice %arg4[%add3A_147] : memref<320000xi32, #tpu.memory_space<hbm>> -> memref<80xi32, #tpu.memory_space<hbm>>
        %dma_start3A_344 = arith.constant 0 : i32
        %dma_start3A_345 = tpu.memref_slice %arg8[%run_scoped3A_148, %dma_start3A_344] : memref<2x80xi32, #tpu.memory_space<vmem>> -> memref<1x80xi32, #tpu.memory_space<vmem>>
        %dma_start3A_346 = tpu.memref_squeeze %dma_start3A_345 : memref<1x80xi32, #tpu.memory_space<vmem>> -> memref<80xi32, #tpu.memory_space<vmem>>
        %dma_start3A_347 = tpu.memref_slice %arg4[%add3A_147] : memref<320000xi32, #tpu.memory_space<hbm>> -> memref<80xi32, #tpu.memory_space<hbm>>
        tpu.enqueue_dma source(%dma_start3A_347 : memref<80xi32, #tpu.memory_space<hbm>>) target(%dma_start3A_346 : memref<80xi32, #tpu.memory_space<vmem>>) target_semaphore(%run_scoped3A_339 : memref<!tpu.dma_semaphore, #tpu.memory_space<semaphore_mem>>)
        %dma_wait3A_348 = arith.constant 0 : i32
        %dma_wait3A_349 = tpu.memref_slice %arg8[%run_scoped3A_148, %dma_wait3A_348] : memref<2x80xi32, #tpu.memory_space<vmem>> -> memref<1x80xi32, #tpu.memory_space<vmem>>
        %dma_wait3A_350 = tpu.memref_squeeze %dma_wait3A_349 : memref<1x80xi32, #tpu.memory_space<vmem>> -> memref<80xi32, #tpu.memory_space<vmem>>
        %dma_wait3A_351 = tpu.memref_slice %arg4[%add3A_147] : memref<320000xi32, #tpu.memory_space<hbm>> -> memref<80xi32, #tpu.memory_space<hbm>>
        %dma_wait3A_352 = arith.constant 0 : i32
        %dma_wait3A_353 = tpu.memref_slice %arg8[%run_scoped3A_148, %dma_wait3A_352] : memref<2x80xi32, #tpu.memory_space<vmem>> -> memref<1x80xi32, #tpu.memory_space<vmem>>
        %dma_wait3A_354 = tpu.memref_squeeze %dma_wait3A_353 : memref<1x80xi32, #tpu.memory_space<vmem>> -> memref<80xi32, #tpu.memory_space<vmem>>
        %dma_wait3A_355 = tpu.memref_slice %arg4[%add3A_147] : memref<320000xi32, #tpu.memory_space<hbm>> -> memref<80xi32, #tpu.memory_space<hbm>>
        tpu.wait_dma2 semaphore(%run_scoped3A_339 : memref<!tpu.dma_semaphore, #tpu.memory_space<semaphore_mem>>) src(%dma_wait3A_355 : memref<80xi32, #tpu.memory_space<hbm>>) dst(%dma_wait3A_354 : memref<80xi32, #tpu.memory_space<vmem>>)
        tpu.yield
      }) : () -> ()
      %run_scoped3A_149 = arith.constant 1 : i32
      "tpu.region"() ({
        %run_scoped3A_339 = tpu.sem_alloc : memref<!tpu.dma_semaphore, #tpu.memory_space<semaphore_mem>>
        %dma_start3A_340 = arith.constant 0 : i32
        %dma_start3A_341 = tpu.memref_slice %arg9[%run_scoped3A_149, %dma_start3A_340] : memref<2x80xi32, #tpu.memory_space<vmem>> -> memref<1x80xi32, #tpu.memory_space<vmem>>
        %dma_start3A_342 = tpu.memref_squeeze %dma_start3A_341 : memref<1x80xi32, #tpu.memory_space<vmem>> -> memref<80xi32, #tpu.memory_space<vmem>>
        %dma_start3A_343 = tpu.memref_slice %arg5[%add3A_147] : memref<320000xi32, #tpu.memory_space<hbm>> -> memref<80xi32, #tpu.memory_space<hbm>>
        %dma_start3A_344 = arith.constant 0 : i32
        %dma_start3A_345 = tpu.memref_slice %arg9[%run_scoped3A_149, %dma_start3A_344] : memref<2x80xi32, #tpu.memory_space<vmem>> -> memref<1x80xi32, #tpu.memory_space<vmem>>
        %dma_start3A_346 = tpu.memref_squeeze %dma_start3A_345 : memref<1x80xi32, #tpu.memory_space<vmem>> -> memref<80xi32, #tpu.memory_space<vmem>>
        %dma_start3A_347 = tpu.memref_slice %arg5[%add3A_147] : memref<320000xi32, #tpu.memory_space<hbm>> -> memref<80xi32, #tpu.memory_space<hbm>>
        tpu.enqueue_dma source(%dma_start3A_347 : memref<80xi32, #tpu.memory_space<hbm>>) target(%dma_start3A_346 : memref<80xi32, #tpu.memory_space<vmem>>) target_semaphore(%run_scoped3A_339 : memref<!tpu.dma_semaphore, #tpu.memory_space<semaphore_mem>>)
        %dma_wait3A_348 = arith.constant 0 : i32
        %dma_wait3A_349 = tpu.memref_slice %arg9[%run_scoped3A_149, %dma_wait3A_348] : memref<2x80xi32, #tpu.memory_space<vmem>> -> memref<1x80xi32, #tpu.memory_space<vmem>>
        %dma_wait3A_350 = tpu.memref_squeeze %dma_wait3A_349 : memref<1x80xi32, #tpu.memory_space<vmem>> -> memref<80xi32, #tpu.memory_space<vmem>>
        %dma_wait3A_351 = tpu.memref_slice %arg5[%add3A_147] : memref<320000xi32, #tpu.memory_space<hbm>> -> memref<80xi32, #tpu.memory_space<hbm>>
        %dma_wait3A_352 = arith.constant 0 : i32
        %dma_wait3A_353 = tpu.memref_slice %arg9[%run_scoped3A_149, %dma_wait3A_352] : memref<2x80xi32, #tpu.memory_space<vmem>> -> memref<1x80xi32, #tpu.memory_space<vmem>>
        %dma_wait3A_354 = tpu.memref_squeeze %dma_wait3A_353 : memref<1x80xi32, #tpu.memory_space<vmem>> -> memref<80xi32, #tpu.memory_space<vmem>>
        %dma_wait3A_355 = tpu.memref_slice %arg5[%add3A_147] : memref<320000xi32, #tpu.memory_space<hbm>> -> memref<80xi32, #tpu.memory_space<hbm>>
        tpu.wait_dma2 semaphore(%run_scoped3A_339 : memref<!tpu.dma_semaphore, #tpu.memory_space<semaphore_mem>>) src(%dma_wait3A_355 : memref<80xi32, #tpu.memory_space<hbm>>) dst(%dma_wait3A_354 : memref<80xi32, #tpu.memory_space<vmem>>)
        tpu.yield
      }) : () -> ()
      %dma_start3A_150 = arith.constant 1 : i32
      %dma_start3A_151 = arith.constant 1 : i32
      %dma_start3A_152 = arith.constant 0 : i32
      %dma_start3A_153 = arith.constant 0 : i32
      %dma_start3A_154 = tpu.memref_slice %arg10[%dma_start3A_151, %dma_start3A_152, %dma_start3A_153] : memref<2x80x256xf32, #tpu.memory_space<vmem>> -> memref<1x80x256xf32, #tpu.memory_space<vmem>>
      %dma_start3A_155 = tpu.memref_squeeze %dma_start3A_154 : memref<1x80x256xf32, #tpu.memory_space<vmem>> -> memref<80x256xf32, #tpu.memory_space<vmem>>
      %dma_start3A_156 = arith.constant 0 : i32
      %dma_start3A_157 = tpu.memref_slice %arg8[%dma_start3A_150, %dma_start3A_156] : memref<2x80xi32, #tpu.memory_space<vmem>> -> memref<1x80xi32, #tpu.memory_space<vmem>>
      %dma_start3A_158 = tpu.memref_squeeze %dma_start3A_157 : memref<1x80xi32, #tpu.memory_space<vmem>> -> memref<80xi32, #tpu.memory_space<vmem>>
      %dma_start3A_159 = arith.constant 0 : i32
      %dma_start3A_160 = arith.constant 0 : i32
      %dma_start3A_161 = tpu.memref_slice %arg2[%dma_start3A_159, %dma_start3A_160] : memref<10000x256xf32, #tpu.memory_space<hbm>> -> memref<10000x256xf32, #tpu.memory_space<hbm>>
      tpu.enqueue_indirect_dma source(%dma_start3A_161 : memref<10000x256xf32, #tpu.memory_space<hbm>>) target(%dma_start3A_155 : memref<80x256xf32, #tpu.memory_space<vmem>>) offsets(%dma_start3A_158 : memref<80xi32, #tpu.memory_space<vmem>>) semaphore(%arg13 : memref<!tpu.dma_semaphore, #tpu.memory_space<semaphore_mem>>)
      %dma_start3A_162 = arith.constant 1 : i32
      %dma_start3A_163 = arith.constant 1 : i32
      %dma_start3A_164 = arith.constant 0 : i32
      %dma_start3A_165 = arith.constant 0 : i32
      %dma_start3A_166 = tpu.memref_slice %arg11[%dma_start3A_163, %dma_start3A_164, %dma_start3A_165] : memref<2x80x128xf32, #tpu.memory_space<vmem>> -> memref<1x80x128xf32, #tpu.memory_space<vmem>>
      %dma_start3A_167 = tpu.memref_squeeze %dma_start3A_166 : memref<1x80x128xf32, #tpu.memory_space<vmem>> -> memref<80x128xf32, #tpu.memory_space<vmem>>
      %dma_start3A_168 = arith.constant 0 : i32
      %dma_start3A_169 = tpu.memref_slice %arg9[%dma_start3A_162, %dma_start3A_168] : memref<2x80xi32, #tpu.memory_space<vmem>> -> memref<1x80xi32, #tpu.memory_space<vmem>>
      %dma_start3A_170 = tpu.memref_squeeze %dma_start3A_169 : memref<1x80xi32, #tpu.memory_space<vmem>> -> memref<80xi32, #tpu.memory_space<vmem>>
      %dma_start3A_171 = arith.constant 0 : i32
      %dma_start3A_172 = arith.constant 0 : i32
      %dma_start3A_173 = tpu.memref_slice %arg3[%dma_start3A_171, %dma_start3A_172] : memref<10000x128xf32, #tpu.memory_space<hbm>> -> memref<10000x128xf32, #tpu.memory_space<hbm>>
      tpu.enqueue_indirect_dma source(%dma_start3A_173 : memref<10000x128xf32, #tpu.memory_space<hbm>>) target(%dma_start3A_167 : memref<80x128xf32, #tpu.memory_space<vmem>>) offsets(%dma_start3A_170 : memref<80xi32, #tpu.memory_space<vmem>>) semaphore(%arg13 : memref<!tpu.dma_semaphore, #tpu.memory_space<semaphore_mem>>)
      %dma_wait3A_174 = arith.constant 0 : i32
      %dma_wait3A_175 = arith.constant 0 : i32
      %dma_wait3A_176 = arith.constant 0 : i32
      %dma_wait3A_177 = arith.constant 0 : i32
      %dma_wait3A_178 = tpu.memref_slice %arg10[%dma_wait3A_175, %dma_wait3A_176, %dma_wait3A_177] : memref<2x80x256xf32, #tpu.memory_space<vmem>> -> memref<1x80x256xf32, #tpu.memory_space<vmem>>
      %dma_wait3A_179 = tpu.memref_squeeze %dma_wait3A_178 : memref<1x80x256xf32, #tpu.memory_space<vmem>> -> memref<80x256xf32, #tpu.memory_space<vmem>>
      %dma_wait3A_180 = arith.constant 0 : i32
      %dma_wait3A_181 = tpu.memref_slice %arg8[%dma_wait3A_174, %dma_wait3A_180] : memref<2x80xi32, #tpu.memory_space<vmem>> -> memref<1x80xi32, #tpu.memory_space<vmem>>
      %dma_wait3A_182 = tpu.memref_squeeze %dma_wait3A_181 : memref<1x80xi32, #tpu.memory_space<vmem>> -> memref<80xi32, #tpu.memory_space<vmem>>
      %dma_wait3A_183 = arith.constant 0 : i32
      %dma_wait3A_184 = arith.constant 0 : i32
      %dma_wait3A_185 = tpu.memref_slice %arg2[%dma_wait3A_183, %dma_wait3A_184] : memref<10000x256xf32, #tpu.memory_space<hbm>> -> memref<10000x256xf32, #tpu.memory_space<hbm>>
      tpu.wait_indirect_dma semaphore(%arg12 : memref<!tpu.dma_semaphore, #tpu.memory_space<semaphore_mem>>) src(%dma_wait3A_185 : memref<10000x256xf32, #tpu.memory_space<hbm>>) dst(%dma_wait3A_179 : memref<80x256xf32, #tpu.memory_space<vmem>>)
      %dma_wait3A_186 = arith.constant 0 : i32
      %dma_wait3A_187 = arith.constant 0 : i32
      %dma_wait3A_188 = arith.constant 0 : i32
      %dma_wait3A_189 = arith.constant 0 : i32
      %dma_wait3A_190 = tpu.memref_slice %arg11[%dma_wait3A_187, %dma_wait3A_188, %dma_wait3A_189] : memref<2x80x128xf32, #tpu.memory_space<vmem>> -> memref<1x80x128xf32, #tpu.memory_space<vmem>>
      %dma_wait3A_191 = tpu.memref_squeeze %dma_wait3A_190 : memref<1x80x128xf32, #tpu.memory_space<vmem>> -> memref<80x128xf32, #tpu.memory_space<vmem>>
      %dma_wait3A_192 = arith.constant 0 : i32
      %dma_wait3A_193 = tpu.memref_slice %arg9[%dma_wait3A_186, %dma_wait3A_192] : memref<2x80xi32, #tpu.memory_space<vmem>> -> memref<1x80xi32, #tpu.memory_space<vmem>>
      %dma_wait3A_194 = tpu.memref_squeeze %dma_wait3A_193 : memref<1x80xi32, #tpu.memory_space<vmem>> -> memref<80xi32, #tpu.memory_space<vmem>>
      %dma_wait3A_195 = arith.constant 0 : i32
      %dma_wait3A_196 = arith.constant 0 : i32
      %dma_wait3A_197 = tpu.memref_slice %arg3[%dma_wait3A_195, %dma_wait3A_196] : memref<10000x128xf32, #tpu.memory_space<hbm>> -> memref<10000x128xf32, #tpu.memory_space<hbm>>
      tpu.wait_indirect_dma semaphore(%arg12 : memref<!tpu.dma_semaphore, #tpu.memory_space<semaphore_mem>>) src(%dma_wait3A_197 : memref<10000x128xf32, #tpu.memory_space<hbm>>) dst(%dma_wait3A_191 : memref<80x128xf32, #tpu.memory_space<vmem>>)
      %mul3A_198 = arith.constant 80 : i32
      %mul3A_199 = arith.muli %add3A_140, %mul3A_198 : i32
      %add3A_200 = arith.addi %mul3A_2, %mul3A_199 : i32
      %dma_start3A_201 = arith.constant 0 : i32
      %dma_start3A_202 = arith.constant 0 : i32
      %dma_start3A_203 = arith.constant 0 : i32
      %dma_start3A_204 = tpu.memref_slice %arg10[%dma_start3A_201, %dma_start3A_202, %dma_start3A_203] : memref<2x80x256xf32, #tpu.memory_space<vmem>> -> memref<1x80x256xf32, #tpu.memory_space<vmem>>
      %dma_start3A_205 = tpu.memref_squeeze %dma_start3A_204 : memref<1x80x256xf32, #tpu.memory_space<vmem>> -> memref<80x256xf32, #tpu.memory_space<vmem>>
      %dma_start3A_206 = arith.constant 0 : i32
      %dma_start3A_207 = tpu.memref_slice %arg6[%add3A_200, %dma_start3A_206] : memref<320000x256xf32, #tpu.memory_space<hbm>> -> memref<80x256xf32, #tpu.memory_space<hbm>>
      %dma_start3A_208 = arith.constant 0 : i32
      %dma_start3A_209 = tpu.memref_slice %arg6[%add3A_200, %dma_start3A_208] : memref<320000x256xf32, #tpu.memory_space<hbm>> -> memref<80x256xf32, #tpu.memory_space<hbm>>
      %dma_start3A_210 = arith.constant 0 : i32
      %dma_start3A_211 = arith.constant 0 : i32
      %dma_start3A_212 = tpu.memref_slice %arg10[%dma_start3A_201, %dma_start3A_210, %dma_start3A_211] : memref<2x80x256xf32, #tpu.memory_space<vmem>> -> memref<1x80x256xf32, #tpu.memory_space<vmem>>
      %dma_start3A_213 = tpu.memref_squeeze %dma_start3A_212 : memref<1x80x256xf32, #tpu.memory_space<vmem>> -> memref<80x256xf32, #tpu.memory_space<vmem>>
      tpu.enqueue_dma source(%dma_start3A_213 : memref<80x256xf32, #tpu.memory_space<vmem>>) target(%dma_start3A_209 : memref<80x256xf32, #tpu.memory_space<hbm>>) target_semaphore(%arg14 : memref<!tpu.dma_semaphore, #tpu.memory_space<semaphore_mem>>)
      %dma_start3A_214 = arith.constant 0 : i32
      %dma_start3A_215 = arith.constant 0 : i32
      %dma_start3A_216 = arith.constant 0 : i32
      %dma_start3A_217 = tpu.memref_slice %arg11[%dma_start3A_214, %dma_start3A_215, %dma_start3A_216] : memref<2x80x128xf32, #tpu.memory_space<vmem>> -> memref<1x80x128xf32, #tpu.memory_space<vmem>>
      %dma_start3A_218 = tpu.memref_squeeze %dma_start3A_217 : memref<1x80x128xf32, #tpu.memory_space<vmem>> -> memref<80x128xf32, #tpu.memory_space<vmem>>
      %dma_start3A_219 = arith.constant 0 : i32
      %dma_start3A_220 = tpu.memref_slice %arg7[%add3A_200, %dma_start3A_219] : memref<320000x128xf32, #tpu.memory_space<hbm>> -> memref<80x128xf32, #tpu.memory_space<hbm>>
      %dma_start3A_221 = arith.constant 0 : i32
      %dma_start3A_222 = tpu.memref_slice %arg7[%add3A_200, %dma_start3A_221] : memref<320000x128xf32, #tpu.memory_space<hbm>> -> memref<80x128xf32, #tpu.memory_space<hbm>>
      %dma_start3A_223 = arith.constant 0 : i32
      %dma_start3A_224 = arith.constant 0 : i32
      %dma_start3A_225 = tpu.memref_slice %arg11[%dma_start3A_214, %dma_start3A_223, %dma_start3A_224] : memref<2x80x128xf32, #tpu.memory_space<vmem>> -> memref<1x80x128xf32, #tpu.memory_space<vmem>>
      %dma_start3A_226 = tpu.memref_squeeze %dma_start3A_225 : memref<1x80x128xf32, #tpu.memory_space<vmem>> -> memref<80x128xf32, #tpu.memory_space<vmem>>
      tpu.enqueue_dma source(%dma_start3A_226 : memref<80x128xf32, #tpu.memory_space<vmem>>) target(%dma_start3A_222 : memref<80x128xf32, #tpu.memory_space<hbm>>) target_semaphore(%arg14 : memref<!tpu.dma_semaphore, #tpu.memory_space<semaphore_mem>>)
      %dma_wait3A_227 = arith.constant 1 : i32
      %dma_wait3A_228 = arith.constant 1 : i32
      %dma_wait3A_229 = arith.constant 0 : i32
      %dma_wait3A_230 = arith.constant 0 : i32
      %dma_wait3A_231 = tpu.memref_slice %arg10[%dma_wait3A_228, %dma_wait3A_229, %dma_wait3A_230] : memref<2x80x256xf32, #tpu.memory_space<vmem>> -> memref<1x80x256xf32, #tpu.memory_space<vmem>>
      %dma_wait3A_232 = tpu.memref_squeeze %dma_wait3A_231 : memref<1x80x256xf32, #tpu.memory_space<vmem>> -> memref<80x256xf32, #tpu.memory_space<vmem>>
      %dma_wait3A_233 = arith.constant 0 : i32
      %dma_wait3A_234 = tpu.memref_slice %arg8[%dma_wait3A_227, %dma_wait3A_233] : memref<2x80xi32, #tpu.memory_space<vmem>> -> memref<1x80xi32, #tpu.memory_space<vmem>>
      %dma_wait3A_235 = tpu.memref_squeeze %dma_wait3A_234 : memref<1x80xi32, #tpu.memory_space<vmem>> -> memref<80xi32, #tpu.memory_space<vmem>>
      %dma_wait3A_236 = arith.constant 0 : i32
      %dma_wait3A_237 = arith.constant 0 : i32
      %dma_wait3A_238 = tpu.memref_slice %arg2[%dma_wait3A_236, %dma_wait3A_237] : memref<10000x256xf32, #tpu.memory_space<hbm>> -> memref<10000x256xf32, #tpu.memory_space<hbm>>
      tpu.wait_indirect_dma semaphore(%arg13 : memref<!tpu.dma_semaphore, #tpu.memory_space<semaphore_mem>>) src(%dma_wait3A_238 : memref<10000x256xf32, #tpu.memory_space<hbm>>) dst(%dma_wait3A_232 : memref<80x256xf32, #tpu.memory_space<vmem>>)
      %dma_wait3A_239 = arith.constant 1 : i32
      %dma_wait3A_240 = arith.constant 1 : i32
      %dma_wait3A_241 = arith.constant 0 : i32
      %dma_wait3A_242 = arith.constant 0 : i32
      %dma_wait3A_243 = tpu.memref_slice %arg11[%dma_wait3A_240, %dma_wait3A_241, %dma_wait3A_242] : memref<2x80x128xf32, #tpu.memory_space<vmem>> -> memref<1x80x128xf32, #tpu.memory_space<vmem>>
      %dma_wait3A_244 = tpu.memref_squeeze %dma_wait3A_243 : memref<1x80x128xf32, #tpu.memory_space<vmem>> -> memref<80x128xf32, #tpu.memory_space<vmem>>
      %dma_wait3A_245 = arith.constant 0 : i32
      %dma_wait3A_246 = tpu.memref_slice %arg9[%dma_wait3A_239, %dma_wait3A_245] : memref<2x80xi32, #tpu.memory_space<vmem>> -> memref<1x80xi32, #tpu.memory_space<vmem>>
      %dma_wait3A_247 = tpu.memref_squeeze %dma_wait3A_246 : memref<1x80xi32, #tpu.memory_space<vmem>> -> memref<80xi32, #tpu.memory_space<vmem>>
      %dma_wait3A_248 = arith.constant 0 : i32
      %dma_wait3A_249 = arith.constant 0 : i32
      %dma_wait3A_250 = tpu.memref_slice %arg3[%dma_wait3A_248, %dma_wait3A_249] : memref<10000x128xf32, #tpu.memory_space<hbm>> -> memref<10000x128xf32, #tpu.memory_space<hbm>>
      tpu.wait_indirect_dma semaphore(%arg13 : memref<!tpu.dma_semaphore, #tpu.memory_space<semaphore_mem>>) src(%dma_wait3A_250 : memref<10000x128xf32, #tpu.memory_space<hbm>>) dst(%dma_wait3A_244 : memref<80x128xf32, #tpu.memory_space<vmem>>)
      %add3A_251 = arith.constant 1 : i32
      %add3A_252 = arith.addi %add3A_140, %add3A_251 : i32
      %mul3A_253 = arith.constant 80 : i32
      %mul3A_254 = arith.muli %add3A_252, %mul3A_253 : i32
      %add3A_255 = arith.addi %mul3A_2, %mul3A_254 : i32
      %dma_start3A_256 = arith.constant 1 : i32
      %dma_start3A_257 = arith.constant 0 : i32
      %dma_start3A_258 = arith.constant 0 : i32
      %dma_start3A_259 = tpu.memref_slice %arg10[%dma_start3A_256, %dma_start3A_257, %dma_start3A_258] : memref<2x80x256xf32, #tpu.memory_space<vmem>> -> memref<1x80x256xf32, #tpu.memory_space<vmem>>
      %dma_start3A_260 = tpu.memref_squeeze %dma_start3A_259 : memref<1x80x256xf32, #tpu.memory_space<vmem>> -> memref<80x256xf32, #tpu.memory_space<vmem>>
      %dma_start3A_261 = arith.constant 0 : i32
      %dma_start3A_262 = tpu.memref_slice %arg6[%add3A_255, %dma_start3A_261] : memref<320000x256xf32, #tpu.memory_space<hbm>> -> memref<80x256xf32, #tpu.memory_space<hbm>>
      %dma_start3A_263 = arith.constant 0 : i32
      %dma_start3A_264 = tpu.memref_slice %arg6[%add3A_255, %dma_start3A_263] : memref<320000x256xf32, #tpu.memory_space<hbm>> -> memref<80x256xf32, #tpu.memory_space<hbm>>
      %dma_start3A_265 = arith.constant 0 : i32
      %dma_start3A_266 = arith.constant 0 : i32
      %dma_start3A_267 = tpu.memref_slice %arg10[%dma_start3A_256, %dma_start3A_265, %dma_start3A_266] : memref<2x80x256xf32, #tpu.memory_space<vmem>> -> memref<1x80x256xf32, #tpu.memory_space<vmem>>
      %dma_start3A_268 = tpu.memref_squeeze %dma_start3A_267 : memref<1x80x256xf32, #tpu.memory_space<vmem>> -> memref<80x256xf32, #tpu.memory_space<vmem>>
      tpu.enqueue_dma source(%dma_start3A_268 : memref<80x256xf32, #tpu.memory_space<vmem>>) target(%dma_start3A_264 : memref<80x256xf32, #tpu.memory_space<hbm>>) target_semaphore(%arg15 : memref<!tpu.dma_semaphore, #tpu.memory_space<semaphore_mem>>)
      %dma_start3A_269 = arith.constant 1 : i32
      %dma_start3A_270 = arith.constant 0 : i32
      %dma_start3A_271 = arith.constant 0 : i32
      %dma_start3A_272 = tpu.memref_slice %arg11[%dma_start3A_269, %dma_start3A_270, %dma_start3A_271] : memref<2x80x128xf32, #tpu.memory_space<vmem>> -> memref<1x80x128xf32, #tpu.memory_space<vmem>>
      %dma_start3A_273 = tpu.memref_squeeze %dma_start3A_272 : memref<1x80x128xf32, #tpu.memory_space<vmem>> -> memref<80x128xf32, #tpu.memory_space<vmem>>
      %dma_start3A_274 = arith.constant 0 : i32
      %dma_start3A_275 = tpu.memref_slice %arg7[%add3A_255, %dma_start3A_274] : memref<320000x128xf32, #tpu.memory_space<hbm>> -> memref<80x128xf32, #tpu.memory_space<hbm>>
      %dma_start3A_276 = arith.constant 0 : i32
      %dma_start3A_277 = tpu.memref_slice %arg7[%add3A_255, %dma_start3A_276] : memref<320000x128xf32, #tpu.memory_space<hbm>> -> memref<80x128xf32, #tpu.memory_space<hbm>>
      %dma_start3A_278 = arith.constant 0 : i32
      %dma_start3A_279 = arith.constant 0 : i32
      %dma_start3A_280 = tpu.memref_slice %arg11[%dma_start3A_269, %dma_start3A_278, %dma_start3A_279] : memref<2x80x128xf32, #tpu.memory_space<vmem>> -> memref<1x80x128xf32, #tpu.memory_space<vmem>>
      %dma_start3A_281 = tpu.memref_squeeze %dma_start3A_280 : memref<1x80x128xf32, #tpu.memory_space<vmem>> -> memref<80x128xf32, #tpu.memory_space<vmem>>
      tpu.enqueue_dma source(%dma_start3A_281 : memref<80x128xf32, #tpu.memory_space<vmem>>) target(%dma_start3A_277 : memref<80x128xf32, #tpu.memory_space<hbm>>) target_semaphore(%arg15 : memref<!tpu.dma_semaphore, #tpu.memory_space<semaphore_mem>>)
      %dma_wait3A_282 = arith.constant 0 : i32
      %dma_wait3A_283 = arith.constant 0 : i32
      %dma_wait3A_284 = arith.constant 0 : i32
      %dma_wait3A_285 = tpu.memref_slice %arg10[%dma_wait3A_282, %dma_wait3A_283, %dma_wait3A_284] : memref<2x80x256xf32, #tpu.memory_space<vmem>> -> memref<1x80x256xf32, #tpu.memory_space<vmem>>
      %dma_wait3A_286 = tpu.memref_squeeze %dma_wait3A_285 : memref<1x80x256xf32, #tpu.memory_space<vmem>> -> memref<80x256xf32, #tpu.memory_space<vmem>>
      %dma_wait3A_287 = arith.constant 0 : i32
      %dma_wait3A_288 = tpu.memref_slice %arg6[%mul3A_2, %dma_wait3A_287] : memref<320000x256xf32, #tpu.memory_space<hbm>> -> memref<80x256xf32, #tpu.memory_space<hbm>>
      %dma_wait3A_289 = arith.constant 0 : i32
      %dma_wait3A_290 = tpu.memref_slice %arg6[%mul3A_2, %dma_wait3A_289] : memref<320000x256xf32, #tpu.memory_space<hbm>> -> memref<80x256xf32, #tpu.memory_space<hbm>>
      %dma_wait3A_291 = arith.constant 0 : i32
      %dma_wait3A_292 = arith.constant 0 : i32
      %dma_wait3A_293 = tpu.memref_slice %arg10[%dma_wait3A_282, %dma_wait3A_291, %dma_wait3A_292] : memref<2x80x256xf32, #tpu.memory_space<vmem>> -> memref<1x80x256xf32, #tpu.memory_space<vmem>>
      %dma_wait3A_294 = tpu.memref_squeeze %dma_wait3A_293 : memref<1x80x256xf32, #tpu.memory_space<vmem>> -> memref<80x256xf32, #tpu.memory_space<vmem>>
      tpu.wait_dma2 semaphore(%arg14 : memref<!tpu.dma_semaphore, #tpu.memory_space<semaphore_mem>>) src(%dma_wait3A_294 : memref<80x256xf32, #tpu.memory_space<vmem>>) dst(%dma_wait3A_290 : memref<80x256xf32, #tpu.memory_space<hbm>>)
      %dma_wait3A_295 = arith.constant 0 : i32
      %dma_wait3A_296 = arith.constant 0 : i32
      %dma_wait3A_297 = arith.constant 0 : i32
      %dma_wait3A_298 = tpu.memref_slice %arg11[%dma_wait3A_295, %dma_wait3A_296, %dma_wait3A_297] : memref<2x80x128xf32, #tpu.memory_space<vmem>> -> memref<1x80x128xf32, #tpu.memory_space<vmem>>
      %dma_wait3A_299 = tpu.memref_squeeze %dma_wait3A_298 : memref<1x80x128xf32, #tpu.memory_space<vmem>> -> memref<80x128xf32, #tpu.memory_space<vmem>>
      %dma_wait3A_300 = arith.constant 0 : i32
      %dma_wait3A_301 = tpu.memref_slice %arg7[%mul3A_2, %dma_wait3A_300] : memref<320000x128xf32, #tpu.memory_space<hbm>> -> memref<80x128xf32, #tpu.memory_space<hbm>>
      %dma_wait3A_302 = arith.constant 0 : i32
      %dma_wait3A_303 = tpu.memref_slice %arg7[%mul3A_2, %dma_wait3A_302] : memref<320000x128xf32, #tpu.memory_space<hbm>> -> memref<80x128xf32, #tpu.memory_space<hbm>>
      %dma_wait3A_304 = arith.constant 0 : i32
      %dma_wait3A_305 = arith.constant 0 : i32
      %dma_wait3A_306 = tpu.memref_slice %arg11[%dma_wait3A_295, %dma_wait3A_304, %dma_wait3A_305] : memref<2x80x128xf32, #tpu.memory_space<vmem>> -> memref<1x80x128xf32, #tpu.memory_space<vmem>>
      %dma_wait3A_307 = tpu.memref_squeeze %dma_wait3A_306 : memref<1x80x128xf32, #tpu.memory_space<vmem>> -> memref<80x128xf32, #tpu.memory_space<vmem>>
      tpu.wait_dma2 semaphore(%arg14 : memref<!tpu.dma_semaphore, #tpu.memory_space<semaphore_mem>>) src(%dma_wait3A_307 : memref<80x128xf32, #tpu.memory_space<vmem>>) dst(%dma_wait3A_303 : memref<80x128xf32, #tpu.memory_space<hbm>>)
      %add3A_308 = arith.constant 2 : i32
      %add3A_309 = arith.addi %add3A_140, %add3A_308 : i32
      %mul3A_310 = arith.constant 80 : i32
      %mul3A_311 = arith.muli %add3A_309, %mul3A_310 : i32
      %add3A_312 = arith.addi %mul3A_2, %mul3A_311 : i32
      %run_scoped3A_313 = arith.constant 0 : i32
      "tpu.region"() ({
        %run_scoped3A_339 = tpu.sem_alloc : memref<!tpu.dma_semaphore, #tpu.memory_space<semaphore_mem>>
        %dma_start3A_340 = arith.constant 0 : i32
        %dma_start3A_341 = tpu.memref_slice %arg8[%run_scoped3A_313, %dma_start3A_340] : memref<2x80xi32, #tpu.memory_space<vmem>> -> memref<1x80xi32, #tpu.memory_space<vmem>>
        %dma_start3A_342 = tpu.memref_squeeze %dma_start3A_341 : memref<1x80xi32, #tpu.memory_space<vmem>> -> memref<80xi32, #tpu.memory_space<vmem>>
        %dma_start3A_343 = tpu.memref_slice %arg4[%add3A_312] : memref<320000xi32, #tpu.memory_space<hbm>> -> memref<80xi32, #tpu.memory_space<hbm>>
        %dma_start3A_344 = arith.constant 0 : i32
        %dma_start3A_345 = tpu.memref_slice %arg8[%run_scoped3A_313, %dma_start3A_344] : memref<2x80xi32, #tpu.memory_space<vmem>> -> memref<1x80xi32, #tpu.memory_space<vmem>>
        %dma_start3A_346 = tpu.memref_squeeze %dma_start3A_345 : memref<1x80xi32, #tpu.memory_space<vmem>> -> memref<80xi32, #tpu.memory_space<vmem>>
        %dma_start3A_347 = tpu.memref_slice %arg4[%add3A_312] : memref<320000xi32, #tpu.memory_space<hbm>> -> memref<80xi32, #tpu.memory_space<hbm>>
        tpu.enqueue_dma source(%dma_start3A_347 : memref<80xi32, #tpu.memory_space<hbm>>) target(%dma_start3A_346 : memref<80xi32, #tpu.memory_space<vmem>>) target_semaphore(%run_scoped3A_339 : memref<!tpu.dma_semaphore, #tpu.memory_space<semaphore_mem>>)
        %dma_wait3A_348 = arith.constant 0 : i32
        %dma_wait3A_349 = tpu.memref_slice %arg8[%run_scoped3A_313, %dma_wait3A_348] : memref<2x80xi32, #tpu.memory_space<vmem>> -> memref<1x80xi32, #tpu.memory_space<vmem>>
        %dma_wait3A_350 = tpu.memref_squeeze %dma_wait3A_349 : memref<1x80xi32, #tpu.memory_space<vmem>> -> memref<80xi32, #tpu.memory_space<vmem>>
        %dma_wait3A_351 = tpu.memref_slice %arg4[%add3A_312] : memref<320000xi32, #tpu.memory_space<hbm>> -> memref<80xi32, #tpu.memory_space<hbm>>
        %dma_wait3A_352 = arith.constant 0 : i32
        %dma_wait3A_353 = tpu.memref_slice %arg8[%run_scoped3A_313, %dma_wait3A_352] : memref<2x80xi32, #tpu.memory_space<vmem>> -> memref<1x80xi32, #tpu.memory_space<vmem>>
        %dma_wait3A_354 = tpu.memref_squeeze %dma_wait3A_353 : memref<1x80xi32, #tpu.memory_space<vmem>> -> memref<80xi32, #tpu.memory_space<vmem>>
        %dma_wait3A_355 = tpu.memref_slice %arg4[%add3A_312] : memref<320000xi32, #tpu.memory_space<hbm>> -> memref<80xi32, #tpu.memory_space<hbm>>
        tpu.wait_dma2 semaphore(%run_scoped3A_339 : memref<!tpu.dma_semaphore, #tpu.memory_space<semaphore_mem>>) src(%dma_wait3A_355 : memref<80xi32, #tpu.memory_space<hbm>>) dst(%dma_wait3A_354 : memref<80xi32, #tpu.memory_space<vmem>>)
        tpu.yield
      }) : () -> ()
      %run_scoped3A_314 = arith.constant 0 : i32
      "tpu.region"() ({
        %run_scoped3A_339 = tpu.sem_alloc : memref<!tpu.dma_semaphore, #tpu.memory_space<semaphore_mem>>
        %dma_start3A_340 = arith.constant 0 : i32
        %dma_start3A_341 = tpu.memref_slice %arg9[%run_scoped3A_314, %dma_start3A_340] : memref<2x80xi32, #tpu.memory_space<vmem>> -> memref<1x80xi32, #tpu.memory_space<vmem>>
        %dma_start3A_342 = tpu.memref_squeeze %dma_start3A_341 : memref<1x80xi32, #tpu.memory_space<vmem>> -> memref<80xi32, #tpu.memory_space<vmem>>
        %dma_start3A_343 = tpu.memref_slice %arg5[%add3A_312] : memref<320000xi32, #tpu.memory_space<hbm>> -> memref<80xi32, #tpu.memory_space<hbm>>
        %dma_start3A_344 = arith.constant 0 : i32
        %dma_start3A_345 = tpu.memref_slice %arg9[%run_scoped3A_314, %dma_start3A_344] : memref<2x80xi32, #tpu.memory_space<vmem>> -> memref<1x80xi32, #tpu.memory_space<vmem>>
        %dma_start3A_346 = tpu.memref_squeeze %dma_start3A_345 : memref<1x80xi32, #tpu.memory_space<vmem>> -> memref<80xi32, #tpu.memory_space<vmem>>
        %dma_start3A_347 = tpu.memref_slice %arg5[%add3A_312] : memref<320000xi32, #tpu.memory_space<hbm>> -> memref<80xi32, #tpu.memory_space<hbm>>
        tpu.enqueue_dma source(%dma_start3A_347 : memref<80xi32, #tpu.memory_space<hbm>>) target(%dma_start3A_346 : memref<80xi32, #tpu.memory_space<vmem>>) target_semaphore(%run_scoped3A_339 : memref<!tpu.dma_semaphore, #tpu.memory_space<semaphore_mem>>)
        %dma_wait3A_348 = arith.constant 0 : i32
        %dma_wait3A_349 = tpu.memref_slice %arg9[%run_scoped3A_314, %dma_wait3A_348] : memref<2x80xi32, #tpu.memory_space<vmem>> -> memref<1x80xi32, #tpu.memory_space<vmem>>
        %dma_wait3A_350 = tpu.memref_squeeze %dma_wait3A_349 : memref<1x80xi32, #tpu.memory_space<vmem>> -> memref<80xi32, #tpu.memory_space<vmem>>
        %dma_wait3A_351 = tpu.memref_slice %arg5[%add3A_312] : memref<320000xi32, #tpu.memory_space<hbm>> -> memref<80xi32, #tpu.memory_space<hbm>>
        %dma_wait3A_352 = arith.constant 0 : i32
        %dma_wait3A_353 = tpu.memref_slice %arg9[%run_scoped3A_314, %dma_wait3A_352] : memref<2x80xi32, #tpu.memory_space<vmem>> -> memref<1x80xi32, #tpu.memory_space<vmem>>
        %dma_wait3A_354 = tpu.memref_squeeze %dma_wait3A_353 : memref<1x80xi32, #tpu.memory_space<vmem>> -> memref<80xi32, #tpu.memory_space<vmem>>
        %dma_wait3A_355 = tpu.memref_slice %arg5[%add3A_312] : memref<320000xi32, #tpu.memory_space<hbm>> -> memref<80xi32, #tpu.memory_space<hbm>>
        tpu.wait_dma2 semaphore(%run_scoped3A_339 : memref<!tpu.dma_semaphore, #tpu.memory_space<semaphore_mem>>) src(%dma_wait3A_355 : memref<80xi32, #tpu.memory_space<hbm>>) dst(%dma_wait3A_354 : memref<80xi32, #tpu.memory_space<vmem>>)
        tpu.yield
      }) : () -> ()
      %dma_start3A_315 = arith.constant 0 : i32
      %dma_start3A_316 = arith.constant 0 : i32
      %dma_start3A_317 = arith.constant 0 : i32
      %dma_start3A_318 = arith.constant 0 : i32
      %dma_start3A_319 = tpu.memref_slice %arg10[%dma_start3A_316, %dma_start3A_317, %dma_start3A_318] : memref<2x80x256xf32, #tpu.memory_space<vmem>> -> memref<1x80x256xf32, #tpu.memory_space<vmem>>
      %dma_start3A_320 = tpu.memref_squeeze %dma_start3A_319 : memref<1x80x256xf32, #tpu.memory_space<vmem>> -> memref<80x256xf32, #tpu.memory_space<vmem>>
      %dma_start3A_321 = arith.constant 0 : i32
      %dma_start3A_322 = tpu.memref_slice %arg8[%dma_start3A_315, %dma_start3A_321] : memref<2x80xi32, #tpu.memory_space<vmem>> -> memref<1x80xi32, #tpu.memory_space<vmem>>
      %dma_start3A_323 = tpu.memref_squeeze %dma_start3A_322 : memref<1x80xi32, #tpu.memory_space<vmem>> -> memref<80xi32, #tpu.memory_space<vmem>>
      %dma_start3A_324 = arith.constant 0 : i32
      %dma_start3A_325 = arith.constant 0 : i32
      %dma_start3A_326 = tpu.memref_slice %arg2[%dma_start3A_324, %dma_start3A_325] : memref<10000x256xf32, #tpu.memory_space<hbm>> -> memref<10000x256xf32, #tpu.memory_space<hbm>>
      tpu.enqueue_indirect_dma source(%dma_start3A_326 : memref<10000x256xf32, #tpu.memory_space<hbm>>) target(%dma_start3A_320 : memref<80x256xf32, #tpu.memory_space<vmem>>) offsets(%dma_start3A_323 : memref<80xi32, #tpu.memory_space<vmem>>) semaphore(%arg12 : memref<!tpu.dma_semaphore, #tpu.memory_space<semaphore_mem>>)
      %dma_start3A_327 = arith.constant 0 : i32
      %dma_start3A_328 = arith.constant 0 : i32
      %dma_start3A_329 = arith.constant 0 : i32
      %dma_start3A_330 = arith.constant 0 : i32
      %dma_start3A_331 = tpu.memref_slice %arg11[%dma_start3A_328, %dma_start3A_329, %dma_start3A_330] : memref<2x80x128xf32, #tpu.memory_space<vmem>> -> memref<1x80x128xf32, #tpu.memory_space<vmem>>
      %dma_start3A_332 = tpu.memref_squeeze %dma_start3A_331 : memref<1x80x128xf32, #tpu.memory_space<vmem>> -> memref<80x128xf32, #tpu.memory_space<vmem>>
      %dma_start3A_333 = arith.constant 0 : i32
      %dma_start3A_334 = tpu.memref_slice %arg9[%dma_start3A_327, %dma_start3A_333] : memref<2x80xi32, #tpu.memory_space<vmem>> -> memref<1x80xi32, #tpu.memory_space<vmem>>
      %dma_start3A_335 = tpu.memref_squeeze %dma_start3A_334 : memref<1x80xi32, #tpu.memory_space<vmem>> -> memref<80xi32, #tpu.memory_space<vmem>>
      %dma_start3A_336 = arith.constant 0 : i32
      %dma_start3A_337 = arith.constant 0 : i32
      %dma_start3A_338 = tpu.memref_slice %arg3[%dma_start3A_336, %dma_start3A_337] : memref<10000x128xf32, #tpu.memory_space<hbm>> -> memref<10000x128xf32, #tpu.memory_space<hbm>>
      tpu.enqueue_indirect_dma source(%dma_start3A_338 : memref<10000x128xf32, #tpu.memory_space<hbm>>) target(%dma_start3A_332 : memref<80x128xf32, #tpu.memory_space<vmem>>) offsets(%dma_start3A_335 : memref<80xi32, #tpu.memory_space<vmem>>) semaphore(%arg12 : memref<!tpu.dma_semaphore, #tpu.memory_space<semaphore_mem>>)
    }
    %scan3A_32 = arith.constant 62 : i32
    %dma_wait3A = arith.constant 0 : i32
    %dma_wait3A_33 = arith.constant 0 : i32
    %dma_wait3A_34 = arith.constant 0 : i32
    %dma_wait3A_35 = arith.constant 0 : i32
    %dma_wait3A_36 = tpu.memref_slice %arg10[%dma_wait3A_33, %dma_wait3A_34, %dma_wait3A_35] : memref<2x80x256xf32, #tpu.memory_space<vmem>> -> memref<1x80x256xf32, #tpu.memory_space<vmem>>
    %dma_wait3A_37 = tpu.memref_squeeze %dma_wait3A_36 : memref<1x80x256xf32, #tpu.memory_space<vmem>> -> memref<80x256xf32, #tpu.memory_space<vmem>>
    %dma_wait3A_38 = arith.constant 0 : i32
    %dma_wait3A_39 = tpu.memref_slice %arg8[%dma_wait3A, %dma_wait3A_38] : memref<2x80xi32, #tpu.memory_space<vmem>> -> memref<1x80xi32, #tpu.memory_space<vmem>>
    %dma_wait3A_40 = tpu.memref_squeeze %dma_wait3A_39 : memref<1x80xi32, #tpu.memory_space<vmem>> -> memref<80xi32, #tpu.memory_space<vmem>>
    %dma_wait3A_41 = arith.constant 0 : i32
    %dma_wait3A_42 = arith.constant 0 : i32
    %dma_wait3A_43 = tpu.memref_slice %arg2[%dma_wait3A_41, %dma_wait3A_42] : memref<10000x256xf32, #tpu.memory_space<hbm>> -> memref<10000x256xf32, #tpu.memory_space<hbm>>
    tpu.wait_indirect_dma semaphore(%arg12 : memref<!tpu.dma_semaphore, #tpu.memory_space<semaphore_mem>>) src(%dma_wait3A_43 : memref<10000x256xf32, #tpu.memory_space<hbm>>) dst(%dma_wait3A_37 : memref<80x256xf32, #tpu.memory_space<vmem>>)
    %dma_wait3A_44 = arith.constant 0 : i32
    %dma_wait3A_45 = arith.constant 0 : i32
    %dma_wait3A_46 = arith.constant 0 : i32
    %dma_wait3A_47 = arith.constant 0 : i32
    %dma_wait3A_48 = tpu.memref_slice %arg11[%dma_wait3A_45, %dma_wait3A_46, %dma_wait3A_47] : memref<2x80x128xf32, #tpu.memory_space<vmem>> -> memref<1x80x128xf32, #tpu.memory_space<vmem>>
    %dma_wait3A_49 = tpu.memref_squeeze %dma_wait3A_48 : memref<1x80x128xf32, #tpu.memory_space<vmem>> -> memref<80x128xf32, #tpu.memory_space<vmem>>
    %dma_wait3A_50 = arith.constant 0 : i32
    %dma_wait3A_51 = tpu.memref_slice %arg9[%dma_wait3A_44, %dma_wait3A_50] : memref<2x80xi32, #tpu.memory_space<vmem>> -> memref<1x80xi32, #tpu.memory_space<vmem>>
    %dma_wait3A_52 = tpu.memref_squeeze %dma_wait3A_51 : memref<1x80xi32, #tpu.memory_space<vmem>> -> memref<80xi32, #tpu.memory_space<vmem>>
    %dma_wait3A_53 = arith.constant 0 : i32
    %dma_wait3A_54 = arith.constant 0 : i32
    %dma_wait3A_55 = tpu.memref_slice %arg3[%dma_wait3A_53, %dma_wait3A_54] : memref<10000x128xf32, #tpu.memory_space<hbm>> -> memref<10000x128xf32, #tpu.memory_space<hbm>>
    tpu.wait_indirect_dma semaphore(%arg12 : memref<!tpu.dma_semaphore, #tpu.memory_space<semaphore_mem>>) src(%dma_wait3A_55 : memref<10000x128xf32, #tpu.memory_space<hbm>>) dst(%dma_wait3A_49 : memref<80x128xf32, #tpu.memory_space<vmem>>)
    %dma_wait3A_56 = arith.constant 1 : i32
    %dma_wait3A_57 = arith.constant 0 : i32
    %dma_wait3A_58 = arith.constant 0 : i32
    %dma_wait3A_59 = tpu.memref_slice %arg10[%dma_wait3A_56, %dma_wait3A_57, %dma_wait3A_58] : memref<2x80x256xf32, #tpu.memory_space<vmem>> -> memref<1x80x256xf32, #tpu.memory_space<vmem>>
    %dma_wait3A_60 = tpu.memref_squeeze %dma_wait3A_59 : memref<1x80x256xf32, #tpu.memory_space<vmem>> -> memref<80x256xf32, #tpu.memory_space<vmem>>
    %dma_wait3A_61 = arith.constant 0 : i32
    %dma_wait3A_62 = tpu.memref_slice %arg6[%mul3A_2, %dma_wait3A_61] : memref<320000x256xf32, #tpu.memory_space<hbm>> -> memref<80x256xf32, #tpu.memory_space<hbm>>
    %dma_wait3A_63 = arith.constant 0 : i32
    %dma_wait3A_64 = tpu.memref_slice %arg6[%mul3A_2, %dma_wait3A_63] : memref<320000x256xf32, #tpu.memory_space<hbm>> -> memref<80x256xf32, #tpu.memory_space<hbm>>
    %dma_wait3A_65 = arith.constant 0 : i32
    %dma_wait3A_66 = arith.constant 0 : i32
    %dma_wait3A_67 = tpu.memref_slice %arg10[%dma_wait3A_56, %dma_wait3A_65, %dma_wait3A_66] : memref<2x80x256xf32, #tpu.memory_space<vmem>> -> memref<1x80x256xf32, #tpu.memory_space<vmem>>
    %dma_wait3A_68 = tpu.memref_squeeze %dma_wait3A_67 : memref<1x80x256xf32, #tpu.memory_space<vmem>> -> memref<80x256xf32, #tpu.memory_space<vmem>>
    tpu.wait_dma2 semaphore(%arg15 : memref<!tpu.dma_semaphore, #tpu.memory_space<semaphore_mem>>) src(%dma_wait3A_68 : memref<80x256xf32, #tpu.memory_space<vmem>>) dst(%dma_wait3A_64 : memref<80x256xf32, #tpu.memory_space<hbm>>)
    %dma_wait3A_69 = arith.constant 1 : i32
    %dma_wait3A_70 = arith.constant 0 : i32
    %dma_wait3A_71 = arith.constant 0 : i32
    %dma_wait3A_72 = tpu.memref_slice %arg11[%dma_wait3A_69, %dma_wait3A_70, %dma_wait3A_71] : memref<2x80x128xf32, #tpu.memory_space<vmem>> -> memref<1x80x128xf32, #tpu.memory_space<vmem>>
    %dma_wait3A_73 = tpu.memref_squeeze %dma_wait3A_72 : memref<1x80x128xf32, #tpu.memory_space<vmem>> -> memref<80x128xf32, #tpu.memory_space<vmem>>
    %dma_wait3A_74 = arith.constant 0 : i32
    %dma_wait3A_75 = tpu.memref_slice %arg7[%mul3A_2, %dma_wait3A_74] : memref<320000x128xf32, #tpu.memory_space<hbm>> -> memref<80x128xf32, #tpu.memory_space<hbm>>
    %dma_wait3A_76 = arith.constant 0 : i32
    %dma_wait3A_77 = tpu.memref_slice %arg7[%mul3A_2, %dma_wait3A_76] : memref<320000x128xf32, #tpu.memory_space<hbm>> -> memref<80x128xf32, #tpu.memory_space<hbm>>
    %dma_wait3A_78 = arith.constant 0 : i32
    %dma_wait3A_79 = arith.constant 0 : i32
    %dma_wait3A_80 = tpu.memref_slice %arg11[%dma_wait3A_69, %dma_wait3A_78, %dma_wait3A_79] : memref<2x80x128xf32, #tpu.memory_space<vmem>> -> memref<1x80x128xf32, #tpu.memory_space<vmem>>
    %dma_wait3A_81 = tpu.memref_squeeze %dma_wait3A_80 : memref<1x80x128xf32, #tpu.memory_space<vmem>> -> memref<80x128xf32, #tpu.memory_space<vmem>>
    tpu.wait_dma2 semaphore(%arg15 : memref<!tpu.dma_semaphore, #tpu.memory_space<semaphore_mem>>) src(%dma_wait3A_81 : memref<80x128xf32, #tpu.memory_space<vmem>>) dst(%dma_wait3A_77 : memref<80x128xf32, #tpu.memory_space<hbm>>)
    %add3A_82 = arith.constant 9920 : i32
    %add3A_83 = arith.addi %mul3A_2, %add3A_82 : i32
    %dma_start3A_84 = arith.constant 0 : i32
    %dma_start3A_85 = arith.constant 0 : i32
    %dma_start3A_86 = arith.constant 0 : i32
    %dma_start3A_87 = tpu.memref_slice %arg10[%dma_start3A_84, %dma_start3A_85, %dma_start3A_86] : memref<2x80x256xf32, #tpu.memory_space<vmem>> -> memref<1x80x256xf32, #tpu.memory_space<vmem>>
    %dma_start3A_88 = tpu.memref_squeeze %dma_start3A_87 : memref<1x80x256xf32, #tpu.memory_space<vmem>> -> memref<80x256xf32, #tpu.memory_space<vmem>>
    %dma_start3A_89 = arith.constant 0 : i32
    %dma_start3A_90 = tpu.memref_slice %arg6[%add3A_83, %dma_start3A_89] : memref<320000x256xf32, #tpu.memory_space<hbm>> -> memref<80x256xf32, #tpu.memory_space<hbm>>
    %dma_start3A_91 = arith.constant 0 : i32
    %dma_start3A_92 = tpu.memref_slice %arg6[%add3A_83, %dma_start3A_91] : memref<320000x256xf32, #tpu.memory_space<hbm>> -> memref<80x256xf32, #tpu.memory_space<hbm>>
    %dma_start3A_93 = arith.constant 0 : i32
    %dma_start3A_94 = arith.constant 0 : i32
    %dma_start3A_95 = tpu.memref_slice %arg10[%dma_start3A_84, %dma_start3A_93, %dma_start3A_94] : memref<2x80x256xf32, #tpu.memory_space<vmem>> -> memref<1x80x256xf32, #tpu.memory_space<vmem>>
    %dma_start3A_96 = tpu.memref_squeeze %dma_start3A_95 : memref<1x80x256xf32, #tpu.memory_space<vmem>> -> memref<80x256xf32, #tpu.memory_space<vmem>>
    tpu.enqueue_dma source(%dma_start3A_96 : memref<80x256xf32, #tpu.memory_space<vmem>>) target(%dma_start3A_92 : memref<80x256xf32, #tpu.memory_space<hbm>>) target_semaphore(%arg14 : memref<!tpu.dma_semaphore, #tpu.memory_space<semaphore_mem>>)
    %dma_start3A_97 = arith.constant 0 : i32
    %dma_start3A_98 = arith.constant 0 : i32
    %dma_start3A_99 = arith.constant 0 : i32
    %dma_start3A_100 = tpu.memref_slice %arg11[%dma_start3A_97, %dma_start3A_98, %dma_start3A_99] : memref<2x80x128xf32, #tpu.memory_space<vmem>> -> memref<1x80x128xf32, #tpu.memory_space<vmem>>
    %dma_start3A_101 = tpu.memref_squeeze %dma_start3A_100 : memref<1x80x128xf32, #tpu.memory_space<vmem>> -> memref<80x128xf32, #tpu.memory_space<vmem>>
    %dma_start3A_102 = arith.constant 0 : i32
    %dma_start3A_103 = tpu.memref_slice %arg7[%add3A_83, %dma_start3A_102] : memref<320000x128xf32, #tpu.memory_space<hbm>> -> memref<80x128xf32, #tpu.memory_space<hbm>>
    %dma_start3A_104 = arith.constant 0 : i32
    %dma_start3A_105 = tpu.memref_slice %arg7[%add3A_83, %dma_start3A_104] : memref<320000x128xf32, #tpu.memory_space<hbm>> -> memref<80x128xf32, #tpu.memory_space<hbm>>
    %dma_start3A_106 = arith.constant 0 : i32
    %dma_start3A_107 = arith.constant 0 : i32
    %dma_start3A_108 = tpu.memref_slice %arg11[%dma_start3A_97, %dma_start3A_106, %dma_start3A_107] : memref<2x80x128xf32, #tpu.memory_space<vmem>> -> memref<1x80x128xf32, #tpu.memory_space<vmem>>
    %dma_start3A_109 = tpu.memref_squeeze %dma_start3A_108 : memref<1x80x128xf32, #tpu.memory_space<vmem>> -> memref<80x128xf32, #tpu.memory_space<vmem>>
    tpu.enqueue_dma source(%dma_start3A_109 : memref<80x128xf32, #tpu.memory_space<vmem>>) target(%dma_start3A_105 : memref<80x128xf32, #tpu.memory_space<hbm>>) target_semaphore(%arg14 : memref<!tpu.dma_semaphore, #tpu.memory_space<semaphore_mem>>)
    %dma_wait3A_110 = arith.constant 0 : i32
    %dma_wait3A_111 = arith.constant 0 : i32
    %dma_wait3A_112 = arith.constant 0 : i32
    %dma_wait3A_113 = tpu.memref_slice %arg10[%dma_wait3A_110, %dma_wait3A_111, %dma_wait3A_112] : memref<2x80x256xf32, #tpu.memory_space<vmem>> -> memref<1x80x256xf32, #tpu.memory_space<vmem>>
    %dma_wait3A_114 = tpu.memref_squeeze %dma_wait3A_113 : memref<1x80x256xf32, #tpu.memory_space<vmem>> -> memref<80x256xf32, #tpu.memory_space<vmem>>
    %dma_wait3A_115 = arith.constant 0 : i32
    %dma_wait3A_116 = tpu.memref_slice %arg6[%mul3A_2, %dma_wait3A_115] : memref<320000x256xf32, #tpu.memory_space<hbm>> -> memref<80x256xf32, #tpu.memory_space<hbm>>
    %dma_wait3A_117 = arith.constant 0 : i32
    %dma_wait3A_118 = tpu.memref_slice %arg6[%mul3A_2, %dma_wait3A_117] : memref<320000x256xf32, #tpu.memory_space<hbm>> -> memref<80x256xf32, #tpu.memory_space<hbm>>
    %dma_wait3A_119 = arith.constant 0 : i32
    %dma_wait3A_120 = arith.constant 0 : i32
    %dma_wait3A_121 = tpu.memref_slice %arg10[%dma_wait3A_110, %dma_wait3A_119, %dma_wait3A_120] : memref<2x80x256xf32, #tpu.memory_space<vmem>> -> memref<1x80x256xf32, #tpu.memory_space<vmem>>
    %dma_wait3A_122 = tpu.memref_squeeze %dma_wait3A_121 : memref<1x80x256xf32, #tpu.memory_space<vmem>> -> memref<80x256xf32, #tpu.memory_space<vmem>>
    tpu.wait_dma2 semaphore(%arg14 : memref<!tpu.dma_semaphore, #tpu.memory_space<semaphore_mem>>) src(%dma_wait3A_122 : memref<80x256xf32, #tpu.memory_space<vmem>>) dst(%dma_wait3A_118 : memref<80x256xf32, #tpu.memory_space<hbm>>)
    %dma_wait3A_123 = arith.constant 0 : i32
    %dma_wait3A_124 = arith.constant 0 : i32
    %dma_wait3A_125 = arith.constant 0 : i32
    %dma_wait3A_126 = tpu.memref_slice %arg11[%dma_wait3A_123, %dma_wait3A_124, %dma_wait3A_125] : memref<2x80x128xf32, #tpu.memory_space<vmem>> -> memref<1x80x128xf32, #tpu.memory_space<vmem>>
    %dma_wait3A_127 = tpu.memref_squeeze %dma_wait3A_126 : memref<1x80x128xf32, #tpu.memory_space<vmem>> -> memref<80x128xf32, #tpu.memory_space<vmem>>
    %dma_wait3A_128 = arith.constant 0 : i32
    %dma_wait3A_129 = tpu.memref_slice %arg7[%mul3A_2, %dma_wait3A_128] : memref<320000x128xf32, #tpu.memory_space<hbm>> -> memref<80x128xf32, #tpu.memory_space<hbm>>
    %dma_wait3A_130 = arith.constant 0 : i32
    %dma_wait3A_131 = tpu.memref_slice %arg7[%mul3A_2, %dma_wait3A_130] : memref<320000x128xf32, #tpu.memory_space<hbm>> -> memref<80x128xf32, #tpu.memory_space<hbm>>
    %dma_wait3A_132 = arith.constant 0 : i32
    %dma_wait3A_133 = arith.constant 0 : i32
    %dma_wait3A_134 = tpu.memref_slice %arg11[%dma_wait3A_123, %dma_wait3A_132, %dma_wait3A_133] : memref<2x80x128xf32, #tpu.memory_space<vmem>> -> memref<1x80x128xf32, #tpu.memory_space<vmem>>
    %dma_wait3A_135 = tpu.memref_squeeze %dma_wait3A_134 : memref<1x80x128xf32, #tpu.memory_space<vmem>> -> memref<80x128xf32, #tpu.memory_space<vmem>>
    tpu.wait_dma2 semaphore(%arg14 : memref<!tpu.dma_semaphore, #tpu.memory_space<semaphore_mem>>) src(%dma_wait3A_135 : memref<80x128xf32, #tpu.memory_space<vmem>>) dst(%dma_wait3A_131 : memref<80x128xf32, #tpu.memory_space<hbm>>)
    return
  }
}

#map = affine_map<(d0, d1) -> (0, 0)>
#map1 = affine_map<(d0, d1) -> (0)>
module attributes {stable_mosaic.version = 14 : i64} {
  func.func @_sc_gather_body(%arg0: i32, %arg1: i32, %arg2: memref<10000x256xf32, #tpu.memory_space<hbm>>, %arg3: memref<10000x128xf32, #tpu.memory_space<hbm>>, %arg4: memref<320000xi32, #tpu.memory_space<hbm>>, %arg5: memref<320000xi32, #tpu.memory_space<hbm>>, %arg6: memref<320000x256xf32, #tpu.memory_space<hbm>>, %arg7: memref<320000x128xf32, #tpu.memory_space<hbm>>, %arg8: memref<2x80xi32, #tpu.memory_space<vmem>>, %arg9: memref<2x80xi32, #tpu.memory_space<vmem>>, %arg10: memref<2x80x256xf32, #tpu.memory_space<vmem>>, %arg11: memref<2x80x128xf32, #tpu.memory_space<vmem>>, %arg12: memref<!tpu.dma_semaphore, #tpu.memory_space<semaphore_mem>>, %arg13: memref<!tpu.dma_semaphore, #tpu.memory_space<semaphore_mem>>, %arg14: memref<!tpu.dma_semaphore, #tpu.memory_space<semaphore_mem>>, %arg15: memref<!tpu.dma_semaphore, #tpu.memory_space<semaphore_mem>>) attributes {dimension_semantics = [#tpu.dimension_semantics<core_parallel>, #tpu.dimension_semantics<subcore_parallel>], iteration_bounds = array<i64: 2, 16>, scalar_prefetch = 0 : i64, scratch_operands = 8 : i64, tpu.core_type = #tpu.core_type<sc_vector_subcore>, window_params = [{transform_indices = #map}, {transform_indices = #map}, {transform_indices = #map1}, {transform_indices = #map1}, {transform_indices = #map}, {transform_indices = #map}]} {
    %mul3A = arith.constant 16 : i32
    %mul3A_0 = arith.muli %arg0, %mul3A : i32
    %add3A = arith.addi %mul3A_0, %arg1 : i32
    %mul3A_1 = arith.constant 10000 : i32
    %mul3A_2 = arith.muli %add3A, %mul3A_1 : i32
    %add3A_3 = arith.constant 0 : i32
    %add3A_4 = arith.addi %mul3A_2, %add3A_3 : i32
    %run_scoped3A = arith.constant 0 : i32
    "tpu.region"() ({
      %run_scoped3A_136 = tpu.sem_alloc : memref<!tpu.dma_semaphore, #tpu.memory_space<semaphore_mem>>
      %dma_start3A_137 = arith.constant 0 : i32
      %dma_start3A_138 = tpu.memref_slice %arg8[%run_scoped3A, %dma_start3A_137] : memref<2x80xi32, #tpu.memory_space<vmem>> -> memref<1x80xi32, #tpu.memory_space<vmem>>
      %dma_start3A_139 = tpu.memref_squeeze %dma_start3A_138 : memref<1x80xi32, #tpu.memory_space<vmem>> -> memref<80xi32, #tpu.memory_space<vmem>>
      %dma_start3A_140 = tpu.memref_slice %arg4[%add3A_4] : memref<320000xi32, #tpu.memory_space<hbm>> -> memref<80xi32, #tpu.memory_space<hbm>>
      %dma_start3A_141 = arith.constant 0 : i32
      %dma_start3A_142 = tpu.memref_slice %arg8[%run_scoped3A, %dma_start3A_141] : memref<2x80xi32, #tpu.memory_space<vmem>> -> memref<1x80xi32, #tpu.memory_space<vmem>>
      %dma_start3A_143 = tpu.memref_squeeze %dma_start3A_142 : memref<1x80xi32, #tpu.memory_space<vmem>> -> memref<80xi32, #tpu.memory_space<vmem>>
      %dma_start3A_144 = tpu.memref_slice %arg4[%add3A_4] : memref<320000xi32, #tpu.memory_space<hbm>> -> memref<80xi32, #tpu.memory_space<hbm>>
      tpu.enqueue_dma source(%dma_start3A_144 : memref<80xi32, #tpu.memory_space<hbm>>) target(%dma_start3A_143 : memref<80xi32, #tpu.memory_space<vmem>>) target_semaphore(%run_scoped3A_136 : memref<!tpu.dma_semaphore, #tpu.memory_space<semaphore_mem>>)
      %dma_wait3A_145 = arith.constant 0 : i32
      %dma_wait3A_146 = tpu.memref_slice %arg8[%run_scoped3A, %dma_wait3A_145] : memref<2x80xi32, #tpu.memory_space<vmem>> -> memref<1x80xi32, #tpu.memory_space<vmem>>
      %dma_wait3A_147 = tpu.memref_squeeze %dma_wait3A_146 : memref<1x80xi32, #tpu.memory_space<vmem>> -> memref<80xi32, #tpu.memory_space<vmem>>
      %dma_wait3A_148 = tpu.memref_slice %arg4[%add3A_4] : memref<320000xi32, #tpu.memory_space<hbm>> -> memref<80xi32, #tpu.memory_space<hbm>>
      %dma_wait3A_149 = arith.constant 0 : i32
      %dma_wait3A_150 = tpu.memref_slice %arg8[%run_scoped3A, %dma_wait3A_149] : memref<2x80xi32, #tpu.memory_space<vmem>> -> memref<1x80xi32, #tpu.memory_space<vmem>>
      %dma_wait3A_151 = tpu.memref_squeeze %dma_wait3A_150 : memref<1x80xi32, #tpu.memory_space<vmem>> -> memref<80xi32, #tpu.memory_space<vmem>>
      %dma_wait3A_152 = tpu.memref_slice %arg4[%add3A_4] : memref<320000xi32, #tpu.memory_space<hbm>> -> memref<80xi32, #tpu.memory_space<hbm>>
      tpu.wait_dma2 semaphore(%run_scoped3A_136 : memref<!tpu.dma_semaphore, #tpu.memory_space<semaphore_mem>>) src(%dma_wait3A_152 : memref<80xi32, #tpu.memory_space<hbm>>) dst(%dma_wait3A_151 : memref<80xi32, #tpu.memory_space<vmem>>)
      tpu.yield
    }) : () -> ()
    %run_scoped3A_5 = arith.constant 0 : i32
    "tpu.region"() ({
      %run_scoped3A_136 = tpu.sem_alloc : memref<!tpu.dma_semaphore, #tpu.memory_space<semaphore_mem>>
      %dma_start3A_137 = arith.constant 0 : i32
      %dma_start3A_138 = tpu.memref_slice %arg9[%run_scoped3A_5, %dma_start3A_137] : memref<2x80xi32, #tpu.memory_space<vmem>> -> memref<1x80xi32, #tpu.memory_space<vmem>>
      %dma_start3A_139 = tpu.memref_squeeze %dma_start3A_138 : memref<1x80xi32, #tpu.memory_space<vmem>> -> memref<80xi32, #tpu.memory_space<vmem>>
      %dma_start3A_140 = tpu.memref_slice %arg5[%add3A_4] : memref<320000xi32, #tpu.memory_space<hbm>> -> memref<80xi32, #tpu.memory_space<hbm>>
      %dma_start3A_141 = arith.constant 0 : i32
      %dma_start3A_142 = tpu.memref_slice %arg9[%run_scoped3A_5, %dma_start3A_141] : memref<2x80xi32, #tpu.memory_space<vmem>> -> memref<1x80xi32, #tpu.memory_space<vmem>>
      %dma_start3A_143 = tpu.memref_squeeze %dma_start3A_142 : memref<1x80xi32, #tpu.memory_space<vmem>> -> memref<80xi32, #tpu.memory_space<vmem>>
      %dma_start3A_144 = tpu.memref_slice %arg5[%add3A_4] : memref<320000xi32, #tpu.memory_space<hbm>> -> memref<80xi32, #tpu.memory_space<hbm>>
      tpu.enqueue_dma source(%dma_start3A_144 : memref<80xi32, #tpu.memory_space<hbm>>) target(%dma_start3A_143 : memref<80xi32, #tpu.memory_space<vmem>>) target_semaphore(%run_scoped3A_136 : memref<!tpu.dma_semaphore, #tpu.memory_space<semaphore_mem>>)
      %dma_wait3A_145 = arith.constant 0 : i32
      %dma_wait3A_146 = tpu.memref_slice %arg9[%run_scoped3A_5, %dma_wait3A_145] : memref<2x80xi32, #tpu.memory_space<vmem>> -> memref<1x80xi32, #tpu.memory_space<vmem>>
      %dma_wait3A_147 = tpu.memref_squeeze %dma_wait3A_146 : memref<1x80xi32, #tpu.memory_space<vmem>> -> memref<80xi32, #tpu.memory_space<vmem>>
      %dma_wait3A_148 = tpu.memref_slice %arg5[%add3A_4] : memref<320000xi32, #tpu.memory_space<hbm>> -> memref<80xi32, #tpu.memory_space<hbm>>
      %dma_wait3A_149 = arith.constant 0 : i32
      %dma_wait3A_150 = tpu.memref_slice %arg9[%run_scoped3A_5, %dma_wait3A_149] : memref<2x80xi32, #tpu.memory_space<vmem>> -> memref<1x80xi32, #tpu.memory_space<vmem>>
      %dma_wait3A_151 = tpu.memref_squeeze %dma_wait3A_150 : memref<1x80xi32, #tpu.memory_space<vmem>> -> memref<80xi32, #tpu.memory_space<vmem>>
      %dma_wait3A_152 = tpu.memref_slice %arg5[%add3A_4] : memref<320000xi32, #tpu.memory_space<hbm>> -> memref<80xi32, #tpu.memory_space<hbm>>
      tpu.wait_dma2 semaphore(%run_scoped3A_136 : memref<!tpu.dma_semaphore, #tpu.memory_space<semaphore_mem>>) src(%dma_wait3A_152 : memref<80xi32, #tpu.memory_space<hbm>>) dst(%dma_wait3A_151 : memref<80xi32, #tpu.memory_space<vmem>>)
      tpu.yield
    }) : () -> ()
    %dma_start3A = arith.constant 0 : i32
    %dma_start3A_6 = arith.constant 0 : i32
    %dma_start3A_7 = arith.constant 0 : i32
    %dma_start3A_8 = arith.constant 0 : i32
    %dma_start3A_9 = tpu.memref_slice %arg10[%dma_start3A_6, %dma_start3A_7, %dma_start3A_8] : memref<2x80x256xf32, #tpu.memory_space<vmem>> -> memref<1x80x256xf32, #tpu.memory_space<vmem>>
    %dma_start3A_10 = tpu.memref_squeeze %dma_start3A_9 : memref<1x80x256xf32, #tpu.memory_space<vmem>> -> memref<80x256xf32, #tpu.memory_space<vmem>>
    %dma_start3A_11 = arith.constant 0 : i32
    %dma_start3A_12 = tpu.memref_slice %arg8[%dma_start3A, %dma_start3A_11] : memref<2x80xi32, #tpu.memory_space<vmem>> -> memref<1x80xi32, #tpu.memory_space<vmem>>
    %dma_start3A_13 = tpu.memref_squeeze %dma_start3A_12 : memref<1x80xi32, #tpu.memory_space<vmem>> -> memref<80xi32, #tpu.memory_space<vmem>>
    %dma_start3A_14 = arith.constant 0 : i32
    %dma_start3A_15 = arith.constant 0 : i32
    %dma_start3A_16 = tpu.memref_slice %arg2[%dma_start3A_14, %dma_start3A_15] : memref<10000x256xf32, #tpu.memory_space<hbm>> -> memref<10000x256xf32, #tpu.memory_space<hbm>>
    tpu.enqueue_indirect_dma source(%dma_start3A_16 : memref<10000x256xf32, #tpu.memory_space<hbm>>) target(%dma_start3A_10 : memref<80x256xf32, #tpu.memory_space<vmem>>) offsets(%dma_start3A_13 : memref<80xi32, #tpu.memory_space<vmem>>) semaphore(%arg12 : memref<!tpu.dma_semaphore, #tpu.memory_space<semaphore_mem>>)
    %dma_start3A_17 = arith.constant 0 : i32
    %dma_start3A_18 = arith.constant 0 : i32
    %dma_start3A_19 = arith.constant 0 : i32
    %dma_start3A_20 = arith.constant 0 : i32
    %dma_start3A_21 = tpu.memref_slice %arg11[%dma_start3A_18, %dma_start3A_19, %dma_start3A_20] : memref<2x80x128xf32, #tpu.memory_space<vmem>> -> memref<1x80x128xf32, #tpu.memory_space<vmem>>
    %dma_start3A_22 = tpu.memref_squeeze %dma_start3A_21 : memref<1x80x128xf32, #tpu.memory_space<vmem>> -> memref<80x128xf32, #tpu.memory_space<vmem>>
    %dma_start3A_23 = arith.constant 0 : i32
    %dma_start3A_24 = tpu.memref_slice %arg9[%dma_start3A_17, %dma_start3A_23] : memref<2x80xi32, #tpu.memory_space<vmem>> -> memref<1x80xi32, #tpu.memory_space<vmem>>
    %dma_start3A_25 = tpu.memref_squeeze %dma_start3A_24 : memref<1x80xi32, #tpu.memory_space<vmem>> -> memref<80xi32, #tpu.memory_space<vmem>>
    %dma_start3A_26 = arith.constant 0 : i32
    %dma_start3A_27 = arith.constant 0 : i32
    %dma_start3A_28 = tpu.memref_slice %arg3[%dma_start3A_26, %dma_start3A_27] : memref<10000x128xf32, #tpu.memory_space<hbm>> -> memref<10000x128xf32, #tpu.memory_space<hbm>>
    tpu.enqueue_indirect_dma source(%dma_start3A_28 : memref<10000x128xf32, #tpu.memory_space<hbm>>) target(%dma_start3A_22 : memref<80x128xf32, #tpu.memory_space<vmem>>) offsets(%dma_start3A_25 : memref<80xi32, #tpu.memory_space<vmem>>) semaphore(%arg12 : memref<!tpu.dma_semaphore, #tpu.memory_space<semaphore_mem>>)
    %scan3A = arith.constant 0 : i32
    %scan3A_29 = arith.constant 62 : i32
    %scan3A_30 = arith.addi %scan3A, %scan3A_29 : i32
    %scan3A_31 = arith.constant 1 : i32
    scf.for %scan3A_136 = %scan3A to %scan3A_30 step %scan3A_31  : i32 {
      %mul3A_137 = arith.constant 2 : i32
      %mul3A_138 = arith.muli %scan3A_136, %mul3A_137 : i32
      %add3A_139 = arith.constant 0 : i32
      %add3A_140 = arith.addi %add3A_139, %mul3A_138 : i32
      %gt3A = arith.constant 0 : i32
      %gt3A_141 = arith.cmpi sgt, %add3A_140, %gt3A : i32
      %convert_element_type3A = arith.extui %gt3A_141 : i1 to i32
      %cond3A = arith.constant 0 : i32
      %cond3A_142 = arith.cmpi ne, %convert_element_type3A, %cond3A : i32
      scf.if %cond3A_142 {
        %dma_wait3A_339 = arith.constant 1 : i32
        %dma_wait3A_340 = arith.constant 0 : i32
        %dma_wait3A_341 = arith.constant 0 : i32
        %dma_wait3A_342 = tpu.memref_slice %arg10[%dma_wait3A_339, %dma_wait3A_340, %dma_wait3A_341] : memref<2x80x256xf32, #tpu.memory_space<vmem>> -> memref<1x80x256xf32, #tpu.memory_space<vmem>>
        %dma_wait3A_343 = tpu.memref_squeeze %dma_wait3A_342 : memref<1x80x256xf32, #tpu.memory_space<vmem>> -> memref<80x256xf32, #tpu.memory_space<vmem>>
        %dma_wait3A_344 = arith.constant 0 : i32
        %dma_wait3A_345 = tpu.memref_slice %arg6[%mul3A_2, %dma_wait3A_344] : memref<320000x256xf32, #tpu.memory_space<hbm>> -> memref<80x256xf32, #tpu.memory_space<hbm>>
        %dma_wait3A_346 = arith.constant 0 : i32
        %dma_wait3A_347 = tpu.memref_slice %arg6[%mul3A_2, %dma_wait3A_346] : memref<320000x256xf32, #tpu.memory_space<hbm>> -> memref<80x256xf32, #tpu.memory_space<hbm>>
        %dma_wait3A_348 = arith.constant 0 : i32
        %dma_wait3A_349 = arith.constant 0 : i32
        %dma_wait3A_350 = tpu.memref_slice %arg10[%dma_wait3A_339, %dma_wait3A_348, %dma_wait3A_349] : memref<2x80x256xf32, #tpu.memory_space<vmem>> -> memref<1x80x256xf32, #tpu.memory_space<vmem>>
        %dma_wait3A_351 = tpu.memref_squeeze %dma_wait3A_350 : memref<1x80x256xf32, #tpu.memory_space<vmem>> -> memref<80x256xf32, #tpu.memory_space<vmem>>
        tpu.wait_dma2 semaphore(%arg15 : memref<!tpu.dma_semaphore, #tpu.memory_space<semaphore_mem>>) src(%dma_wait3A_351 : memref<80x256xf32, #tpu.memory_space<vmem>>) dst(%dma_wait3A_347 : memref<80x256xf32, #tpu.memory_space<hbm>>)
        %dma_wait3A_352 = arith.constant 1 : i32
        %dma_wait3A_353 = arith.constant 0 : i32
        %dma_wait3A_354 = arith.constant 0 : i32
        %dma_wait3A_355 = tpu.memref_slice %arg11[%dma_wait3A_352, %dma_wait3A_353, %dma_wait3A_354] : memref<2x80x128xf32, #tpu.memory_space<vmem>> -> memref<1x80x128xf32, #tpu.memory_space<vmem>>
        %dma_wait3A_356 = tpu.memref_squeeze %dma_wait3A_355 : memref<1x80x128xf32, #tpu.memory_space<vmem>> -> memref<80x128xf32, #tpu.memory_space<vmem>>
        %dma_wait3A_357 = arith.constant 0 : i32
        %dma_wait3A_358 = tpu.memref_slice %arg7[%mul3A_2, %dma_wait3A_357] : memref<320000x128xf32, #tpu.memory_space<hbm>> -> memref<80x128xf32, #tpu.memory_space<hbm>>
        %dma_wait3A_359 = arith.constant 0 : i32
        %dma_wait3A_360 = tpu.memref_slice %arg7[%mul3A_2, %dma_wait3A_359] : memref<320000x128xf32, #tpu.memory_space<hbm>> -> memref<80x128xf32, #tpu.memory_space<hbm>>
        %dma_wait3A_361 = arith.constant 0 : i32
        %dma_wait3A_362 = arith.constant 0 : i32
        %dma_wait3A_363 = tpu.memref_slice %arg11[%dma_wait3A_352, %dma_wait3A_361, %dma_wait3A_362] : memref<2x80x128xf32, #tpu.memory_space<vmem>> -> memref<1x80x128xf32, #tpu.memory_space<vmem>>
        %dma_wait3A_364 = tpu.memref_squeeze %dma_wait3A_363 : memref<1x80x128xf32, #tpu.memory_space<vmem>> -> memref<80x128xf32, #tpu.memory_space<vmem>>
        tpu.wait_dma2 semaphore(%arg15 : memref<!tpu.dma_semaphore, #tpu.memory_space<semaphore_mem>>) src(%dma_wait3A_364 : memref<80x128xf32, #tpu.memory_space<vmem>>) dst(%dma_wait3A_360 : memref<80x128xf32, #tpu.memory_space<hbm>>)
      } else {
      }
      %add3A_143 = arith.constant 1 : i32
      %add3A_144 = arith.addi %add3A_140, %add3A_143 : i32
      %mul3A_145 = arith.constant 80 : i32
      %mul3A_146 = arith.muli %add3A_144, %mul3A_145 : i32
      %add3A_147 = arith.addi %mul3A_2, %mul3A_146 : i32
      %run_scoped3A_148 = arith.constant 1 : i32
      "tpu.region"() ({
        %run_scoped3A_339 = tpu.sem_alloc : memref<!tpu.dma_semaphore, #tpu.memory_space<semaphore_mem>>
        %dma_start3A_340 = arith.constant 0 : i32
        %dma_start3A_341 = tpu.memref_slice %arg8[%run_scoped3A_148, %dma_start3A_340] : memref<2x80xi32, #tpu.memory_space<vmem>> -> memref<1x80xi32, #tpu.memory_space<vmem>>
        %dma_start3A_342 = tpu.memref_squeeze %dma_start3A_341 : memref<1x80xi32, #tpu.memory_space<vmem>> -> memref<80xi32, #tpu.memory_space<vmem>>
        %dma_start3A_343 = tpu.memref_slice %arg4[%add3A_147] : memref<320000xi32, #tpu.memory_space<hbm>> -> memref<80xi32, #tpu.memory_space<hbm>>
        %dma_start3A_344 = arith.constant 0 : i32
        %dma_start3A_345 = tpu.memref_slice %arg8[%run_scoped3A_148, %dma_start3A_344] : memref<2x80xi32, #tpu.memory_space<vmem>> -> memref<1x80xi32, #tpu.memory_space<vmem>>
        %dma_start3A_346 = tpu.memref_squeeze %dma_start3A_345 : memref<1x80xi32, #tpu.memory_space<vmem>> -> memref<80xi32, #tpu.memory_space<vmem>>
        %dma_start3A_347 = tpu.memref_slice %arg4[%add3A_147] : memref<320000xi32, #tpu.memory_space<hbm>> -> memref<80xi32, #tpu.memory_space<hbm>>
        tpu.enqueue_dma source(%dma_start3A_347 : memref<80xi32, #tpu.memory_space<hbm>>) target(%dma_start3A_346 : memref<80xi32, #tpu.memory_space<vmem>>) target_semaphore(%run_scoped3A_339 : memref<!tpu.dma_semaphore, #tpu.memory_space<semaphore_mem>>)
        %dma_wait3A_348 = arith.constant 0 : i32
        %dma_wait3A_349 = tpu.memref_slice %arg8[%run_scoped3A_148, %dma_wait3A_348] : memref<2x80xi32, #tpu.memory_space<vmem>> -> memref<1x80xi32, #tpu.memory_space<vmem>>
        %dma_wait3A_350 = tpu.memref_squeeze %dma_wait3A_349 : memref<1x80xi32, #tpu.memory_space<vmem>> -> memref<80xi32, #tpu.memory_space<vmem>>
        %dma_wait3A_351 = tpu.memref_slice %arg4[%add3A_147] : memref<320000xi32, #tpu.memory_space<hbm>> -> memref<80xi32, #tpu.memory_space<hbm>>
        %dma_wait3A_352 = arith.constant 0 : i32
        %dma_wait3A_353 = tpu.memref_slice %arg8[%run_scoped3A_148, %dma_wait3A_352] : memref<2x80xi32, #tpu.memory_space<vmem>> -> memref<1x80xi32, #tpu.memory_space<vmem>>
        %dma_wait3A_354 = tpu.memref_squeeze %dma_wait3A_353 : memref<1x80xi32, #tpu.memory_space<vmem>> -> memref<80xi32, #tpu.memory_space<vmem>>
        %dma_wait3A_355 = tpu.memref_slice %arg4[%add3A_147] : memref<320000xi32, #tpu.memory_space<hbm>> -> memref<80xi32, #tpu.memory_space<hbm>>
        tpu.wait_dma2 semaphore(%run_scoped3A_339 : memref<!tpu.dma_semaphore, #tpu.memory_space<semaphore_mem>>) src(%dma_wait3A_355 : memref<80xi32, #tpu.memory_space<hbm>>) dst(%dma_wait3A_354 : memref<80xi32, #tpu.memory_space<vmem>>)
        tpu.yield
      }) : () -> ()
      %run_scoped3A_149 = arith.constant 1 : i32
      "tpu.region"() ({
        %run_scoped3A_339 = tpu.sem_alloc : memref<!tpu.dma_semaphore, #tpu.memory_space<semaphore_mem>>
        %dma_start3A_340 = arith.constant 0 : i32
        %dma_start3A_341 = tpu.memref_slice %arg9[%run_scoped3A_149, %dma_start3A_340] : memref<2x80xi32, #tpu.memory_space<vmem>> -> memref<1x80xi32, #tpu.memory_space<vmem>>
        %dma_start3A_342 = tpu.memref_squeeze %dma_start3A_341 : memref<1x80xi32, #tpu.memory_space<vmem>> -> memref<80xi32, #tpu.memory_space<vmem>>
        %dma_start3A_343 = tpu.memref_slice %arg5[%add3A_147] : memref<320000xi32, #tpu.memory_space<hbm>> -> memref<80xi32, #tpu.memory_space<hbm>>
        %dma_start3A_344 = arith.constant 0 : i32
        %dma_start3A_345 = tpu.memref_slice %arg9[%run_scoped3A_149, %dma_start3A_344] : memref<2x80xi32, #tpu.memory_space<vmem>> -> memref<1x80xi32, #tpu.memory_space<vmem>>
        %dma_start3A_346 = tpu.memref_squeeze %dma_start3A_345 : memref<1x80xi32, #tpu.memory_space<vmem>> -> memref<80xi32, #tpu.memory_space<vmem>>
        %dma_start3A_347 = tpu.memref_slice %arg5[%add3A_147] : memref<320000xi32, #tpu.memory_space<hbm>> -> memref<80xi32, #tpu.memory_space<hbm>>
        tpu.enqueue_dma source(%dma_start3A_347 : memref<80xi32, #tpu.memory_space<hbm>>) target(%dma_start3A_346 : memref<80xi32, #tpu.memory_space<vmem>>) target_semaphore(%run_scoped3A_339 : memref<!tpu.dma_semaphore, #tpu.memory_space<semaphore_mem>>)
        %dma_wait3A_348 = arith.constant 0 : i32
        %dma_wait3A_349 = tpu.memref_slice %arg9[%run_scoped3A_149, %dma_wait3A_348] : memref<2x80xi32, #tpu.memory_space<vmem>> -> memref<1x80xi32, #tpu.memory_space<vmem>>
        %dma_wait3A_350 = tpu.memref_squeeze %dma_wait3A_349 : memref<1x80xi32, #tpu.memory_space<vmem>> -> memref<80xi32, #tpu.memory_space<vmem>>
        %dma_wait3A_351 = tpu.memref_slice %arg5[%add3A_147] : memref<320000xi32, #tpu.memory_space<hbm>> -> memref<80xi32, #tpu.memory_space<hbm>>
        %dma_wait3A_352 = arith.constant 0 : i32
        %dma_wait3A_353 = tpu.memref_slice %arg9[%run_scoped3A_149, %dma_wait3A_352] : memref<2x80xi32, #tpu.memory_space<vmem>> -> memref<1x80xi32, #tpu.memory_space<vmem>>
        %dma_wait3A_354 = tpu.memref_squeeze %dma_wait3A_353 : memref<1x80xi32, #tpu.memory_space<vmem>> -> memref<80xi32, #tpu.memory_space<vmem>>
        %dma_wait3A_355 = tpu.memref_slice %arg5[%add3A_147] : memref<320000xi32, #tpu.memory_space<hbm>> -> memref<80xi32, #tpu.memory_space<hbm>>
        tpu.wait_dma2 semaphore(%run_scoped3A_339 : memref<!tpu.dma_semaphore, #tpu.memory_space<semaphore_mem>>) src(%dma_wait3A_355 : memref<80xi32, #tpu.memory_space<hbm>>) dst(%dma_wait3A_354 : memref<80xi32, #tpu.memory_space<vmem>>)
        tpu.yield
      }) : () -> ()
      %dma_start3A_150 = arith.constant 1 : i32
      %dma_start3A_151 = arith.constant 1 : i32
      %dma_start3A_152 = arith.constant 0 : i32
      %dma_start3A_153 = arith.constant 0 : i32
      %dma_start3A_154 = tpu.memref_slice %arg10[%dma_start3A_151, %dma_start3A_152, %dma_start3A_153] : memref<2x80x256xf32, #tpu.memory_space<vmem>> -> memref<1x80x256xf32, #tpu.memory_space<vmem>>
      %dma_start3A_155 = tpu.memref_squeeze %dma_start3A_154 : memref<1x80x256xf32, #tpu.memory_space<vmem>> -> memref<80x256xf32, #tpu.memory_space<vmem>>
      %dma_start3A_156 = arith.constant 0 : i32
      %dma_start3A_157 = tpu.memref_slice %arg8[%dma_start3A_150, %dma_start3A_156] : memref<2x80xi32, #tpu.memory_space<vmem>> -> memref<1x80xi32, #tpu.memory_space<vmem>>
      %dma_start3A_158 = tpu.memref_squeeze %dma_start3A_157 : memref<1x80xi32, #tpu.memory_space<vmem>> -> memref<80xi32, #tpu.memory_space<vmem>>
      %dma_start3A_159 = arith.constant 0 : i32
      %dma_start3A_160 = arith.constant 0 : i32
      %dma_start3A_161 = tpu.memref_slice %arg2[%dma_start3A_159, %dma_start3A_160] : memref<10000x256xf32, #tpu.memory_space<hbm>> -> memref<10000x256xf32, #tpu.memory_space<hbm>>
      tpu.enqueue_indirect_dma source(%dma_start3A_161 : memref<10000x256xf32, #tpu.memory_space<hbm>>) target(%dma_start3A_155 : memref<80x256xf32, #tpu.memory_space<vmem>>) offsets(%dma_start3A_158 : memref<80xi32, #tpu.memory_space<vmem>>) semaphore(%arg13 : memref<!tpu.dma_semaphore, #tpu.memory_space<semaphore_mem>>)
      %dma_start3A_162 = arith.constant 1 : i32
      %dma_start3A_163 = arith.constant 1 : i32
      %dma_start3A_164 = arith.constant 0 : i32
      %dma_start3A_165 = arith.constant 0 : i32
      %dma_start3A_166 = tpu.memref_slice %arg11[%dma_start3A_163, %dma_start3A_164, %dma_start3A_165] : memref<2x80x128xf32, #tpu.memory_space<vmem>> -> memref<1x80x128xf32, #tpu.memory_space<vmem>>
      %dma_start3A_167 = tpu.memref_squeeze %dma_start3A_166 : memref<1x80x128xf32, #tpu.memory_space<vmem>> -> memref<80x128xf32, #tpu.memory_space<vmem>>
      %dma_start3A_168 = arith.constant 0 : i32
      %dma_start3A_169 = tpu.memref_slice %arg9[%dma_start3A_162, %dma_start3A_168] : memref<2x80xi32, #tpu.memory_space<vmem>> -> memref<1x80xi32, #tpu.memory_space<vmem>>
      %dma_start3A_170 = tpu.memref_squeeze %dma_start3A_169 : memref<1x80xi32, #tpu.memory_space<vmem>> -> memref<80xi32, #tpu.memory_space<vmem>>
      %dma_start3A_171 = arith.constant 0 : i32
      %dma_start3A_172 = arith.constant 0 : i32
      %dma_start3A_173 = tpu.memref_slice %arg3[%dma_start3A_171, %dma_start3A_172] : memref<10000x128xf32, #tpu.memory_space<hbm>> -> memref<10000x128xf32, #tpu.memory_space<hbm>>
      tpu.enqueue_indirect_dma source(%dma_start3A_173 : memref<10000x128xf32, #tpu.memory_space<hbm>>) target(%dma_start3A_167 : memref<80x128xf32, #tpu.memory_space<vmem>>) offsets(%dma_start3A_170 : memref<80xi32, #tpu.memory_space<vmem>>) semaphore(%arg13 : memref<!tpu.dma_semaphore, #tpu.memory_space<semaphore_mem>>)
      %dma_wait3A_174 = arith.constant 0 : i32
      %dma_wait3A_175 = arith.constant 0 : i32
      %dma_wait3A_176 = arith.constant 0 : i32
      %dma_wait3A_177 = arith.constant 0 : i32
      %dma_wait3A_178 = tpu.memref_slice %arg10[%dma_wait3A_175, %dma_wait3A_176, %dma_wait3A_177] : memref<2x80x256xf32, #tpu.memory_space<vmem>> -> memref<1x80x256xf32, #tpu.memory_space<vmem>>
      %dma_wait3A_179 = tpu.memref_squeeze %dma_wait3A_178 : memref<1x80x256xf32, #tpu.memory_space<vmem>> -> memref<80x256xf32, #tpu.memory_space<vmem>>
      %dma_wait3A_180 = arith.constant 0 : i32
      %dma_wait3A_181 = tpu.memref_slice %arg8[%dma_wait3A_174, %dma_wait3A_180] : memref<2x80xi32, #tpu.memory_space<vmem>> -> memref<1x80xi32, #tpu.memory_space<vmem>>
      %dma_wait3A_182 = tpu.memref_squeeze %dma_wait3A_181 : memref<1x80xi32, #tpu.memory_space<vmem>> -> memref<80xi32, #tpu.memory_space<vmem>>
      %dma_wait3A_183 = arith.constant 0 : i32
      %dma_wait3A_184 = arith.constant 0 : i32
      %dma_wait3A_185 = tpu.memref_slice %arg2[%dma_wait3A_183, %dma_wait3A_184] : memref<10000x256xf32, #tpu.memory_space<hbm>> -> memref<10000x256xf32, #tpu.memory_space<hbm>>
      tpu.wait_indirect_dma semaphore(%arg12 : memref<!tpu.dma_semaphore, #tpu.memory_space<semaphore_mem>>) src(%dma_wait3A_185 : memref<10000x256xf32, #tpu.memory_space<hbm>>) dst(%dma_wait3A_179 : memref<80x256xf32, #tpu.memory_space<vmem>>)
      %dma_wait3A_186 = arith.constant 0 : i32
      %dma_wait3A_187 = arith.constant 0 : i32
      %dma_wait3A_188 = arith.constant 0 : i32
      %dma_wait3A_189 = arith.constant 0 : i32
      %dma_wait3A_190 = tpu.memref_slice %arg11[%dma_wait3A_187, %dma_wait3A_188, %dma_wait3A_189] : memref<2x80x128xf32, #tpu.memory_space<vmem>> -> memref<1x80x128xf32, #tpu.memory_space<vmem>>
      %dma_wait3A_191 = tpu.memref_squeeze %dma_wait3A_190 : memref<1x80x128xf32, #tpu.memory_space<vmem>> -> memref<80x128xf32, #tpu.memory_space<vmem>>
      %dma_wait3A_192 = arith.constant 0 : i32
      %dma_wait3A_193 = tpu.memref_slice %arg9[%dma_wait3A_186, %dma_wait3A_192] : memref<2x80xi32, #tpu.memory_space<vmem>> -> memref<1x80xi32, #tpu.memory_space<vmem>>
      %dma_wait3A_194 = tpu.memref_squeeze %dma_wait3A_193 : memref<1x80xi32, #tpu.memory_space<vmem>> -> memref<80xi32, #tpu.memory_space<vmem>>
      %dma_wait3A_195 = arith.constant 0 : i32
      %dma_wait3A_196 = arith.constant 0 : i32
      %dma_wait3A_197 = tpu.memref_slice %arg3[%dma_wait3A_195, %dma_wait3A_196] : memref<10000x128xf32, #tpu.memory_space<hbm>> -> memref<10000x128xf32, #tpu.memory_space<hbm>>
      tpu.wait_indirect_dma semaphore(%arg12 : memref<!tpu.dma_semaphore, #tpu.memory_space<semaphore_mem>>) src(%dma_wait3A_197 : memref<10000x128xf32, #tpu.memory_space<hbm>>) dst(%dma_wait3A_191 : memref<80x128xf32, #tpu.memory_space<vmem>>)
      %mul3A_198 = arith.constant 80 : i32
      %mul3A_199 = arith.muli %add3A_140, %mul3A_198 : i32
      %add3A_200 = arith.addi %mul3A_2, %mul3A_199 : i32
      %dma_start3A_201 = arith.constant 0 : i32
      %dma_start3A_202 = arith.constant 0 : i32
      %dma_start3A_203 = arith.constant 0 : i32
      %dma_start3A_204 = tpu.memref_slice %arg10[%dma_start3A_201, %dma_start3A_202, %dma_start3A_203] : memref<2x80x256xf32, #tpu.memory_space<vmem>> -> memref<1x80x256xf32, #tpu.memory_space<vmem>>
      %dma_start3A_205 = tpu.memref_squeeze %dma_start3A_204 : memref<1x80x256xf32, #tpu.memory_space<vmem>> -> memref<80x256xf32, #tpu.memory_space<vmem>>
      %dma_start3A_206 = arith.constant 0 : i32
      %dma_start3A_207 = tpu.memref_slice %arg6[%add3A_200, %dma_start3A_206] : memref<320000x256xf32, #tpu.memory_space<hbm>> -> memref<80x256xf32, #tpu.memory_space<hbm>>
      %dma_start3A_208 = arith.constant 0 : i32
      %dma_start3A_209 = tpu.memref_slice %arg6[%add3A_200, %dma_start3A_208] : memref<320000x256xf32, #tpu.memory_space<hbm>> -> memref<80x256xf32, #tpu.memory_space<hbm>>
      %dma_start3A_210 = arith.constant 0 : i32
      %dma_start3A_211 = arith.constant 0 : i32
      %dma_start3A_212 = tpu.memref_slice %arg10[%dma_start3A_201, %dma_start3A_210, %dma_start3A_211] : memref<2x80x256xf32, #tpu.memory_space<vmem>> -> memref<1x80x256xf32, #tpu.memory_space<vmem>>
      %dma_start3A_213 = tpu.memref_squeeze %dma_start3A_212 : memref<1x80x256xf32, #tpu.memory_space<vmem>> -> memref<80x256xf32, #tpu.memory_space<vmem>>
      tpu.enqueue_dma source(%dma_start3A_213 : memref<80x256xf32, #tpu.memory_space<vmem>>) target(%dma_start3A_209 : memref<80x256xf32, #tpu.memory_space<hbm>>) target_semaphore(%arg14 : memref<!tpu.dma_semaphore, #tpu.memory_space<semaphore_mem>>)
      %dma_start3A_214 = arith.constant 0 : i32
      %dma_start3A_215 = arith.constant 0 : i32
      %dma_start3A_216 = arith.constant 0 : i32
      %dma_start3A_217 = tpu.memref_slice %arg11[%dma_start3A_214, %dma_start3A_215, %dma_start3A_216] : memref<2x80x128xf32, #tpu.memory_space<vmem>> -> memref<1x80x128xf32, #tpu.memory_space<vmem>>
      %dma_start3A_218 = tpu.memref_squeeze %dma_start3A_217 : memref<1x80x128xf32, #tpu.memory_space<vmem>> -> memref<80x128xf32, #tpu.memory_space<vmem>>
      %dma_start3A_219 = arith.constant 0 : i32
      %dma_start3A_220 = tpu.memref_slice %arg7[%add3A_200, %dma_start3A_219] : memref<320000x128xf32, #tpu.memory_space<hbm>> -> memref<80x128xf32, #tpu.memory_space<hbm>>
      %dma_start3A_221 = arith.constant 0 : i32
      %dma_start3A_222 = tpu.memref_slice %arg7[%add3A_200, %dma_start3A_221] : memref<320000x128xf32, #tpu.memory_space<hbm>> -> memref<80x128xf32, #tpu.memory_space<hbm>>
      %dma_start3A_223 = arith.constant 0 : i32
      %dma_start3A_224 = arith.constant 0 : i32
      %dma_start3A_225 = tpu.memref_slice %arg11[%dma_start3A_214, %dma_start3A_223, %dma_start3A_224] : memref<2x80x128xf32, #tpu.memory_space<vmem>> -> memref<1x80x128xf32, #tpu.memory_space<vmem>>
      %dma_start3A_226 = tpu.memref_squeeze %dma_start3A_225 : memref<1x80x128xf32, #tpu.memory_space<vmem>> -> memref<80x128xf32, #tpu.memory_space<vmem>>
      tpu.enqueue_dma source(%dma_start3A_226 : memref<80x128xf32, #tpu.memory_space<vmem>>) target(%dma_start3A_222 : memref<80x128xf32, #tpu.memory_space<hbm>>) target_semaphore(%arg14 : memref<!tpu.dma_semaphore, #tpu.memory_space<semaphore_mem>>)
      %dma_wait3A_227 = arith.constant 1 : i32
      %dma_wait3A_228 = arith.constant 1 : i32
      %dma_wait3A_229 = arith.constant 0 : i32
      %dma_wait3A_230 = arith.constant 0 : i32
      %dma_wait3A_231 = tpu.memref_slice %arg10[%dma_wait3A_228, %dma_wait3A_229, %dma_wait3A_230] : memref<2x80x256xf32, #tpu.memory_space<vmem>> -> memref<1x80x256xf32, #tpu.memory_space<vmem>>
      %dma_wait3A_232 = tpu.memref_squeeze %dma_wait3A_231 : memref<1x80x256xf32, #tpu.memory_space<vmem>> -> memref<80x256xf32, #tpu.memory_space<vmem>>
      %dma_wait3A_233 = arith.constant 0 : i32
      %dma_wait3A_234 = tpu.memref_slice %arg8[%dma_wait3A_227, %dma_wait3A_233] : memref<2x80xi32, #tpu.memory_space<vmem>> -> memref<1x80xi32, #tpu.memory_space<vmem>>
      %dma_wait3A_235 = tpu.memref_squeeze %dma_wait3A_234 : memref<1x80xi32, #tpu.memory_space<vmem>> -> memref<80xi32, #tpu.memory_space<vmem>>
      %dma_wait3A_236 = arith.constant 0 : i32
      %dma_wait3A_237 = arith.constant 0 : i32
      %dma_wait3A_238 = tpu.memref_slice %arg2[%dma_wait3A_236, %dma_wait3A_237] : memref<10000x256xf32, #tpu.memory_space<hbm>> -> memref<10000x256xf32, #tpu.memory_space<hbm>>
      tpu.wait_indirect_dma semaphore(%arg13 : memref<!tpu.dma_semaphore, #tpu.memory_space<semaphore_mem>>) src(%dma_wait3A_238 : memref<10000x256xf32, #tpu.memory_space<hbm>>) dst(%dma_wait3A_232 : memref<80x256xf32, #tpu.memory_space<vmem>>)
      %dma_wait3A_239 = arith.constant 1 : i32
      %dma_wait3A_240 = arith.constant 1 : i32
      %dma_wait3A_241 = arith.constant 0 : i32
      %dma_wait3A_242 = arith.constant 0 : i32
      %dma_wait3A_243 = tpu.memref_slice %arg11[%dma_wait3A_240, %dma_wait3A_241, %dma_wait3A_242] : memref<2x80x128xf32, #tpu.memory_space<vmem>> -> memref<1x80x128xf32, #tpu.memory_space<vmem>>
      %dma_wait3A_244 = tpu.memref_squeeze %dma_wait3A_243 : memref<1x80x128xf32, #tpu.memory_space<vmem>> -> memref<80x128xf32, #tpu.memory_space<vmem>>
      %dma_wait3A_245 = arith.constant 0 : i32
      %dma_wait3A_246 = tpu.memref_slice %arg9[%dma_wait3A_239, %dma_wait3A_245] : memref<2x80xi32, #tpu.memory_space<vmem>> -> memref<1x80xi32, #tpu.memory_space<vmem>>
      %dma_wait3A_247 = tpu.memref_squeeze %dma_wait3A_246 : memref<1x80xi32, #tpu.memory_space<vmem>> -> memref<80xi32, #tpu.memory_space<vmem>>
      %dma_wait3A_248 = arith.constant 0 : i32
      %dma_wait3A_249 = arith.constant 0 : i32
      %dma_wait3A_250 = tpu.memref_slice %arg3[%dma_wait3A_248, %dma_wait3A_249] : memref<10000x128xf32, #tpu.memory_space<hbm>> -> memref<10000x128xf32, #tpu.memory_space<hbm>>
      tpu.wait_indirect_dma semaphore(%arg13 : memref<!tpu.dma_semaphore, #tpu.memory_space<semaphore_mem>>) src(%dma_wait3A_250 : memref<10000x128xf32, #tpu.memory_space<hbm>>) dst(%dma_wait3A_244 : memref<80x128xf32, #tpu.memory_space<vmem>>)
      %add3A_251 = arith.constant 1 : i32
      %add3A_252 = arith.addi %add3A_140, %add3A_251 : i32
      %mul3A_253 = arith.constant 80 : i32
      %mul3A_254 = arith.muli %add3A_252, %mul3A_253 : i32
      %add3A_255 = arith.addi %mul3A_2, %mul3A_254 : i32
      %dma_start3A_256 = arith.constant 1 : i32
      %dma_start3A_257 = arith.constant 0 : i32
      %dma_start3A_258 = arith.constant 0 : i32
      %dma_start3A_259 = tpu.memref_slice %arg10[%dma_start3A_256, %dma_start3A_257, %dma_start3A_258] : memref<2x80x256xf32, #tpu.memory_space<vmem>> -> memref<1x80x256xf32, #tpu.memory_space<vmem>>
      %dma_start3A_260 = tpu.memref_squeeze %dma_start3A_259 : memref<1x80x256xf32, #tpu.memory_space<vmem>> -> memref<80x256xf32, #tpu.memory_space<vmem>>
      %dma_start3A_261 = arith.constant 0 : i32
      %dma_start3A_262 = tpu.memref_slice %arg6[%add3A_255, %dma_start3A_261] : memref<320000x256xf32, #tpu.memory_space<hbm>> -> memref<80x256xf32, #tpu.memory_space<hbm>>
      %dma_start3A_263 = arith.constant 0 : i32
      %dma_start3A_264 = tpu.memref_slice %arg6[%add3A_255, %dma_start3A_263] : memref<320000x256xf32, #tpu.memory_space<hbm>> -> memref<80x256xf32, #tpu.memory_space<hbm>>
      %dma_start3A_265 = arith.constant 0 : i32
      %dma_start3A_266 = arith.constant 0 : i32
      %dma_start3A_267 = tpu.memref_slice %arg10[%dma_start3A_256, %dma_start3A_265, %dma_start3A_266] : memref<2x80x256xf32, #tpu.memory_space<vmem>> -> memref<1x80x256xf32, #tpu.memory_space<vmem>>
      %dma_start3A_268 = tpu.memref_squeeze %dma_start3A_267 : memref<1x80x256xf32, #tpu.memory_space<vmem>> -> memref<80x256xf32, #tpu.memory_space<vmem>>
      tpu.enqueue_dma source(%dma_start3A_268 : memref<80x256xf32, #tpu.memory_space<vmem>>) target(%dma_start3A_264 : memref<80x256xf32, #tpu.memory_space<hbm>>) target_semaphore(%arg15 : memref<!tpu.dma_semaphore, #tpu.memory_space<semaphore_mem>>)
      %dma_start3A_269 = arith.constant 1 : i32
      %dma_start3A_270 = arith.constant 0 : i32
      %dma_start3A_271 = arith.constant 0 : i32
      %dma_start3A_272 = tpu.memref_slice %arg11[%dma_start3A_269, %dma_start3A_270, %dma_start3A_271] : memref<2x80x128xf32, #tpu.memory_space<vmem>> -> memref<1x80x128xf32, #tpu.memory_space<vmem>>
      %dma_start3A_273 = tpu.memref_squeeze %dma_start3A_272 : memref<1x80x128xf32, #tpu.memory_space<vmem>> -> memref<80x128xf32, #tpu.memory_space<vmem>>
      %dma_start3A_274 = arith.constant 0 : i32
      %dma_start3A_275 = tpu.memref_slice %arg7[%add3A_255, %dma_start3A_274] : memref<320000x128xf32, #tpu.memory_space<hbm>> -> memref<80x128xf32, #tpu.memory_space<hbm>>
      %dma_start3A_276 = arith.constant 0 : i32
      %dma_start3A_277 = tpu.memref_slice %arg7[%add3A_255, %dma_start3A_276] : memref<320000x128xf32, #tpu.memory_space<hbm>> -> memref<80x128xf32, #tpu.memory_space<hbm>>
      %dma_start3A_278 = arith.constant 0 : i32
      %dma_start3A_279 = arith.constant 0 : i32
      %dma_start3A_280 = tpu.memref_slice %arg11[%dma_start3A_269, %dma_start3A_278, %dma_start3A_279] : memref<2x80x128xf32, #tpu.memory_space<vmem>> -> memref<1x80x128xf32, #tpu.memory_space<vmem>>
      %dma_start3A_281 = tpu.memref_squeeze %dma_start3A_280 : memref<1x80x128xf32, #tpu.memory_space<vmem>> -> memref<80x128xf32, #tpu.memory_space<vmem>>
      tpu.enqueue_dma source(%dma_start3A_281 : memref<80x128xf32, #tpu.memory_space<vmem>>) target(%dma_start3A_277 : memref<80x128xf32, #tpu.memory_space<hbm>>) target_semaphore(%arg15 : memref<!tpu.dma_semaphore, #tpu.memory_space<semaphore_mem>>)
      %dma_wait3A_282 = arith.constant 0 : i32
      %dma_wait3A_283 = arith.constant 0 : i32
      %dma_wait3A_284 = arith.constant 0 : i32
      %dma_wait3A_285 = tpu.memref_slice %arg10[%dma_wait3A_282, %dma_wait3A_283, %dma_wait3A_284] : memref<2x80x256xf32, #tpu.memory_space<vmem>> -> memref<1x80x256xf32, #tpu.memory_space<vmem>>
      %dma_wait3A_286 = tpu.memref_squeeze %dma_wait3A_285 : memref<1x80x256xf32, #tpu.memory_space<vmem>> -> memref<80x256xf32, #tpu.memory_space<vmem>>
      %dma_wait3A_287 = arith.constant 0 : i32
      %dma_wait3A_288 = tpu.memref_slice %arg6[%mul3A_2, %dma_wait3A_287] : memref<320000x256xf32, #tpu.memory_space<hbm>> -> memref<80x256xf32, #tpu.memory_space<hbm>>
      %dma_wait3A_289 = arith.constant 0 : i32
      %dma_wait3A_290 = tpu.memref_slice %arg6[%mul3A_2, %dma_wait3A_289] : memref<320000x256xf32, #tpu.memory_space<hbm>> -> memref<80x256xf32, #tpu.memory_space<hbm>>
      %dma_wait3A_291 = arith.constant 0 : i32
      %dma_wait3A_292 = arith.constant 0 : i32
      %dma_wait3A_293 = tpu.memref_slice %arg10[%dma_wait3A_282, %dma_wait3A_291, %dma_wait3A_292] : memref<2x80x256xf32, #tpu.memory_space<vmem>> -> memref<1x80x256xf32, #tpu.memory_space<vmem>>
      %dma_wait3A_294 = tpu.memref_squeeze %dma_wait3A_293 : memref<1x80x256xf32, #tpu.memory_space<vmem>> -> memref<80x256xf32, #tpu.memory_space<vmem>>
      tpu.wait_dma2 semaphore(%arg14 : memref<!tpu.dma_semaphore, #tpu.memory_space<semaphore_mem>>) src(%dma_wait3A_294 : memref<80x256xf32, #tpu.memory_space<vmem>>) dst(%dma_wait3A_290 : memref<80x256xf32, #tpu.memory_space<hbm>>)
      %dma_wait3A_295 = arith.constant 0 : i32
      %dma_wait3A_296 = arith.constant 0 : i32
      %dma_wait3A_297 = arith.constant 0 : i32
      %dma_wait3A_298 = tpu.memref_slice %arg11[%dma_wait3A_295, %dma_wait3A_296, %dma_wait3A_297] : memref<2x80x128xf32, #tpu.memory_space<vmem>> -> memref<1x80x128xf32, #tpu.memory_space<vmem>>
      %dma_wait3A_299 = tpu.memref_squeeze %dma_wait3A_298 : memref<1x80x128xf32, #tpu.memory_space<vmem>> -> memref<80x128xf32, #tpu.memory_space<vmem>>
      %dma_wait3A_300 = arith.constant 0 : i32
      %dma_wait3A_301 = tpu.memref_slice %arg7[%mul3A_2, %dma_wait3A_300] : memref<320000x128xf32, #tpu.memory_space<hbm>> -> memref<80x128xf32, #tpu.memory_space<hbm>>
      %dma_wait3A_302 = arith.constant 0 : i32
      %dma_wait3A_303 = tpu.memref_slice %arg7[%mul3A_2, %dma_wait3A_302] : memref<320000x128xf32, #tpu.memory_space<hbm>> -> memref<80x128xf32, #tpu.memory_space<hbm>>
      %dma_wait3A_304 = arith.constant 0 : i32
      %dma_wait3A_305 = arith.constant 0 : i32
      %dma_wait3A_306 = tpu.memref_slice %arg11[%dma_wait3A_295, %dma_wait3A_304, %dma_wait3A_305] : memref<2x80x128xf32, #tpu.memory_space<vmem>> -> memref<1x80x128xf32, #tpu.memory_space<vmem>>
      %dma_wait3A_307 = tpu.memref_squeeze %dma_wait3A_306 : memref<1x80x128xf32, #tpu.memory_space<vmem>> -> memref<80x128xf32, #tpu.memory_space<vmem>>
      tpu.wait_dma2 semaphore(%arg14 : memref<!tpu.dma_semaphore, #tpu.memory_space<semaphore_mem>>) src(%dma_wait3A_307 : memref<80x128xf32, #tpu.memory_space<vmem>>) dst(%dma_wait3A_303 : memref<80x128xf32, #tpu.memory_space<hbm>>)
      %add3A_308 = arith.constant 2 : i32
      %add3A_309 = arith.addi %add3A_140, %add3A_308 : i32
      %mul3A_310 = arith.constant 80 : i32
      %mul3A_311 = arith.muli %add3A_309, %mul3A_310 : i32
      %add3A_312 = arith.addi %mul3A_2, %mul3A_311 : i32
      %run_scoped3A_313 = arith.constant 0 : i32
      "tpu.region"() ({
        %run_scoped3A_339 = tpu.sem_alloc : memref<!tpu.dma_semaphore, #tpu.memory_space<semaphore_mem>>
        %dma_start3A_340 = arith.constant 0 : i32
        %dma_start3A_341 = tpu.memref_slice %arg8[%run_scoped3A_313, %dma_start3A_340] : memref<2x80xi32, #tpu.memory_space<vmem>> -> memref<1x80xi32, #tpu.memory_space<vmem>>
        %dma_start3A_342 = tpu.memref_squeeze %dma_start3A_341 : memref<1x80xi32, #tpu.memory_space<vmem>> -> memref<80xi32, #tpu.memory_space<vmem>>
        %dma_start3A_343 = tpu.memref_slice %arg4[%add3A_312] : memref<320000xi32, #tpu.memory_space<hbm>> -> memref<80xi32, #tpu.memory_space<hbm>>
        %dma_start3A_344 = arith.constant 0 : i32
        %dma_start3A_345 = tpu.memref_slice %arg8[%run_scoped3A_313, %dma_start3A_344] : memref<2x80xi32, #tpu.memory_space<vmem>> -> memref<1x80xi32, #tpu.memory_space<vmem>>
        %dma_start3A_346 = tpu.memref_squeeze %dma_start3A_345 : memref<1x80xi32, #tpu.memory_space<vmem>> -> memref<80xi32, #tpu.memory_space<vmem>>
        %dma_start3A_347 = tpu.memref_slice %arg4[%add3A_312] : memref<320000xi32, #tpu.memory_space<hbm>> -> memref<80xi32, #tpu.memory_space<hbm>>
        tpu.enqueue_dma source(%dma_start3A_347 : memref<80xi32, #tpu.memory_space<hbm>>) target(%dma_start3A_346 : memref<80xi32, #tpu.memory_space<vmem>>) target_semaphore(%run_scoped3A_339 : memref<!tpu.dma_semaphore, #tpu.memory_space<semaphore_mem>>)
        %dma_wait3A_348 = arith.constant 0 : i32
        %dma_wait3A_349 = tpu.memref_slice %arg8[%run_scoped3A_313, %dma_wait3A_348] : memref<2x80xi32, #tpu.memory_space<vmem>> -> memref<1x80xi32, #tpu.memory_space<vmem>>
        %dma_wait3A_350 = tpu.memref_squeeze %dma_wait3A_349 : memref<1x80xi32, #tpu.memory_space<vmem>> -> memref<80xi32, #tpu.memory_space<vmem>>
        %dma_wait3A_351 = tpu.memref_slice %arg4[%add3A_312] : memref<320000xi32, #tpu.memory_space<hbm>> -> memref<80xi32, #tpu.memory_space<hbm>>
        %dma_wait3A_352 = arith.constant 0 : i32
        %dma_wait3A_353 = tpu.memref_slice %arg8[%run_scoped3A_313, %dma_wait3A_352] : memref<2x80xi32, #tpu.memory_space<vmem>> -> memref<1x80xi32, #tpu.memory_space<vmem>>
        %dma_wait3A_354 = tpu.memref_squeeze %dma_wait3A_353 : memref<1x80xi32, #tpu.memory_space<vmem>> -> memref<80xi32, #tpu.memory_space<vmem>>
        %dma_wait3A_355 = tpu.memref_slice %arg4[%add3A_312] : memref<320000xi32, #tpu.memory_space<hbm>> -> memref<80xi32, #tpu.memory_space<hbm>>
        tpu.wait_dma2 semaphore(%run_scoped3A_339 : memref<!tpu.dma_semaphore, #tpu.memory_space<semaphore_mem>>) src(%dma_wait3A_355 : memref<80xi32, #tpu.memory_space<hbm>>) dst(%dma_wait3A_354 : memref<80xi32, #tpu.memory_space<vmem>>)
        tpu.yield
      }) : () -> ()
      %run_scoped3A_314 = arith.constant 0 : i32
      "tpu.region"() ({
        %run_scoped3A_339 = tpu.sem_alloc : memref<!tpu.dma_semaphore, #tpu.memory_space<semaphore_mem>>
        %dma_start3A_340 = arith.constant 0 : i32
        %dma_start3A_341 = tpu.memref_slice %arg9[%run_scoped3A_314, %dma_start3A_340] : memref<2x80xi32, #tpu.memory_space<vmem>> -> memref<1x80xi32, #tpu.memory_space<vmem>>
        %dma_start3A_342 = tpu.memref_squeeze %dma_start3A_341 : memref<1x80xi32, #tpu.memory_space<vmem>> -> memref<80xi32, #tpu.memory_space<vmem>>
        %dma_start3A_343 = tpu.memref_slice %arg5[%add3A_312] : memref<320000xi32, #tpu.memory_space<hbm>> -> memref<80xi32, #tpu.memory_space<hbm>>
        %dma_start3A_344 = arith.constant 0 : i32
        %dma_start3A_345 = tpu.memref_slice %arg9[%run_scoped3A_314, %dma_start3A_344] : memref<2x80xi32, #tpu.memory_space<vmem>> -> memref<1x80xi32, #tpu.memory_space<vmem>>
        %dma_start3A_346 = tpu.memref_squeeze %dma_start3A_345 : memref<1x80xi32, #tpu.memory_space<vmem>> -> memref<80xi32, #tpu.memory_space<vmem>>
        %dma_start3A_347 = tpu.memref_slice %arg5[%add3A_312] : memref<320000xi32, #tpu.memory_space<hbm>> -> memref<80xi32, #tpu.memory_space<hbm>>
        tpu.enqueue_dma source(%dma_start3A_347 : memref<80xi32, #tpu.memory_space<hbm>>) target(%dma_start3A_346 : memref<80xi32, #tpu.memory_space<vmem>>) target_semaphore(%run_scoped3A_339 : memref<!tpu.dma_semaphore, #tpu.memory_space<semaphore_mem>>)
        %dma_wait3A_348 = arith.constant 0 : i32
        %dma_wait3A_349 = tpu.memref_slice %arg9[%run_scoped3A_314, %dma_wait3A_348] : memref<2x80xi32, #tpu.memory_space<vmem>> -> memref<1x80xi32, #tpu.memory_space<vmem>>
        %dma_wait3A_350 = tpu.memref_squeeze %dma_wait3A_349 : memref<1x80xi32, #tpu.memory_space<vmem>> -> memref<80xi32, #tpu.memory_space<vmem>>
        %dma_wait3A_351 = tpu.memref_slice %arg5[%add3A_312] : memref<320000xi32, #tpu.memory_space<hbm>> -> memref<80xi32, #tpu.memory_space<hbm>>
        %dma_wait3A_352 = arith.constant 0 : i32
        %dma_wait3A_353 = tpu.memref_slice %arg9[%run_scoped3A_314, %dma_wait3A_352] : memref<2x80xi32, #tpu.memory_space<vmem>> -> memref<1x80xi32, #tpu.memory_space<vmem>>
        %dma_wait3A_354 = tpu.memref_squeeze %dma_wait3A_353 : memref<1x80xi32, #tpu.memory_space<vmem>> -> memref<80xi32, #tpu.memory_space<vmem>>
        %dma_wait3A_355 = tpu.memref_slice %arg5[%add3A_312] : memref<320000xi32, #tpu.memory_space<hbm>> -> memref<80xi32, #tpu.memory_space<hbm>>
        tpu.wait_dma2 semaphore(%run_scoped3A_339 : memref<!tpu.dma_semaphore, #tpu.memory_space<semaphore_mem>>) src(%dma_wait3A_355 : memref<80xi32, #tpu.memory_space<hbm>>) dst(%dma_wait3A_354 : memref<80xi32, #tpu.memory_space<vmem>>)
        tpu.yield
      }) : () -> ()
      %dma_start3A_315 = arith.constant 0 : i32
      %dma_start3A_316 = arith.constant 0 : i32
      %dma_start3A_317 = arith.constant 0 : i32
      %dma_start3A_318 = arith.constant 0 : i32
      %dma_start3A_319 = tpu.memref_slice %arg10[%dma_start3A_316, %dma_start3A_317, %dma_start3A_318] : memref<2x80x256xf32, #tpu.memory_space<vmem>> -> memref<1x80x256xf32, #tpu.memory_space<vmem>>
      %dma_start3A_320 = tpu.memref_squeeze %dma_start3A_319 : memref<1x80x256xf32, #tpu.memory_space<vmem>> -> memref<80x256xf32, #tpu.memory_space<vmem>>
      %dma_start3A_321 = arith.constant 0 : i32
      %dma_start3A_322 = tpu.memref_slice %arg8[%dma_start3A_315, %dma_start3A_321] : memref<2x80xi32, #tpu.memory_space<vmem>> -> memref<1x80xi32, #tpu.memory_space<vmem>>
      %dma_start3A_323 = tpu.memref_squeeze %dma_start3A_322 : memref<1x80xi32, #tpu.memory_space<vmem>> -> memref<80xi32, #tpu.memory_space<vmem>>
      %dma_start3A_324 = arith.constant 0 : i32
      %dma_start3A_325 = arith.constant 0 : i32
      %dma_start3A_326 = tpu.memref_slice %arg2[%dma_start3A_324, %dma_start3A_325] : memref<10000x256xf32, #tpu.memory_space<hbm>> -> memref<10000x256xf32, #tpu.memory_space<hbm>>
      tpu.enqueue_indirect_dma source(%dma_start3A_326 : memref<10000x256xf32, #tpu.memory_space<hbm>>) target(%dma_start3A_320 : memref<80x256xf32, #tpu.memory_space<vmem>>) offsets(%dma_start3A_323 : memref<80xi32, #tpu.memory_space<vmem>>) semaphore(%arg12 : memref<!tpu.dma_semaphore, #tpu.memory_space<semaphore_mem>>)
      %dma_start3A_327 = arith.constant 0 : i32
      %dma_start3A_328 = arith.constant 0 : i32
      %dma_start3A_329 = arith.constant 0 : i32
      %dma_start3A_330 = arith.constant 0 : i32
      %dma_start3A_331 = tpu.memref_slice %arg11[%dma_start3A_328, %dma_start3A_329, %dma_start3A_330] : memref<2x80x128xf32, #tpu.memory_space<vmem>> -> memref<1x80x128xf32, #tpu.memory_space<vmem>>
      %dma_start3A_332 = tpu.memref_squeeze %dma_start3A_331 : memref<1x80x128xf32, #tpu.memory_space<vmem>> -> memref<80x128xf32, #tpu.memory_space<vmem>>
      %dma_start3A_333 = arith.constant 0 : i32
      %dma_start3A_334 = tpu.memref_slice %arg9[%dma_start3A_327, %dma_start3A_333] : memref<2x80xi32, #tpu.memory_space<vmem>> -> memref<1x80xi32, #tpu.memory_space<vmem>>
      %dma_start3A_335 = tpu.memref_squeeze %dma_start3A_334 : memref<1x80xi32, #tpu.memory_space<vmem>> -> memref<80xi32, #tpu.memory_space<vmem>>
      %dma_start3A_336 = arith.constant 0 : i32
      %dma_start3A_337 = arith.constant 0 : i32
      %dma_start3A_338 = tpu.memref_slice %arg3[%dma_start3A_336, %dma_start3A_337] : memref<10000x128xf32, #tpu.memory_space<hbm>> -> memref<10000x128xf32, #tpu.memory_space<hbm>>
      tpu.enqueue_indirect_dma source(%dma_start3A_338 : memref<10000x128xf32, #tpu.memory_space<hbm>>) target(%dma_start3A_332 : memref<80x128xf32, #tpu.memory_space<vmem>>) offsets(%dma_start3A_335 : memref<80xi32, #tpu.memory_space<vmem>>) semaphore(%arg12 : memref<!tpu.dma_semaphore, #tpu.memory_space<semaphore_mem>>)
    }
    %scan3A_32 = arith.constant 62 : i32
    %dma_wait3A = arith.constant 0 : i32
    %dma_wait3A_33 = arith.constant 0 : i32
    %dma_wait3A_34 = arith.constant 0 : i32
    %dma_wait3A_35 = arith.constant 0 : i32
    %dma_wait3A_36 = tpu.memref_slice %arg10[%dma_wait3A_33, %dma_wait3A_34, %dma_wait3A_35] : memref<2x80x256xf32, #tpu.memory_space<vmem>> -> memref<1x80x256xf32, #tpu.memory_space<vmem>>
    %dma_wait3A_37 = tpu.memref_squeeze %dma_wait3A_36 : memref<1x80x256xf32, #tpu.memory_space<vmem>> -> memref<80x256xf32, #tpu.memory_space<vmem>>
    %dma_wait3A_38 = arith.constant 0 : i32
    %dma_wait3A_39 = tpu.memref_slice %arg8[%dma_wait3A, %dma_wait3A_38] : memref<2x80xi32, #tpu.memory_space<vmem>> -> memref<1x80xi32, #tpu.memory_space<vmem>>
    %dma_wait3A_40 = tpu.memref_squeeze %dma_wait3A_39 : memref<1x80xi32, #tpu.memory_space<vmem>> -> memref<80xi32, #tpu.memory_space<vmem>>
    %dma_wait3A_41 = arith.constant 0 : i32
    %dma_wait3A_42 = arith.constant 0 : i32
    %dma_wait3A_43 = tpu.memref_slice %arg2[%dma_wait3A_41, %dma_wait3A_42] : memref<10000x256xf32, #tpu.memory_space<hbm>> -> memref<10000x256xf32, #tpu.memory_space<hbm>>
    tpu.wait_indirect_dma semaphore(%arg12 : memref<!tpu.dma_semaphore, #tpu.memory_space<semaphore_mem>>) src(%dma_wait3A_43 : memref<10000x256xf32, #tpu.memory_space<hbm>>) dst(%dma_wait3A_37 : memref<80x256xf32, #tpu.memory_space<vmem>>)
    %dma_wait3A_44 = arith.constant 0 : i32
    %dma_wait3A_45 = arith.constant 0 : i32
    %dma_wait3A_46 = arith.constant 0 : i32
    %dma_wait3A_47 = arith.constant 0 : i32
    %dma_wait3A_48 = tpu.memref_slice %arg11[%dma_wait3A_45, %dma_wait3A_46, %dma_wait3A_47] : memref<2x80x128xf32, #tpu.memory_space<vmem>> -> memref<1x80x128xf32, #tpu.memory_space<vmem>>
    %dma_wait3A_49 = tpu.memref_squeeze %dma_wait3A_48 : memref<1x80x128xf32, #tpu.memory_space<vmem>> -> memref<80x128xf32, #tpu.memory_space<vmem>>
    %dma_wait3A_50 = arith.constant 0 : i32
    %dma_wait3A_51 = tpu.memref_slice %arg9[%dma_wait3A_44, %dma_wait3A_50] : memref<2x80xi32, #tpu.memory_space<vmem>> -> memref<1x80xi32, #tpu.memory_space<vmem>>
    %dma_wait3A_52 = tpu.memref_squeeze %dma_wait3A_51 : memref<1x80xi32, #tpu.memory_space<vmem>> -> memref<80xi32, #tpu.memory_space<vmem>>
    %dma_wait3A_53 = arith.constant 0 : i32
    %dma_wait3A_54 = arith.constant 0 : i32
    %dma_wait3A_55 = tpu.memref_slice %arg3[%dma_wait3A_53, %dma_wait3A_54] : memref<10000x128xf32, #tpu.memory_space<hbm>> -> memref<10000x128xf32, #tpu.memory_space<hbm>>
    tpu.wait_indirect_dma semaphore(%arg12 : memref<!tpu.dma_semaphore, #tpu.memory_space<semaphore_mem>>) src(%dma_wait3A_55 : memref<10000x128xf32, #tpu.memory_space<hbm>>) dst(%dma_wait3A_49 : memref<80x128xf32, #tpu.memory_space<vmem>>)
    %dma_wait3A_56 = arith.constant 1 : i32
    %dma_wait3A_57 = arith.constant 0 : i32
    %dma_wait3A_58 = arith.constant 0 : i32
    %dma_wait3A_59 = tpu.memref_slice %arg10[%dma_wait3A_56, %dma_wait3A_57, %dma_wait3A_58] : memref<2x80x256xf32, #tpu.memory_space<vmem>> -> memref<1x80x256xf32, #tpu.memory_space<vmem>>
    %dma_wait3A_60 = tpu.memref_squeeze %dma_wait3A_59 : memref<1x80x256xf32, #tpu.memory_space<vmem>> -> memref<80x256xf32, #tpu.memory_space<vmem>>
    %dma_wait3A_61 = arith.constant 0 : i32
    %dma_wait3A_62 = tpu.memref_slice %arg6[%mul3A_2, %dma_wait3A_61] : memref<320000x256xf32, #tpu.memory_space<hbm>> -> memref<80x256xf32, #tpu.memory_space<hbm>>
    %dma_wait3A_63 = arith.constant 0 : i32
    %dma_wait3A_64 = tpu.memref_slice %arg6[%mul3A_2, %dma_wait3A_63] : memref<320000x256xf32, #tpu.memory_space<hbm>> -> memref<80x256xf32, #tpu.memory_space<hbm>>
    %dma_wait3A_65 = arith.constant 0 : i32
    %dma_wait3A_66 = arith.constant 0 : i32
    %dma_wait3A_67 = tpu.memref_slice %arg10[%dma_wait3A_56, %dma_wait3A_65, %dma_wait3A_66] : memref<2x80x256xf32, #tpu.memory_space<vmem>> -> memref<1x80x256xf32, #tpu.memory_space<vmem>>
    %dma_wait3A_68 = tpu.memref_squeeze %dma_wait3A_67 : memref<1x80x256xf32, #tpu.memory_space<vmem>> -> memref<80x256xf32, #tpu.memory_space<vmem>>
    tpu.wait_dma2 semaphore(%arg15 : memref<!tpu.dma_semaphore, #tpu.memory_space<semaphore_mem>>) src(%dma_wait3A_68 : memref<80x256xf32, #tpu.memory_space<vmem>>) dst(%dma_wait3A_64 : memref<80x256xf32, #tpu.memory_space<hbm>>)
    %dma_wait3A_69 = arith.constant 1 : i32
    %dma_wait3A_70 = arith.constant 0 : i32
    %dma_wait3A_71 = arith.constant 0 : i32
    %dma_wait3A_72 = tpu.memref_slice %arg11[%dma_wait3A_69, %dma_wait3A_70, %dma_wait3A_71] : memref<2x80x128xf32, #tpu.memory_space<vmem>> -> memref<1x80x128xf32, #tpu.memory_space<vmem>>
    %dma_wait3A_73 = tpu.memref_squeeze %dma_wait3A_72 : memref<1x80x128xf32, #tpu.memory_space<vmem>> -> memref<80x128xf32, #tpu.memory_space<vmem>>
    %dma_wait3A_74 = arith.constant 0 : i32
    %dma_wait3A_75 = tpu.memref_slice %arg7[%mul3A_2, %dma_wait3A_74] : memref<320000x128xf32, #tpu.memory_space<hbm>> -> memref<80x128xf32, #tpu.memory_space<hbm>>
    %dma_wait3A_76 = arith.constant 0 : i32
    %dma_wait3A_77 = tpu.memref_slice %arg7[%mul3A_2, %dma_wait3A_76] : memref<320000x128xf32, #tpu.memory_space<hbm>> -> memref<80x128xf32, #tpu.memory_space<hbm>>
    %dma_wait3A_78 = arith.constant 0 : i32
    %dma_wait3A_79 = arith.constant 0 : i32
    %dma_wait3A_80 = tpu.memref_slice %arg11[%dma_wait3A_69, %dma_wait3A_78, %dma_wait3A_79] : memref<2x80x128xf32, #tpu.memory_space<vmem>> -> memref<1x80x128xf32, #tpu.memory_space<vmem>>
    %dma_wait3A_81 = tpu.memref_squeeze %dma_wait3A_80 : memref<1x80x128xf32, #tpu.memory_space<vmem>> -> memref<80x128xf32, #tpu.memory_space<vmem>>
    tpu.wait_dma2 semaphore(%arg15 : memref<!tpu.dma_semaphore, #tpu.memory_space<semaphore_mem>>) src(%dma_wait3A_81 : memref<80x128xf32, #tpu.memory_space<vmem>>) dst(%dma_wait3A_77 : memref<80x128xf32, #tpu.memory_space<hbm>>)
    %add3A_82 = arith.constant 9920 : i32
    %add3A_83 = arith.addi %mul3A_2, %add3A_82 : i32
    %dma_start3A_84 = arith.constant 0 : i32
    %dma_start3A_85 = arith.constant 0 : i32
    %dma_start3A_86 = arith.constant 0 : i32
    %dma_start3A_87 = tpu.memref_slice %arg10[%dma_start3A_84, %dma_start3A_85, %dma_start3A_86] : memref<2x80x256xf32, #tpu.memory_space<vmem>> -> memref<1x80x256xf32, #tpu.memory_space<vmem>>
    %dma_start3A_88 = tpu.memref_squeeze %dma_start3A_87 : memref<1x80x256xf32, #tpu.memory_space<vmem>> -> memref<80x256xf32, #tpu.memory_space<vmem>>
    %dma_start3A_89 = arith.constant 0 : i32
    %dma_start3A_90 = tpu.memref_slice %arg6[%add3A_83, %dma_start3A_89] : memref<320000x256xf32, #tpu.memory_space<hbm>> -> memref<80x256xf32, #tpu.memory_space<hbm>>
    %dma_start3A_91 = arith.constant 0 : i32
    %dma_start3A_92 = tpu.memref_slice %arg6[%add3A_83, %dma_start3A_91] : memref<320000x256xf32, #tpu.memory_space<hbm>> -> memref<80x256xf32, #tpu.memory_space<hbm>>
    %dma_start3A_93 = arith.constant 0 : i32
    %dma_start3A_94 = arith.constant 0 : i32
    %dma_start3A_95 = tpu.memref_slice %arg10[%dma_start3A_84, %dma_start3A_93, %dma_start3A_94] : memref<2x80x256xf32, #tpu.memory_space<vmem>> -> memref<1x80x256xf32, #tpu.memory_space<vmem>>
    %dma_start3A_96 = tpu.memref_squeeze %dma_start3A_95 : memref<1x80x256xf32, #tpu.memory_space<vmem>> -> memref<80x256xf32, #tpu.memory_space<vmem>>
    tpu.enqueue_dma source(%dma_start3A_96 : memref<80x256xf32, #tpu.memory_space<vmem>>) target(%dma_start3A_92 : memref<80x256xf32, #tpu.memory_space<hbm>>) target_semaphore(%arg14 : memref<!tpu.dma_semaphore, #tpu.memory_space<semaphore_mem>>)
    %dma_start3A_97 = arith.constant 0 : i32
    %dma_start3A_98 = arith.constant 0 : i32
    %dma_start3A_99 = arith.constant 0 : i32
    %dma_start3A_100 = tpu.memref_slice %arg11[%dma_start3A_97, %dma_start3A_98, %dma_start3A_99] : memref<2x80x128xf32, #tpu.memory_space<vmem>> -> memref<1x80x128xf32, #tpu.memory_space<vmem>>
    %dma_start3A_101 = tpu.memref_squeeze %dma_start3A_100 : memref<1x80x128xf32, #tpu.memory_space<vmem>> -> memref<80x128xf32, #tpu.memory_space<vmem>>
    %dma_start3A_102 = arith.constant 0 : i32
    %dma_start3A_103 = tpu.memref_slice %arg7[%add3A_83, %dma_start3A_102] : memref<320000x128xf32, #tpu.memory_space<hbm>> -> memref<80x128xf32, #tpu.memory_space<hbm>>
    %dma_start3A_104 = arith.constant 0 : i32
    %dma_start3A_105 = tpu.memref_slice %arg7[%add3A_83, %dma_start3A_104] : memref<320000x128xf32, #tpu.memory_space<hbm>> -> memref<80x128xf32, #tpu.memory_space<hbm>>
    %dma_start3A_106 = arith.constant 0 : i32
    %dma_start3A_107 = arith.constant 0 : i32
    %dma_start3A_108 = tpu.memref_slice %arg11[%dma_start3A_97, %dma_start3A_106, %dma_start3A_107] : memref<2x80x128xf32, #tpu.memory_space<vmem>> -> memref<1x80x128xf32, #tpu.memory_space<vmem>>
    %dma_start3A_109 = tpu.memref_squeeze %dma_start3A_108 : memref<1x80x128xf32, #tpu.memory_space<vmem>> -> memref<80x128xf32, #tpu.memory_space<vmem>>
    tpu.enqueue_dma source(%dma_start3A_109 : memref<80x128xf32, #tpu.memory_space<vmem>>) target(%dma_start3A_105 : memref<80x128xf32, #tpu.memory_space<hbm>>) target_semaphore(%arg14 : memref<!tpu.dma_semaphore, #tpu.memory_space<semaphore_mem>>)
    %dma_wait3A_110 = arith.constant 0 : i32
    %dma_wait3A_111 = arith.constant 0 : i32
    %dma_wait3A_112 = arith.constant 0 : i32
    %dma_wait3A_113 = tpu.memref_slice %arg10[%dma_wait3A_110, %dma_wait3A_111, %dma_wait3A_112] : memref<2x80x256xf32, #tpu.memory_space<vmem>> -> memref<1x80x256xf32, #tpu.memory_space<vmem>>
    %dma_wait3A_114 = tpu.memref_squeeze %dma_wait3A_113 : memref<1x80x256xf32, #tpu.memory_space<vmem>> -> memref<80x256xf32, #tpu.memory_space<vmem>>
    %dma_wait3A_115 = arith.constant 0 : i32
    %dma_wait3A_116 = tpu.memref_slice %arg6[%mul3A_2, %dma_wait3A_115] : memref<320000x256xf32, #tpu.memory_space<hbm>> -> memref<80x256xf32, #tpu.memory_space<hbm>>
    %dma_wait3A_117 = arith.constant 0 : i32
    %dma_wait3A_118 = tpu.memref_slice %arg6[%mul3A_2, %dma_wait3A_117] : memref<320000x256xf32, #tpu.memory_space<hbm>> -> memref<80x256xf32, #tpu.memory_space<hbm>>
    %dma_wait3A_119 = arith.constant 0 : i32
    %dma_wait3A_120 = arith.constant 0 : i32
    %dma_wait3A_121 = tpu.memref_slice %arg10[%dma_wait3A_110, %dma_wait3A_119, %dma_wait3A_120] : memref<2x80x256xf32, #tpu.memory_space<vmem>> -> memref<1x80x256xf32, #tpu.memory_space<vmem>>
    %dma_wait3A_122 = tpu.memref_squeeze %dma_wait3A_121 : memref<1x80x256xf32, #tpu.memory_space<vmem>> -> memref<80x256xf32, #tpu.memory_space<vmem>>
    tpu.wait_dma2 semaphore(%arg14 : memref<!tpu.dma_semaphore, #tpu.memory_space<semaphore_mem>>) src(%dma_wait3A_122 : memref<80x256xf32, #tpu.memory_space<vmem>>) dst(%dma_wait3A_118 : memref<80x256xf32, #tpu.memory_space<hbm>>)
    %dma_wait3A_123 = arith.constant 0 : i32
    %dma_wait3A_124 = arith.constant 0 : i32
    %dma_wait3A_125 = arith.constant 0 : i32
    %dma_wait3A_126 = tpu.memref_slice %arg11[%dma_wait3A_123, %dma_wait3A_124, %dma_wait3A_125] : memref<2x80x128xf32, #tpu.memory_space<vmem>> -> memref<1x80x128xf32, #tpu.memory_space<vmem>>
    %dma_wait3A_127 = tpu.memref_squeeze %dma_wait3A_126 : memref<1x80x128xf32, #tpu.memory_space<vmem>> -> memref<80x128xf32, #tpu.memory_space<vmem>>
    %dma_wait3A_128 = arith.constant 0 : i32
    %dma_wait3A_129 = tpu.memref_slice %arg7[%mul3A_2, %dma_wait3A_128] : memref<320000x128xf32, #tpu.memory_space<hbm>> -> memref<80x128xf32, #tpu.memory_space<hbm>>
    %dma_wait3A_130 = arith.constant 0 : i32
    %dma_wait3A_131 = tpu.memref_slice %arg7[%mul3A_2, %dma_wait3A_130] : memref<320000x128xf32, #tpu.memory_space<hbm>> -> memref<80x128xf32, #tpu.memory_space<hbm>>
    %dma_wait3A_132 = arith.constant 0 : i32
    %dma_wait3A_133 = arith.constant 0 : i32
    %dma_wait3A_134 = tpu.memref_slice %arg11[%dma_wait3A_123, %dma_wait3A_132, %dma_wait3A_133] : memref<2x80x128xf32, #tpu.memory_space<vmem>> -> memref<1x80x128xf32, #tpu.memory_space<vmem>>
    %dma_wait3A_135 = tpu.memref_squeeze %dma_wait3A_134 : memref<1x80x128xf32, #tpu.memory_space<vmem>> -> memref<80x128xf32, #tpu.memory_space<vmem>>
    tpu.wait_dma2 semaphore(%arg14 : memref<!tpu.dma_semaphore, #tpu.memory_space<semaphore_mem>>) src(%dma_wait3A_135 : memref<80x128xf32, #tpu.memory_space<vmem>>) dst(%dma_wait3A_131 : memref<80x128xf32, #tpu.memory_space<hbm>>)
    return
  }
}

#map = affine_map<(d0, d1) -> (0, 0)>
#map1 = affine_map<(d0, d1) -> (0)>
module attributes {stable_mosaic.version = 14 : i64} {
  func.func @_sc_scatter_body(%arg0: i32, %arg1: i32, %arg2: memref<320000x128xf32, #tpu.memory_space<hbm>>, %arg3: memref<320000xi32, #tpu.memory_space<hbm>>, %arg4: memref<10240x128xf32, #tpu.memory_space<hbm>>, %arg5: memref<20480x128xf32, #tpu.memory_space<hbm>>, %arg6: memref<10240x128xf32, #tpu.memory_space<vmem_shared>>, %arg7: memref<2x80xi32, #tpu.memory_space<vmem>>, %arg8: memref<2x80x128xf32, #tpu.memory_space<vmem>>, %arg9: memref<!tpu.dma_semaphore, #tpu.memory_space<semaphore_mem>>, %arg10: memref<!tpu.dma_semaphore, #tpu.memory_space<semaphore_mem>>) attributes {dimension_semantics = [#tpu.dimension_semantics<core_parallel>, #tpu.dimension_semantics<subcore_parallel>], iteration_bounds = array<i64: 2, 16>, scalar_prefetch = 0 : i64, scratch_operands = 5 : i64, tpu.core_type = #tpu.core_type<sc_vector_subcore>, window_params = [{transform_indices = #map}, {transform_indices = #map1}, {transform_indices = #map}, {transform_indices = #map}]} {
    %mul3A = arith.constant 16 : i32
    %mul3A_0 = arith.muli %arg0, %mul3A : i32
    %add3A = arith.addi %mul3A_0, %arg1 : i32
    %mul3A_1 = arith.constant 10000 : i32
    %mul3A_2 = arith.muli %add3A, %mul3A_1 : i32
    %mul3A_3 = arith.constant 640 : i32
    %mul3A_4 = arith.muli %arg1, %mul3A_3 : i32
    %mul3A_5 = arith.constant 10240 : i32
    %mul3A_6 = arith.muli %arg0, %mul3A_5 : i32
    %add3A_7 = arith.addi %mul3A_6, %mul3A_4 : i32
    "tpu.region"() ({
      %run_scoped3A_59 = tpu.sem_alloc : memref<!tpu.dma_semaphore, #tpu.memory_space<semaphore_mem>>
      %dma_start3A_60 = arith.constant 0 : i32
      %dma_start3A_61 = tpu.memref_slice %arg6[%mul3A_4, %dma_start3A_60] : memref<10240x128xf32, #tpu.memory_space<vmem_shared>> -> memref<640x128xf32, #tpu.memory_space<vmem_shared>>
      %dma_start3A_62 = arith.constant 0 : i32
      %dma_start3A_63 = tpu.memref_slice %arg4[%mul3A_4, %dma_start3A_62] : memref<10240x128xf32, #tpu.memory_space<hbm>> -> memref<640x128xf32, #tpu.memory_space<hbm>>
      tpu.enqueue_dma source(%dma_start3A_63 : memref<640x128xf32, #tpu.memory_space<hbm>>) target(%dma_start3A_61 : memref<640x128xf32, #tpu.memory_space<vmem_shared>>) target_semaphore(%run_scoped3A_59 : memref<!tpu.dma_semaphore, #tpu.memory_space<semaphore_mem>>)
      %dma_wait3A_64 = arith.constant 0 : i32
      %dma_wait3A_65 = tpu.memref_slice %arg6[%mul3A_4, %dma_wait3A_64] : memref<10240x128xf32, #tpu.memory_space<vmem_shared>> -> memref<640x128xf32, #tpu.memory_space<vmem_shared>>
      %dma_wait3A_66 = arith.constant 0 : i32
      %dma_wait3A_67 = tpu.memref_slice %arg4[%mul3A_4, %dma_wait3A_66] : memref<10240x128xf32, #tpu.memory_space<hbm>> -> memref<640x128xf32, #tpu.memory_space<hbm>>
      tpu.wait_dma2 semaphore(%run_scoped3A_59 : memref<!tpu.dma_semaphore, #tpu.memory_space<semaphore_mem>>) src(%dma_wait3A_67 : memref<640x128xf32, #tpu.memory_space<hbm>>) dst(%dma_wait3A_65 : memref<640x128xf32, #tpu.memory_space<vmem_shared>>)
      tpu.yield
    }) : () -> ()
    %barrier3A = arith.constant 0 : index
    tpu.barrier barrier_id(%barrier3A)
    %add3A_8 = arith.constant 0 : i32
    %add3A_9 = arith.addi %mul3A_2, %add3A_8 : i32
    %dma_start3A = arith.constant 0 : i32
    %dma_start3A_10 = arith.constant 0 : i32
    %dma_start3A_11 = tpu.memref_slice %arg7[%dma_start3A, %dma_start3A_10] : memref<2x80xi32, #tpu.memory_space<vmem>> -> memref<1x80xi32, #tpu.memory_space<vmem>>
    %dma_start3A_12 = tpu.memref_squeeze %dma_start3A_11 : memref<1x80xi32, #tpu.memory_space<vmem>> -> memref<80xi32, #tpu.memory_space<vmem>>
    %dma_start3A_13 = tpu.memref_slice %arg3[%add3A_9] : memref<320000xi32, #tpu.memory_space<hbm>> -> memref<80xi32, #tpu.memory_space<hbm>>
    %dma_start3A_14 = arith.constant 0 : i32
    %dma_start3A_15 = tpu.memref_slice %arg7[%dma_start3A, %dma_start3A_14] : memref<2x80xi32, #tpu.memory_space<vmem>> -> memref<1x80xi32, #tpu.memory_space<vmem>>
    %dma_start3A_16 = tpu.memref_squeeze %dma_start3A_15 : memref<1x80xi32, #tpu.memory_space<vmem>> -> memref<80xi32, #tpu.memory_space<vmem>>
    %dma_start3A_17 = tpu.memref_slice %arg3[%add3A_9] : memref<320000xi32, #tpu.memory_space<hbm>> -> memref<80xi32, #tpu.memory_space<hbm>>
    tpu.enqueue_dma source(%dma_start3A_17 : memref<80xi32, #tpu.memory_space<hbm>>) target(%dma_start3A_16 : memref<80xi32, #tpu.memory_space<vmem>>) target_semaphore(%arg9 : memref<!tpu.dma_semaphore, #tpu.memory_space<semaphore_mem>>)
    %dma_start3A_18 = arith.constant 0 : i32
    %dma_start3A_19 = arith.constant 0 : i32
    %dma_start3A_20 = arith.constant 0 : i32
    %dma_start3A_21 = tpu.memref_slice %arg8[%dma_start3A_18, %dma_start3A_19, %dma_start3A_20] : memref<2x80x128xf32, #tpu.memory_space<vmem>> -> memref<1x80x128xf32, #tpu.memory_space<vmem>>
    %dma_start3A_22 = tpu.memref_squeeze %dma_start3A_21 : memref<1x80x128xf32, #tpu.memory_space<vmem>> -> memref<80x128xf32, #tpu.memory_space<vmem>>
    %dma_start3A_23 = arith.constant 0 : i32
    %dma_start3A_24 = tpu.memref_slice %arg2[%add3A_9, %dma_start3A_23] : memref<320000x128xf32, #tpu.memory_space<hbm>> -> memref<80x128xf32, #tpu.memory_space<hbm>>
    %dma_start3A_25 = arith.constant 0 : i32
    %dma_start3A_26 = arith.constant 0 : i32
    %dma_start3A_27 = tpu.memref_slice %arg8[%dma_start3A_18, %dma_start3A_25, %dma_start3A_26] : memref<2x80x128xf32, #tpu.memory_space<vmem>> -> memref<1x80x128xf32, #tpu.memory_space<vmem>>
    %dma_start3A_28 = tpu.memref_squeeze %dma_start3A_27 : memref<1x80x128xf32, #tpu.memory_space<vmem>> -> memref<80x128xf32, #tpu.memory_space<vmem>>
    %dma_start3A_29 = arith.constant 0 : i32
    %dma_start3A_30 = tpu.memref_slice %arg2[%add3A_9, %dma_start3A_29] : memref<320000x128xf32, #tpu.memory_space<hbm>> -> memref<80x128xf32, #tpu.memory_space<hbm>>
    tpu.enqueue_dma source(%dma_start3A_30 : memref<80x128xf32, #tpu.memory_space<hbm>>) target(%dma_start3A_28 : memref<80x128xf32, #tpu.memory_space<vmem>>) target_semaphore(%arg9 : memref<!tpu.dma_semaphore, #tpu.memory_space<semaphore_mem>>)
    %scan3A = arith.constant 0 : i32
    %scan3A_31 = arith.constant 62 : i32
    %scan3A_32 = arith.addi %scan3A, %scan3A_31 : i32
    %scan3A_33 = arith.constant 1 : i32
    scf.for %scan3A_59 = %scan3A to %scan3A_32 step %scan3A_33  : i32 {
      %mul3A_60 = arith.constant 2 : i32
      %mul3A_61 = arith.muli %scan3A_59, %mul3A_60 : i32
      %add3A_62 = arith.constant 0 : i32
      %add3A_63 = arith.addi %add3A_62, %mul3A_61 : i32
      %add3A_64 = arith.constant 1 : i32
      %add3A_65 = arith.addi %add3A_63, %add3A_64 : i32
      %mul3A_66 = arith.constant 80 : i32
      %mul3A_67 = arith.muli %add3A_65, %mul3A_66 : i32
      %add3A_68 = arith.addi %mul3A_2, %mul3A_67 : i32
      %dma_start3A_69 = arith.constant 1 : i32
      %dma_start3A_70 = arith.constant 0 : i32
      %dma_start3A_71 = tpu.memref_slice %arg7[%dma_start3A_69, %dma_start3A_70] : memref<2x80xi32, #tpu.memory_space<vmem>> -> memref<1x80xi32, #tpu.memory_space<vmem>>
      %dma_start3A_72 = tpu.memref_squeeze %dma_start3A_71 : memref<1x80xi32, #tpu.memory_space<vmem>> -> memref<80xi32, #tpu.memory_space<vmem>>
      %dma_start3A_73 = tpu.memref_slice %arg3[%add3A_68] : memref<320000xi32, #tpu.memory_space<hbm>> -> memref<80xi32, #tpu.memory_space<hbm>>
      %dma_start3A_74 = arith.constant 0 : i32
      %dma_start3A_75 = tpu.memref_slice %arg7[%dma_start3A_69, %dma_start3A_74] : memref<2x80xi32, #tpu.memory_space<vmem>> -> memref<1x80xi32, #tpu.memory_space<vmem>>
      %dma_start3A_76 = tpu.memref_squeeze %dma_start3A_75 : memref<1x80xi32, #tpu.memory_space<vmem>> -> memref<80xi32, #tpu.memory_space<vmem>>
      %dma_start3A_77 = tpu.memref_slice %arg3[%add3A_68] : memref<320000xi32, #tpu.memory_space<hbm>> -> memref<80xi32, #tpu.memory_space<hbm>>
      tpu.enqueue_dma source(%dma_start3A_77 : memref<80xi32, #tpu.memory_space<hbm>>) target(%dma_start3A_76 : memref<80xi32, #tpu.memory_space<vmem>>) target_semaphore(%arg10 : memref<!tpu.dma_semaphore, #tpu.memory_space<semaphore_mem>>)
      %dma_start3A_78 = arith.constant 1 : i32
      %dma_start3A_79 = arith.constant 0 : i32
      %dma_start3A_80 = arith.constant 0 : i32
      %dma_start3A_81 = tpu.memref_slice %arg8[%dma_start3A_78, %dma_start3A_79, %dma_start3A_80] : memref<2x80x128xf32, #tpu.memory_space<vmem>> -> memref<1x80x128xf32, #tpu.memory_space<vmem>>
      %dma_start3A_82 = tpu.memref_squeeze %dma_start3A_81 : memref<1x80x128xf32, #tpu.memory_space<vmem>> -> memref<80x128xf32, #tpu.memory_space<vmem>>
      %dma_start3A_83 = arith.constant 0 : i32
      %dma_start3A_84 = tpu.memref_slice %arg2[%add3A_68, %dma_start3A_83] : memref<320000x128xf32, #tpu.memory_space<hbm>> -> memref<80x128xf32, #tpu.memory_space<hbm>>
      %dma_start3A_85 = arith.constant 0 : i32
      %dma_start3A_86 = arith.constant 0 : i32
      %dma_start3A_87 = tpu.memref_slice %arg8[%dma_start3A_78, %dma_start3A_85, %dma_start3A_86] : memref<2x80x128xf32, #tpu.memory_space<vmem>> -> memref<1x80x128xf32, #tpu.memory_space<vmem>>
      %dma_start3A_88 = tpu.memref_squeeze %dma_start3A_87 : memref<1x80x128xf32, #tpu.memory_space<vmem>> -> memref<80x128xf32, #tpu.memory_space<vmem>>
      %dma_start3A_89 = arith.constant 0 : i32
      %dma_start3A_90 = tpu.memref_slice %arg2[%add3A_68, %dma_start3A_89] : memref<320000x128xf32, #tpu.memory_space<hbm>> -> memref<80x128xf32, #tpu.memory_space<hbm>>
      tpu.enqueue_dma source(%dma_start3A_90 : memref<80x128xf32, #tpu.memory_space<hbm>>) target(%dma_start3A_88 : memref<80x128xf32, #tpu.memory_space<vmem>>) target_semaphore(%arg10 : memref<!tpu.dma_semaphore, #tpu.memory_space<semaphore_mem>>)
      %dma_wait3A_91 = arith.constant 0 : i32
      %dma_wait3A_92 = arith.constant 0 : i32
      %dma_wait3A_93 = tpu.memref_slice %arg7[%dma_wait3A_91, %dma_wait3A_92] : memref<2x80xi32, #tpu.memory_space<vmem>> -> memref<1x80xi32, #tpu.memory_space<vmem>>
      %dma_wait3A_94 = tpu.memref_squeeze %dma_wait3A_93 : memref<1x80xi32, #tpu.memory_space<vmem>> -> memref<80xi32, #tpu.memory_space<vmem>>
      %dma_wait3A_95 = tpu.memref_slice %arg3[%mul3A_2] : memref<320000xi32, #tpu.memory_space<hbm>> -> memref<80xi32, #tpu.memory_space<hbm>>
      %dma_wait3A_96 = arith.constant 0 : i32
      %dma_wait3A_97 = tpu.memref_slice %arg7[%dma_wait3A_91, %dma_wait3A_96] : memref<2x80xi32, #tpu.memory_space<vmem>> -> memref<1x80xi32, #tpu.memory_space<vmem>>
      %dma_wait3A_98 = tpu.memref_squeeze %dma_wait3A_97 : memref<1x80xi32, #tpu.memory_space<vmem>> -> memref<80xi32, #tpu.memory_space<vmem>>
      %dma_wait3A_99 = tpu.memref_slice %arg3[%mul3A_2] : memref<320000xi32, #tpu.memory_space<hbm>> -> memref<80xi32, #tpu.memory_space<hbm>>
      tpu.wait_dma2 semaphore(%arg9 : memref<!tpu.dma_semaphore, #tpu.memory_space<semaphore_mem>>) src(%dma_wait3A_99 : memref<80xi32, #tpu.memory_space<hbm>>) dst(%dma_wait3A_98 : memref<80xi32, #tpu.memory_space<vmem>>)
      %dma_wait3A_100 = arith.constant 0 : i32
      %dma_wait3A_101 = arith.constant 0 : i32
      %dma_wait3A_102 = arith.constant 0 : i32
      %dma_wait3A_103 = tpu.memref_slice %arg8[%dma_wait3A_100, %dma_wait3A_101, %dma_wait3A_102] : memref<2x80x128xf32, #tpu.memory_space<vmem>> -> memref<1x80x128xf32, #tpu.memory_space<vmem>>
      %dma_wait3A_104 = tpu.memref_squeeze %dma_wait3A_103 : memref<1x80x128xf32, #tpu.memory_space<vmem>> -> memref<80x128xf32, #tpu.memory_space<vmem>>
      %dma_wait3A_105 = arith.constant 0 : i32
      %dma_wait3A_106 = tpu.memref_slice %arg2[%mul3A_2, %dma_wait3A_105] : memref<320000x128xf32, #tpu.memory_space<hbm>> -> memref<80x128xf32, #tpu.memory_space<hbm>>
      %dma_wait3A_107 = arith.constant 0 : i32
      %dma_wait3A_108 = arith.constant 0 : i32
      %dma_wait3A_109 = tpu.memref_slice %arg8[%dma_wait3A_100, %dma_wait3A_107, %dma_wait3A_108] : memref<2x80x128xf32, #tpu.memory_space<vmem>> -> memref<1x80x128xf32, #tpu.memory_space<vmem>>
      %dma_wait3A_110 = tpu.memref_squeeze %dma_wait3A_109 : memref<1x80x128xf32, #tpu.memory_space<vmem>> -> memref<80x128xf32, #tpu.memory_space<vmem>>
      %dma_wait3A_111 = arith.constant 0 : i32
      %dma_wait3A_112 = tpu.memref_slice %arg2[%mul3A_2, %dma_wait3A_111] : memref<320000x128xf32, #tpu.memory_space<hbm>> -> memref<80x128xf32, #tpu.memory_space<hbm>>
      tpu.wait_dma2 semaphore(%arg9 : memref<!tpu.dma_semaphore, #tpu.memory_space<semaphore_mem>>) src(%dma_wait3A_112 : memref<80x128xf32, #tpu.memory_space<hbm>>) dst(%dma_wait3A_110 : memref<80x128xf32, #tpu.memory_space<vmem>>)
      %run_scoped3A_113 = arith.constant 0 : i32
      %run_scoped3A_114 = arith.constant 0 : i32
      "tpu.region"() ({
        %run_scoped3A_166 = tpu.sem_alloc : memref<!tpu.dma_semaphore, #tpu.memory_space<semaphore_mem>>
        %dma_start3A_167 = arith.constant 0 : i32
        %dma_start3A_168 = arith.constant 0 : i32
        %dma_start3A_169 = tpu.memref_slice %arg8[%run_scoped3A_113, %dma_start3A_167, %dma_start3A_168] : memref<2x80x128xf32, #tpu.memory_space<vmem>> -> memref<1x80x128xf32, #tpu.memory_space<vmem>>
        %dma_start3A_170 = tpu.memref_squeeze %dma_start3A_169 : memref<1x80x128xf32, #tpu.memory_space<vmem>> -> memref<80x128xf32, #tpu.memory_space<vmem>>
        %dma_start3A_171 = arith.constant 0 : i32
        %dma_start3A_172 = tpu.memref_slice %arg7[%run_scoped3A_114, %dma_start3A_171] : memref<2x80xi32, #tpu.memory_space<vmem>> -> memref<1x80xi32, #tpu.memory_space<vmem>>
        %dma_start3A_173 = tpu.memref_squeeze %dma_start3A_172 : memref<1x80xi32, #tpu.memory_space<vmem>> -> memref<80xi32, #tpu.memory_space<vmem>>
        %dma_start3A_174 = arith.constant 0 : i32
        %dma_start3A_175 = arith.constant 0 : i32
        %dma_start3A_176 = tpu.memref_slice %arg6[%dma_start3A_174, %dma_start3A_175] : memref<10240x128xf32, #tpu.memory_space<vmem_shared>> -> memref<10240x128xf32, #tpu.memory_space<vmem_shared>>
        tpu.enqueue_indirect_dma source(%dma_start3A_170 : memref<80x128xf32, #tpu.memory_space<vmem>>) target(%dma_start3A_176 : memref<10240x128xf32, #tpu.memory_space<vmem_shared>>) offsets(%dma_start3A_173 : memref<80xi32, #tpu.memory_space<vmem>>) semaphore(%run_scoped3A_166 : memref<!tpu.dma_semaphore, #tpu.memory_space<semaphore_mem>>) {add = true}
        %dma_wait3A_177 = arith.constant 0 : i32
        %dma_wait3A_178 = arith.constant 0 : i32
        %dma_wait3A_179 = tpu.memref_slice %arg8[%run_scoped3A_113, %dma_wait3A_177, %dma_wait3A_178] : memref<2x80x128xf32, #tpu.memory_space<vmem>> -> memref<1x80x128xf32, #tpu.memory_space<vmem>>
        %dma_wait3A_180 = tpu.memref_squeeze %dma_wait3A_179 : memref<1x80x128xf32, #tpu.memory_space<vmem>> -> memref<80x128xf32, #tpu.memory_space<vmem>>
        %dma_wait3A_181 = arith.constant 0 : i32
        %dma_wait3A_182 = tpu.memref_slice %arg7[%run_scoped3A_114, %dma_wait3A_181] : memref<2x80xi32, #tpu.memory_space<vmem>> -> memref<1x80xi32, #tpu.memory_space<vmem>>
        %dma_wait3A_183 = tpu.memref_squeeze %dma_wait3A_182 : memref<1x80xi32, #tpu.memory_space<vmem>> -> memref<80xi32, #tpu.memory_space<vmem>>
        %dma_wait3A_184 = arith.constant 0 : i32
        %dma_wait3A_185 = arith.constant 0 : i32
        %dma_wait3A_186 = tpu.memref_slice %arg6[%dma_wait3A_184, %dma_wait3A_185] : memref<10240x128xf32, #tpu.memory_space<vmem_shared>> -> memref<10240x128xf32, #tpu.memory_space<vmem_shared>>
        tpu.wait_indirect_dma semaphore(%run_scoped3A_166 : memref<!tpu.dma_semaphore, #tpu.memory_space<semaphore_mem>>) src(%dma_wait3A_180 : memref<80x128xf32, #tpu.memory_space<vmem>>) dst(%dma_wait3A_186 : memref<10240x128xf32, #tpu.memory_space<vmem_shared>>)
        tpu.yield
      }) : () -> ()
      %add3A_115 = arith.constant 2 : i32
      %add3A_116 = arith.addi %add3A_63, %add3A_115 : i32
      %mul3A_117 = arith.constant 80 : i32
      %mul3A_118 = arith.muli %add3A_116, %mul3A_117 : i32
      %add3A_119 = arith.addi %mul3A_2, %mul3A_118 : i32
      %dma_start3A_120 = arith.constant 0 : i32
      %dma_start3A_121 = arith.constant 0 : i32
      %dma_start3A_122 = tpu.memref_slice %arg7[%dma_start3A_120, %dma_start3A_121] : memref<2x80xi32, #tpu.memory_space<vmem>> -> memref<1x80xi32, #tpu.memory_space<vmem>>
      %dma_start3A_123 = tpu.memref_squeeze %dma_start3A_122 : memref<1x80xi32, #tpu.memory_space<vmem>> -> memref<80xi32, #tpu.memory_space<vmem>>
      %dma_start3A_124 = tpu.memref_slice %arg3[%add3A_119] : memref<320000xi32, #tpu.memory_space<hbm>> -> memref<80xi32, #tpu.memory_space<hbm>>
      %dma_start3A_125 = arith.constant 0 : i32
      %dma_start3A_126 = tpu.memref_slice %arg7[%dma_start3A_120, %dma_start3A_125] : memref<2x80xi32, #tpu.memory_space<vmem>> -> memref<1x80xi32, #tpu.memory_space<vmem>>
      %dma_start3A_127 = tpu.memref_squeeze %dma_start3A_126 : memref<1x80xi32, #tpu.memory_space<vmem>> -> memref<80xi32, #tpu.memory_space<vmem>>
      %dma_start3A_128 = tpu.memref_slice %arg3[%add3A_119] : memref<320000xi32, #tpu.memory_space<hbm>> -> memref<80xi32, #tpu.memory_space<hbm>>
      tpu.enqueue_dma source(%dma_start3A_128 : memref<80xi32, #tpu.memory_space<hbm>>) target(%dma_start3A_127 : memref<80xi32, #tpu.memory_space<vmem>>) target_semaphore(%arg9 : memref<!tpu.dma_semaphore, #tpu.memory_space<semaphore_mem>>)
      %dma_start3A_129 = arith.constant 0 : i32
      %dma_start3A_130 = arith.constant 0 : i32
      %dma_start3A_131 = arith.constant 0 : i32
      %dma_start3A_132 = tpu.memref_slice %arg8[%dma_start3A_129, %dma_start3A_130, %dma_start3A_131] : memref<2x80x128xf32, #tpu.memory_space<vmem>> -> memref<1x80x128xf32, #tpu.memory_space<vmem>>
      %dma_start3A_133 = tpu.memref_squeeze %dma_start3A_132 : memref<1x80x128xf32, #tpu.memory_space<vmem>> -> memref<80x128xf32, #tpu.memory_space<vmem>>
      %dma_start3A_134 = arith.constant 0 : i32
      %dma_start3A_135 = tpu.memref_slice %arg2[%add3A_119, %dma_start3A_134] : memref<320000x128xf32, #tpu.memory_space<hbm>> -> memref<80x128xf32, #tpu.memory_space<hbm>>
      %dma_start3A_136 = arith.constant 0 : i32
      %dma_start3A_137 = arith.constant 0 : i32
      %dma_start3A_138 = tpu.memref_slice %arg8[%dma_start3A_129, %dma_start3A_136, %dma_start3A_137] : memref<2x80x128xf32, #tpu.memory_space<vmem>> -> memref<1x80x128xf32, #tpu.memory_space<vmem>>
      %dma_start3A_139 = tpu.memref_squeeze %dma_start3A_138 : memref<1x80x128xf32, #tpu.memory_space<vmem>> -> memref<80x128xf32, #tpu.memory_space<vmem>>
      %dma_start3A_140 = arith.constant 0 : i32
      %dma_start3A_141 = tpu.memref_slice %arg2[%add3A_119, %dma_start3A_140] : memref<320000x128xf32, #tpu.memory_space<hbm>> -> memref<80x128xf32, #tpu.memory_space<hbm>>
      tpu.enqueue_dma source(%dma_start3A_141 : memref<80x128xf32, #tpu.memory_space<hbm>>) target(%dma_start3A_139 : memref<80x128xf32, #tpu.memory_space<vmem>>) target_semaphore(%arg9 : memref<!tpu.dma_semaphore, #tpu.memory_space<semaphore_mem>>)
      %dma_wait3A_142 = arith.constant 1 : i32
      %dma_wait3A_143 = arith.constant 0 : i32
      %dma_wait3A_144 = tpu.memref_slice %arg7[%dma_wait3A_142, %dma_wait3A_143] : memref<2x80xi32, #tpu.memory_space<vmem>> -> memref<1x80xi32, #tpu.memory_space<vmem>>
      %dma_wait3A_145 = tpu.memref_squeeze %dma_wait3A_144 : memref<1x80xi32, #tpu.memory_space<vmem>> -> memref<80xi32, #tpu.memory_space<vmem>>
      %dma_wait3A_146 = tpu.memref_slice %arg3[%mul3A_2] : memref<320000xi32, #tpu.memory_space<hbm>> -> memref<80xi32, #tpu.memory_space<hbm>>
      %dma_wait3A_147 = arith.constant 0 : i32
      %dma_wait3A_148 = tpu.memref_slice %arg7[%dma_wait3A_142, %dma_wait3A_147] : memref<2x80xi32, #tpu.memory_space<vmem>> -> memref<1x80xi32, #tpu.memory_space<vmem>>
      %dma_wait3A_149 = tpu.memref_squeeze %dma_wait3A_148 : memref<1x80xi32, #tpu.memory_space<vmem>> -> memref<80xi32, #tpu.memory_space<vmem>>
      %dma_wait3A_150 = tpu.memref_slice %arg3[%mul3A_2] : memref<320000xi32, #tpu.memory_space<hbm>> -> memref<80xi32, #tpu.memory_space<hbm>>
      tpu.wait_dma2 semaphore(%arg10 : memref<!tpu.dma_semaphore, #tpu.memory_space<semaphore_mem>>) src(%dma_wait3A_150 : memref<80xi32, #tpu.memory_space<hbm>>) dst(%dma_wait3A_149 : memref<80xi32, #tpu.memory_space<vmem>>)
      %dma_wait3A_151 = arith.constant 1 : i32
      %dma_wait3A_152 = arith.constant 0 : i32
      %dma_wait3A_153 = arith.constant 0 : i32
      %dma_wait3A_154 = tpu.memref_slice %arg8[%dma_wait3A_151, %dma_wait3A_152, %dma_wait3A_153] : memref<2x80x128xf32, #tpu.memory_space<vmem>> -> memref<1x80x128xf32, #tpu.memory_space<vmem>>
      %dma_wait3A_155 = tpu.memref_squeeze %dma_wait3A_154 : memref<1x80x128xf32, #tpu.memory_space<vmem>> -> memref<80x128xf32, #tpu.memory_space<vmem>>
      %dma_wait3A_156 = arith.constant 0 : i32
      %dma_wait3A_157 = tpu.memref_slice %arg2[%mul3A_2, %dma_wait3A_156] : memref<320000x128xf32, #tpu.memory_space<hbm>> -> memref<80x128xf32, #tpu.memory_space<hbm>>
      %dma_wait3A_158 = arith.constant 0 : i32
      %dma_wait3A_159 = arith.constant 0 : i32
      %dma_wait3A_160 = tpu.memref_slice %arg8[%dma_wait3A_151, %dma_wait3A_158, %dma_wait3A_159] : memref<2x80x128xf32, #tpu.memory_space<vmem>> -> memref<1x80x128xf32, #tpu.memory_space<vmem>>
      %dma_wait3A_161 = tpu.memref_squeeze %dma_wait3A_160 : memref<1x80x128xf32, #tpu.memory_space<vmem>> -> memref<80x128xf32, #tpu.memory_space<vmem>>
      %dma_wait3A_162 = arith.constant 0 : i32
      %dma_wait3A_163 = tpu.memref_slice %arg2[%mul3A_2, %dma_wait3A_162] : memref<320000x128xf32, #tpu.memory_space<hbm>> -> memref<80x128xf32, #tpu.memory_space<hbm>>
      tpu.wait_dma2 semaphore(%arg10 : memref<!tpu.dma_semaphore, #tpu.memory_space<semaphore_mem>>) src(%dma_wait3A_163 : memref<80x128xf32, #tpu.memory_space<hbm>>) dst(%dma_wait3A_161 : memref<80x128xf32, #tpu.memory_space<vmem>>)
      %run_scoped3A_164 = arith.constant 1 : i32
      %run_scoped3A_165 = arith.constant 1 : i32
      "tpu.region"() ({
        %run_scoped3A_166 = tpu.sem_alloc : memref<!tpu.dma_semaphore, #tpu.memory_space<semaphore_mem>>
        %dma_start3A_167 = arith.constant 0 : i32
        %dma_start3A_168 = arith.constant 0 : i32
        %dma_start3A_169 = tpu.memref_slice %arg8[%run_scoped3A_164, %dma_start3A_167, %dma_start3A_168] : memref<2x80x128xf32, #tpu.memory_space<vmem>> -> memref<1x80x128xf32, #tpu.memory_space<vmem>>
        %dma_start3A_170 = tpu.memref_squeeze %dma_start3A_169 : memref<1x80x128xf32, #tpu.memory_space<vmem>> -> memref<80x128xf32, #tpu.memory_space<vmem>>
        %dma_start3A_171 = arith.constant 0 : i32
        %dma_start3A_172 = tpu.memref_slice %arg7[%run_scoped3A_165, %dma_start3A_171] : memref<2x80xi32, #tpu.memory_space<vmem>> -> memref<1x80xi32, #tpu.memory_space<vmem>>
        %dma_start3A_173 = tpu.memref_squeeze %dma_start3A_172 : memref<1x80xi32, #tpu.memory_space<vmem>> -> memref<80xi32, #tpu.memory_space<vmem>>
        %dma_start3A_174 = arith.constant 0 : i32
        %dma_start3A_175 = arith.constant 0 : i32
        %dma_start3A_176 = tpu.memref_slice %arg6[%dma_start3A_174, %dma_start3A_175] : memref<10240x128xf32, #tpu.memory_space<vmem_shared>> -> memref<10240x128xf32, #tpu.memory_space<vmem_shared>>
        tpu.enqueue_indirect_dma source(%dma_start3A_170 : memref<80x128xf32, #tpu.memory_space<vmem>>) target(%dma_start3A_176 : memref<10240x128xf32, #tpu.memory_space<vmem_shared>>) offsets(%dma_start3A_173 : memref<80xi32, #tpu.memory_space<vmem>>) semaphore(%run_scoped3A_166 : memref<!tpu.dma_semaphore, #tpu.memory_space<semaphore_mem>>) {add = true}
        %dma_wait3A_177 = arith.constant 0 : i32
        %dma_wait3A_178 = arith.constant 0 : i32
        %dma_wait3A_179 = tpu.memref_slice %arg8[%run_scoped3A_164, %dma_wait3A_177, %dma_wait3A_178] : memref<2x80x128xf32, #tpu.memory_space<vmem>> -> memref<1x80x128xf32, #tpu.memory_space<vmem>>
        %dma_wait3A_180 = tpu.memref_squeeze %dma_wait3A_179 : memref<1x80x128xf32, #tpu.memory_space<vmem>> -> memref<80x128xf32, #tpu.memory_space<vmem>>
        %dma_wait3A_181 = arith.constant 0 : i32
        %dma_wait3A_182 = tpu.memref_slice %arg7[%run_scoped3A_165, %dma_wait3A_181] : memref<2x80xi32, #tpu.memory_space<vmem>> -> memref<1x80xi32, #tpu.memory_space<vmem>>
        %dma_wait3A_183 = tpu.memref_squeeze %dma_wait3A_182 : memref<1x80xi32, #tpu.memory_space<vmem>> -> memref<80xi32, #tpu.memory_space<vmem>>
        %dma_wait3A_184 = arith.constant 0 : i32
        %dma_wait3A_185 = arith.constant 0 : i32
        %dma_wait3A_186 = tpu.memref_slice %arg6[%dma_wait3A_184, %dma_wait3A_185] : memref<10240x128xf32, #tpu.memory_space<vmem_shared>> -> memref<10240x128xf32, #tpu.memory_space<vmem_shared>>
        tpu.wait_indirect_dma semaphore(%run_scoped3A_166 : memref<!tpu.dma_semaphore, #tpu.memory_space<semaphore_mem>>) src(%dma_wait3A_180 : memref<80x128xf32, #tpu.memory_space<vmem>>) dst(%dma_wait3A_186 : memref<10240x128xf32, #tpu.memory_space<vmem_shared>>)
        tpu.yield
      }) : () -> ()
    }
    %scan3A_34 = arith.constant 62 : i32
    %dma_wait3A = arith.constant 0 : i32
    %dma_wait3A_35 = arith.constant 0 : i32
    %dma_wait3A_36 = tpu.memref_slice %arg7[%dma_wait3A, %dma_wait3A_35] : memref<2x80xi32, #tpu.memory_space<vmem>> -> memref<1x80xi32, #tpu.memory_space<vmem>>
    %dma_wait3A_37 = tpu.memref_squeeze %dma_wait3A_36 : memref<1x80xi32, #tpu.memory_space<vmem>> -> memref<80xi32, #tpu.memory_space<vmem>>
    %dma_wait3A_38 = tpu.memref_slice %arg3[%mul3A_2] : memref<320000xi32, #tpu.memory_space<hbm>> -> memref<80xi32, #tpu.memory_space<hbm>>
    %dma_wait3A_39 = arith.constant 0 : i32
    %dma_wait3A_40 = tpu.memref_slice %arg7[%dma_wait3A, %dma_wait3A_39] : memref<2x80xi32, #tpu.memory_space<vmem>> -> memref<1x80xi32, #tpu.memory_space<vmem>>
    %dma_wait3A_41 = tpu.memref_squeeze %dma_wait3A_40 : memref<1x80xi32, #tpu.memory_space<vmem>> -> memref<80xi32, #tpu.memory_space<vmem>>
    %dma_wait3A_42 = tpu.memref_slice %arg3[%mul3A_2] : memref<320000xi32, #tpu.memory_space<hbm>> -> memref<80xi32, #tpu.memory_space<hbm>>
    tpu.wait_dma2 semaphore(%arg9 : memref<!tpu.dma_semaphore, #tpu.memory_space<semaphore_mem>>) src(%dma_wait3A_42 : memref<80xi32, #tpu.memory_space<hbm>>) dst(%dma_wait3A_41 : memref<80xi32, #tpu.memory_space<vmem>>)
    %dma_wait3A_43 = arith.constant 0 : i32
    %dma_wait3A_44 = arith.constant 0 : i32
    %dma_wait3A_45 = arith.constant 0 : i32
    %dma_wait3A_46 = tpu.memref_slice %arg8[%dma_wait3A_43, %dma_wait3A_44, %dma_wait3A_45] : memref<2x80x128xf32, #tpu.memory_space<vmem>> -> memref<1x80x128xf32, #tpu.memory_space<vmem>>
    %dma_wait3A_47 = tpu.memref_squeeze %dma_wait3A_46 : memref<1x80x128xf32, #tpu.memory_space<vmem>> -> memref<80x128xf32, #tpu.memory_space<vmem>>
    %dma_wait3A_48 = arith.constant 0 : i32
    %dma_wait3A_49 = tpu.memref_slice %arg2[%mul3A_2, %dma_wait3A_48] : memref<320000x128xf32, #tpu.memory_space<hbm>> -> memref<80x128xf32, #tpu.memory_space<hbm>>
    %dma_wait3A_50 = arith.constant 0 : i32
    %dma_wait3A_51 = arith.constant 0 : i32
    %dma_wait3A_52 = tpu.memref_slice %arg8[%dma_wait3A_43, %dma_wait3A_50, %dma_wait3A_51] : memref<2x80x128xf32, #tpu.memory_space<vmem>> -> memref<1x80x128xf32, #tpu.memory_space<vmem>>
    %dma_wait3A_53 = tpu.memref_squeeze %dma_wait3A_52 : memref<1x80x128xf32, #tpu.memory_space<vmem>> -> memref<80x128xf32, #tpu.memory_space<vmem>>
    %dma_wait3A_54 = arith.constant 0 : i32
    %dma_wait3A_55 = tpu.memref_slice %arg2[%mul3A_2, %dma_wait3A_54] : memref<320000x128xf32, #tpu.memory_space<hbm>> -> memref<80x128xf32, #tpu.memory_space<hbm>>
    tpu.wait_dma2 semaphore(%arg9 : memref<!tpu.dma_semaphore, #tpu.memory_space<semaphore_mem>>) src(%dma_wait3A_55 : memref<80x128xf32, #tpu.memory_space<hbm>>) dst(%dma_wait3A_53 : memref<80x128xf32, #tpu.memory_space<vmem>>)
    %run_scoped3A = arith.constant 0 : i32
    %run_scoped3A_56 = arith.constant 0 : i32
    "tpu.region"() ({
      %run_scoped3A_59 = tpu.sem_alloc : memref<!tpu.dma_semaphore, #tpu.memory_space<semaphore_mem>>
      %dma_start3A_60 = arith.constant 0 : i32
      %dma_start3A_61 = arith.constant 0 : i32
      %dma_start3A_62 = tpu.memref_slice %arg8[%run_scoped3A, %dma_start3A_60, %dma_start3A_61] : memref<2x80x128xf32, #tpu.memory_space<vmem>> -> memref<1x80x128xf32, #tpu.memory_space<vmem>>
      %dma_start3A_63 = tpu.memref_squeeze %dma_start3A_62 : memref<1x80x128xf32, #tpu.memory_space<vmem>> -> memref<80x128xf32, #tpu.memory_space<vmem>>
      %dma_start3A_64 = arith.constant 0 : i32
      %dma_start3A_65 = tpu.memref_slice %arg7[%run_scoped3A_56, %dma_start3A_64] : memref<2x80xi32, #tpu.memory_space<vmem>> -> memref<1x80xi32, #tpu.memory_space<vmem>>
      %dma_start3A_66 = tpu.memref_squeeze %dma_start3A_65 : memref<1x80xi32, #tpu.memory_space<vmem>> -> memref<80xi32, #tpu.memory_space<vmem>>
      %dma_start3A_67 = arith.constant 0 : i32
      %dma_start3A_68 = arith.constant 0 : i32
      %dma_start3A_69 = tpu.memref_slice %arg6[%dma_start3A_67, %dma_start3A_68] : memref<10240x128xf32, #tpu.memory_space<vmem_shared>> -> memref<10240x128xf32, #tpu.memory_space<vmem_shared>>
      tpu.enqueue_indirect_dma source(%dma_start3A_63 : memref<80x128xf32, #tpu.memory_space<vmem>>) target(%dma_start3A_69 : memref<10240x128xf32, #tpu.memory_space<vmem_shared>>) offsets(%dma_start3A_66 : memref<80xi32, #tpu.memory_space<vmem>>) semaphore(%run_scoped3A_59 : memref<!tpu.dma_semaphore, #tpu.memory_space<semaphore_mem>>) {add = true}
      %dma_wait3A_70 = arith.constant 0 : i32
      %dma_wait3A_71 = arith.constant 0 : i32
      %dma_wait3A_72 = tpu.memref_slice %arg8[%run_scoped3A, %dma_wait3A_70, %dma_wait3A_71] : memref<2x80x128xf32, #tpu.memory_space<vmem>> -> memref<1x80x128xf32, #tpu.memory_space<vmem>>
      %dma_wait3A_73 = tpu.memref_squeeze %dma_wait3A_72 : memref<1x80x128xf32, #tpu.memory_space<vmem>> -> memref<80x128xf32, #tpu.memory_space<vmem>>
      %dma_wait3A_74 = arith.constant 0 : i32
      %dma_wait3A_75 = tpu.memref_slice %arg7[%run_scoped3A_56, %dma_wait3A_74] : memref<2x80xi32, #tpu.memory_space<vmem>> -> memref<1x80xi32, #tpu.memory_space<vmem>>
      %dma_wait3A_76 = tpu.memref_squeeze %dma_wait3A_75 : memref<1x80xi32, #tpu.memory_space<vmem>> -> memref<80xi32, #tpu.memory_space<vmem>>
      %dma_wait3A_77 = arith.constant 0 : i32
      %dma_wait3A_78 = arith.constant 0 : i32
      %dma_wait3A_79 = tpu.memref_slice %arg6[%dma_wait3A_77, %dma_wait3A_78] : memref<10240x128xf32, #tpu.memory_space<vmem_shared>> -> memref<10240x128xf32, #tpu.memory_space<vmem_shared>>
      tpu.wait_indirect_dma semaphore(%run_scoped3A_59 : memref<!tpu.dma_semaphore, #tpu.memory_space<semaphore_mem>>) src(%dma_wait3A_73 : memref<80x128xf32, #tpu.memory_space<vmem>>) dst(%dma_wait3A_79 : memref<10240x128xf32, #tpu.memory_space<vmem_shared>>)
      tpu.yield
    }) : () -> ()
    %barrier3A_57 = arith.constant 0 : index
    tpu.barrier barrier_id(%barrier3A_57)
    "tpu.region"() ({
      %run_scoped3A_59 = tpu.sem_alloc : memref<!tpu.dma_semaphore, #tpu.memory_space<semaphore_mem>>
      %dma_start3A_60 = arith.constant 0 : i32
      %dma_start3A_61 = tpu.memref_slice %arg5[%add3A_7, %dma_start3A_60] : memref<20480x128xf32, #tpu.memory_space<hbm>> -> memref<640x128xf32, #tpu.memory_space<hbm>>
      %dma_start3A_62 = arith.constant 0 : i32
      %dma_start3A_63 = tpu.memref_slice %arg6[%mul3A_4, %dma_start3A_62] : memref<10240x128xf32, #tpu.memory_space<vmem_shared>> -> memref<640x128xf32, #tpu.memory_space<vmem_shared>>
      tpu.enqueue_dma source(%dma_start3A_63 : memref<640x128xf32, #tpu.memory_space<vmem_shared>>) target(%dma_start3A_61 : memref<640x128xf32, #tpu.memory_space<hbm>>) target_semaphore(%run_scoped3A_59 : memref<!tpu.dma_semaphore, #tpu.memory_space<semaphore_mem>>)
      %dma_wait3A_64 = arith.constant 0 : i32
      %dma_wait3A_65 = tpu.memref_slice %arg5[%add3A_7, %dma_wait3A_64] : memref<20480x128xf32, #tpu.memory_space<hbm>> -> memref<640x128xf32, #tpu.memory_space<hbm>>
      %dma_wait3A_66 = arith.constant 0 : i32
      %dma_wait3A_67 = tpu.memref_slice %arg6[%mul3A_4, %dma_wait3A_66] : memref<10240x128xf32, #tpu.memory_space<vmem_shared>> -> memref<640x128xf32, #tpu.memory_space<vmem_shared>>
      tpu.wait_dma2 semaphore(%run_scoped3A_59 : memref<!tpu.dma_semaphore, #tpu.memory_space<semaphore_mem>>) src(%dma_wait3A_67 : memref<640x128xf32, #tpu.memory_space<vmem_shared>>) dst(%dma_wait3A_65 : memref<640x128xf32, #tpu.memory_space<hbm>>)
      tpu.yield
    }) : () -> ()
    %barrier3A_58 = arith.constant 0 : index
    tpu.barrier barrier_id(%barrier3A_58)
    return
  }
}

#map = affine_map<(d0, d1) -> (0, 0)>
#map1 = affine_map<(d0, d1) -> (0)>
module attributes {stable_mosaic.version = 14 : i64} {
  func.func @_sc_scatter_body(%arg0: i32, %arg1: i32, %arg2: memref<320000x128xf32, #tpu.memory_space<hbm>>, %arg3: memref<320000xi32, #tpu.memory_space<hbm>>, %arg4: memref<10240x128xf32, #tpu.memory_space<hbm>>, %arg5: memref<20480x128xf32, #tpu.memory_space<hbm>>, %arg6: memref<10240x128xf32, #tpu.memory_space<vmem_shared>>, %arg7: memref<2x80xi32, #tpu.memory_space<vmem>>, %arg8: memref<2x80x128xf32, #tpu.memory_space<vmem>>, %arg9: memref<!tpu.dma_semaphore, #tpu.memory_space<semaphore_mem>>, %arg10: memref<!tpu.dma_semaphore, #tpu.memory_space<semaphore_mem>>) attributes {dimension_semantics = [#tpu.dimension_semantics<core_parallel>, #tpu.dimension_semantics<subcore_parallel>], iteration_bounds = array<i64: 2, 16>, scalar_prefetch = 0 : i64, scratch_operands = 5 : i64, tpu.core_type = #tpu.core_type<sc_vector_subcore>, window_params = [{transform_indices = #map}, {transform_indices = #map1}, {transform_indices = #map}, {transform_indices = #map}]} {
    %mul3A = arith.constant 16 : i32
    %mul3A_0 = arith.muli %arg0, %mul3A : i32
    %add3A = arith.addi %mul3A_0, %arg1 : i32
    %mul3A_1 = arith.constant 10000 : i32
    %mul3A_2 = arith.muli %add3A, %mul3A_1 : i32
    %mul3A_3 = arith.constant 640 : i32
    %mul3A_4 = arith.muli %arg1, %mul3A_3 : i32
    %mul3A_5 = arith.constant 10240 : i32
    %mul3A_6 = arith.muli %arg0, %mul3A_5 : i32
    %add3A_7 = arith.addi %mul3A_6, %mul3A_4 : i32
    "tpu.region"() ({
      %run_scoped3A_59 = tpu.sem_alloc : memref<!tpu.dma_semaphore, #tpu.memory_space<semaphore_mem>>
      %dma_start3A_60 = arith.constant 0 : i32
      %dma_start3A_61 = tpu.memref_slice %arg6[%mul3A_4, %dma_start3A_60] : memref<10240x128xf32, #tpu.memory_space<vmem_shared>> -> memref<640x128xf32, #tpu.memory_space<vmem_shared>>
      %dma_start3A_62 = arith.constant 0 : i32
      %dma_start3A_63 = tpu.memref_slice %arg4[%mul3A_4, %dma_start3A_62] : memref<10240x128xf32, #tpu.memory_space<hbm>> -> memref<640x128xf32, #tpu.memory_space<hbm>>
      tpu.enqueue_dma source(%dma_start3A_63 : memref<640x128xf32, #tpu.memory_space<hbm>>) target(%dma_start3A_61 : memref<640x128xf32, #tpu.memory_space<vmem_shared>>) target_semaphore(%run_scoped3A_59 : memref<!tpu.dma_semaphore, #tpu.memory_space<semaphore_mem>>)
      %dma_wait3A_64 = arith.constant 0 : i32
      %dma_wait3A_65 = tpu.memref_slice %arg6[%mul3A_4, %dma_wait3A_64] : memref<10240x128xf32, #tpu.memory_space<vmem_shared>> -> memref<640x128xf32, #tpu.memory_space<vmem_shared>>
      %dma_wait3A_66 = arith.constant 0 : i32
      %dma_wait3A_67 = tpu.memref_slice %arg4[%mul3A_4, %dma_wait3A_66] : memref<10240x128xf32, #tpu.memory_space<hbm>> -> memref<640x128xf32, #tpu.memory_space<hbm>>
      tpu.wait_dma2 semaphore(%run_scoped3A_59 : memref<!tpu.dma_semaphore, #tpu.memory_space<semaphore_mem>>) src(%dma_wait3A_67 : memref<640x128xf32, #tpu.memory_space<hbm>>) dst(%dma_wait3A_65 : memref<640x128xf32, #tpu.memory_space<vmem_shared>>)
      tpu.yield
    }) : () -> ()
    %barrier3A = arith.constant 0 : index
    tpu.barrier barrier_id(%barrier3A)
    %add3A_8 = arith.constant 0 : i32
    %add3A_9 = arith.addi %mul3A_2, %add3A_8 : i32
    %dma_start3A = arith.constant 0 : i32
    %dma_start3A_10 = arith.constant 0 : i32
    %dma_start3A_11 = tpu.memref_slice %arg7[%dma_start3A, %dma_start3A_10] : memref<2x80xi32, #tpu.memory_space<vmem>> -> memref<1x80xi32, #tpu.memory_space<vmem>>
    %dma_start3A_12 = tpu.memref_squeeze %dma_start3A_11 : memref<1x80xi32, #tpu.memory_space<vmem>> -> memref<80xi32, #tpu.memory_space<vmem>>
    %dma_start3A_13 = tpu.memref_slice %arg3[%add3A_9] : memref<320000xi32, #tpu.memory_space<hbm>> -> memref<80xi32, #tpu.memory_space<hbm>>
    %dma_start3A_14 = arith.constant 0 : i32
    %dma_start3A_15 = tpu.memref_slice %arg7[%dma_start3A, %dma_start3A_14] : memref<2x80xi32, #tpu.memory_space<vmem>> -> memref<1x80xi32, #tpu.memory_space<vmem>>
    %dma_start3A_16 = tpu.memref_squeeze %dma_start3A_15 : memref<1x80xi32, #tpu.memory_space<vmem>> -> memref<80xi32, #tpu.memory_space<vmem>>
    %dma_start3A_17 = tpu.memref_slice %arg3[%add3A_9] : memref<320000xi32, #tpu.memory_space<hbm>> -> memref<80xi32, #tpu.memory_space<hbm>>
    tpu.enqueue_dma source(%dma_start3A_17 : memref<80xi32, #tpu.memory_space<hbm>>) target(%dma_start3A_16 : memref<80xi32, #tpu.memory_space<vmem>>) target_semaphore(%arg9 : memref<!tpu.dma_semaphore, #tpu.memory_space<semaphore_mem>>)
    %dma_start3A_18 = arith.constant 0 : i32
    %dma_start3A_19 = arith.constant 0 : i32
    %dma_start3A_20 = arith.constant 0 : i32
    %dma_start3A_21 = tpu.memref_slice %arg8[%dma_start3A_18, %dma_start3A_19, %dma_start3A_20] : memref<2x80x128xf32, #tpu.memory_space<vmem>> -> memref<1x80x128xf32, #tpu.memory_space<vmem>>
    %dma_start3A_22 = tpu.memref_squeeze %dma_start3A_21 : memref<1x80x128xf32, #tpu.memory_space<vmem>> -> memref<80x128xf32, #tpu.memory_space<vmem>>
    %dma_start3A_23 = arith.constant 0 : i32
    %dma_start3A_24 = tpu.memref_slice %arg2[%add3A_9, %dma_start3A_23] : memref<320000x128xf32, #tpu.memory_space<hbm>> -> memref<80x128xf32, #tpu.memory_space<hbm>>
    %dma_start3A_25 = arith.constant 0 : i32
    %dma_start3A_26 = arith.constant 0 : i32
    %dma_start3A_27 = tpu.memref_slice %arg8[%dma_start3A_18, %dma_start3A_25, %dma_start3A_26] : memref<2x80x128xf32, #tpu.memory_space<vmem>> -> memref<1x80x128xf32, #tpu.memory_space<vmem>>
    %dma_start3A_28 = tpu.memref_squeeze %dma_start3A_27 : memref<1x80x128xf32, #tpu.memory_space<vmem>> -> memref<80x128xf32, #tpu.memory_space<vmem>>
    %dma_start3A_29 = arith.constant 0 : i32
    %dma_start3A_30 = tpu.memref_slice %arg2[%add3A_9, %dma_start3A_29] : memref<320000x128xf32, #tpu.memory_space<hbm>> -> memref<80x128xf32, #tpu.memory_space<hbm>>
    tpu.enqueue_dma source(%dma_start3A_30 : memref<80x128xf32, #tpu.memory_space<hbm>>) target(%dma_start3A_28 : memref<80x128xf32, #tpu.memory_space<vmem>>) target_semaphore(%arg9 : memref<!tpu.dma_semaphore, #tpu.memory_space<semaphore_mem>>)
    %scan3A = arith.constant 0 : i32
    %scan3A_31 = arith.constant 62 : i32
    %scan3A_32 = arith.addi %scan3A, %scan3A_31 : i32
    %scan3A_33 = arith.constant 1 : i32
    scf.for %scan3A_59 = %scan3A to %scan3A_32 step %scan3A_33  : i32 {
      %mul3A_60 = arith.constant 2 : i32
      %mul3A_61 = arith.muli %scan3A_59, %mul3A_60 : i32
      %add3A_62 = arith.constant 0 : i32
      %add3A_63 = arith.addi %add3A_62, %mul3A_61 : i32
      %add3A_64 = arith.constant 1 : i32
      %add3A_65 = arith.addi %add3A_63, %add3A_64 : i32
      %mul3A_66 = arith.constant 80 : i32
      %mul3A_67 = arith.muli %add3A_65, %mul3A_66 : i32
      %add3A_68 = arith.addi %mul3A_2, %mul3A_67 : i32
      %dma_start3A_69 = arith.constant 1 : i32
      %dma_start3A_70 = arith.constant 0 : i32
      %dma_start3A_71 = tpu.memref_slice %arg7[%dma_start3A_69, %dma_start3A_70] : memref<2x80xi32, #tpu.memory_space<vmem>> -> memref<1x80xi32, #tpu.memory_space<vmem>>
      %dma_start3A_72 = tpu.memref_squeeze %dma_start3A_71 : memref<1x80xi32, #tpu.memory_space<vmem>> -> memref<80xi32, #tpu.memory_space<vmem>>
      %dma_start3A_73 = tpu.memref_slice %arg3[%add3A_68] : memref<320000xi32, #tpu.memory_space<hbm>> -> memref<80xi32, #tpu.memory_space<hbm>>
      %dma_start3A_74 = arith.constant 0 : i32
      %dma_start3A_75 = tpu.memref_slice %arg7[%dma_start3A_69, %dma_start3A_74] : memref<2x80xi32, #tpu.memory_space<vmem>> -> memref<1x80xi32, #tpu.memory_space<vmem>>
      %dma_start3A_76 = tpu.memref_squeeze %dma_start3A_75 : memref<1x80xi32, #tpu.memory_space<vmem>> -> memref<80xi32, #tpu.memory_space<vmem>>
      %dma_start3A_77 = tpu.memref_slice %arg3[%add3A_68] : memref<320000xi32, #tpu.memory_space<hbm>> -> memref<80xi32, #tpu.memory_space<hbm>>
      tpu.enqueue_dma source(%dma_start3A_77 : memref<80xi32, #tpu.memory_space<hbm>>) target(%dma_start3A_76 : memref<80xi32, #tpu.memory_space<vmem>>) target_semaphore(%arg10 : memref<!tpu.dma_semaphore, #tpu.memory_space<semaphore_mem>>)
      %dma_start3A_78 = arith.constant 1 : i32
      %dma_start3A_79 = arith.constant 0 : i32
      %dma_start3A_80 = arith.constant 0 : i32
      %dma_start3A_81 = tpu.memref_slice %arg8[%dma_start3A_78, %dma_start3A_79, %dma_start3A_80] : memref<2x80x128xf32, #tpu.memory_space<vmem>> -> memref<1x80x128xf32, #tpu.memory_space<vmem>>
      %dma_start3A_82 = tpu.memref_squeeze %dma_start3A_81 : memref<1x80x128xf32, #tpu.memory_space<vmem>> -> memref<80x128xf32, #tpu.memory_space<vmem>>
      %dma_start3A_83 = arith.constant 0 : i32
      %dma_start3A_84 = tpu.memref_slice %arg2[%add3A_68, %dma_start3A_83] : memref<320000x128xf32, #tpu.memory_space<hbm>> -> memref<80x128xf32, #tpu.memory_space<hbm>>
      %dma_start3A_85 = arith.constant 0 : i32
      %dma_start3A_86 = arith.constant 0 : i32
      %dma_start3A_87 = tpu.memref_slice %arg8[%dma_start3A_78, %dma_start3A_85, %dma_start3A_86] : memref<2x80x128xf32, #tpu.memory_space<vmem>> -> memref<1x80x128xf32, #tpu.memory_space<vmem>>
      %dma_start3A_88 = tpu.memref_squeeze %dma_start3A_87 : memref<1x80x128xf32, #tpu.memory_space<vmem>> -> memref<80x128xf32, #tpu.memory_space<vmem>>
      %dma_start3A_89 = arith.constant 0 : i32
      %dma_start3A_90 = tpu.memref_slice %arg2[%add3A_68, %dma_start3A_89] : memref<320000x128xf32, #tpu.memory_space<hbm>> -> memref<80x128xf32, #tpu.memory_space<hbm>>
      tpu.enqueue_dma source(%dma_start3A_90 : memref<80x128xf32, #tpu.memory_space<hbm>>) target(%dma_start3A_88 : memref<80x128xf32, #tpu.memory_space<vmem>>) target_semaphore(%arg10 : memref<!tpu.dma_semaphore, #tpu.memory_space<semaphore_mem>>)
      %dma_wait3A_91 = arith.constant 0 : i32
      %dma_wait3A_92 = arith.constant 0 : i32
      %dma_wait3A_93 = tpu.memref_slice %arg7[%dma_wait3A_91, %dma_wait3A_92] : memref<2x80xi32, #tpu.memory_space<vmem>> -> memref<1x80xi32, #tpu.memory_space<vmem>>
      %dma_wait3A_94 = tpu.memref_squeeze %dma_wait3A_93 : memref<1x80xi32, #tpu.memory_space<vmem>> -> memref<80xi32, #tpu.memory_space<vmem>>
      %dma_wait3A_95 = tpu.memref_slice %arg3[%mul3A_2] : memref<320000xi32, #tpu.memory_space<hbm>> -> memref<80xi32, #tpu.memory_space<hbm>>
      %dma_wait3A_96 = arith.constant 0 : i32
      %dma_wait3A_97 = tpu.memref_slice %arg7[%dma_wait3A_91, %dma_wait3A_96] : memref<2x80xi32, #tpu.memory_space<vmem>> -> memref<1x80xi32, #tpu.memory_space<vmem>>
      %dma_wait3A_98 = tpu.memref_squeeze %dma_wait3A_97 : memref<1x80xi32, #tpu.memory_space<vmem>> -> memref<80xi32, #tpu.memory_space<vmem>>
      %dma_wait3A_99 = tpu.memref_slice %arg3[%mul3A_2] : memref<320000xi32, #tpu.memory_space<hbm>> -> memref<80xi32, #tpu.memory_space<hbm>>
      tpu.wait_dma2 semaphore(%arg9 : memref<!tpu.dma_semaphore, #tpu.memory_space<semaphore_mem>>) src(%dma_wait3A_99 : memref<80xi32, #tpu.memory_space<hbm>>) dst(%dma_wait3A_98 : memref<80xi32, #tpu.memory_space<vmem>>)
      %dma_wait3A_100 = arith.constant 0 : i32
      %dma_wait3A_101 = arith.constant 0 : i32
      %dma_wait3A_102 = arith.constant 0 : i32
      %dma_wait3A_103 = tpu.memref_slice %arg8[%dma_wait3A_100, %dma_wait3A_101, %dma_wait3A_102] : memref<2x80x128xf32, #tpu.memory_space<vmem>> -> memref<1x80x128xf32, #tpu.memory_space<vmem>>
      %dma_wait3A_104 = tpu.memref_squeeze %dma_wait3A_103 : memref<1x80x128xf32, #tpu.memory_space<vmem>> -> memref<80x128xf32, #tpu.memory_space<vmem>>
      %dma_wait3A_105 = arith.constant 0 : i32
      %dma_wait3A_106 = tpu.memref_slice %arg2[%mul3A_2, %dma_wait3A_105] : memref<320000x128xf32, #tpu.memory_space<hbm>> -> memref<80x128xf32, #tpu.memory_space<hbm>>
      %dma_wait3A_107 = arith.constant 0 : i32
      %dma_wait3A_108 = arith.constant 0 : i32
      %dma_wait3A_109 = tpu.memref_slice %arg8[%dma_wait3A_100, %dma_wait3A_107, %dma_wait3A_108] : memref<2x80x128xf32, #tpu.memory_space<vmem>> -> memref<1x80x128xf32, #tpu.memory_space<vmem>>
      %dma_wait3A_110 = tpu.memref_squeeze %dma_wait3A_109 : memref<1x80x128xf32, #tpu.memory_space<vmem>> -> memref<80x128xf32, #tpu.memory_space<vmem>>
      %dma_wait3A_111 = arith.constant 0 : i32
      %dma_wait3A_112 = tpu.memref_slice %arg2[%mul3A_2, %dma_wait3A_111] : memref<320000x128xf32, #tpu.memory_space<hbm>> -> memref<80x128xf32, #tpu.memory_space<hbm>>
      tpu.wait_dma2 semaphore(%arg9 : memref<!tpu.dma_semaphore, #tpu.memory_space<semaphore_mem>>) src(%dma_wait3A_112 : memref<80x128xf32, #tpu.memory_space<hbm>>) dst(%dma_wait3A_110 : memref<80x128xf32, #tpu.memory_space<vmem>>)
      %run_scoped3A_113 = arith.constant 0 : i32
      %run_scoped3A_114 = arith.constant 0 : i32
      "tpu.region"() ({
        %run_scoped3A_166 = tpu.sem_alloc : memref<!tpu.dma_semaphore, #tpu.memory_space<semaphore_mem>>
        %dma_start3A_167 = arith.constant 0 : i32
        %dma_start3A_168 = arith.constant 0 : i32
        %dma_start3A_169 = tpu.memref_slice %arg8[%run_scoped3A_113, %dma_start3A_167, %dma_start3A_168] : memref<2x80x128xf32, #tpu.memory_space<vmem>> -> memref<1x80x128xf32, #tpu.memory_space<vmem>>
        %dma_start3A_170 = tpu.memref_squeeze %dma_start3A_169 : memref<1x80x128xf32, #tpu.memory_space<vmem>> -> memref<80x128xf32, #tpu.memory_space<vmem>>
        %dma_start3A_171 = arith.constant 0 : i32
        %dma_start3A_172 = tpu.memref_slice %arg7[%run_scoped3A_114, %dma_start3A_171] : memref<2x80xi32, #tpu.memory_space<vmem>> -> memref<1x80xi32, #tpu.memory_space<vmem>>
        %dma_start3A_173 = tpu.memref_squeeze %dma_start3A_172 : memref<1x80xi32, #tpu.memory_space<vmem>> -> memref<80xi32, #tpu.memory_space<vmem>>
        %dma_start3A_174 = arith.constant 0 : i32
        %dma_start3A_175 = arith.constant 0 : i32
        %dma_start3A_176 = tpu.memref_slice %arg6[%dma_start3A_174, %dma_start3A_175] : memref<10240x128xf32, #tpu.memory_space<vmem_shared>> -> memref<10240x128xf32, #tpu.memory_space<vmem_shared>>
        tpu.enqueue_indirect_dma source(%dma_start3A_170 : memref<80x128xf32, #tpu.memory_space<vmem>>) target(%dma_start3A_176 : memref<10240x128xf32, #tpu.memory_space<vmem_shared>>) offsets(%dma_start3A_173 : memref<80xi32, #tpu.memory_space<vmem>>) semaphore(%run_scoped3A_166 : memref<!tpu.dma_semaphore, #tpu.memory_space<semaphore_mem>>) {add = true}
        %dma_wait3A_177 = arith.constant 0 : i32
        %dma_wait3A_178 = arith.constant 0 : i32
        %dma_wait3A_179 = tpu.memref_slice %arg8[%run_scoped3A_113, %dma_wait3A_177, %dma_wait3A_178] : memref<2x80x128xf32, #tpu.memory_space<vmem>> -> memref<1x80x128xf32, #tpu.memory_space<vmem>>
        %dma_wait3A_180 = tpu.memref_squeeze %dma_wait3A_179 : memref<1x80x128xf32, #tpu.memory_space<vmem>> -> memref<80x128xf32, #tpu.memory_space<vmem>>
        %dma_wait3A_181 = arith.constant 0 : i32
        %dma_wait3A_182 = tpu.memref_slice %arg7[%run_scoped3A_114, %dma_wait3A_181] : memref<2x80xi32, #tpu.memory_space<vmem>> -> memref<1x80xi32, #tpu.memory_space<vmem>>
        %dma_wait3A_183 = tpu.memref_squeeze %dma_wait3A_182 : memref<1x80xi32, #tpu.memory_space<vmem>> -> memref<80xi32, #tpu.memory_space<vmem>>
        %dma_wait3A_184 = arith.constant 0 : i32
        %dma_wait3A_185 = arith.constant 0 : i32
        %dma_wait3A_186 = tpu.memref_slice %arg6[%dma_wait3A_184, %dma_wait3A_185] : memref<10240x128xf32, #tpu.memory_space<vmem_shared>> -> memref<10240x128xf32, #tpu.memory_space<vmem_shared>>
        tpu.wait_indirect_dma semaphore(%run_scoped3A_166 : memref<!tpu.dma_semaphore, #tpu.memory_space<semaphore_mem>>) src(%dma_wait3A_180 : memref<80x128xf32, #tpu.memory_space<vmem>>) dst(%dma_wait3A_186 : memref<10240x128xf32, #tpu.memory_space<vmem_shared>>)
        tpu.yield
      }) : () -> ()
      %add3A_115 = arith.constant 2 : i32
      %add3A_116 = arith.addi %add3A_63, %add3A_115 : i32
      %mul3A_117 = arith.constant 80 : i32
      %mul3A_118 = arith.muli %add3A_116, %mul3A_117 : i32
      %add3A_119 = arith.addi %mul3A_2, %mul3A_118 : i32
      %dma_start3A_120 = arith.constant 0 : i32
      %dma_start3A_121 = arith.constant 0 : i32
      %dma_start3A_122 = tpu.memref_slice %arg7[%dma_start3A_120, %dma_start3A_121] : memref<2x80xi32, #tpu.memory_space<vmem>> -> memref<1x80xi32, #tpu.memory_space<vmem>>
      %dma_start3A_123 = tpu.memref_squeeze %dma_start3A_122 : memref<1x80xi32, #tpu.memory_space<vmem>> -> memref<80xi32, #tpu.memory_space<vmem>>
      %dma_start3A_124 = tpu.memref_slice %arg3[%add3A_119] : memref<320000xi32, #tpu.memory_space<hbm>> -> memref<80xi32, #tpu.memory_space<hbm>>
      %dma_start3A_125 = arith.constant 0 : i32
      %dma_start3A_126 = tpu.memref_slice %arg7[%dma_start3A_120, %dma_start3A_125] : memref<2x80xi32, #tpu.memory_space<vmem>> -> memref<1x80xi32, #tpu.memory_space<vmem>>
      %dma_start3A_127 = tpu.memref_squeeze %dma_start3A_126 : memref<1x80xi32, #tpu.memory_space<vmem>> -> memref<80xi32, #tpu.memory_space<vmem>>
      %dma_start3A_128 = tpu.memref_slice %arg3[%add3A_119] : memref<320000xi32, #tpu.memory_space<hbm>> -> memref<80xi32, #tpu.memory_space<hbm>>
      tpu.enqueue_dma source(%dma_start3A_128 : memref<80xi32, #tpu.memory_space<hbm>>) target(%dma_start3A_127 : memref<80xi32, #tpu.memory_space<vmem>>) target_semaphore(%arg9 : memref<!tpu.dma_semaphore, #tpu.memory_space<semaphore_mem>>)
      %dma_start3A_129 = arith.constant 0 : i32
      %dma_start3A_130 = arith.constant 0 : i32
      %dma_start3A_131 = arith.constant 0 : i32
      %dma_start3A_132 = tpu.memref_slice %arg8[%dma_start3A_129, %dma_start3A_130, %dma_start3A_131] : memref<2x80x128xf32, #tpu.memory_space<vmem>> -> memref<1x80x128xf32, #tpu.memory_space<vmem>>
      %dma_start3A_133 = tpu.memref_squeeze %dma_start3A_132 : memref<1x80x128xf32, #tpu.memory_space<vmem>> -> memref<80x128xf32, #tpu.memory_space<vmem>>
      %dma_start3A_134 = arith.constant 0 : i32
      %dma_start3A_135 = tpu.memref_slice %arg2[%add3A_119, %dma_start3A_134] : memref<320000x128xf32, #tpu.memory_space<hbm>> -> memref<80x128xf32, #tpu.memory_space<hbm>>
      %dma_start3A_136 = arith.constant 0 : i32
      %dma_start3A_137 = arith.constant 0 : i32
      %dma_start3A_138 = tpu.memref_slice %arg8[%dma_start3A_129, %dma_start3A_136, %dma_start3A_137] : memref<2x80x128xf32, #tpu.memory_space<vmem>> -> memref<1x80x128xf32, #tpu.memory_space<vmem>>
      %dma_start3A_139 = tpu.memref_squeeze %dma_start3A_138 : memref<1x80x128xf32, #tpu.memory_space<vmem>> -> memref<80x128xf32, #tpu.memory_space<vmem>>
      %dma_start3A_140 = arith.constant 0 : i32
      %dma_start3A_141 = tpu.memref_slice %arg2[%add3A_119, %dma_start3A_140] : memref<320000x128xf32, #tpu.memory_space<hbm>> -> memref<80x128xf32, #tpu.memory_space<hbm>>
      tpu.enqueue_dma source(%dma_start3A_141 : memref<80x128xf32, #tpu.memory_space<hbm>>) target(%dma_start3A_139 : memref<80x128xf32, #tpu.memory_space<vmem>>) target_semaphore(%arg9 : memref<!tpu.dma_semaphore, #tpu.memory_space<semaphore_mem>>)
      %dma_wait3A_142 = arith.constant 1 : i32
      %dma_wait3A_143 = arith.constant 0 : i32
      %dma_wait3A_144 = tpu.memref_slice %arg7[%dma_wait3A_142, %dma_wait3A_143] : memref<2x80xi32, #tpu.memory_space<vmem>> -> memref<1x80xi32, #tpu.memory_space<vmem>>
      %dma_wait3A_145 = tpu.memref_squeeze %dma_wait3A_144 : memref<1x80xi32, #tpu.memory_space<vmem>> -> memref<80xi32, #tpu.memory_space<vmem>>
      %dma_wait3A_146 = tpu.memref_slice %arg3[%mul3A_2] : memref<320000xi32, #tpu.memory_space<hbm>> -> memref<80xi32, #tpu.memory_space<hbm>>
      %dma_wait3A_147 = arith.constant 0 : i32
      %dma_wait3A_148 = tpu.memref_slice %arg7[%dma_wait3A_142, %dma_wait3A_147] : memref<2x80xi32, #tpu.memory_space<vmem>> -> memref<1x80xi32, #tpu.memory_space<vmem>>
      %dma_wait3A_149 = tpu.memref_squeeze %dma_wait3A_148 : memref<1x80xi32, #tpu.memory_space<vmem>> -> memref<80xi32, #tpu.memory_space<vmem>>
      %dma_wait3A_150 = tpu.memref_slice %arg3[%mul3A_2] : memref<320000xi32, #tpu.memory_space<hbm>> -> memref<80xi32, #tpu.memory_space<hbm>>
      tpu.wait_dma2 semaphore(%arg10 : memref<!tpu.dma_semaphore, #tpu.memory_space<semaphore_mem>>) src(%dma_wait3A_150 : memref<80xi32, #tpu.memory_space<hbm>>) dst(%dma_wait3A_149 : memref<80xi32, #tpu.memory_space<vmem>>)
      %dma_wait3A_151 = arith.constant 1 : i32
      %dma_wait3A_152 = arith.constant 0 : i32
      %dma_wait3A_153 = arith.constant 0 : i32
      %dma_wait3A_154 = tpu.memref_slice %arg8[%dma_wait3A_151, %dma_wait3A_152, %dma_wait3A_153] : memref<2x80x128xf32, #tpu.memory_space<vmem>> -> memref<1x80x128xf32, #tpu.memory_space<vmem>>
      %dma_wait3A_155 = tpu.memref_squeeze %dma_wait3A_154 : memref<1x80x128xf32, #tpu.memory_space<vmem>> -> memref<80x128xf32, #tpu.memory_space<vmem>>
      %dma_wait3A_156 = arith.constant 0 : i32
      %dma_wait3A_157 = tpu.memref_slice %arg2[%mul3A_2, %dma_wait3A_156] : memref<320000x128xf32, #tpu.memory_space<hbm>> -> memref<80x128xf32, #tpu.memory_space<hbm>>
      %dma_wait3A_158 = arith.constant 0 : i32
      %dma_wait3A_159 = arith.constant 0 : i32
      %dma_wait3A_160 = tpu.memref_slice %arg8[%dma_wait3A_151, %dma_wait3A_158, %dma_wait3A_159] : memref<2x80x128xf32, #tpu.memory_space<vmem>> -> memref<1x80x128xf32, #tpu.memory_space<vmem>>
      %dma_wait3A_161 = tpu.memref_squeeze %dma_wait3A_160 : memref<1x80x128xf32, #tpu.memory_space<vmem>> -> memref<80x128xf32, #tpu.memory_space<vmem>>
      %dma_wait3A_162 = arith.constant 0 : i32
      %dma_wait3A_163 = tpu.memref_slice %arg2[%mul3A_2, %dma_wait3A_162] : memref<320000x128xf32, #tpu.memory_space<hbm>> -> memref<80x128xf32, #tpu.memory_space<hbm>>
      tpu.wait_dma2 semaphore(%arg10 : memref<!tpu.dma_semaphore, #tpu.memory_space<semaphore_mem>>) src(%dma_wait3A_163 : memref<80x128xf32, #tpu.memory_space<hbm>>) dst(%dma_wait3A_161 : memref<80x128xf32, #tpu.memory_space<vmem>>)
      %run_scoped3A_164 = arith.constant 1 : i32
      %run_scoped3A_165 = arith.constant 1 : i32
      "tpu.region"() ({
        %run_scoped3A_166 = tpu.sem_alloc : memref<!tpu.dma_semaphore, #tpu.memory_space<semaphore_mem>>
        %dma_start3A_167 = arith.constant 0 : i32
        %dma_start3A_168 = arith.constant 0 : i32
        %dma_start3A_169 = tpu.memref_slice %arg8[%run_scoped3A_164, %dma_start3A_167, %dma_start3A_168] : memref<2x80x128xf32, #tpu.memory_space<vmem>> -> memref<1x80x128xf32, #tpu.memory_space<vmem>>
        %dma_start3A_170 = tpu.memref_squeeze %dma_start3A_169 : memref<1x80x128xf32, #tpu.memory_space<vmem>> -> memref<80x128xf32, #tpu.memory_space<vmem>>
        %dma_start3A_171 = arith.constant 0 : i32
        %dma_start3A_172 = tpu.memref_slice %arg7[%run_scoped3A_165, %dma_start3A_171] : memref<2x80xi32, #tpu.memory_space<vmem>> -> memref<1x80xi32, #tpu.memory_space<vmem>>
        %dma_start3A_173 = tpu.memref_squeeze %dma_start3A_172 : memref<1x80xi32, #tpu.memory_space<vmem>> -> memref<80xi32, #tpu.memory_space<vmem>>
        %dma_start3A_174 = arith.constant 0 : i32
        %dma_start3A_175 = arith.constant 0 : i32
        %dma_start3A_176 = tpu.memref_slice %arg6[%dma_start3A_174, %dma_start3A_175] : memref<10240x128xf32, #tpu.memory_space<vmem_shared>> -> memref<10240x128xf32, #tpu.memory_space<vmem_shared>>
        tpu.enqueue_indirect_dma source(%dma_start3A_170 : memref<80x128xf32, #tpu.memory_space<vmem>>) target(%dma_start3A_176 : memref<10240x128xf32, #tpu.memory_space<vmem_shared>>) offsets(%dma_start3A_173 : memref<80xi32, #tpu.memory_space<vmem>>) semaphore(%run_scoped3A_166 : memref<!tpu.dma_semaphore, #tpu.memory_space<semaphore_mem>>) {add = true}
        %dma_wait3A_177 = arith.constant 0 : i32
        %dma_wait3A_178 = arith.constant 0 : i32
        %dma_wait3A_179 = tpu.memref_slice %arg8[%run_scoped3A_164, %dma_wait3A_177, %dma_wait3A_178] : memref<2x80x128xf32, #tpu.memory_space<vmem>> -> memref<1x80x128xf32, #tpu.memory_space<vmem>>
        %dma_wait3A_180 = tpu.memref_squeeze %dma_wait3A_179 : memref<1x80x128xf32, #tpu.memory_space<vmem>> -> memref<80x128xf32, #tpu.memory_space<vmem>>
        %dma_wait3A_181 = arith.constant 0 : i32
        %dma_wait3A_182 = tpu.memref_slice %arg7[%run_scoped3A_165, %dma_wait3A_181] : memref<2x80xi32, #tpu.memory_space<vmem>> -> memref<1x80xi32, #tpu.memory_space<vmem>>
        %dma_wait3A_183 = tpu.memref_squeeze %dma_wait3A_182 : memref<1x80xi32, #tpu.memory_space<vmem>> -> memref<80xi32, #tpu.memory_space<vmem>>
        %dma_wait3A_184 = arith.constant 0 : i32
        %dma_wait3A_185 = arith.constant 0 : i32
        %dma_wait3A_186 = tpu.memref_slice %arg6[%dma_wait3A_184, %dma_wait3A_185] : memref<10240x128xf32, #tpu.memory_space<vmem_shared>> -> memref<10240x128xf32, #tpu.memory_space<vmem_shared>>
        tpu.wait_indirect_dma semaphore(%run_scoped3A_166 : memref<!tpu.dma_semaphore, #tpu.memory_space<semaphore_mem>>) src(%dma_wait3A_180 : memref<80x128xf32, #tpu.memory_space<vmem>>) dst(%dma_wait3A_186 : memref<10240x128xf32, #tpu.memory_space<vmem_shared>>)
        tpu.yield
      }) : () -> ()
    }
    %scan3A_34 = arith.constant 62 : i32
    %dma_wait3A = arith.constant 0 : i32
    %dma_wait3A_35 = arith.constant 0 : i32
    %dma_wait3A_36 = tpu.memref_slice %arg7[%dma_wait3A, %dma_wait3A_35] : memref<2x80xi32, #tpu.memory_space<vmem>> -> memref<1x80xi32, #tpu.memory_space<vmem>>
    %dma_wait3A_37 = tpu.memref_squeeze %dma_wait3A_36 : memref<1x80xi32, #tpu.memory_space<vmem>> -> memref<80xi32, #tpu.memory_space<vmem>>
    %dma_wait3A_38 = tpu.memref_slice %arg3[%mul3A_2] : memref<320000xi32, #tpu.memory_space<hbm>> -> memref<80xi32, #tpu.memory_space<hbm>>
    %dma_wait3A_39 = arith.constant 0 : i32
    %dma_wait3A_40 = tpu.memref_slice %arg7[%dma_wait3A, %dma_wait3A_39] : memref<2x80xi32, #tpu.memory_space<vmem>> -> memref<1x80xi32, #tpu.memory_space<vmem>>
    %dma_wait3A_41 = tpu.memref_squeeze %dma_wait3A_40 : memref<1x80xi32, #tpu.memory_space<vmem>> -> memref<80xi32, #tpu.memory_space<vmem>>
    %dma_wait3A_42 = tpu.memref_slice %arg3[%mul3A_2] : memref<320000xi32, #tpu.memory_space<hbm>> -> memref<80xi32, #tpu.memory_space<hbm>>
    tpu.wait_dma2 semaphore(%arg9 : memref<!tpu.dma_semaphore, #tpu.memory_space<semaphore_mem>>) src(%dma_wait3A_42 : memref<80xi32, #tpu.memory_space<hbm>>) dst(%dma_wait3A_41 : memref<80xi32, #tpu.memory_space<vmem>>)
    %dma_wait3A_43 = arith.constant 0 : i32
    %dma_wait3A_44 = arith.constant 0 : i32
    %dma_wait3A_45 = arith.constant 0 : i32
    %dma_wait3A_46 = tpu.memref_slice %arg8[%dma_wait3A_43, %dma_wait3A_44, %dma_wait3A_45] : memref<2x80x128xf32, #tpu.memory_space<vmem>> -> memref<1x80x128xf32, #tpu.memory_space<vmem>>
    %dma_wait3A_47 = tpu.memref_squeeze %dma_wait3A_46 : memref<1x80x128xf32, #tpu.memory_space<vmem>> -> memref<80x128xf32, #tpu.memory_space<vmem>>
    %dma_wait3A_48 = arith.constant 0 : i32
    %dma_wait3A_49 = tpu.memref_slice %arg2[%mul3A_2, %dma_wait3A_48] : memref<320000x128xf32, #tpu.memory_space<hbm>> -> memref<80x128xf32, #tpu.memory_space<hbm>>
    %dma_wait3A_50 = arith.constant 0 : i32
    %dma_wait3A_51 = arith.constant 0 : i32
    %dma_wait3A_52 = tpu.memref_slice %arg8[%dma_wait3A_43, %dma_wait3A_50, %dma_wait3A_51] : memref<2x80x128xf32, #tpu.memory_space<vmem>> -> memref<1x80x128xf32, #tpu.memory_space<vmem>>
    %dma_wait3A_53 = tpu.memref_squeeze %dma_wait3A_52 : memref<1x80x128xf32, #tpu.memory_space<vmem>> -> memref<80x128xf32, #tpu.memory_space<vmem>>
    %dma_wait3A_54 = arith.constant 0 : i32
    %dma_wait3A_55 = tpu.memref_slice %arg2[%mul3A_2, %dma_wait3A_54] : memref<320000x128xf32, #tpu.memory_space<hbm>> -> memref<80x128xf32, #tpu.memory_space<hbm>>
    tpu.wait_dma2 semaphore(%arg9 : memref<!tpu.dma_semaphore, #tpu.memory_space<semaphore_mem>>) src(%dma_wait3A_55 : memref<80x128xf32, #tpu.memory_space<hbm>>) dst(%dma_wait3A_53 : memref<80x128xf32, #tpu.memory_space<vmem>>)
    %run_scoped3A = arith.constant 0 : i32
    %run_scoped3A_56 = arith.constant 0 : i32
    "tpu.region"() ({
      %run_scoped3A_59 = tpu.sem_alloc : memref<!tpu.dma_semaphore, #tpu.memory_space<semaphore_mem>>
      %dma_start3A_60 = arith.constant 0 : i32
      %dma_start3A_61 = arith.constant 0 : i32
      %dma_start3A_62 = tpu.memref_slice %arg8[%run_scoped3A, %dma_start3A_60, %dma_start3A_61] : memref<2x80x128xf32, #tpu.memory_space<vmem>> -> memref<1x80x128xf32, #tpu.memory_space<vmem>>
      %dma_start3A_63 = tpu.memref_squeeze %dma_start3A_62 : memref<1x80x128xf32, #tpu.memory_space<vmem>> -> memref<80x128xf32, #tpu.memory_space<vmem>>
      %dma_start3A_64 = arith.constant 0 : i32
      %dma_start3A_65 = tpu.memref_slice %arg7[%run_scoped3A_56, %dma_start3A_64] : memref<2x80xi32, #tpu.memory_space<vmem>> -> memref<1x80xi32, #tpu.memory_space<vmem>>
      %dma_start3A_66 = tpu.memref_squeeze %dma_start3A_65 : memref<1x80xi32, #tpu.memory_space<vmem>> -> memref<80xi32, #tpu.memory_space<vmem>>
      %dma_start3A_67 = arith.constant 0 : i32
      %dma_start3A_68 = arith.constant 0 : i32
      %dma_start3A_69 = tpu.memref_slice %arg6[%dma_start3A_67, %dma_start3A_68] : memref<10240x128xf32, #tpu.memory_space<vmem_shared>> -> memref<10240x128xf32, #tpu.memory_space<vmem_shared>>
      tpu.enqueue_indirect_dma source(%dma_start3A_63 : memref<80x128xf32, #tpu.memory_space<vmem>>) target(%dma_start3A_69 : memref<10240x128xf32, #tpu.memory_space<vmem_shared>>) offsets(%dma_start3A_66 : memref<80xi32, #tpu.memory_space<vmem>>) semaphore(%run_scoped3A_59 : memref<!tpu.dma_semaphore, #tpu.memory_space<semaphore_mem>>) {add = true}
      %dma_wait3A_70 = arith.constant 0 : i32
      %dma_wait3A_71 = arith.constant 0 : i32
      %dma_wait3A_72 = tpu.memref_slice %arg8[%run_scoped3A, %dma_wait3A_70, %dma_wait3A_71] : memref<2x80x128xf32, #tpu.memory_space<vmem>> -> memref<1x80x128xf32, #tpu.memory_space<vmem>>
      %dma_wait3A_73 = tpu.memref_squeeze %dma_wait3A_72 : memref<1x80x128xf32, #tpu.memory_space<vmem>> -> memref<80x128xf32, #tpu.memory_space<vmem>>
      %dma_wait3A_74 = arith.constant 0 : i32
      %dma_wait3A_75 = tpu.memref_slice %arg7[%run_scoped3A_56, %dma_wait3A_74] : memref<2x80xi32, #tpu.memory_space<vmem>> -> memref<1x80xi32, #tpu.memory_space<vmem>>
      %dma_wait3A_76 = tpu.memref_squeeze %dma_wait3A_75 : memref<1x80xi32, #tpu.memory_space<vmem>> -> memref<80xi32, #tpu.memory_space<vmem>>
      %dma_wait3A_77 = arith.constant 0 : i32
      %dma_wait3A_78 = arith.constant 0 : i32
      %dma_wait3A_79 = tpu.memref_slice %arg6[%dma_wait3A_77, %dma_wait3A_78] : memref<10240x128xf32, #tpu.memory_space<vmem_shared>> -> memref<10240x128xf32, #tpu.memory_space<vmem_shared>>
      tpu.wait_indirect_dma semaphore(%run_scoped3A_59 : memref<!tpu.dma_semaphore, #tpu.memory_space<semaphore_mem>>) src(%dma_wait3A_73 : memref<80x128xf32, #tpu.memory_space<vmem>>) dst(%dma_wait3A_79 : memref<10240x128xf32, #tpu.memory_space<vmem_shared>>)
      tpu.yield
    }) : () -> ()
    %barrier3A_57 = arith.constant 0 : index
    tpu.barrier barrier_id(%barrier3A_57)
    "tpu.region"() ({
      %run_scoped3A_59 = tpu.sem_alloc : memref<!tpu.dma_semaphore, #tpu.memory_space<semaphore_mem>>
      %dma_start3A_60 = arith.constant 0 : i32
      %dma_start3A_61 = tpu.memref_slice %arg5[%add3A_7, %dma_start3A_60] : memref<20480x128xf32, #tpu.memory_space<hbm>> -> memref<640x128xf32, #tpu.memory_space<hbm>>
      %dma_start3A_62 = arith.constant 0 : i32
      %dma_start3A_63 = tpu.memref_slice %arg6[%mul3A_4, %dma_start3A_62] : memref<10240x128xf32, #tpu.memory_space<vmem_shared>> -> memref<640x128xf32, #tpu.memory_space<vmem_shared>>
      tpu.enqueue_dma source(%dma_start3A_63 : memref<640x128xf32, #tpu.memory_space<vmem_shared>>) target(%dma_start3A_61 : memref<640x128xf32, #tpu.memory_space<hbm>>) target_semaphore(%run_scoped3A_59 : memref<!tpu.dma_semaphore, #tpu.memory_space<semaphore_mem>>)
      %dma_wait3A_64 = arith.constant 0 : i32
      %dma_wait3A_65 = tpu.memref_slice %arg5[%add3A_7, %dma_wait3A_64] : memref<20480x128xf32, #tpu.memory_space<hbm>> -> memref<640x128xf32, #tpu.memory_space<hbm>>
      %dma_wait3A_66 = arith.constant 0 : i32
      %dma_wait3A_67 = tpu.memref_slice %arg6[%mul3A_4, %dma_wait3A_66] : memref<10240x128xf32, #tpu.memory_space<vmem_shared>> -> memref<640x128xf32, #tpu.memory_space<vmem_shared>>
      tpu.wait_dma2 semaphore(%run_scoped3A_59 : memref<!tpu.dma_semaphore, #tpu.memory_space<semaphore_mem>>) src(%dma_wait3A_67 : memref<640x128xf32, #tpu.memory_space<vmem_shared>>) dst(%dma_wait3A_65 : memref<640x128xf32, #tpu.memory_space<hbm>>)
      tpu.yield
    }) : () -> ()
    %barrier3A_58 = arith.constant 0 : index
    tpu.barrier barrier_id(%barrier3A_58)
    return
  }
}

#map = affine_map<(d0, d1) -> (0, 0)>
#map1 = affine_map<(d0, d1) -> (0)>
module attributes {stable_mosaic.version = 14 : i64} {
  func.func @_sc_scatter_body(%arg0: i32, %arg1: i32, %arg2: memref<320000x128xf32, #tpu.memory_space<hbm>>, %arg3: memref<320000xi32, #tpu.memory_space<hbm>>, %arg4: memref<10240x128xf32, #tpu.memory_space<hbm>>, %arg5: memref<20480x128xf32, #tpu.memory_space<hbm>>, %arg6: memref<10240x128xf32, #tpu.memory_space<vmem_shared>>, %arg7: memref<2x80xi32, #tpu.memory_space<vmem>>, %arg8: memref<2x80x128xf32, #tpu.memory_space<vmem>>, %arg9: memref<!tpu.dma_semaphore, #tpu.memory_space<semaphore_mem>>, %arg10: memref<!tpu.dma_semaphore, #tpu.memory_space<semaphore_mem>>) attributes {dimension_semantics = [#tpu.dimension_semantics<core_parallel>, #tpu.dimension_semantics<subcore_parallel>], iteration_bounds = array<i64: 2, 16>, scalar_prefetch = 0 : i64, scratch_operands = 5 : i64, tpu.core_type = #tpu.core_type<sc_vector_subcore>, window_params = [{transform_indices = #map}, {transform_indices = #map1}, {transform_indices = #map}, {transform_indices = #map}]} {
    %mul3A = arith.constant 16 : i32
    %mul3A_0 = arith.muli %arg0, %mul3A : i32
    %add3A = arith.addi %mul3A_0, %arg1 : i32
    %mul3A_1 = arith.constant 10000 : i32
    %mul3A_2 = arith.muli %add3A, %mul3A_1 : i32
    %mul3A_3 = arith.constant 640 : i32
    %mul3A_4 = arith.muli %arg1, %mul3A_3 : i32
    %mul3A_5 = arith.constant 10240 : i32
    %mul3A_6 = arith.muli %arg0, %mul3A_5 : i32
    %add3A_7 = arith.addi %mul3A_6, %mul3A_4 : i32
    "tpu.region"() ({
      %run_scoped3A_59 = tpu.sem_alloc : memref<!tpu.dma_semaphore, #tpu.memory_space<semaphore_mem>>
      %dma_start3A_60 = arith.constant 0 : i32
      %dma_start3A_61 = tpu.memref_slice %arg6[%mul3A_4, %dma_start3A_60] : memref<10240x128xf32, #tpu.memory_space<vmem_shared>> -> memref<640x128xf32, #tpu.memory_space<vmem_shared>>
      %dma_start3A_62 = arith.constant 0 : i32
      %dma_start3A_63 = tpu.memref_slice %arg4[%mul3A_4, %dma_start3A_62] : memref<10240x128xf32, #tpu.memory_space<hbm>> -> memref<640x128xf32, #tpu.memory_space<hbm>>
      tpu.enqueue_dma source(%dma_start3A_63 : memref<640x128xf32, #tpu.memory_space<hbm>>) target(%dma_start3A_61 : memref<640x128xf32, #tpu.memory_space<vmem_shared>>) target_semaphore(%run_scoped3A_59 : memref<!tpu.dma_semaphore, #tpu.memory_space<semaphore_mem>>)
      %dma_wait3A_64 = arith.constant 0 : i32
      %dma_wait3A_65 = tpu.memref_slice %arg6[%mul3A_4, %dma_wait3A_64] : memref<10240x128xf32, #tpu.memory_space<vmem_shared>> -> memref<640x128xf32, #tpu.memory_space<vmem_shared>>
      %dma_wait3A_66 = arith.constant 0 : i32
      %dma_wait3A_67 = tpu.memref_slice %arg4[%mul3A_4, %dma_wait3A_66] : memref<10240x128xf32, #tpu.memory_space<hbm>> -> memref<640x128xf32, #tpu.memory_space<hbm>>
      tpu.wait_dma2 semaphore(%run_scoped3A_59 : memref<!tpu.dma_semaphore, #tpu.memory_space<semaphore_mem>>) src(%dma_wait3A_67 : memref<640x128xf32, #tpu.memory_space<hbm>>) dst(%dma_wait3A_65 : memref<640x128xf32, #tpu.memory_space<vmem_shared>>)
      tpu.yield
    }) : () -> ()
    %barrier3A = arith.constant 0 : index
    tpu.barrier barrier_id(%barrier3A)
    %add3A_8 = arith.constant 0 : i32
    %add3A_9 = arith.addi %mul3A_2, %add3A_8 : i32
    %dma_start3A = arith.constant 0 : i32
    %dma_start3A_10 = arith.constant 0 : i32
    %dma_start3A_11 = tpu.memref_slice %arg7[%dma_start3A, %dma_start3A_10] : memref<2x80xi32, #tpu.memory_space<vmem>> -> memref<1x80xi32, #tpu.memory_space<vmem>>
    %dma_start3A_12 = tpu.memref_squeeze %dma_start3A_11 : memref<1x80xi32, #tpu.memory_space<vmem>> -> memref<80xi32, #tpu.memory_space<vmem>>
    %dma_start3A_13 = tpu.memref_slice %arg3[%add3A_9] : memref<320000xi32, #tpu.memory_space<hbm>> -> memref<80xi32, #tpu.memory_space<hbm>>
    %dma_start3A_14 = arith.constant 0 : i32
    %dma_start3A_15 = tpu.memref_slice %arg7[%dma_start3A, %dma_start3A_14] : memref<2x80xi32, #tpu.memory_space<vmem>> -> memref<1x80xi32, #tpu.memory_space<vmem>>
    %dma_start3A_16 = tpu.memref_squeeze %dma_start3A_15 : memref<1x80xi32, #tpu.memory_space<vmem>> -> memref<80xi32, #tpu.memory_space<vmem>>
    %dma_start3A_17 = tpu.memref_slice %arg3[%add3A_9] : memref<320000xi32, #tpu.memory_space<hbm>> -> memref<80xi32, #tpu.memory_space<hbm>>
    tpu.enqueue_dma source(%dma_start3A_17 : memref<80xi32, #tpu.memory_space<hbm>>) target(%dma_start3A_16 : memref<80xi32, #tpu.memory_space<vmem>>) target_semaphore(%arg9 : memref<!tpu.dma_semaphore, #tpu.memory_space<semaphore_mem>>)
    %dma_start3A_18 = arith.constant 0 : i32
    %dma_start3A_19 = arith.constant 0 : i32
    %dma_start3A_20 = arith.constant 0 : i32
    %dma_start3A_21 = tpu.memref_slice %arg8[%dma_start3A_18, %dma_start3A_19, %dma_start3A_20] : memref<2x80x128xf32, #tpu.memory_space<vmem>> -> memref<1x80x128xf32, #tpu.memory_space<vmem>>
    %dma_start3A_22 = tpu.memref_squeeze %dma_start3A_21 : memref<1x80x128xf32, #tpu.memory_space<vmem>> -> memref<80x128xf32, #tpu.memory_space<vmem>>
    %dma_start3A_23 = arith.constant 0 : i32
    %dma_start3A_24 = tpu.memref_slice %arg2[%add3A_9, %dma_start3A_23] : memref<320000x128xf32, #tpu.memory_space<hbm>> -> memref<80x128xf32, #tpu.memory_space<hbm>>
    %dma_start3A_25 = arith.constant 0 : i32
    %dma_start3A_26 = arith.constant 0 : i32
    %dma_start3A_27 = tpu.memref_slice %arg8[%dma_start3A_18, %dma_start3A_25, %dma_start3A_26] : memref<2x80x128xf32, #tpu.memory_space<vmem>> -> memref<1x80x128xf32, #tpu.memory_space<vmem>>
    %dma_start3A_28 = tpu.memref_squeeze %dma_start3A_27 : memref<1x80x128xf32, #tpu.memory_space<vmem>> -> memref<80x128xf32, #tpu.memory_space<vmem>>
    %dma_start3A_29 = arith.constant 0 : i32
    %dma_start3A_30 = tpu.memref_slice %arg2[%add3A_9, %dma_start3A_29] : memref<320000x128xf32, #tpu.memory_space<hbm>> -> memref<80x128xf32, #tpu.memory_space<hbm>>
    tpu.enqueue_dma source(%dma_start3A_30 : memref<80x128xf32, #tpu.memory_space<hbm>>) target(%dma_start3A_28 : memref<80x128xf32, #tpu.memory_space<vmem>>) target_semaphore(%arg9 : memref<!tpu.dma_semaphore, #tpu.memory_space<semaphore_mem>>)
    %scan3A = arith.constant 0 : i32
    %scan3A_31 = arith.constant 62 : i32
    %scan3A_32 = arith.addi %scan3A, %scan3A_31 : i32
    %scan3A_33 = arith.constant 1 : i32
    scf.for %scan3A_59 = %scan3A to %scan3A_32 step %scan3A_33  : i32 {
      %mul3A_60 = arith.constant 2 : i32
      %mul3A_61 = arith.muli %scan3A_59, %mul3A_60 : i32
      %add3A_62 = arith.constant 0 : i32
      %add3A_63 = arith.addi %add3A_62, %mul3A_61 : i32
      %add3A_64 = arith.constant 1 : i32
      %add3A_65 = arith.addi %add3A_63, %add3A_64 : i32
      %mul3A_66 = arith.constant 80 : i32
      %mul3A_67 = arith.muli %add3A_65, %mul3A_66 : i32
      %add3A_68 = arith.addi %mul3A_2, %mul3A_67 : i32
      %dma_start3A_69 = arith.constant 1 : i32
      %dma_start3A_70 = arith.constant 0 : i32
      %dma_start3A_71 = tpu.memref_slice %arg7[%dma_start3A_69, %dma_start3A_70] : memref<2x80xi32, #tpu.memory_space<vmem>> -> memref<1x80xi32, #tpu.memory_space<vmem>>
      %dma_start3A_72 = tpu.memref_squeeze %dma_start3A_71 : memref<1x80xi32, #tpu.memory_space<vmem>> -> memref<80xi32, #tpu.memory_space<vmem>>
      %dma_start3A_73 = tpu.memref_slice %arg3[%add3A_68] : memref<320000xi32, #tpu.memory_space<hbm>> -> memref<80xi32, #tpu.memory_space<hbm>>
      %dma_start3A_74 = arith.constant 0 : i32
      %dma_start3A_75 = tpu.memref_slice %arg7[%dma_start3A_69, %dma_start3A_74] : memref<2x80xi32, #tpu.memory_space<vmem>> -> memref<1x80xi32, #tpu.memory_space<vmem>>
      %dma_start3A_76 = tpu.memref_squeeze %dma_start3A_75 : memref<1x80xi32, #tpu.memory_space<vmem>> -> memref<80xi32, #tpu.memory_space<vmem>>
      %dma_start3A_77 = tpu.memref_slice %arg3[%add3A_68] : memref<320000xi32, #tpu.memory_space<hbm>> -> memref<80xi32, #tpu.memory_space<hbm>>
      tpu.enqueue_dma source(%dma_start3A_77 : memref<80xi32, #tpu.memory_space<hbm>>) target(%dma_start3A_76 : memref<80xi32, #tpu.memory_space<vmem>>) target_semaphore(%arg10 : memref<!tpu.dma_semaphore, #tpu.memory_space<semaphore_mem>>)
      %dma_start3A_78 = arith.constant 1 : i32
      %dma_start3A_79 = arith.constant 0 : i32
      %dma_start3A_80 = arith.constant 0 : i32
      %dma_start3A_81 = tpu.memref_slice %arg8[%dma_start3A_78, %dma_start3A_79, %dma_start3A_80] : memref<2x80x128xf32, #tpu.memory_space<vmem>> -> memref<1x80x128xf32, #tpu.memory_space<vmem>>
      %dma_start3A_82 = tpu.memref_squeeze %dma_start3A_81 : memref<1x80x128xf32, #tpu.memory_space<vmem>> -> memref<80x128xf32, #tpu.memory_space<vmem>>
      %dma_start3A_83 = arith.constant 0 : i32
      %dma_start3A_84 = tpu.memref_slice %arg2[%add3A_68, %dma_start3A_83] : memref<320000x128xf32, #tpu.memory_space<hbm>> -> memref<80x128xf32, #tpu.memory_space<hbm>>
      %dma_start3A_85 = arith.constant 0 : i32
      %dma_start3A_86 = arith.constant 0 : i32
      %dma_start3A_87 = tpu.memref_slice %arg8[%dma_start3A_78, %dma_start3A_85, %dma_start3A_86] : memref<2x80x128xf32, #tpu.memory_space<vmem>> -> memref<1x80x128xf32, #tpu.memory_space<vmem>>
      %dma_start3A_88 = tpu.memref_squeeze %dma_start3A_87 : memref<1x80x128xf32, #tpu.memory_space<vmem>> -> memref<80x128xf32, #tpu.memory_space<vmem>>
      %dma_start3A_89 = arith.constant 0 : i32
      %dma_start3A_90 = tpu.memref_slice %arg2[%add3A_68, %dma_start3A_89] : memref<320000x128xf32, #tpu.memory_space<hbm>> -> memref<80x128xf32, #tpu.memory_space<hbm>>
      tpu.enqueue_dma source(%dma_start3A_90 : memref<80x128xf32, #tpu.memory_space<hbm>>) target(%dma_start3A_88 : memref<80x128xf32, #tpu.memory_space<vmem>>) target_semaphore(%arg10 : memref<!tpu.dma_semaphore, #tpu.memory_space<semaphore_mem>>)
      %dma_wait3A_91 = arith.constant 0 : i32
      %dma_wait3A_92 = arith.constant 0 : i32
      %dma_wait3A_93 = tpu.memref_slice %arg7[%dma_wait3A_91, %dma_wait3A_92] : memref<2x80xi32, #tpu.memory_space<vmem>> -> memref<1x80xi32, #tpu.memory_space<vmem>>
      %dma_wait3A_94 = tpu.memref_squeeze %dma_wait3A_93 : memref<1x80xi32, #tpu.memory_space<vmem>> -> memref<80xi32, #tpu.memory_space<vmem>>
      %dma_wait3A_95 = tpu.memref_slice %arg3[%mul3A_2] : memref<320000xi32, #tpu.memory_space<hbm>> -> memref<80xi32, #tpu.memory_space<hbm>>
      %dma_wait3A_96 = arith.constant 0 : i32
      %dma_wait3A_97 = tpu.memref_slice %arg7[%dma_wait3A_91, %dma_wait3A_96] : memref<2x80xi32, #tpu.memory_space<vmem>> -> memref<1x80xi32, #tpu.memory_space<vmem>>
      %dma_wait3A_98 = tpu.memref_squeeze %dma_wait3A_97 : memref<1x80xi32, #tpu.memory_space<vmem>> -> memref<80xi32, #tpu.memory_space<vmem>>
      %dma_wait3A_99 = tpu.memref_slice %arg3[%mul3A_2] : memref<320000xi32, #tpu.memory_space<hbm>> -> memref<80xi32, #tpu.memory_space<hbm>>
      tpu.wait_dma2 semaphore(%arg9 : memref<!tpu.dma_semaphore, #tpu.memory_space<semaphore_mem>>) src(%dma_wait3A_99 : memref<80xi32, #tpu.memory_space<hbm>>) dst(%dma_wait3A_98 : memref<80xi32, #tpu.memory_space<vmem>>)
      %dma_wait3A_100 = arith.constant 0 : i32
      %dma_wait3A_101 = arith.constant 0 : i32
      %dma_wait3A_102 = arith.constant 0 : i32
      %dma_wait3A_103 = tpu.memref_slice %arg8[%dma_wait3A_100, %dma_wait3A_101, %dma_wait3A_102] : memref<2x80x128xf32, #tpu.memory_space<vmem>> -> memref<1x80x128xf32, #tpu.memory_space<vmem>>
      %dma_wait3A_104 = tpu.memref_squeeze %dma_wait3A_103 : memref<1x80x128xf32, #tpu.memory_space<vmem>> -> memref<80x128xf32, #tpu.memory_space<vmem>>
      %dma_wait3A_105 = arith.constant 0 : i32
      %dma_wait3A_106 = tpu.memref_slice %arg2[%mul3A_2, %dma_wait3A_105] : memref<320000x128xf32, #tpu.memory_space<hbm>> -> memref<80x128xf32, #tpu.memory_space<hbm>>
      %dma_wait3A_107 = arith.constant 0 : i32
      %dma_wait3A_108 = arith.constant 0 : i32
      %dma_wait3A_109 = tpu.memref_slice %arg8[%dma_wait3A_100, %dma_wait3A_107, %dma_wait3A_108] : memref<2x80x128xf32, #tpu.memory_space<vmem>> -> memref<1x80x128xf32, #tpu.memory_space<vmem>>
      %dma_wait3A_110 = tpu.memref_squeeze %dma_wait3A_109 : memref<1x80x128xf32, #tpu.memory_space<vmem>> -> memref<80x128xf32, #tpu.memory_space<vmem>>
      %dma_wait3A_111 = arith.constant 0 : i32
      %dma_wait3A_112 = tpu.memref_slice %arg2[%mul3A_2, %dma_wait3A_111] : memref<320000x128xf32, #tpu.memory_space<hbm>> -> memref<80x128xf32, #tpu.memory_space<hbm>>
      tpu.wait_dma2 semaphore(%arg9 : memref<!tpu.dma_semaphore, #tpu.memory_space<semaphore_mem>>) src(%dma_wait3A_112 : memref<80x128xf32, #tpu.memory_space<hbm>>) dst(%dma_wait3A_110 : memref<80x128xf32, #tpu.memory_space<vmem>>)
      %run_scoped3A_113 = arith.constant 0 : i32
      %run_scoped3A_114 = arith.constant 0 : i32
      "tpu.region"() ({
        %run_scoped3A_166 = tpu.sem_alloc : memref<!tpu.dma_semaphore, #tpu.memory_space<semaphore_mem>>
        %dma_start3A_167 = arith.constant 0 : i32
        %dma_start3A_168 = arith.constant 0 : i32
        %dma_start3A_169 = tpu.memref_slice %arg8[%run_scoped3A_113, %dma_start3A_167, %dma_start3A_168] : memref<2x80x128xf32, #tpu.memory_space<vmem>> -> memref<1x80x128xf32, #tpu.memory_space<vmem>>
        %dma_start3A_170 = tpu.memref_squeeze %dma_start3A_169 : memref<1x80x128xf32, #tpu.memory_space<vmem>> -> memref<80x128xf32, #tpu.memory_space<vmem>>
        %dma_start3A_171 = arith.constant 0 : i32
        %dma_start3A_172 = tpu.memref_slice %arg7[%run_scoped3A_114, %dma_start3A_171] : memref<2x80xi32, #tpu.memory_space<vmem>> -> memref<1x80xi32, #tpu.memory_space<vmem>>
        %dma_start3A_173 = tpu.memref_squeeze %dma_start3A_172 : memref<1x80xi32, #tpu.memory_space<vmem>> -> memref<80xi32, #tpu.memory_space<vmem>>
        %dma_start3A_174 = arith.constant 0 : i32
        %dma_start3A_175 = arith.constant 0 : i32
        %dma_start3A_176 = tpu.memref_slice %arg6[%dma_start3A_174, %dma_start3A_175] : memref<10240x128xf32, #tpu.memory_space<vmem_shared>> -> memref<10240x128xf32, #tpu.memory_space<vmem_shared>>
        tpu.enqueue_indirect_dma source(%dma_start3A_170 : memref<80x128xf32, #tpu.memory_space<vmem>>) target(%dma_start3A_176 : memref<10240x128xf32, #tpu.memory_space<vmem_shared>>) offsets(%dma_start3A_173 : memref<80xi32, #tpu.memory_space<vmem>>) semaphore(%run_scoped3A_166 : memref<!tpu.dma_semaphore, #tpu.memory_space<semaphore_mem>>) {add = true}
        %dma_wait3A_177 = arith.constant 0 : i32
        %dma_wait3A_178 = arith.constant 0 : i32
        %dma_wait3A_179 = tpu.memref_slice %arg8[%run_scoped3A_113, %dma_wait3A_177, %dma_wait3A_178] : memref<2x80x128xf32, #tpu.memory_space<vmem>> -> memref<1x80x128xf32, #tpu.memory_space<vmem>>
        %dma_wait3A_180 = tpu.memref_squeeze %dma_wait3A_179 : memref<1x80x128xf32, #tpu.memory_space<vmem>> -> memref<80x128xf32, #tpu.memory_space<vmem>>
        %dma_wait3A_181 = arith.constant 0 : i32
        %dma_wait3A_182 = tpu.memref_slice %arg7[%run_scoped3A_114, %dma_wait3A_181] : memref<2x80xi32, #tpu.memory_space<vmem>> -> memref<1x80xi32, #tpu.memory_space<vmem>>
        %dma_wait3A_183 = tpu.memref_squeeze %dma_wait3A_182 : memref<1x80xi32, #tpu.memory_space<vmem>> -> memref<80xi32, #tpu.memory_space<vmem>>
        %dma_wait3A_184 = arith.constant 0 : i32
        %dma_wait3A_185 = arith.constant 0 : i32
        %dma_wait3A_186 = tpu.memref_slice %arg6[%dma_wait3A_184, %dma_wait3A_185] : memref<10240x128xf32, #tpu.memory_space<vmem_shared>> -> memref<10240x128xf32, #tpu.memory_space<vmem_shared>>
        tpu.wait_indirect_dma semaphore(%run_scoped3A_166 : memref<!tpu.dma_semaphore, #tpu.memory_space<semaphore_mem>>) src(%dma_wait3A_180 : memref<80x128xf32, #tpu.memory_space<vmem>>) dst(%dma_wait3A_186 : memref<10240x128xf32, #tpu.memory_space<vmem_shared>>)
        tpu.yield
      }) : () -> ()
      %add3A_115 = arith.constant 2 : i32
      %add3A_116 = arith.addi %add3A_63, %add3A_115 : i32
      %mul3A_117 = arith.constant 80 : i32
      %mul3A_118 = arith.muli %add3A_116, %mul3A_117 : i32
      %add3A_119 = arith.addi %mul3A_2, %mul3A_118 : i32
      %dma_start3A_120 = arith.constant 0 : i32
      %dma_start3A_121 = arith.constant 0 : i32
      %dma_start3A_122 = tpu.memref_slice %arg7[%dma_start3A_120, %dma_start3A_121] : memref<2x80xi32, #tpu.memory_space<vmem>> -> memref<1x80xi32, #tpu.memory_space<vmem>>
      %dma_start3A_123 = tpu.memref_squeeze %dma_start3A_122 : memref<1x80xi32, #tpu.memory_space<vmem>> -> memref<80xi32, #tpu.memory_space<vmem>>
      %dma_start3A_124 = tpu.memref_slice %arg3[%add3A_119] : memref<320000xi32, #tpu.memory_space<hbm>> -> memref<80xi32, #tpu.memory_space<hbm>>
      %dma_start3A_125 = arith.constant 0 : i32
      %dma_start3A_126 = tpu.memref_slice %arg7[%dma_start3A_120, %dma_start3A_125] : memref<2x80xi32, #tpu.memory_space<vmem>> -> memref<1x80xi32, #tpu.memory_space<vmem>>
      %dma_start3A_127 = tpu.memref_squeeze %dma_start3A_126 : memref<1x80xi32, #tpu.memory_space<vmem>> -> memref<80xi32, #tpu.memory_space<vmem>>
      %dma_start3A_128 = tpu.memref_slice %arg3[%add3A_119] : memref<320000xi32, #tpu.memory_space<hbm>> -> memref<80xi32, #tpu.memory_space<hbm>>
      tpu.enqueue_dma source(%dma_start3A_128 : memref<80xi32, #tpu.memory_space<hbm>>) target(%dma_start3A_127 : memref<80xi32, #tpu.memory_space<vmem>>) target_semaphore(%arg9 : memref<!tpu.dma_semaphore, #tpu.memory_space<semaphore_mem>>)
      %dma_start3A_129 = arith.constant 0 : i32
      %dma_start3A_130 = arith.constant 0 : i32
      %dma_start3A_131 = arith.constant 0 : i32
      %dma_start3A_132 = tpu.memref_slice %arg8[%dma_start3A_129, %dma_start3A_130, %dma_start3A_131] : memref<2x80x128xf32, #tpu.memory_space<vmem>> -> memref<1x80x128xf32, #tpu.memory_space<vmem>>
      %dma_start3A_133 = tpu.memref_squeeze %dma_start3A_132 : memref<1x80x128xf32, #tpu.memory_space<vmem>> -> memref<80x128xf32, #tpu.memory_space<vmem>>
      %dma_start3A_134 = arith.constant 0 : i32
      %dma_start3A_135 = tpu.memref_slice %arg2[%add3A_119, %dma_start3A_134] : memref<320000x128xf32, #tpu.memory_space<hbm>> -> memref<80x128xf32, #tpu.memory_space<hbm>>
      %dma_start3A_136 = arith.constant 0 : i32
      %dma_start3A_137 = arith.constant 0 : i32
      %dma_start3A_138 = tpu.memref_slice %arg8[%dma_start3A_129, %dma_start3A_136, %dma_start3A_137] : memref<2x80x128xf32, #tpu.memory_space<vmem>> -> memref<1x80x128xf32, #tpu.memory_space<vmem>>
      %dma_start3A_139 = tpu.memref_squeeze %dma_start3A_138 : memref<1x80x128xf32, #tpu.memory_space<vmem>> -> memref<80x128xf32, #tpu.memory_space<vmem>>
      %dma_start3A_140 = arith.constant 0 : i32
      %dma_start3A_141 = tpu.memref_slice %arg2[%add3A_119, %dma_start3A_140] : memref<320000x128xf32, #tpu.memory_space<hbm>> -> memref<80x128xf32, #tpu.memory_space<hbm>>
      tpu.enqueue_dma source(%dma_start3A_141 : memref<80x128xf32, #tpu.memory_space<hbm>>) target(%dma_start3A_139 : memref<80x128xf32, #tpu.memory_space<vmem>>) target_semaphore(%arg9 : memref<!tpu.dma_semaphore, #tpu.memory_space<semaphore_mem>>)
      %dma_wait3A_142 = arith.constant 1 : i32
      %dma_wait3A_143 = arith.constant 0 : i32
      %dma_wait3A_144 = tpu.memref_slice %arg7[%dma_wait3A_142, %dma_wait3A_143] : memref<2x80xi32, #tpu.memory_space<vmem>> -> memref<1x80xi32, #tpu.memory_space<vmem>>
      %dma_wait3A_145 = tpu.memref_squeeze %dma_wait3A_144 : memref<1x80xi32, #tpu.memory_space<vmem>> -> memref<80xi32, #tpu.memory_space<vmem>>
      %dma_wait3A_146 = tpu.memref_slice %arg3[%mul3A_2] : memref<320000xi32, #tpu.memory_space<hbm>> -> memref<80xi32, #tpu.memory_space<hbm>>
      %dma_wait3A_147 = arith.constant 0 : i32
      %dma_wait3A_148 = tpu.memref_slice %arg7[%dma_wait3A_142, %dma_wait3A_147] : memref<2x80xi32, #tpu.memory_space<vmem>> -> memref<1x80xi32, #tpu.memory_space<vmem>>
      %dma_wait3A_149 = tpu.memref_squeeze %dma_wait3A_148 : memref<1x80xi32, #tpu.memory_space<vmem>> -> memref<80xi32, #tpu.memory_space<vmem>>
      %dma_wait3A_150 = tpu.memref_slice %arg3[%mul3A_2] : memref<320000xi32, #tpu.memory_space<hbm>> -> memref<80xi32, #tpu.memory_space<hbm>>
      tpu.wait_dma2 semaphore(%arg10 : memref<!tpu.dma_semaphore, #tpu.memory_space<semaphore_mem>>) src(%dma_wait3A_150 : memref<80xi32, #tpu.memory_space<hbm>>) dst(%dma_wait3A_149 : memref<80xi32, #tpu.memory_space<vmem>>)
      %dma_wait3A_151 = arith.constant 1 : i32
      %dma_wait3A_152 = arith.constant 0 : i32
      %dma_wait3A_153 = arith.constant 0 : i32
      %dma_wait3A_154 = tpu.memref_slice %arg8[%dma_wait3A_151, %dma_wait3A_152, %dma_wait3A_153] : memref<2x80x128xf32, #tpu.memory_space<vmem>> -> memref<1x80x128xf32, #tpu.memory_space<vmem>>
      %dma_wait3A_155 = tpu.memref_squeeze %dma_wait3A_154 : memref<1x80x128xf32, #tpu.memory_space<vmem>> -> memref<80x128xf32, #tpu.memory_space<vmem>>
      %dma_wait3A_156 = arith.constant 0 : i32
      %dma_wait3A_157 = tpu.memref_slice %arg2[%mul3A_2, %dma_wait3A_156] : memref<320000x128xf32, #tpu.memory_space<hbm>> -> memref<80x128xf32, #tpu.memory_space<hbm>>
      %dma_wait3A_158 = arith.constant 0 : i32
      %dma_wait3A_159 = arith.constant 0 : i32
      %dma_wait3A_160 = tpu.memref_slice %arg8[%dma_wait3A_151, %dma_wait3A_158, %dma_wait3A_159] : memref<2x80x128xf32, #tpu.memory_space<vmem>> -> memref<1x80x128xf32, #tpu.memory_space<vmem>>
      %dma_wait3A_161 = tpu.memref_squeeze %dma_wait3A_160 : memref<1x80x128xf32, #tpu.memory_space<vmem>> -> memref<80x128xf32, #tpu.memory_space<vmem>>
      %dma_wait3A_162 = arith.constant 0 : i32
      %dma_wait3A_163 = tpu.memref_slice %arg2[%mul3A_2, %dma_wait3A_162] : memref<320000x128xf32, #tpu.memory_space<hbm>> -> memref<80x128xf32, #tpu.memory_space<hbm>>
      tpu.wait_dma2 semaphore(%arg10 : memref<!tpu.dma_semaphore, #tpu.memory_space<semaphore_mem>>) src(%dma_wait3A_163 : memref<80x128xf32, #tpu.memory_space<hbm>>) dst(%dma_wait3A_161 : memref<80x128xf32, #tpu.memory_space<vmem>>)
      %run_scoped3A_164 = arith.constant 1 : i32
      %run_scoped3A_165 = arith.constant 1 : i32
      "tpu.region"() ({
        %run_scoped3A_166 = tpu.sem_alloc : memref<!tpu.dma_semaphore, #tpu.memory_space<semaphore_mem>>
        %dma_start3A_167 = arith.constant 0 : i32
        %dma_start3A_168 = arith.constant 0 : i32
        %dma_start3A_169 = tpu.memref_slice %arg8[%run_scoped3A_164, %dma_start3A_167, %dma_start3A_168] : memref<2x80x128xf32, #tpu.memory_space<vmem>> -> memref<1x80x128xf32, #tpu.memory_space<vmem>>
        %dma_start3A_170 = tpu.memref_squeeze %dma_start3A_169 : memref<1x80x128xf32, #tpu.memory_space<vmem>> -> memref<80x128xf32, #tpu.memory_space<vmem>>
        %dma_start3A_171 = arith.constant 0 : i32
        %dma_start3A_172 = tpu.memref_slice %arg7[%run_scoped3A_165, %dma_start3A_171] : memref<2x80xi32, #tpu.memory_space<vmem>> -> memref<1x80xi32, #tpu.memory_space<vmem>>
        %dma_start3A_173 = tpu.memref_squeeze %dma_start3A_172 : memref<1x80xi32, #tpu.memory_space<vmem>> -> memref<80xi32, #tpu.memory_space<vmem>>
        %dma_start3A_174 = arith.constant 0 : i32
        %dma_start3A_175 = arith.constant 0 : i32
        %dma_start3A_176 = tpu.memref_slice %arg6[%dma_start3A_174, %dma_start3A_175] : memref<10240x128xf32, #tpu.memory_space<vmem_shared>> -> memref<10240x128xf32, #tpu.memory_space<vmem_shared>>
        tpu.enqueue_indirect_dma source(%dma_start3A_170 : memref<80x128xf32, #tpu.memory_space<vmem>>) target(%dma_start3A_176 : memref<10240x128xf32, #tpu.memory_space<vmem_shared>>) offsets(%dma_start3A_173 : memref<80xi32, #tpu.memory_space<vmem>>) semaphore(%run_scoped3A_166 : memref<!tpu.dma_semaphore, #tpu.memory_space<semaphore_mem>>) {add = true}
        %dma_wait3A_177 = arith.constant 0 : i32
        %dma_wait3A_178 = arith.constant 0 : i32
        %dma_wait3A_179 = tpu.memref_slice %arg8[%run_scoped3A_164, %dma_wait3A_177, %dma_wait3A_178] : memref<2x80x128xf32, #tpu.memory_space<vmem>> -> memref<1x80x128xf32, #tpu.memory_space<vmem>>
        %dma_wait3A_180 = tpu.memref_squeeze %dma_wait3A_179 : memref<1x80x128xf32, #tpu.memory_space<vmem>> -> memref<80x128xf32, #tpu.memory_space<vmem>>
        %dma_wait3A_181 = arith.constant 0 : i32
        %dma_wait3A_182 = tpu.memref_slice %arg7[%run_scoped3A_165, %dma_wait3A_181] : memref<2x80xi32, #tpu.memory_space<vmem>> -> memref<1x80xi32, #tpu.memory_space<vmem>>
        %dma_wait3A_183 = tpu.memref_squeeze %dma_wait3A_182 : memref<1x80xi32, #tpu.memory_space<vmem>> -> memref<80xi32, #tpu.memory_space<vmem>>
        %dma_wait3A_184 = arith.constant 0 : i32
        %dma_wait3A_185 = arith.constant 0 : i32
        %dma_wait3A_186 = tpu.memref_slice %arg6[%dma_wait3A_184, %dma_wait3A_185] : memref<10240x128xf32, #tpu.memory_space<vmem_shared>> -> memref<10240x128xf32, #tpu.memory_space<vmem_shared>>
        tpu.wait_indirect_dma semaphore(%run_scoped3A_166 : memref<!tpu.dma_semaphore, #tpu.memory_space<semaphore_mem>>) src(%dma_wait3A_180 : memref<80x128xf32, #tpu.memory_space<vmem>>) dst(%dma_wait3A_186 : memref<10240x128xf32, #tpu.memory_space<vmem_shared>>)
        tpu.yield
      }) : () -> ()
    }
    %scan3A_34 = arith.constant 62 : i32
    %dma_wait3A = arith.constant 0 : i32
    %dma_wait3A_35 = arith.constant 0 : i32
    %dma_wait3A_36 = tpu.memref_slice %arg7[%dma_wait3A, %dma_wait3A_35] : memref<2x80xi32, #tpu.memory_space<vmem>> -> memref<1x80xi32, #tpu.memory_space<vmem>>
    %dma_wait3A_37 = tpu.memref_squeeze %dma_wait3A_36 : memref<1x80xi32, #tpu.memory_space<vmem>> -> memref<80xi32, #tpu.memory_space<vmem>>
    %dma_wait3A_38 = tpu.memref_slice %arg3[%mul3A_2] : memref<320000xi32, #tpu.memory_space<hbm>> -> memref<80xi32, #tpu.memory_space<hbm>>
    %dma_wait3A_39 = arith.constant 0 : i32
    %dma_wait3A_40 = tpu.memref_slice %arg7[%dma_wait3A, %dma_wait3A_39] : memref<2x80xi32, #tpu.memory_space<vmem>> -> memref<1x80xi32, #tpu.memory_space<vmem>>
    %dma_wait3A_41 = tpu.memref_squeeze %dma_wait3A_40 : memref<1x80xi32, #tpu.memory_space<vmem>> -> memref<80xi32, #tpu.memory_space<vmem>>
    %dma_wait3A_42 = tpu.memref_slice %arg3[%mul3A_2] : memref<320000xi32, #tpu.memory_space<hbm>> -> memref<80xi32, #tpu.memory_space<hbm>>
    tpu.wait_dma2 semaphore(%arg9 : memref<!tpu.dma_semaphore, #tpu.memory_space<semaphore_mem>>) src(%dma_wait3A_42 : memref<80xi32, #tpu.memory_space<hbm>>) dst(%dma_wait3A_41 : memref<80xi32, #tpu.memory_space<vmem>>)
    %dma_wait3A_43 = arith.constant 0 : i32
    %dma_wait3A_44 = arith.constant 0 : i32
    %dma_wait3A_45 = arith.constant 0 : i32
    %dma_wait3A_46 = tpu.memref_slice %arg8[%dma_wait3A_43, %dma_wait3A_44, %dma_wait3A_45] : memref<2x80x128xf32, #tpu.memory_space<vmem>> -> memref<1x80x128xf32, #tpu.memory_space<vmem>>
    %dma_wait3A_47 = tpu.memref_squeeze %dma_wait3A_46 : memref<1x80x128xf32, #tpu.memory_space<vmem>> -> memref<80x128xf32, #tpu.memory_space<vmem>>
    %dma_wait3A_48 = arith.constant 0 : i32
    %dma_wait3A_49 = tpu.memref_slice %arg2[%mul3A_2, %dma_wait3A_48] : memref<320000x128xf32, #tpu.memory_space<hbm>> -> memref<80x128xf32, #tpu.memory_space<hbm>>
    %dma_wait3A_50 = arith.constant 0 : i32
    %dma_wait3A_51 = arith.constant 0 : i32
    %dma_wait3A_52 = tpu.memref_slice %arg8[%dma_wait3A_43, %dma_wait3A_50, %dma_wait3A_51] : memref<2x80x128xf32, #tpu.memory_space<vmem>> -> memref<1x80x128xf32, #tpu.memory_space<vmem>>
    %dma_wait3A_53 = tpu.memref_squeeze %dma_wait3A_52 : memref<1x80x128xf32, #tpu.memory_space<vmem>> -> memref<80x128xf32, #tpu.memory_space<vmem>>
    %dma_wait3A_54 = arith.constant 0 : i32
    %dma_wait3A_55 = tpu.memref_slice %arg2[%mul3A_2, %dma_wait3A_54] : memref<320000x128xf32, #tpu.memory_space<hbm>> -> memref<80x128xf32, #tpu.memory_space<hbm>>
    tpu.wait_dma2 semaphore(%arg9 : memref<!tpu.dma_semaphore, #tpu.memory_space<semaphore_mem>>) src(%dma_wait3A_55 : memref<80x128xf32, #tpu.memory_space<hbm>>) dst(%dma_wait3A_53 : memref<80x128xf32, #tpu.memory_space<vmem>>)
    %run_scoped3A = arith.constant 0 : i32
    %run_scoped3A_56 = arith.constant 0 : i32
    "tpu.region"() ({
      %run_scoped3A_59 = tpu.sem_alloc : memref<!tpu.dma_semaphore, #tpu.memory_space<semaphore_mem>>
      %dma_start3A_60 = arith.constant 0 : i32
      %dma_start3A_61 = arith.constant 0 : i32
      %dma_start3A_62 = tpu.memref_slice %arg8[%run_scoped3A, %dma_start3A_60, %dma_start3A_61] : memref<2x80x128xf32, #tpu.memory_space<vmem>> -> memref<1x80x128xf32, #tpu.memory_space<vmem>>
      %dma_start3A_63 = tpu.memref_squeeze %dma_start3A_62 : memref<1x80x128xf32, #tpu.memory_space<vmem>> -> memref<80x128xf32, #tpu.memory_space<vmem>>
      %dma_start3A_64 = arith.constant 0 : i32
      %dma_start3A_65 = tpu.memref_slice %arg7[%run_scoped3A_56, %dma_start3A_64] : memref<2x80xi32, #tpu.memory_space<vmem>> -> memref<1x80xi32, #tpu.memory_space<vmem>>
      %dma_start3A_66 = tpu.memref_squeeze %dma_start3A_65 : memref<1x80xi32, #tpu.memory_space<vmem>> -> memref<80xi32, #tpu.memory_space<vmem>>
      %dma_start3A_67 = arith.constant 0 : i32
      %dma_start3A_68 = arith.constant 0 : i32
      %dma_start3A_69 = tpu.memref_slice %arg6[%dma_start3A_67, %dma_start3A_68] : memref<10240x128xf32, #tpu.memory_space<vmem_shared>> -> memref<10240x128xf32, #tpu.memory_space<vmem_shared>>
      tpu.enqueue_indirect_dma source(%dma_start3A_63 : memref<80x128xf32, #tpu.memory_space<vmem>>) target(%dma_start3A_69 : memref<10240x128xf32, #tpu.memory_space<vmem_shared>>) offsets(%dma_start3A_66 : memref<80xi32, #tpu.memory_space<vmem>>) semaphore(%run_scoped3A_59 : memref<!tpu.dma_semaphore, #tpu.memory_space<semaphore_mem>>) {add = true}
      %dma_wait3A_70 = arith.constant 0 : i32
      %dma_wait3A_71 = arith.constant 0 : i32
      %dma_wait3A_72 = tpu.memref_slice %arg8[%run_scoped3A, %dma_wait3A_70, %dma_wait3A_71] : memref<2x80x128xf32, #tpu.memory_space<vmem>> -> memref<1x80x128xf32, #tpu.memory_space<vmem>>
      %dma_wait3A_73 = tpu.memref_squeeze %dma_wait3A_72 : memref<1x80x128xf32, #tpu.memory_space<vmem>> -> memref<80x128xf32, #tpu.memory_space<vmem>>
      %dma_wait3A_74 = arith.constant 0 : i32
      %dma_wait3A_75 = tpu.memref_slice %arg7[%run_scoped3A_56, %dma_wait3A_74] : memref<2x80xi32, #tpu.memory_space<vmem>> -> memref<1x80xi32, #tpu.memory_space<vmem>>
      %dma_wait3A_76 = tpu.memref_squeeze %dma_wait3A_75 : memref<1x80xi32, #tpu.memory_space<vmem>> -> memref<80xi32, #tpu.memory_space<vmem>>
      %dma_wait3A_77 = arith.constant 0 : i32
      %dma_wait3A_78 = arith.constant 0 : i32
      %dma_wait3A_79 = tpu.memref_slice %arg6[%dma_wait3A_77, %dma_wait3A_78] : memref<10240x128xf32, #tpu.memory_space<vmem_shared>> -> memref<10240x128xf32, #tpu.memory_space<vmem_shared>>
      tpu.wait_indirect_dma semaphore(%run_scoped3A_59 : memref<!tpu.dma_semaphore, #tpu.memory_space<semaphore_mem>>) src(%dma_wait3A_73 : memref<80x128xf32, #tpu.memory_space<vmem>>) dst(%dma_wait3A_79 : memref<10240x128xf32, #tpu.memory_space<vmem_shared>>)
      tpu.yield
    }) : () -> ()
    %barrier3A_57 = arith.constant 0 : index
    tpu.barrier barrier_id(%barrier3A_57)
    "tpu.region"() ({
      %run_scoped3A_59 = tpu.sem_alloc : memref<!tpu.dma_semaphore, #tpu.memory_space<semaphore_mem>>
      %dma_start3A_60 = arith.constant 0 : i32
      %dma_start3A_61 = tpu.memref_slice %arg5[%add3A_7, %dma_start3A_60] : memref<20480x128xf32, #tpu.memory_space<hbm>> -> memref<640x128xf32, #tpu.memory_space<hbm>>
      %dma_start3A_62 = arith.constant 0 : i32
      %dma_start3A_63 = tpu.memref_slice %arg6[%mul3A_4, %dma_start3A_62] : memref<10240x128xf32, #tpu.memory_space<vmem_shared>> -> memref<640x128xf32, #tpu.memory_space<vmem_shared>>
      tpu.enqueue_dma source(%dma_start3A_63 : memref<640x128xf32, #tpu.memory_space<vmem_shared>>) target(%dma_start3A_61 : memref<640x128xf32, #tpu.memory_space<hbm>>) target_semaphore(%run_scoped3A_59 : memref<!tpu.dma_semaphore, #tpu.memory_space<semaphore_mem>>)
      %dma_wait3A_64 = arith.constant 0 : i32
      %dma_wait3A_65 = tpu.memref_slice %arg5[%add3A_7, %dma_wait3A_64] : memref<20480x128xf32, #tpu.memory_space<hbm>> -> memref<640x128xf32, #tpu.memory_space<hbm>>
      %dma_wait3A_66 = arith.constant 0 : i32
      %dma_wait3A_67 = tpu.memref_slice %arg6[%mul3A_4, %dma_wait3A_66] : memref<10240x128xf32, #tpu.memory_space<vmem_shared>> -> memref<640x128xf32, #tpu.memory_space<vmem_shared>>
      tpu.wait_dma2 semaphore(%run_scoped3A_59 : memref<!tpu.dma_semaphore, #tpu.memory_space<semaphore_mem>>) src(%dma_wait3A_67 : memref<640x128xf32, #tpu.memory_space<vmem_shared>>) dst(%dma_wait3A_65 : memref<640x128xf32, #tpu.memory_space<hbm>>)
      tpu.yield
    }) : () -> ()
    %barrier3A_58 = arith.constant 0 : index
    tpu.barrier barrier_id(%barrier3A_58)
    return
  }
}

#map = affine_map<(d0, d1) -> (0, 0)>
#map1 = affine_map<(d0, d1) -> (0)>
module attributes {stable_mosaic.version = 14 : i64} {
  func.func @_sc_scatter_body(%arg0: i32, %arg1: i32, %arg2: memref<320000x128xf32, #tpu.memory_space<hbm>>, %arg3: memref<320000xi32, #tpu.memory_space<hbm>>, %arg4: memref<10240x128xf32, #tpu.memory_space<hbm>>, %arg5: memref<20480x128xf32, #tpu.memory_space<hbm>>, %arg6: memref<10240x128xf32, #tpu.memory_space<vmem_shared>>, %arg7: memref<2x80xi32, #tpu.memory_space<vmem>>, %arg8: memref<2x80x128xf32, #tpu.memory_space<vmem>>, %arg9: memref<!tpu.dma_semaphore, #tpu.memory_space<semaphore_mem>>, %arg10: memref<!tpu.dma_semaphore, #tpu.memory_space<semaphore_mem>>) attributes {dimension_semantics = [#tpu.dimension_semantics<core_parallel>, #tpu.dimension_semantics<subcore_parallel>], iteration_bounds = array<i64: 2, 16>, scalar_prefetch = 0 : i64, scratch_operands = 5 : i64, tpu.core_type = #tpu.core_type<sc_vector_subcore>, window_params = [{transform_indices = #map}, {transform_indices = #map1}, {transform_indices = #map}, {transform_indices = #map}]} {
    %mul3A = arith.constant 16 : i32
    %mul3A_0 = arith.muli %arg0, %mul3A : i32
    %add3A = arith.addi %mul3A_0, %arg1 : i32
    %mul3A_1 = arith.constant 10000 : i32
    %mul3A_2 = arith.muli %add3A, %mul3A_1 : i32
    %mul3A_3 = arith.constant 640 : i32
    %mul3A_4 = arith.muli %arg1, %mul3A_3 : i32
    %mul3A_5 = arith.constant 10240 : i32
    %mul3A_6 = arith.muli %arg0, %mul3A_5 : i32
    %add3A_7 = arith.addi %mul3A_6, %mul3A_4 : i32
    "tpu.region"() ({
      %run_scoped3A_59 = tpu.sem_alloc : memref<!tpu.dma_semaphore, #tpu.memory_space<semaphore_mem>>
      %dma_start3A_60 = arith.constant 0 : i32
      %dma_start3A_61 = tpu.memref_slice %arg6[%mul3A_4, %dma_start3A_60] : memref<10240x128xf32, #tpu.memory_space<vmem_shared>> -> memref<640x128xf32, #tpu.memory_space<vmem_shared>>
      %dma_start3A_62 = arith.constant 0 : i32
      %dma_start3A_63 = tpu.memref_slice %arg4[%mul3A_4, %dma_start3A_62] : memref<10240x128xf32, #tpu.memory_space<hbm>> -> memref<640x128xf32, #tpu.memory_space<hbm>>
      tpu.enqueue_dma source(%dma_start3A_63 : memref<640x128xf32, #tpu.memory_space<hbm>>) target(%dma_start3A_61 : memref<640x128xf32, #tpu.memory_space<vmem_shared>>) target_semaphore(%run_scoped3A_59 : memref<!tpu.dma_semaphore, #tpu.memory_space<semaphore_mem>>)
      %dma_wait3A_64 = arith.constant 0 : i32
      %dma_wait3A_65 = tpu.memref_slice %arg6[%mul3A_4, %dma_wait3A_64] : memref<10240x128xf32, #tpu.memory_space<vmem_shared>> -> memref<640x128xf32, #tpu.memory_space<vmem_shared>>
      %dma_wait3A_66 = arith.constant 0 : i32
      %dma_wait3A_67 = tpu.memref_slice %arg4[%mul3A_4, %dma_wait3A_66] : memref<10240x128xf32, #tpu.memory_space<hbm>> -> memref<640x128xf32, #tpu.memory_space<hbm>>
      tpu.wait_dma2 semaphore(%run_scoped3A_59 : memref<!tpu.dma_semaphore, #tpu.memory_space<semaphore_mem>>) src(%dma_wait3A_67 : memref<640x128xf32, #tpu.memory_space<hbm>>) dst(%dma_wait3A_65 : memref<640x128xf32, #tpu.memory_space<vmem_shared>>)
      tpu.yield
    }) : () -> ()
    %barrier3A = arith.constant 0 : index
    tpu.barrier barrier_id(%barrier3A)
    %add3A_8 = arith.constant 0 : i32
    %add3A_9 = arith.addi %mul3A_2, %add3A_8 : i32
    %dma_start3A = arith.constant 0 : i32
    %dma_start3A_10 = arith.constant 0 : i32
    %dma_start3A_11 = tpu.memref_slice %arg7[%dma_start3A, %dma_start3A_10] : memref<2x80xi32, #tpu.memory_space<vmem>> -> memref<1x80xi32, #tpu.memory_space<vmem>>
    %dma_start3A_12 = tpu.memref_squeeze %dma_start3A_11 : memref<1x80xi32, #tpu.memory_space<vmem>> -> memref<80xi32, #tpu.memory_space<vmem>>
    %dma_start3A_13 = tpu.memref_slice %arg3[%add3A_9] : memref<320000xi32, #tpu.memory_space<hbm>> -> memref<80xi32, #tpu.memory_space<hbm>>
    %dma_start3A_14 = arith.constant 0 : i32
    %dma_start3A_15 = tpu.memref_slice %arg7[%dma_start3A, %dma_start3A_14] : memref<2x80xi32, #tpu.memory_space<vmem>> -> memref<1x80xi32, #tpu.memory_space<vmem>>
    %dma_start3A_16 = tpu.memref_squeeze %dma_start3A_15 : memref<1x80xi32, #tpu.memory_space<vmem>> -> memref<80xi32, #tpu.memory_space<vmem>>
    %dma_start3A_17 = tpu.memref_slice %arg3[%add3A_9] : memref<320000xi32, #tpu.memory_space<hbm>> -> memref<80xi32, #tpu.memory_space<hbm>>
    tpu.enqueue_dma source(%dma_start3A_17 : memref<80xi32, #tpu.memory_space<hbm>>) target(%dma_start3A_16 : memref<80xi32, #tpu.memory_space<vmem>>) target_semaphore(%arg9 : memref<!tpu.dma_semaphore, #tpu.memory_space<semaphore_mem>>)
    %dma_start3A_18 = arith.constant 0 : i32
    %dma_start3A_19 = arith.constant 0 : i32
    %dma_start3A_20 = arith.constant 0 : i32
    %dma_start3A_21 = tpu.memref_slice %arg8[%dma_start3A_18, %dma_start3A_19, %dma_start3A_20] : memref<2x80x128xf32, #tpu.memory_space<vmem>> -> memref<1x80x128xf32, #tpu.memory_space<vmem>>
    %dma_start3A_22 = tpu.memref_squeeze %dma_start3A_21 : memref<1x80x128xf32, #tpu.memory_space<vmem>> -> memref<80x128xf32, #tpu.memory_space<vmem>>
    %dma_start3A_23 = arith.constant 0 : i32
    %dma_start3A_24 = tpu.memref_slice %arg2[%add3A_9, %dma_start3A_23] : memref<320000x128xf32, #tpu.memory_space<hbm>> -> memref<80x128xf32, #tpu.memory_space<hbm>>
    %dma_start3A_25 = arith.constant 0 : i32
    %dma_start3A_26 = arith.constant 0 : i32
    %dma_start3A_27 = tpu.memref_slice %arg8[%dma_start3A_18, %dma_start3A_25, %dma_start3A_26] : memref<2x80x128xf32, #tpu.memory_space<vmem>> -> memref<1x80x128xf32, #tpu.memory_space<vmem>>
    %dma_start3A_28 = tpu.memref_squeeze %dma_start3A_27 : memref<1x80x128xf32, #tpu.memory_space<vmem>> -> memref<80x128xf32, #tpu.memory_space<vmem>>
    %dma_start3A_29 = arith.constant 0 : i32
    %dma_start3A_30 = tpu.memref_slice %arg2[%add3A_9, %dma_start3A_29] : memref<320000x128xf32, #tpu.memory_space<hbm>> -> memref<80x128xf32, #tpu.memory_space<hbm>>
    tpu.enqueue_dma source(%dma_start3A_30 : memref<80x128xf32, #tpu.memory_space<hbm>>) target(%dma_start3A_28 : memref<80x128xf32, #tpu.memory_space<vmem>>) target_semaphore(%arg9 : memref<!tpu.dma_semaphore, #tpu.memory_space<semaphore_mem>>)
    %scan3A = arith.constant 0 : i32
    %scan3A_31 = arith.constant 62 : i32
    %scan3A_32 = arith.addi %scan3A, %scan3A_31 : i32
    %scan3A_33 = arith.constant 1 : i32
    scf.for %scan3A_59 = %scan3A to %scan3A_32 step %scan3A_33  : i32 {
      %mul3A_60 = arith.constant 2 : i32
      %mul3A_61 = arith.muli %scan3A_59, %mul3A_60 : i32
      %add3A_62 = arith.constant 0 : i32
      %add3A_63 = arith.addi %add3A_62, %mul3A_61 : i32
      %add3A_64 = arith.constant 1 : i32
      %add3A_65 = arith.addi %add3A_63, %add3A_64 : i32
      %mul3A_66 = arith.constant 80 : i32
      %mul3A_67 = arith.muli %add3A_65, %mul3A_66 : i32
      %add3A_68 = arith.addi %mul3A_2, %mul3A_67 : i32
      %dma_start3A_69 = arith.constant 1 : i32
      %dma_start3A_70 = arith.constant 0 : i32
      %dma_start3A_71 = tpu.memref_slice %arg7[%dma_start3A_69, %dma_start3A_70] : memref<2x80xi32, #tpu.memory_space<vmem>> -> memref<1x80xi32, #tpu.memory_space<vmem>>
      %dma_start3A_72 = tpu.memref_squeeze %dma_start3A_71 : memref<1x80xi32, #tpu.memory_space<vmem>> -> memref<80xi32, #tpu.memory_space<vmem>>
      %dma_start3A_73 = tpu.memref_slice %arg3[%add3A_68] : memref<320000xi32, #tpu.memory_space<hbm>> -> memref<80xi32, #tpu.memory_space<hbm>>
      %dma_start3A_74 = arith.constant 0 : i32
      %dma_start3A_75 = tpu.memref_slice %arg7[%dma_start3A_69, %dma_start3A_74] : memref<2x80xi32, #tpu.memory_space<vmem>> -> memref<1x80xi32, #tpu.memory_space<vmem>>
      %dma_start3A_76 = tpu.memref_squeeze %dma_start3A_75 : memref<1x80xi32, #tpu.memory_space<vmem>> -> memref<80xi32, #tpu.memory_space<vmem>>
      %dma_start3A_77 = tpu.memref_slice %arg3[%add3A_68] : memref<320000xi32, #tpu.memory_space<hbm>> -> memref<80xi32, #tpu.memory_space<hbm>>
      tpu.enqueue_dma source(%dma_start3A_77 : memref<80xi32, #tpu.memory_space<hbm>>) target(%dma_start3A_76 : memref<80xi32, #tpu.memory_space<vmem>>) target_semaphore(%arg10 : memref<!tpu.dma_semaphore, #tpu.memory_space<semaphore_mem>>)
      %dma_start3A_78 = arith.constant 1 : i32
      %dma_start3A_79 = arith.constant 0 : i32
      %dma_start3A_80 = arith.constant 0 : i32
      %dma_start3A_81 = tpu.memref_slice %arg8[%dma_start3A_78, %dma_start3A_79, %dma_start3A_80] : memref<2x80x128xf32, #tpu.memory_space<vmem>> -> memref<1x80x128xf32, #tpu.memory_space<vmem>>
      %dma_start3A_82 = tpu.memref_squeeze %dma_start3A_81 : memref<1x80x128xf32, #tpu.memory_space<vmem>> -> memref<80x128xf32, #tpu.memory_space<vmem>>
      %dma_start3A_83 = arith.constant 0 : i32
      %dma_start3A_84 = tpu.memref_slice %arg2[%add3A_68, %dma_start3A_83] : memref<320000x128xf32, #tpu.memory_space<hbm>> -> memref<80x128xf32, #tpu.memory_space<hbm>>
      %dma_start3A_85 = arith.constant 0 : i32
      %dma_start3A_86 = arith.constant 0 : i32
      %dma_start3A_87 = tpu.memref_slice %arg8[%dma_start3A_78, %dma_start3A_85, %dma_start3A_86] : memref<2x80x128xf32, #tpu.memory_space<vmem>> -> memref<1x80x128xf32, #tpu.memory_space<vmem>>
      %dma_start3A_88 = tpu.memref_squeeze %dma_start3A_87 : memref<1x80x128xf32, #tpu.memory_space<vmem>> -> memref<80x128xf32, #tpu.memory_space<vmem>>
      %dma_start3A_89 = arith.constant 0 : i32
      %dma_start3A_90 = tpu.memref_slice %arg2[%add3A_68, %dma_start3A_89] : memref<320000x128xf32, #tpu.memory_space<hbm>> -> memref<80x128xf32, #tpu.memory_space<hbm>>
      tpu.enqueue_dma source(%dma_start3A_90 : memref<80x128xf32, #tpu.memory_space<hbm>>) target(%dma_start3A_88 : memref<80x128xf32, #tpu.memory_space<vmem>>) target_semaphore(%arg10 : memref<!tpu.dma_semaphore, #tpu.memory_space<semaphore_mem>>)
      %dma_wait3A_91 = arith.constant 0 : i32
      %dma_wait3A_92 = arith.constant 0 : i32
      %dma_wait3A_93 = tpu.memref_slice %arg7[%dma_wait3A_91, %dma_wait3A_92] : memref<2x80xi32, #tpu.memory_space<vmem>> -> memref<1x80xi32, #tpu.memory_space<vmem>>
      %dma_wait3A_94 = tpu.memref_squeeze %dma_wait3A_93 : memref<1x80xi32, #tpu.memory_space<vmem>> -> memref<80xi32, #tpu.memory_space<vmem>>
      %dma_wait3A_95 = tpu.memref_slice %arg3[%mul3A_2] : memref<320000xi32, #tpu.memory_space<hbm>> -> memref<80xi32, #tpu.memory_space<hbm>>
      %dma_wait3A_96 = arith.constant 0 : i32
      %dma_wait3A_97 = tpu.memref_slice %arg7[%dma_wait3A_91, %dma_wait3A_96] : memref<2x80xi32, #tpu.memory_space<vmem>> -> memref<1x80xi32, #tpu.memory_space<vmem>>
      %dma_wait3A_98 = tpu.memref_squeeze %dma_wait3A_97 : memref<1x80xi32, #tpu.memory_space<vmem>> -> memref<80xi32, #tpu.memory_space<vmem>>
      %dma_wait3A_99 = tpu.memref_slice %arg3[%mul3A_2] : memref<320000xi32, #tpu.memory_space<hbm>> -> memref<80xi32, #tpu.memory_space<hbm>>
      tpu.wait_dma2 semaphore(%arg9 : memref<!tpu.dma_semaphore, #tpu.memory_space<semaphore_mem>>) src(%dma_wait3A_99 : memref<80xi32, #tpu.memory_space<hbm>>) dst(%dma_wait3A_98 : memref<80xi32, #tpu.memory_space<vmem>>)
      %dma_wait3A_100 = arith.constant 0 : i32
      %dma_wait3A_101 = arith.constant 0 : i32
      %dma_wait3A_102 = arith.constant 0 : i32
      %dma_wait3A_103 = tpu.memref_slice %arg8[%dma_wait3A_100, %dma_wait3A_101, %dma_wait3A_102] : memref<2x80x128xf32, #tpu.memory_space<vmem>> -> memref<1x80x128xf32, #tpu.memory_space<vmem>>
      %dma_wait3A_104 = tpu.memref_squeeze %dma_wait3A_103 : memref<1x80x128xf32, #tpu.memory_space<vmem>> -> memref<80x128xf32, #tpu.memory_space<vmem>>
      %dma_wait3A_105 = arith.constant 0 : i32
      %dma_wait3A_106 = tpu.memref_slice %arg2[%mul3A_2, %dma_wait3A_105] : memref<320000x128xf32, #tpu.memory_space<hbm>> -> memref<80x128xf32, #tpu.memory_space<hbm>>
      %dma_wait3A_107 = arith.constant 0 : i32
      %dma_wait3A_108 = arith.constant 0 : i32
      %dma_wait3A_109 = tpu.memref_slice %arg8[%dma_wait3A_100, %dma_wait3A_107, %dma_wait3A_108] : memref<2x80x128xf32, #tpu.memory_space<vmem>> -> memref<1x80x128xf32, #tpu.memory_space<vmem>>
      %dma_wait3A_110 = tpu.memref_squeeze %dma_wait3A_109 : memref<1x80x128xf32, #tpu.memory_space<vmem>> -> memref<80x128xf32, #tpu.memory_space<vmem>>
      %dma_wait3A_111 = arith.constant 0 : i32
      %dma_wait3A_112 = tpu.memref_slice %arg2[%mul3A_2, %dma_wait3A_111] : memref<320000x128xf32, #tpu.memory_space<hbm>> -> memref<80x128xf32, #tpu.memory_space<hbm>>
      tpu.wait_dma2 semaphore(%arg9 : memref<!tpu.dma_semaphore, #tpu.memory_space<semaphore_mem>>) src(%dma_wait3A_112 : memref<80x128xf32, #tpu.memory_space<hbm>>) dst(%dma_wait3A_110 : memref<80x128xf32, #tpu.memory_space<vmem>>)
      %run_scoped3A_113 = arith.constant 0 : i32
      %run_scoped3A_114 = arith.constant 0 : i32
      "tpu.region"() ({
        %run_scoped3A_166 = tpu.sem_alloc : memref<!tpu.dma_semaphore, #tpu.memory_space<semaphore_mem>>
        %dma_start3A_167 = arith.constant 0 : i32
        %dma_start3A_168 = arith.constant 0 : i32
        %dma_start3A_169 = tpu.memref_slice %arg8[%run_scoped3A_113, %dma_start3A_167, %dma_start3A_168] : memref<2x80x128xf32, #tpu.memory_space<vmem>> -> memref<1x80x128xf32, #tpu.memory_space<vmem>>
        %dma_start3A_170 = tpu.memref_squeeze %dma_start3A_169 : memref<1x80x128xf32, #tpu.memory_space<vmem>> -> memref<80x128xf32, #tpu.memory_space<vmem>>
        %dma_start3A_171 = arith.constant 0 : i32
        %dma_start3A_172 = tpu.memref_slice %arg7[%run_scoped3A_114, %dma_start3A_171] : memref<2x80xi32, #tpu.memory_space<vmem>> -> memref<1x80xi32, #tpu.memory_space<vmem>>
        %dma_start3A_173 = tpu.memref_squeeze %dma_start3A_172 : memref<1x80xi32, #tpu.memory_space<vmem>> -> memref<80xi32, #tpu.memory_space<vmem>>
        %dma_start3A_174 = arith.constant 0 : i32
        %dma_start3A_175 = arith.constant 0 : i32
        %dma_start3A_176 = tpu.memref_slice %arg6[%dma_start3A_174, %dma_start3A_175] : memref<10240x128xf32, #tpu.memory_space<vmem_shared>> -> memref<10240x128xf32, #tpu.memory_space<vmem_shared>>
        tpu.enqueue_indirect_dma source(%dma_start3A_170 : memref<80x128xf32, #tpu.memory_space<vmem>>) target(%dma_start3A_176 : memref<10240x128xf32, #tpu.memory_space<vmem_shared>>) offsets(%dma_start3A_173 : memref<80xi32, #tpu.memory_space<vmem>>) semaphore(%run_scoped3A_166 : memref<!tpu.dma_semaphore, #tpu.memory_space<semaphore_mem>>) {add = true}
        %dma_wait3A_177 = arith.constant 0 : i32
        %dma_wait3A_178 = arith.constant 0 : i32
        %dma_wait3A_179 = tpu.memref_slice %arg8[%run_scoped3A_113, %dma_wait3A_177, %dma_wait3A_178] : memref<2x80x128xf32, #tpu.memory_space<vmem>> -> memref<1x80x128xf32, #tpu.memory_space<vmem>>
        %dma_wait3A_180 = tpu.memref_squeeze %dma_wait3A_179 : memref<1x80x128xf32, #tpu.memory_space<vmem>> -> memref<80x128xf32, #tpu.memory_space<vmem>>
        %dma_wait3A_181 = arith.constant 0 : i32
        %dma_wait3A_182 = tpu.memref_slice %arg7[%run_scoped3A_114, %dma_wait3A_181] : memref<2x80xi32, #tpu.memory_space<vmem>> -> memref<1x80xi32, #tpu.memory_space<vmem>>
        %dma_wait3A_183 = tpu.memref_squeeze %dma_wait3A_182 : memref<1x80xi32, #tpu.memory_space<vmem>> -> memref<80xi32, #tpu.memory_space<vmem>>
        %dma_wait3A_184 = arith.constant 0 : i32
        %dma_wait3A_185 = arith.constant 0 : i32
        %dma_wait3A_186 = tpu.memref_slice %arg6[%dma_wait3A_184, %dma_wait3A_185] : memref<10240x128xf32, #tpu.memory_space<vmem_shared>> -> memref<10240x128xf32, #tpu.memory_space<vmem_shared>>
        tpu.wait_indirect_dma semaphore(%run_scoped3A_166 : memref<!tpu.dma_semaphore, #tpu.memory_space<semaphore_mem>>) src(%dma_wait3A_180 : memref<80x128xf32, #tpu.memory_space<vmem>>) dst(%dma_wait3A_186 : memref<10240x128xf32, #tpu.memory_space<vmem_shared>>)
        tpu.yield
      }) : () -> ()
      %add3A_115 = arith.constant 2 : i32
      %add3A_116 = arith.addi %add3A_63, %add3A_115 : i32
      %mul3A_117 = arith.constant 80 : i32
      %mul3A_118 = arith.muli %add3A_116, %mul3A_117 : i32
      %add3A_119 = arith.addi %mul3A_2, %mul3A_118 : i32
      %dma_start3A_120 = arith.constant 0 : i32
      %dma_start3A_121 = arith.constant 0 : i32
      %dma_start3A_122 = tpu.memref_slice %arg7[%dma_start3A_120, %dma_start3A_121] : memref<2x80xi32, #tpu.memory_space<vmem>> -> memref<1x80xi32, #tpu.memory_space<vmem>>
      %dma_start3A_123 = tpu.memref_squeeze %dma_start3A_122 : memref<1x80xi32, #tpu.memory_space<vmem>> -> memref<80xi32, #tpu.memory_space<vmem>>
      %dma_start3A_124 = tpu.memref_slice %arg3[%add3A_119] : memref<320000xi32, #tpu.memory_space<hbm>> -> memref<80xi32, #tpu.memory_space<hbm>>
      %dma_start3A_125 = arith.constant 0 : i32
      %dma_start3A_126 = tpu.memref_slice %arg7[%dma_start3A_120, %dma_start3A_125] : memref<2x80xi32, #tpu.memory_space<vmem>> -> memref<1x80xi32, #tpu.memory_space<vmem>>
      %dma_start3A_127 = tpu.memref_squeeze %dma_start3A_126 : memref<1x80xi32, #tpu.memory_space<vmem>> -> memref<80xi32, #tpu.memory_space<vmem>>
      %dma_start3A_128 = tpu.memref_slice %arg3[%add3A_119] : memref<320000xi32, #tpu.memory_space<hbm>> -> memref<80xi32, #tpu.memory_space<hbm>>
      tpu.enqueue_dma source(%dma_start3A_128 : memref<80xi32, #tpu.memory_space<hbm>>) target(%dma_start3A_127 : memref<80xi32, #tpu.memory_space<vmem>>) target_semaphore(%arg9 : memref<!tpu.dma_semaphore, #tpu.memory_space<semaphore_mem>>)
      %dma_start3A_129 = arith.constant 0 : i32
      %dma_start3A_130 = arith.constant 0 : i32
      %dma_start3A_131 = arith.constant 0 : i32
      %dma_start3A_132 = tpu.memref_slice %arg8[%dma_start3A_129, %dma_start3A_130, %dma_start3A_131] : memref<2x80x128xf32, #tpu.memory_space<vmem>> -> memref<1x80x128xf32, #tpu.memory_space<vmem>>
      %dma_start3A_133 = tpu.memref_squeeze %dma_start3A_132 : memref<1x80x128xf32, #tpu.memory_space<vmem>> -> memref<80x128xf32, #tpu.memory_space<vmem>>
      %dma_start3A_134 = arith.constant 0 : i32
      %dma_start3A_135 = tpu.memref_slice %arg2[%add3A_119, %dma_start3A_134] : memref<320000x128xf32, #tpu.memory_space<hbm>> -> memref<80x128xf32, #tpu.memory_space<hbm>>
      %dma_start3A_136 = arith.constant 0 : i32
      %dma_start3A_137 = arith.constant 0 : i32
      %dma_start3A_138 = tpu.memref_slice %arg8[%dma_start3A_129, %dma_start3A_136, %dma_start3A_137] : memref<2x80x128xf32, #tpu.memory_space<vmem>> -> memref<1x80x128xf32, #tpu.memory_space<vmem>>
      %dma_start3A_139 = tpu.memref_squeeze %dma_start3A_138 : memref<1x80x128xf32, #tpu.memory_space<vmem>> -> memref<80x128xf32, #tpu.memory_space<vmem>>
      %dma_start3A_140 = arith.constant 0 : i32
      %dma_start3A_141 = tpu.memref_slice %arg2[%add3A_119, %dma_start3A_140] : memref<320000x128xf32, #tpu.memory_space<hbm>> -> memref<80x128xf32, #tpu.memory_space<hbm>>
      tpu.enqueue_dma source(%dma_start3A_141 : memref<80x128xf32, #tpu.memory_space<hbm>>) target(%dma_start3A_139 : memref<80x128xf32, #tpu.memory_space<vmem>>) target_semaphore(%arg9 : memref<!tpu.dma_semaphore, #tpu.memory_space<semaphore_mem>>)
      %dma_wait3A_142 = arith.constant 1 : i32
      %dma_wait3A_143 = arith.constant 0 : i32
      %dma_wait3A_144 = tpu.memref_slice %arg7[%dma_wait3A_142, %dma_wait3A_143] : memref<2x80xi32, #tpu.memory_space<vmem>> -> memref<1x80xi32, #tpu.memory_space<vmem>>
      %dma_wait3A_145 = tpu.memref_squeeze %dma_wait3A_144 : memref<1x80xi32, #tpu.memory_space<vmem>> -> memref<80xi32, #tpu.memory_space<vmem>>
      %dma_wait3A_146 = tpu.memref_slice %arg3[%mul3A_2] : memref<320000xi32, #tpu.memory_space<hbm>> -> memref<80xi32, #tpu.memory_space<hbm>>
      %dma_wait3A_147 = arith.constant 0 : i32
      %dma_wait3A_148 = tpu.memref_slice %arg7[%dma_wait3A_142, %dma_wait3A_147] : memref<2x80xi32, #tpu.memory_space<vmem>> -> memref<1x80xi32, #tpu.memory_space<vmem>>
      %dma_wait3A_149 = tpu.memref_squeeze %dma_wait3A_148 : memref<1x80xi32, #tpu.memory_space<vmem>> -> memref<80xi32, #tpu.memory_space<vmem>>
      %dma_wait3A_150 = tpu.memref_slice %arg3[%mul3A_2] : memref<320000xi32, #tpu.memory_space<hbm>> -> memref<80xi32, #tpu.memory_space<hbm>>
      tpu.wait_dma2 semaphore(%arg10 : memref<!tpu.dma_semaphore, #tpu.memory_space<semaphore_mem>>) src(%dma_wait3A_150 : memref<80xi32, #tpu.memory_space<hbm>>) dst(%dma_wait3A_149 : memref<80xi32, #tpu.memory_space<vmem>>)
      %dma_wait3A_151 = arith.constant 1 : i32
      %dma_wait3A_152 = arith.constant 0 : i32
      %dma_wait3A_153 = arith.constant 0 : i32
      %dma_wait3A_154 = tpu.memref_slice %arg8[%dma_wait3A_151, %dma_wait3A_152, %dma_wait3A_153] : memref<2x80x128xf32, #tpu.memory_space<vmem>> -> memref<1x80x128xf32, #tpu.memory_space<vmem>>
      %dma_wait3A_155 = tpu.memref_squeeze %dma_wait3A_154 : memref<1x80x128xf32, #tpu.memory_space<vmem>> -> memref<80x128xf32, #tpu.memory_space<vmem>>
      %dma_wait3A_156 = arith.constant 0 : i32
      %dma_wait3A_157 = tpu.memref_slice %arg2[%mul3A_2, %dma_wait3A_156] : memref<320000x128xf32, #tpu.memory_space<hbm>> -> memref<80x128xf32, #tpu.memory_space<hbm>>
      %dma_wait3A_158 = arith.constant 0 : i32
      %dma_wait3A_159 = arith.constant 0 : i32
      %dma_wait3A_160 = tpu.memref_slice %arg8[%dma_wait3A_151, %dma_wait3A_158, %dma_wait3A_159] : memref<2x80x128xf32, #tpu.memory_space<vmem>> -> memref<1x80x128xf32, #tpu.memory_space<vmem>>
      %dma_wait3A_161 = tpu.memref_squeeze %dma_wait3A_160 : memref<1x80x128xf32, #tpu.memory_space<vmem>> -> memref<80x128xf32, #tpu.memory_space<vmem>>
      %dma_wait3A_162 = arith.constant 0 : i32
      %dma_wait3A_163 = tpu.memref_slice %arg2[%mul3A_2, %dma_wait3A_162] : memref<320000x128xf32, #tpu.memory_space<hbm>> -> memref<80x128xf32, #tpu.memory_space<hbm>>
      tpu.wait_dma2 semaphore(%arg10 : memref<!tpu.dma_semaphore, #tpu.memory_space<semaphore_mem>>) src(%dma_wait3A_163 : memref<80x128xf32, #tpu.memory_space<hbm>>) dst(%dma_wait3A_161 : memref<80x128xf32, #tpu.memory_space<vmem>>)
      %run_scoped3A_164 = arith.constant 1 : i32
      %run_scoped3A_165 = arith.constant 1 : i32
      "tpu.region"() ({
        %run_scoped3A_166 = tpu.sem_alloc : memref<!tpu.dma_semaphore, #tpu.memory_space<semaphore_mem>>
        %dma_start3A_167 = arith.constant 0 : i32
        %dma_start3A_168 = arith.constant 0 : i32
        %dma_start3A_169 = tpu.memref_slice %arg8[%run_scoped3A_164, %dma_start3A_167, %dma_start3A_168] : memref<2x80x128xf32, #tpu.memory_space<vmem>> -> memref<1x80x128xf32, #tpu.memory_space<vmem>>
        %dma_start3A_170 = tpu.memref_squeeze %dma_start3A_169 : memref<1x80x128xf32, #tpu.memory_space<vmem>> -> memref<80x128xf32, #tpu.memory_space<vmem>>
        %dma_start3A_171 = arith.constant 0 : i32
        %dma_start3A_172 = tpu.memref_slice %arg7[%run_scoped3A_165, %dma_start3A_171] : memref<2x80xi32, #tpu.memory_space<vmem>> -> memref<1x80xi32, #tpu.memory_space<vmem>>
        %dma_start3A_173 = tpu.memref_squeeze %dma_start3A_172 : memref<1x80xi32, #tpu.memory_space<vmem>> -> memref<80xi32, #tpu.memory_space<vmem>>
        %dma_start3A_174 = arith.constant 0 : i32
        %dma_start3A_175 = arith.constant 0 : i32
        %dma_start3A_176 = tpu.memref_slice %arg6[%dma_start3A_174, %dma_start3A_175] : memref<10240x128xf32, #tpu.memory_space<vmem_shared>> -> memref<10240x128xf32, #tpu.memory_space<vmem_shared>>
        tpu.enqueue_indirect_dma source(%dma_start3A_170 : memref<80x128xf32, #tpu.memory_space<vmem>>) target(%dma_start3A_176 : memref<10240x128xf32, #tpu.memory_space<vmem_shared>>) offsets(%dma_start3A_173 : memref<80xi32, #tpu.memory_space<vmem>>) semaphore(%run_scoped3A_166 : memref<!tpu.dma_semaphore, #tpu.memory_space<semaphore_mem>>) {add = true}
        %dma_wait3A_177 = arith.constant 0 : i32
        %dma_wait3A_178 = arith.constant 0 : i32
        %dma_wait3A_179 = tpu.memref_slice %arg8[%run_scoped3A_164, %dma_wait3A_177, %dma_wait3A_178] : memref<2x80x128xf32, #tpu.memory_space<vmem>> -> memref<1x80x128xf32, #tpu.memory_space<vmem>>
        %dma_wait3A_180 = tpu.memref_squeeze %dma_wait3A_179 : memref<1x80x128xf32, #tpu.memory_space<vmem>> -> memref<80x128xf32, #tpu.memory_space<vmem>>
        %dma_wait3A_181 = arith.constant 0 : i32
        %dma_wait3A_182 = tpu.memref_slice %arg7[%run_scoped3A_165, %dma_wait3A_181] : memref<2x80xi32, #tpu.memory_space<vmem>> -> memref<1x80xi32, #tpu.memory_space<vmem>>
        %dma_wait3A_183 = tpu.memref_squeeze %dma_wait3A_182 : memref<1x80xi32, #tpu.memory_space<vmem>> -> memref<80xi32, #tpu.memory_space<vmem>>
        %dma_wait3A_184 = arith.constant 0 : i32
        %dma_wait3A_185 = arith.constant 0 : i32
        %dma_wait3A_186 = tpu.memref_slice %arg6[%dma_wait3A_184, %dma_wait3A_185] : memref<10240x128xf32, #tpu.memory_space<vmem_shared>> -> memref<10240x128xf32, #tpu.memory_space<vmem_shared>>
        tpu.wait_indirect_dma semaphore(%run_scoped3A_166 : memref<!tpu.dma_semaphore, #tpu.memory_space<semaphore_mem>>) src(%dma_wait3A_180 : memref<80x128xf32, #tpu.memory_space<vmem>>) dst(%dma_wait3A_186 : memref<10240x128xf32, #tpu.memory_space<vmem_shared>>)
        tpu.yield
      }) : () -> ()
    }
    %scan3A_34 = arith.constant 62 : i32
    %dma_wait3A = arith.constant 0 : i32
    %dma_wait3A_35 = arith.constant 0 : i32
    %dma_wait3A_36 = tpu.memref_slice %arg7[%dma_wait3A, %dma_wait3A_35] : memref<2x80xi32, #tpu.memory_space<vmem>> -> memref<1x80xi32, #tpu.memory_space<vmem>>
    %dma_wait3A_37 = tpu.memref_squeeze %dma_wait3A_36 : memref<1x80xi32, #tpu.memory_space<vmem>> -> memref<80xi32, #tpu.memory_space<vmem>>
    %dma_wait3A_38 = tpu.memref_slice %arg3[%mul3A_2] : memref<320000xi32, #tpu.memory_space<hbm>> -> memref<80xi32, #tpu.memory_space<hbm>>
    %dma_wait3A_39 = arith.constant 0 : i32
    %dma_wait3A_40 = tpu.memref_slice %arg7[%dma_wait3A, %dma_wait3A_39] : memref<2x80xi32, #tpu.memory_space<vmem>> -> memref<1x80xi32, #tpu.memory_space<vmem>>
    %dma_wait3A_41 = tpu.memref_squeeze %dma_wait3A_40 : memref<1x80xi32, #tpu.memory_space<vmem>> -> memref<80xi32, #tpu.memory_space<vmem>>
    %dma_wait3A_42 = tpu.memref_slice %arg3[%mul3A_2] : memref<320000xi32, #tpu.memory_space<hbm>> -> memref<80xi32, #tpu.memory_space<hbm>>
    tpu.wait_dma2 semaphore(%arg9 : memref<!tpu.dma_semaphore, #tpu.memory_space<semaphore_mem>>) src(%dma_wait3A_42 : memref<80xi32, #tpu.memory_space<hbm>>) dst(%dma_wait3A_41 : memref<80xi32, #tpu.memory_space<vmem>>)
    %dma_wait3A_43 = arith.constant 0 : i32
    %dma_wait3A_44 = arith.constant 0 : i32
    %dma_wait3A_45 = arith.constant 0 : i32
    %dma_wait3A_46 = tpu.memref_slice %arg8[%dma_wait3A_43, %dma_wait3A_44, %dma_wait3A_45] : memref<2x80x128xf32, #tpu.memory_space<vmem>> -> memref<1x80x128xf32, #tpu.memory_space<vmem>>
    %dma_wait3A_47 = tpu.memref_squeeze %dma_wait3A_46 : memref<1x80x128xf32, #tpu.memory_space<vmem>> -> memref<80x128xf32, #tpu.memory_space<vmem>>
    %dma_wait3A_48 = arith.constant 0 : i32
    %dma_wait3A_49 = tpu.memref_slice %arg2[%mul3A_2, %dma_wait3A_48] : memref<320000x128xf32, #tpu.memory_space<hbm>> -> memref<80x128xf32, #tpu.memory_space<hbm>>
    %dma_wait3A_50 = arith.constant 0 : i32
    %dma_wait3A_51 = arith.constant 0 : i32
    %dma_wait3A_52 = tpu.memref_slice %arg8[%dma_wait3A_43, %dma_wait3A_50, %dma_wait3A_51] : memref<2x80x128xf32, #tpu.memory_space<vmem>> -> memref<1x80x128xf32, #tpu.memory_space<vmem>>
    %dma_wait3A_53 = tpu.memref_squeeze %dma_wait3A_52 : memref<1x80x128xf32, #tpu.memory_space<vmem>> -> memref<80x128xf32, #tpu.memory_space<vmem>>
    %dma_wait3A_54 = arith.constant 0 : i32
    %dma_wait3A_55 = tpu.memref_slice %arg2[%mul3A_2, %dma_wait3A_54] : memref<320000x128xf32, #tpu.memory_space<hbm>> -> memref<80x128xf32, #tpu.memory_space<hbm>>
    tpu.wait_dma2 semaphore(%arg9 : memref<!tpu.dma_semaphore, #tpu.memory_space<semaphore_mem>>) src(%dma_wait3A_55 : memref<80x128xf32, #tpu.memory_space<hbm>>) dst(%dma_wait3A_53 : memref<80x128xf32, #tpu.memory_space<vmem>>)
    %run_scoped3A = arith.constant 0 : i32
    %run_scoped3A_56 = arith.constant 0 : i32
    "tpu.region"() ({
      %run_scoped3A_59 = tpu.sem_alloc : memref<!tpu.dma_semaphore, #tpu.memory_space<semaphore_mem>>
      %dma_start3A_60 = arith.constant 0 : i32
      %dma_start3A_61 = arith.constant 0 : i32
      %dma_start3A_62 = tpu.memref_slice %arg8[%run_scoped3A, %dma_start3A_60, %dma_start3A_61] : memref<2x80x128xf32, #tpu.memory_space<vmem>> -> memref<1x80x128xf32, #tpu.memory_space<vmem>>
      %dma_start3A_63 = tpu.memref_squeeze %dma_start3A_62 : memref<1x80x128xf32, #tpu.memory_space<vmem>> -> memref<80x128xf32, #tpu.memory_space<vmem>>
      %dma_start3A_64 = arith.constant 0 : i32
      %dma_start3A_65 = tpu.memref_slice %arg7[%run_scoped3A_56, %dma_start3A_64] : memref<2x80xi32, #tpu.memory_space<vmem>> -> memref<1x80xi32, #tpu.memory_space<vmem>>
      %dma_start3A_66 = tpu.memref_squeeze %dma_start3A_65 : memref<1x80xi32, #tpu.memory_space<vmem>> -> memref<80xi32, #tpu.memory_space<vmem>>
      %dma_start3A_67 = arith.constant 0 : i32
      %dma_start3A_68 = arith.constant 0 : i32
      %dma_start3A_69 = tpu.memref_slice %arg6[%dma_start3A_67, %dma_start3A_68] : memref<10240x128xf32, #tpu.memory_space<vmem_shared>> -> memref<10240x128xf32, #tpu.memory_space<vmem_shared>>
      tpu.enqueue_indirect_dma source(%dma_start3A_63 : memref<80x128xf32, #tpu.memory_space<vmem>>) target(%dma_start3A_69 : memref<10240x128xf32, #tpu.memory_space<vmem_shared>>) offsets(%dma_start3A_66 : memref<80xi32, #tpu.memory_space<vmem>>) semaphore(%run_scoped3A_59 : memref<!tpu.dma_semaphore, #tpu.memory_space<semaphore_mem>>) {add = true}
      %dma_wait3A_70 = arith.constant 0 : i32
      %dma_wait3A_71 = arith.constant 0 : i32
      %dma_wait3A_72 = tpu.memref_slice %arg8[%run_scoped3A, %dma_wait3A_70, %dma_wait3A_71] : memref<2x80x128xf32, #tpu.memory_space<vmem>> -> memref<1x80x128xf32, #tpu.memory_space<vmem>>
      %dma_wait3A_73 = tpu.memref_squeeze %dma_wait3A_72 : memref<1x80x128xf32, #tpu.memory_space<vmem>> -> memref<80x128xf32, #tpu.memory_space<vmem>>
      %dma_wait3A_74 = arith.constant 0 : i32
      %dma_wait3A_75 = tpu.memref_slice %arg7[%run_scoped3A_56, %dma_wait3A_74] : memref<2x80xi32, #tpu.memory_space<vmem>> -> memref<1x80xi32, #tpu.memory_space<vmem>>
      %dma_wait3A_76 = tpu.memref_squeeze %dma_wait3A_75 : memref<1x80xi32, #tpu.memory_space<vmem>> -> memref<80xi32, #tpu.memory_space<vmem>>
      %dma_wait3A_77 = arith.constant 0 : i32
      %dma_wait3A_78 = arith.constant 0 : i32
      %dma_wait3A_79 = tpu.memref_slice %arg6[%dma_wait3A_77, %dma_wait3A_78] : memref<10240x128xf32, #tpu.memory_space<vmem_shared>> -> memref<10240x128xf32, #tpu.memory_space<vmem_shared>>
      tpu.wait_indirect_dma semaphore(%run_scoped3A_59 : memref<!tpu.dma_semaphore, #tpu.memory_space<semaphore_mem>>) src(%dma_wait3A_73 : memref<80x128xf32, #tpu.memory_space<vmem>>) dst(%dma_wait3A_79 : memref<10240x128xf32, #tpu.memory_space<vmem_shared>>)
      tpu.yield
    }) : () -> ()
    %barrier3A_57 = arith.constant 0 : index
    tpu.barrier barrier_id(%barrier3A_57)
    "tpu.region"() ({
      %run_scoped3A_59 = tpu.sem_alloc : memref<!tpu.dma_semaphore, #tpu.memory_space<semaphore_mem>>
      %dma_start3A_60 = arith.constant 0 : i32
      %dma_start3A_61 = tpu.memref_slice %arg5[%add3A_7, %dma_start3A_60] : memref<20480x128xf32, #tpu.memory_space<hbm>> -> memref<640x128xf32, #tpu.memory_space<hbm>>
      %dma_start3A_62 = arith.constant 0 : i32
      %dma_start3A_63 = tpu.memref_slice %arg6[%mul3A_4, %dma_start3A_62] : memref<10240x128xf32, #tpu.memory_space<vmem_shared>> -> memref<640x128xf32, #tpu.memory_space<vmem_shared>>
      tpu.enqueue_dma source(%dma_start3A_63 : memref<640x128xf32, #tpu.memory_space<vmem_shared>>) target(%dma_start3A_61 : memref<640x128xf32, #tpu.memory_space<hbm>>) target_semaphore(%run_scoped3A_59 : memref<!tpu.dma_semaphore, #tpu.memory_space<semaphore_mem>>)
      %dma_wait3A_64 = arith.constant 0 : i32
      %dma_wait3A_65 = tpu.memref_slice %arg5[%add3A_7, %dma_wait3A_64] : memref<20480x128xf32, #tpu.memory_space<hbm>> -> memref<640x128xf32, #tpu.memory_space<hbm>>
      %dma_wait3A_66 = arith.constant 0 : i32
      %dma_wait3A_67 = tpu.memref_slice %arg6[%mul3A_4, %dma_wait3A_66] : memref<10240x128xf32, #tpu.memory_space<vmem_shared>> -> memref<640x128xf32, #tpu.memory_space<vmem_shared>>
      tpu.wait_dma2 semaphore(%run_scoped3A_59 : memref<!tpu.dma_semaphore, #tpu.memory_space<semaphore_mem>>) src(%dma_wait3A_67 : memref<640x128xf32, #tpu.memory_space<vmem_shared>>) dst(%dma_wait3A_65 : memref<640x128xf32, #tpu.memory_space<hbm>>)
      tpu.yield
    }) : () -> ()
    %barrier3A_58 = arith.constant 0 : index
    tpu.barrier barrier_id(%barrier3A_58)
    return
  }
}

module attributes {stable_mosaic.version = 14 : i64} {
  func.func @_proj_body(%arg0: i32, %arg1: memref<2000x128xf32, #tpu.memory_space<vmem>>, %arg2: memref<128x128xf32, #tpu.memory_space<vmem>>, %arg3: memref<1x128xf32, #tpu.memory_space<vmem>>, %arg4: memref<2000x128xf32, #tpu.memory_space<vmem>>) attributes {dimension_semantics = [#tpu.dimension_semantics<arbitrary>], iteration_bounds = array<i64: 5>, scalar_prefetch = 0 : i64, scratch_operands = 0 : i64, tpu.core_type = #tpu.core_type<tc>, window_params = [{transform_indices = @transform_0, window_bounds = array<i64: 2000, 128>}, {pipeline_mode = #tpu.pipeline_mode<synchronous>, transform_indices = @transform_1, window_bounds = array<i64: 128, 128>}, {pipeline_mode = #tpu.pipeline_mode<synchronous>, transform_indices = @transform_2, window_bounds = array<i64: 1, 128>}, {transform_indices = @transform_3, window_bounds = array<i64: 2000, 128>}]} {
    %get3A = arith.constant 0 : index
    %get3A_0 = arith.constant 0 : index
    %get3A_1 = vector.load %arg1[%get3A, %get3A_0] : memref<2000x128xf32, #tpu.memory_space<vmem>>, vector<2000x128xf32>
    %get3A_2 = arith.constant 0 : index
    %get3A_3 = arith.constant 0 : index
    %get3A_4 = vector.load %arg2[%get3A_2, %get3A_3] : memref<128x128xf32, #tpu.memory_space<vmem>>, vector<128x128xf32>
    %dot_general3A = arith.constant dense<0.000000e+00> : vector<2000x128xf32>
    %dot_general3A_5 = tpu.matmul %get3A_1, %get3A_4, %dot_general3A {dimension_numbers = #tpu.dot_dimension_numbers<[1], [0], [0], [1], [0, 0, 1, 1], [], []>, transpose_lhs_hint = false} : vector<2000x128xf32>, vector<128x128xf32>, vector<2000x128xf32> -> vector<2000x128xf32>
    %get3A_6 = arith.constant 0 : index
    %get3A_7 = arith.constant 0 : index
    %get3A_8 = vector.load %arg3[%get3A_6, %get3A_7] : memref<1x128xf32, #tpu.memory_space<vmem>>, vector<1x128xf32>
    %add3A = vector.broadcast %get3A_8 : vector<1x128xf32> to vector<2000x128xf32>
    %add3A_9 = arith.addf %dot_general3A_5, %add3A : vector<2000x128xf32>
    %swap3A = arith.constant 0 : index
    %swap3A_10 = arith.constant 0 : index
    %swap3A_11 = vector.load %arg4[%swap3A, %swap3A_10] : memref<2000x128xf32, #tpu.memory_space<vmem>>, vector<2000x128xf32>
    tpu.vector_store %arg4[%swap3A, %swap3A_10], %add3A_9 {strides = array<i32>} : memref<2000x128xf32, #tpu.memory_space<vmem>>, vector<2000x128xf32>,
    return
  }
  func.func @transform_0(%arg0: i32) -> (i32, i32) {
    %c0_i32 = arith.constant 0 : i32
    %c0_i32_0 = arith.constant 0 : i32
    return %arg0, %c0_i32 : i32, i32
  }
  func.func @transform_1(%arg0: i32) -> (i32, i32) {
    %c0_i32 = arith.constant 0 : i32
    %c0_i32_0 = arith.constant 0 : i32
    %c0_i32_1 = arith.constant 0 : i32
    return %c0_i32, %c0_i32_0 : i32, i32
  }
  func.func @transform_2(%arg0: i32) -> (i32, i32) {
    %c0_i32 = arith.constant 0 : i32
    %c0_i32_0 = arith.constant 0 : i32
    %c0_i32_1 = arith.constant 0 : i32
    return %c0_i32, %c0_i32_0 : i32, i32
  }
  func.func @transform_3(%arg0: i32) -> (i32, i32) {
    %c0_i32 = arith.constant 0 : i32
    %c0_i32_0 = arith.constant 0 : i32
    return %arg0, %c0_i32 : i32, i32
  }
}

module attributes {stable_mosaic.version = 14 : i64} {
  func.func @_qkvs_body(%arg0: i32, %arg1: memref<2000x128xf32, #tpu.memory_space<vmem>>, %arg2: memref<128x128xf32, #tpu.memory_space<vmem>>, %arg3: memref<128x128xf32, #tpu.memory_space<vmem>>, %arg4: memref<128x128xf32, #tpu.memory_space<vmem>>, %arg5: memref<128x128xf32, #tpu.memory_space<vmem>>, %arg6: memref<1x128xf32, #tpu.memory_space<vmem>>, %arg7: memref<1x128xf32, #tpu.memory_space<vmem>>, %arg8: memref<1x128xf32, #tpu.memory_space<vmem>>, %arg9: memref<1x128xf32, #tpu.memory_space<vmem>>, %arg10: memref<2000x128xf32, #tpu.memory_space<vmem>>, %arg11: memref<2000x256xf32, #tpu.memory_space<vmem>>, %arg12: memref<2000x128xf32, #tpu.memory_space<vmem>>) attributes {dimension_semantics = [#tpu.dimension_semantics<arbitrary>], iteration_bounds = array<i64: 5>, scalar_prefetch = 0 : i64, scratch_operands = 0 : i64, tpu.core_type = #tpu.core_type<tc>, window_params = [{transform_indices = @transform_0, window_bounds = array<i64: 2000, 128>}, {pipeline_mode = #tpu.pipeline_mode<synchronous>, transform_indices = @transform_1, window_bounds = array<i64: 128, 128>}, {pipeline_mode = #tpu.pipeline_mode<synchronous>, transform_indices = @transform_2, window_bounds = array<i64: 128, 128>}, {pipeline_mode = #tpu.pipeline_mode<synchronous>, transform_indices = @transform_3, window_bounds = array<i64: 128, 128>}, {pipeline_mode = #tpu.pipeline_mode<synchronous>, transform_indices = @transform_4, window_bounds = array<i64: 128, 128>}, {pipeline_mode = #tpu.pipeline_mode<synchronous>, transform_indices = @transform_5, window_bounds = array<i64: 1, 128>}, {pipeline_mode = #tpu.pipeline_mode<synchronous>, transform_indices = @transform_6, window_bounds = array<i64: 1, 128>}, {pipeline_mode = #tpu.pipeline_mode<synchronous>, transform_indices = @transform_7, window_bounds = array<i64: 1, 128>}, {pipeline_mode = #tpu.pipeline_mode<synchronous>, transform_indices = @transform_8, window_bounds = array<i64: 1, 128>}, {transform_indices = @transform_9, window_bounds = array<i64: 2000, 128>}, {transform_indices = @transform_10, window_bounds = array<i64: 2000, 256>}, {transform_indices = @transform_11, window_bounds = array<i64: 2000, 128>}]} {
    %get3A = arith.constant 0 : index
    %get3A_0 = arith.constant 0 : index
    %get3A_1 = vector.load %arg1[%get3A, %get3A_0] : memref<2000x128xf32, #tpu.memory_space<vmem>>, vector<2000x128xf32>
    %get3A_2 = arith.constant 0 : index
    %get3A_3 = arith.constant 0 : index
    %get3A_4 = vector.load %arg2[%get3A_2, %get3A_3] : memref<128x128xf32, #tpu.memory_space<vmem>>, vector<128x128xf32>
    %dot_general3A = arith.constant dense<0.000000e+00> : vector<2000x128xf32>
    %dot_general3A_5 = tpu.matmul %get3A_1, %get3A_4, %dot_general3A {dimension_numbers = #tpu.dot_dimension_numbers<[1], [0], [0], [1], [0, 0, 1, 1], [], []>, transpose_lhs_hint = false} : vector<2000x128xf32>, vector<128x128xf32>, vector<2000x128xf32> -> vector<2000x128xf32>
    %get3A_6 = arith.constant 0 : index
    %get3A_7 = arith.constant 0 : index
    %get3A_8 = vector.load %arg6[%get3A_6, %get3A_7] : memref<1x128xf32, #tpu.memory_space<vmem>>, vector<1x128xf32>
    %add3A = vector.broadcast %get3A_8 : vector<1x128xf32> to vector<2000x128xf32>
    %add3A_9 = arith.addf %dot_general3A_5, %add3A : vector<2000x128xf32>
    %swap3A = arith.constant 0 : index
    %swap3A_10 = arith.constant 0 : index
    %swap3A_11 = vector.load %arg10[%swap3A, %swap3A_10] : memref<2000x128xf32, #tpu.memory_space<vmem>>, vector<2000x128xf32>
    tpu.vector_store %arg10[%swap3A, %swap3A_10], %add3A_9 {strides = array<i32>} : memref<2000x128xf32, #tpu.memory_space<vmem>>, vector<2000x128xf32>,
    %get3A_12 = arith.constant 0 : index
    %get3A_13 = arith.constant 0 : index
    %get3A_14 = vector.load %arg3[%get3A_12, %get3A_13] : memref<128x128xf32, #tpu.memory_space<vmem>>, vector<128x128xf32>
    %dot_general3A_15 = arith.constant dense<0.000000e+00> : vector<2000x128xf32>
    %dot_general3A_16 = tpu.matmul %get3A_1, %get3A_14, %dot_general3A_15 {dimension_numbers = #tpu.dot_dimension_numbers<[1], [0], [0], [1], [0, 0, 1, 1], [], []>, transpose_lhs_hint = false} : vector<2000x128xf32>, vector<128x128xf32>, vector<2000x128xf32> -> vector<2000x128xf32>
    %get3A_17 = arith.constant 0 : index
    %get3A_18 = arith.constant 0 : index
    %get3A_19 = vector.load %arg7[%get3A_17, %get3A_18] : memref<1x128xf32, #tpu.memory_space<vmem>>, vector<1x128xf32>
    %add3A_20 = vector.broadcast %get3A_19 : vector<1x128xf32> to vector<2000x128xf32>
    %add3A_21 = arith.addf %dot_general3A_16, %add3A_20 : vector<2000x128xf32>
    %get3A_22 = arith.constant 0 : index
    %get3A_23 = arith.constant 0 : index
    %get3A_24 = vector.load %arg4[%get3A_22, %get3A_23] : memref<128x128xf32, #tpu.memory_space<vmem>>, vector<128x128xf32>
    %dot_general3A_25 = arith.constant dense<0.000000e+00> : vector<2000x128xf32>
    %dot_general3A_26 = tpu.matmul %get3A_1, %get3A_24, %dot_general3A_25 {dimension_numbers = #tpu.dot_dimension_numbers<[1], [0], [0], [1], [0, 0, 1, 1], [], []>, transpose_lhs_hint = false} : vector<2000x128xf32>, vector<128x128xf32>, vector<2000x128xf32> -> vector<2000x128xf32>
    %get3A_27 = arith.constant 0 : index
    %get3A_28 = arith.constant 0 : index
    %get3A_29 = vector.load %arg8[%get3A_27, %get3A_28] : memref<1x128xf32, #tpu.memory_space<vmem>>, vector<1x128xf32>
    %add3A_30 = vector.broadcast %get3A_29 : vector<1x128xf32> to vector<2000x128xf32>
    %add3A_31 = arith.addf %dot_general3A_26, %add3A_30 : vector<2000x128xf32>
    %concatenate3A = tpu.concatenate %add3A_21, %add3A_31 in 1 : vector<2000x128xf32>, vector<2000x128xf32> -> vector<2000x256xf32>
    %swap3A_32 = arith.constant 0 : index
    %swap3A_33 = arith.constant 0 : index
    %swap3A_34 = vector.load %arg11[%swap3A_32, %swap3A_33] : memref<2000x256xf32, #tpu.memory_space<vmem>>, vector<2000x256xf32>
    tpu.vector_store %arg11[%swap3A_32, %swap3A_33], %concatenate3A {strides = array<i32>} : memref<2000x256xf32, #tpu.memory_space<vmem>>, vector<2000x256xf32>,
    %get3A_35 = arith.constant 0 : index
    %get3A_36 = arith.constant 0 : index
    %get3A_37 = vector.load %arg5[%get3A_35, %get3A_36] : memref<128x128xf32, #tpu.memory_space<vmem>>, vector<128x128xf32>
    %dot_general3A_38 = arith.constant dense<0.000000e+00> : vector<2000x128xf32>
    %dot_general3A_39 = tpu.matmul %get3A_1, %get3A_37, %dot_general3A_38 {dimension_numbers = #tpu.dot_dimension_numbers<[1], [0], [0], [1], [0, 0, 1, 1], [], []>, transpose_lhs_hint = false} : vector<2000x128xf32>, vector<128x128xf32>, vector<2000x128xf32> -> vector<2000x128xf32>
    %get3A_40 = arith.constant 0 : index
    %get3A_41 = arith.constant 0 : index
    %get3A_42 = vector.load %arg9[%get3A_40, %get3A_41] : memref<1x128xf32, #tpu.memory_space<vmem>>, vector<1x128xf32>
    %add3A_43 = vector.broadcast %get3A_42 : vector<1x128xf32> to vector<2000x128xf32>
    %add3A_44 = arith.addf %dot_general3A_39, %add3A_43 : vector<2000x128xf32>
    %swap3A_45 = arith.constant 0 : index
    %swap3A_46 = arith.constant 0 : index
    %swap3A_47 = vector.load %arg12[%swap3A_45, %swap3A_46] : memref<2000x128xf32, #tpu.memory_space<vmem>>, vector<2000x128xf32>
    tpu.vector_store %arg12[%swap3A_45, %swap3A_46], %add3A_44 {strides = array<i32>} : memref<2000x128xf32, #tpu.memory_space<vmem>>, vector<2000x128xf32>,
    return
  }
  func.func @transform_0(%arg0: i32) -> (i32, i32) {
    %c0_i32 = arith.constant 0 : i32
    %c0_i32_0 = arith.constant 0 : i32
    return %arg0, %c0_i32 : i32, i32
  }
  func.func @transform_1(%arg0: i32) -> (i32, i32) {
    %c0_i32 = arith.constant 0 : i32
    %c0_i32_0 = arith.constant 0 : i32
    %c0_i32_1 = arith.constant 0 : i32
    return %c0_i32, %c0_i32_0 : i32, i32
  }
  func.func @transform_2(%arg0: i32) -> (i32, i32) {
    %c0_i32 = arith.constant 0 : i32
    %c0_i32_0 = arith.constant 0 : i32
    %c0_i32_1 = arith.constant 0 : i32
    return %c0_i32, %c0_i32_0 : i32, i32
  }
  func.func @transform_3(%arg0: i32) -> (i32, i32) {
    %c0_i32 = arith.constant 0 : i32
    %c0_i32_0 = arith.constant 0 : i32
    %c0_i32_1 = arith.constant 0 : i32
    return %c0_i32, %c0_i32_0 : i32, i32
  }
  func.func @transform_4(%arg0: i32) -> (i32, i32) {
    %c0_i32 = arith.constant 0 : i32
    %c0_i32_0 = arith.constant 0 : i32
    %c0_i32_1 = arith.constant 0 : i32
    return %c0_i32, %c0_i32_0 : i32, i32
  }
  func.func @transform_5(%arg0: i32) -> (i32, i32) {
    %c0_i32 = arith.constant 0 : i32
    %c0_i32_0 = arith.constant 0 : i32
    %c0_i32_1 = arith.constant 0 : i32
    return %c0_i32, %c0_i32_0 : i32, i32
  }
  func.func @transform_6(%arg0: i32) -> (i32, i32) {
    %c0_i32 = arith.constant 0 : i32
    %c0_i32_0 = arith.constant 0 : i32
    %c0_i32_1 = arith.constant 0 : i32
    return %c0_i32, %c0_i32_0 : i32, i32
  }
  func.func @transform_7(%arg0: i32) -> (i32, i32) {
    %c0_i32 = arith.constant 0 : i32
    %c0_i32_0 = arith.constant 0 : i32
    %c0_i32_1 = arith.constant 0 : i32
    return %c0_i32, %c0_i32_0 : i32, i32
  }
  func.func @transform_8(%arg0: i32) -> (i32, i32) {
    %c0_i32 = arith.constant 0 : i32
    %c0_i32_0 = arith.constant 0 : i32
    %c0_i32_1 = arith.constant 0 : i32
    return %c0_i32, %c0_i32_0 : i32, i32
  }
  func.func @transform_9(%arg0: i32) -> (i32, i32) {
    %c0_i32 = arith.constant 0 : i32
    %c0_i32_0 = arith.constant 0 : i32
    return %arg0, %c0_i32 : i32, i32
  }
  func.func @transform_10(%arg0: i32) -> (i32, i32) {
    %c0_i32 = arith.constant 0 : i32
    %c0_i32_0 = arith.constant 0 : i32
    return %arg0, %c0_i32 : i32, i32
  }
  func.func @transform_11(%arg0: i32) -> (i32, i32) {
    %c0_i32 = arith.constant 0 : i32
    %c0_i32_0 = arith.constant 0 : i32
    return %arg0, %c0_i32 : i32, i32
  }
}

module attributes {stable_mosaic.version = 14 : i64} {
  func.func @_edge_body(%arg0: i32, %arg1: memref<2000x128xf32, #tpu.memory_space<vmem>>, %arg2: memref<2000x256xf32, #tpu.memory_space<vmem>>, %arg3: memref<2000x16xf32, #tpu.memory_space<vmem>>, %arg4: memref<16x128xf32, #tpu.memory_space<vmem>>, %arg5: memref<128x128xf32, #tpu.memory_space<vmem>>, %arg6: memref<1x128xf32, #tpu.memory_space<vmem>>, %arg7: memref<128x8xf32, #tpu.memory_space<vmem>>, %arg8: memref<8x128xf32, #tpu.memory_space<vmem>>, %arg9: memref<2000x128xf32, #tpu.memory_space<vmem>>, %arg10: memref<2000x128xf32, #tpu.memory_space<vmem>>) attributes {dimension_semantics = [#tpu.dimension_semantics<arbitrary>], iteration_bounds = array<i64: 160>, scalar_prefetch = 0 : i64, scratch_operands = 0 : i64, tpu.core_type = #tpu.core_type<tc>, window_params = [{transform_indices = @transform_0, window_bounds = array<i64: 2000, 128>}, {transform_indices = @transform_1, window_bounds = array<i64: 2000, 256>}, {transform_indices = @transform_2, window_bounds = array<i64: 2000, 16>}, {pipeline_mode = #tpu.pipeline_mode<synchronous>, transform_indices = @transform_3, window_bounds = array<i64: 16, 128>}, {pipeline_mode = #tpu.pipeline_mode<synchronous>, transform_indices = @transform_4, window_bounds = array<i64: 128, 128>}, {pipeline_mode = #tpu.pipeline_mode<synchronous>, transform_indices = @transform_5, window_bounds = array<i64: 1, 128>}, {pipeline_mode = #tpu.pipeline_mode<synchronous>, transform_indices = @transform_6, window_bounds = array<i64: 128, 8>}, {pipeline_mode = #tpu.pipeline_mode<synchronous>, transform_indices = @transform_7, window_bounds = array<i64: 8, 128>}, {transform_indices = @transform_8, window_bounds = array<i64: 2000, 128>}, {transform_indices = @transform_9, window_bounds = array<i64: 2000, 128>}]} {
    %get3A = arith.constant 0 : index
    %get3A_0 = arith.constant 0 : index
    %get3A_1 = vector.load %arg4[%get3A, %get3A_0] : memref<16x128xf32, #tpu.memory_space<vmem>>, vector<16x128xf32>
    %get3A_2 = arith.constant 0 : index
    %get3A_3 = arith.constant 0 : index
    %get3A_4 = vector.load %arg5[%get3A_2, %get3A_3] : memref<128x128xf32, #tpu.memory_space<vmem>>, vector<128x128xf32>
    %dot_general3A = arith.constant dense<0.000000e+00> : vector<16x128xf32>
    %dot_general3A_5 = tpu.matmul %get3A_1, %get3A_4, %dot_general3A {dimension_numbers = #tpu.dot_dimension_numbers<[1], [0], [0], [1], [0, 0, 1, 1], [], []>, transpose_lhs_hint = false} : vector<16x128xf32>, vector<128x128xf32>, vector<16x128xf32> -> vector<16x128xf32>
    %get3A_6 = arith.constant 0 : index
    %get3A_7 = arith.constant 0 : index
    %get3A_8 = vector.load %arg6[%get3A_6, %get3A_7] : memref<1x128xf32, #tpu.memory_space<vmem>>, vector<1x128xf32>
    %get3A_9 = arith.constant 0 : index
    %get3A_10 = arith.constant 0 : index
    %get3A_11 = vector.load %arg5[%get3A_9, %get3A_10] : memref<128x128xf32, #tpu.memory_space<vmem>>, vector<128x128xf32>
    %dot_general3A_12 = arith.constant dense<0.000000e+00> : vector<1x128xf32>
    %dot_general3A_13 = tpu.matmul %get3A_8, %get3A_11, %dot_general3A_12 {dimension_numbers = #tpu.dot_dimension_numbers<[1], [0], [0], [1], [0, 0, 1, 1], [], []>, transpose_lhs_hint = false} : vector<1x128xf32>, vector<128x128xf32>, vector<1x128xf32> -> vector<1x128xf32>
    %get3A_14 = arith.constant 0 : index
    %get3A_15 = arith.constant 0 : index
    %get3A_16 = vector.load %arg3[%get3A_14, %get3A_15] : memref<2000x16xf32, #tpu.memory_space<vmem>>, vector<2000x16xf32>
    %dot_general3A_17 = arith.constant dense<0.000000e+00> : vector<2000x128xf32>
    %dot_general3A_18 = tpu.matmul %get3A_16, %dot_general3A_5, %dot_general3A_17 {dimension_numbers = #tpu.dot_dimension_numbers<[1], [0], [0], [1], [0, 0, 1, 1], [], []>, transpose_lhs_hint = false} : vector<2000x16xf32>, vector<16x128xf32>, vector<2000x128xf32> -> vector<2000x128xf32>
    %add3A = vector.broadcast %dot_general3A_13 : vector<1x128xf32> to vector<2000x128xf32>
    %add3A_19 = arith.addf %dot_general3A_18, %add3A : vector<2000x128xf32>
    %get3A_20 = arith.constant 0 : index
    %get3A_21 = arith.constant 0 : index
    %get3A_22 = vector.load %arg2[%get3A_20, %get3A_21] : memref<2000x256xf32, #tpu.memory_space<vmem>>, vector<2000x256xf32>
    %slice3A = vector.extract_strided_slice %get3A_22 {offsets = [0, 0], sizes = [2000, 128], strides = [1, 1]} : vector<2000x256xf32> to vector<2000x128xf32>
    %add3A_23 = arith.addf %slice3A, %add3A_19 : vector<2000x128xf32>
    %slice3A_24 = vector.extract_strided_slice %get3A_22 {offsets = [0, 128], sizes = [2000, 128], strides = [1, 1]} : vector<2000x256xf32> to vector<2000x128xf32>
    %add3A_25 = arith.addf %slice3A_24, %add3A_19 : vector<2000x128xf32>
    %get3A_26 = arith.constant 0 : index
    %get3A_27 = arith.constant 0 : index
    %get3A_28 = vector.load %arg1[%get3A_26, %get3A_27] : memref<2000x128xf32, #tpu.memory_space<vmem>>, vector<2000x128xf32>
    %mul3A = arith.mulf %get3A_28, %add3A_23 : vector<2000x128xf32>
    %get3A_29 = arith.constant 0 : index
    %get3A_30 = arith.constant 0 : index
    %get3A_31 = vector.load %arg7[%get3A_29, %get3A_30] : memref<128x8xf32, #tpu.memory_space<vmem>>, vector<128x8xf32>
    %dot_general3A_32 = arith.constant dense<0.000000e+00> : vector<2000x8xf32>
    %dot_general3A_33 = tpu.matmul %mul3A, %get3A_31, %dot_general3A_32 {dimension_numbers = #tpu.dot_dimension_numbers<[1], [0], [0], [1], [0, 0, 1, 1], [], []>, transpose_lhs_hint = false} : vector<2000x128xf32>, vector<128x8xf32>, vector<2000x8xf32> -> vector<2000x8xf32>
    %mul3A_34 = arith.constant 2.500000e-01 : f32
    %mul3A_35 = vector.broadcast %mul3A_34 : f32 to vector<2000x8xf32>
    %mul3A_36 = arith.mulf %dot_general3A_33, %mul3A_35 : vector<2000x8xf32>
    %exp3A = math.exp %mul3A_36 : vector<2000x8xf32>
    %get3A_37 = arith.constant 0 : index
    %get3A_38 = arith.constant 0 : index
    %get3A_39 = vector.load %arg8[%get3A_37, %get3A_38] : memref<8x128xf32, #tpu.memory_space<vmem>>, vector<8x128xf32>
    %dot_general3A_40 = arith.constant dense<0.000000e+00> : vector<2000x128xf32>
    %dot_general3A_41 = tpu.matmul %exp3A, %get3A_39, %dot_general3A_40 {dimension_numbers = #tpu.dot_dimension_numbers<[1], [0], [0], [1], [0, 0, 1, 1], [], []>, transpose_lhs_hint = false} : vector<2000x8xf32>, vector<8x128xf32>, vector<2000x128xf32> -> vector<2000x128xf32>
    %swap3A = arith.constant 0 : index
    %swap3A_42 = arith.constant 0 : index
    %swap3A_43 = vector.load %arg10[%swap3A, %swap3A_42] : memref<2000x128xf32, #tpu.memory_space<vmem>>, vector<2000x128xf32>
    tpu.vector_store %arg10[%swap3A, %swap3A_42], %dot_general3A_41 {strides = array<i32>} : memref<2000x128xf32, #tpu.memory_space<vmem>>, vector<2000x128xf32>,
    %mul3A_44 = arith.mulf %dot_general3A_41, %add3A_25 : vector<2000x128xf32>
    %swap3A_45 = arith.constant 0 : index
    %swap3A_46 = arith.constant 0 : index
    %swap3A_47 = vector.load %arg9[%swap3A_45, %swap3A_46] : memref<2000x128xf32, #tpu.memory_space<vmem>>, vector<2000x128xf32>
    tpu.vector_store %arg9[%swap3A_45, %swap3A_46], %mul3A_44 {strides = array<i32>} : memref<2000x128xf32, #tpu.memory_space<vmem>>, vector<2000x128xf32>,
    return
  }
  func.func @transform_0(%arg0: i32) -> (i32, i32) {
    %c0_i32 = arith.constant 0 : i32
    %c0_i32_0 = arith.constant 0 : i32
    return %arg0, %c0_i32 : i32, i32
  }
  func.func @transform_1(%arg0: i32) -> (i32, i32) {
    %c0_i32 = arith.constant 0 : i32
    %c0_i32_0 = arith.constant 0 : i32
    return %arg0, %c0_i32 : i32, i32
  }
  func.func @transform_2(%arg0: i32) -> (i32, i32) {
    %c0_i32 = arith.constant 0 : i32
    %c0_i32_0 = arith.constant 0 : i32
    return %arg0, %c0_i32 : i32, i32
  }
  func.func @transform_3(%arg0: i32) -> (i32, i32) {
    %c0_i32 = arith.constant 0 : i32
    %c0_i32_0 = arith.constant 0 : i32
    %c0_i32_1 = arith.constant 0 : i32
    return %c0_i32, %c0_i32_0 : i32, i32
  }
  func.func @transform_4(%arg0: i32) -> (i32, i32) {
    %c0_i32 = arith.constant 0 : i32
    %c0_i32_0 = arith.constant 0 : i32
    %c0_i32_1 = arith.constant 0 : i32
    return %c0_i32, %c0_i32_0 : i32, i32
  }
  func.func @transform_5(%arg0: i32) -> (i32, i32) {
    %c0_i32 = arith.constant 0 : i32
    %c0_i32_0 = arith.constant 0 : i32
    %c0_i32_1 = arith.constant 0 : i32
    return %c0_i32, %c0_i32_0 : i32, i32
  }
  func.func @transform_6(%arg0: i32) -> (i32, i32) {
    %c0_i32 = arith.constant 0 : i32
    %c0_i32_0 = arith.constant 0 : i32
    %c0_i32_1 = arith.constant 0 : i32
    return %c0_i32, %c0_i32_0 : i32, i32
  }
  func.func @transform_7(%arg0: i32) -> (i32, i32) {
    %c0_i32 = arith.constant 0 : i32
    %c0_i32_0 = arith.constant 0 : i32
    %c0_i32_1 = arith.constant 0 : i32
    return %c0_i32, %c0_i32_0 : i32, i32
  }
  func.func @transform_8(%arg0: i32) -> (i32, i32) {
    %c0_i32 = arith.constant 0 : i32
    %c0_i32_0 = arith.constant 0 : i32
    return %arg0, %c0_i32 : i32, i32
  }
  func.func @transform_9(%arg0: i32) -> (i32, i32) {
    %c0_i32 = arith.constant 0 : i32
    %c0_i32_0 = arith.constant 0 : i32
    return %arg0, %c0_i32 : i32, i32
  }
}

module attributes {stable_mosaic.version = 14 : i64} {
  func.func @_norm_body(%arg0: i32, %arg1: memref<2000x128xf32, #tpu.memory_space<vmem>>, %arg2: memref<2000x128xf32, #tpu.memory_space<vmem>>, %arg3: memref<2000x128xf32, #tpu.memory_space<vmem>>, %arg4: memref<2000x128xf32, #tpu.memory_space<vmem>>, %arg5: memref<2000x128xf32, #tpu.memory_space<vmem>>, %arg6: memref<2000x128xf32, #tpu.memory_space<vmem>>, %arg7: memref<2000x128xf32, #tpu.memory_space<vmem>>) attributes {dimension_semantics = [#tpu.dimension_semantics<arbitrary>], iteration_bounds = array<i64: 5>, scalar_prefetch = 0 : i64, scratch_operands = 0 : i64, tpu.core_type = #tpu.core_type<tc>, window_params = [{transform_indices = @transform_0, window_bounds = array<i64: 2000, 128>}, {transform_indices = @transform_1, window_bounds = array<i64: 2000, 128>}, {transform_indices = @transform_2, window_bounds = array<i64: 2000, 128>}, {transform_indices = @transform_3, window_bounds = array<i64: 2000, 128>}, {transform_indices = @transform_4, window_bounds = array<i64: 2000, 128>}, {transform_indices = @transform_5, window_bounds = array<i64: 2000, 128>}, {transform_indices = @transform_6, window_bounds = array<i64: 2000, 128>}]} {
    %get3A = arith.constant 0 : index
    %get3A_0 = arith.constant 0 : index
    %get3A_1 = vector.load %arg3[%get3A, %get3A_0] : memref<2000x128xf32, #tpu.memory_space<vmem>>, vector<2000x128xf32>
    %get3A_2 = arith.constant 0 : index
    %get3A_3 = arith.constant 0 : index
    %get3A_4 = vector.load %arg4[%get3A_2, %get3A_3] : memref<2000x128xf32, #tpu.memory_space<vmem>>, vector<2000x128xf32>
    %add3A = arith.addf %get3A_1, %get3A_4 : vector<2000x128xf32>
    %get3A_5 = arith.constant 0 : index
    %get3A_6 = arith.constant 0 : index
    %get3A_7 = vector.load %arg1[%get3A_5, %get3A_6] : memref<2000x128xf32, #tpu.memory_space<vmem>>, vector<2000x128xf32>
    %get3A_8 = arith.constant 0 : index
    %get3A_9 = arith.constant 0 : index
    %get3A_10 = vector.load %arg2[%get3A_8, %get3A_9] : memref<2000x128xf32, #tpu.memory_space<vmem>>, vector<2000x128xf32>
    %add3A_11 = arith.addf %get3A_7, %get3A_10 : vector<2000x128xf32>
    %add3A_12 = arith.constant 1.000000e-16 : f32
    %add3A_13 = vector.broadcast %add3A_12 : f32 to vector<2000x128xf32>
    %add3A_14 = arith.addf %add3A, %add3A_13 : vector<2000x128xf32>
    %div3A = arith.divf %add3A_11, %add3A_14 : vector<2000x128xf32>
    %get3A_15 = arith.constant 0 : index
    %get3A_16 = arith.constant 0 : index
    %get3A_17 = vector.load %arg5[%get3A_15, %get3A_16] : memref<2000x128xf32, #tpu.memory_space<vmem>>, vector<2000x128xf32>
    %add3A_18 = arith.addf %div3A, %get3A_17 : vector<2000x128xf32>
    %get3A_19 = arith.constant 0 : index
    %get3A_20 = arith.constant 0 : index
    %get3A_21 = vector.load %arg6[%get3A_19, %get3A_20] : memref<2000x128xf32, #tpu.memory_space<vmem>>, vector<2000x128xf32>
    %max3A = arith.constant 0.000000e+00 : f32
    %max3A_22 = vector.broadcast %max3A : f32 to vector<2000x128xf32>
    %max3A_23 = arith.maximumf %add3A_18, %max3A_22 : vector<2000x128xf32>
    %add3A_24 = arith.addf %get3A_21, %max3A_23 : vector<2000x128xf32>
    %swap3A = arith.constant 0 : index
    %swap3A_25 = arith.constant 0 : index
    %swap3A_26 = vector.load %arg7[%swap3A, %swap3A_25] : memref<2000x128xf32, #tpu.memory_space<vmem>>, vector<2000x128xf32>
    tpu.vector_store %arg7[%swap3A, %swap3A_25], %add3A_24 {strides = array<i32>} : memref<2000x128xf32, #tpu.memory_space<vmem>>, vector<2000x128xf32>,
    return
  }
  func.func @transform_0(%arg0: i32) -> (i32, i32) {
    %c0_i32 = arith.constant 0 : i32
    %c0_i32_0 = arith.constant 0 : i32
    return %arg0, %c0_i32 : i32, i32
  }
  func.func @transform_1(%arg0: i32) -> (i32, i32) {
    %c0_i32 = arith.constant 0 : i32
    %c0_i32_0 = arith.constant 0 : i32
    return %arg0, %c0_i32 : i32, i32
  }
  func.func @transform_2(%arg0: i32) -> (i32, i32) {
    %c0_i32 = arith.constant 0 : i32
    %c0_i32_0 = arith.constant 0 : i32
    return %arg0, %c0_i32 : i32, i32
  }
  func.func @transform_3(%arg0: i32) -> (i32, i32) {
    %c0_i32 = arith.constant 0 : i32
    %c0_i32_0 = arith.constant 0 : i32
    return %arg0, %c0_i32 : i32, i32
  }
  func.func @transform_4(%arg0: i32) -> (i32, i32) {
    %c0_i32 = arith.constant 0 : i32
    %c0_i32_0 = arith.constant 0 : i32
    return %arg0, %c0_i32 : i32, i32
  }
  func.func @transform_5(%arg0: i32) -> (i32, i32) {
    %c0_i32 = arith.constant 0 : i32
    %c0_i32_0 = arith.constant 0 : i32
    return %arg0, %c0_i32 : i32, i32
  }
  func.func @transform_6(%arg0: i32) -> (i32, i32) {
    %c0_i32 = arith.constant 0 : i32
    %c0_i32_0 = arith.constant 0 : i32
    return %arg0, %c0_i32 : i32, i32
  }
}

module attributes {stable_mosaic.version = 14 : i64} {
  func.func @_final_body(%arg0: i32, %arg1: memref<2000x128xf32, #tpu.memory_space<vmem>>, %arg2: memref<1x128xf32, #tpu.memory_space<vmem>>, %arg3: memref<1x128xf32, #tpu.memory_space<vmem>>, %arg4: memref<128x128xf32, #tpu.memory_space<vmem>>, %arg5: memref<1x128xf32, #tpu.memory_space<vmem>>, %arg6: memref<1x128xf32, #tpu.memory_space<vmem>>, %arg7: memref<1x128xf32, #tpu.memory_space<vmem>>) attributes {dimension_semantics = [#tpu.dimension_semantics<arbitrary>], iteration_bounds = array<i64: 5>, scalar_prefetch = 0 : i64, scratch_operands = 1 : i64, tpu.core_type = #tpu.core_type<tc>, window_params = [{transform_indices = @transform_0, window_bounds = array<i64: 2000, 128>}, {pipeline_mode = #tpu.pipeline_mode<synchronous>, transform_indices = @transform_1, window_bounds = array<i64: 1, 128>}, {pipeline_mode = #tpu.pipeline_mode<synchronous>, transform_indices = @transform_2, window_bounds = array<i64: 1, 128>}, {pipeline_mode = #tpu.pipeline_mode<synchronous>, transform_indices = @transform_3, window_bounds = array<i64: 128, 128>}, {pipeline_mode = #tpu.pipeline_mode<synchronous>, transform_indices = @transform_4, window_bounds = array<i64: 1, 128>}, {pipeline_mode = #tpu.pipeline_mode<synchronous>, transform_indices = @transform_5, window_bounds = array<i64: 1, 128>}]} {
    %get3A = arith.constant 0 : index
    %get3A_0 = arith.constant 0 : index
    %get3A_1 = vector.load %arg1[%get3A, %get3A_0] : memref<2000x128xf32, #tpu.memory_space<vmem>>, vector<2000x128xf32>
    %reduce_sum3A = arith.constant dense<0.000000e+00> : vector<2000xf32>
    %reduce_sum3A_2 = vector.multi_reduction <add>, %get3A_1, %reduce_sum3A [1] : vector<2000x128xf32> to vector<2000xf32>
    %broadcast_in_dim3A = vector.shape_cast %reduce_sum3A_2 : vector<2000xf32> to vector<2000x1xf32>
    %div3A = arith.constant 1.280000e+02 : f32
    %div3A_3 = vector.broadcast %div3A : f32 to vector<2000x1xf32>
    %div3A_4 = arith.divf %broadcast_in_dim3A, %div3A_3 : vector<2000x1xf32>
    %sub3A = vector.broadcast %div3A_4 : vector<2000x1xf32> to vector<2000x128xf32>
    %sub3A_5 = arith.subf %get3A_1, %sub3A : vector<2000x128xf32>
    %integer_pow3A = arith.mulf %sub3A_5, %sub3A_5 : vector<2000x128xf32>
    %reduce_sum3A_6 = arith.constant dense<0.000000e+00> : vector<2000xf32>
    %reduce_sum3A_7 = vector.multi_reduction <add>, %integer_pow3A, %reduce_sum3A_6 [1] : vector<2000x128xf32> to vector<2000xf32>
    %broadcast_in_dim3A_8 = vector.shape_cast %reduce_sum3A_7 : vector<2000xf32> to vector<2000x1xf32>
    %div3A_9 = arith.constant 1.280000e+02 : f32
    %div3A_10 = vector.broadcast %div3A_9 : f32 to vector<2000x1xf32>
    %div3A_11 = arith.divf %broadcast_in_dim3A_8, %div3A_10 : vector<2000x1xf32>
    %sub3A_12 = vector.broadcast %div3A_4 : vector<2000x1xf32> to vector<2000x128xf32>
    %sub3A_13 = arith.subf %get3A_1, %sub3A_12 : vector<2000x128xf32>
    %add3A = arith.constant 9.99999974E-6 : f32
    %add3A_14 = vector.broadcast %add3A : f32 to vector<2000x1xf32>
    %add3A_15 = arith.addf %div3A_11, %add3A_14 : vector<2000x1xf32>
    %sqrt3A = math.sqrt %add3A_15 : vector<2000x1xf32>
    %div3A_16 = vector.broadcast %sqrt3A : vector<2000x1xf32> to vector<2000x128xf32>
    %div3A_17 = arith.divf %sub3A_13, %div3A_16 : vector<2000x128xf32>
    %get3A_18 = arith.constant 0 : index
    %get3A_19 = arith.constant 0 : index
    %get3A_20 = vector.load %arg2[%get3A_18, %get3A_19] : memref<1x128xf32, #tpu.memory_space<vmem>>, vector<1x128xf32>
    %mul3A = vector.broadcast %get3A_20 : vector<1x128xf32> to vector<2000x128xf32>
    %mul3A_21 = arith.mulf %div3A_17, %mul3A : vector<2000x128xf32>
    %get3A_22 = arith.constant 0 : index
    %get3A_23 = arith.constant 0 : index
    %get3A_24 = vector.load %arg3[%get3A_22, %get3A_23] : memref<1x128xf32, #tpu.memory_space<vmem>>, vector<1x128xf32>
    %add3A_25 = vector.broadcast %get3A_24 : vector<1x128xf32> to vector<2000x128xf32>
    %add3A_26 = arith.addf %mul3A_21, %add3A_25 : vector<2000x128xf32>
    %reduce_sum3A_27 = arith.constant dense<0.000000e+00> : vector<128xf32>
    %reduce_sum3A_28 = vector.multi_reduction <add>, %add3A_26, %reduce_sum3A_27 [0] : vector<2000x128xf32> to vector<128xf32>
    %broadcast_in_dim3A_29 = vector.shape_cast %reduce_sum3A_28 : vector<128xf32> to vector<1x128xf32>
    %eq3A = arith.constant 0 : i32
    %eq3A_30 = arith.cmpi eq, %arg0, %eq3A : i32
    %convert_element_type3A = arith.extui %eq3A_30 : i1 to i32
    %cond3A = arith.constant 0 : i32
    %cond3A_31 = arith.cmpi ne, %convert_element_type3A, %cond3A : i32
    scf.if %cond3A_31 {
      %broadcast_in_dim3A_43 = arith.constant 0.000000e+00 : f32
      %broadcast_in_dim3A_44 = vector.broadcast %broadcast_in_dim3A_43 : f32 to vector<1x128xf32>
      %swap3A_45 = arith.constant 0 : index
      %swap3A_46 = arith.constant 0 : index
      %swap3A_47 = vector.load %arg7[%swap3A_45, %swap3A_46] : memref<1x128xf32, #tpu.memory_space<vmem>>, vector<1x128xf32>
      tpu.vector_store %arg7[%swap3A_45, %swap3A_46], %broadcast_in_dim3A_44 {strides = array<i32>} : memref<1x128xf32, #tpu.memory_space<vmem>>, vector<1x128xf32>,
    } else {
    }
    %get3A_32 = arith.constant 0 : index
    %get3A_33 = arith.constant 0 : index
    %get3A_34 = vector.load %arg7[%get3A_32, %get3A_33] : memref<1x128xf32, #tpu.memory_space<vmem>>, vector<1x128xf32>
    %add3A_35 = arith.addf %get3A_34, %broadcast_in_dim3A_29 : vector<1x128xf32>
    %swap3A = arith.constant 0 : index
    %swap3A_36 = arith.constant 0 : index
    %swap3A_37 = vector.load %arg7[%swap3A, %swap3A_36] : memref<1x128xf32, #tpu.memory_space<vmem>>, vector<1x128xf32>
    tpu.vector_store %arg7[%swap3A, %swap3A_36], %add3A_35 {strides = array<i32>} : memref<1x128xf32, #tpu.memory_space<vmem>>, vector<1x128xf32>,
    %eq3A_38 = arith.constant 4 : i32
    %eq3A_39 = arith.cmpi eq, %arg0, %eq3A_38 : i32
    %convert_element_type3A_40 = arith.extui %eq3A_39 : i1 to i32
    %cond3A_41 = arith.constant 0 : i32
    %cond3A_42 = arith.cmpi ne, %convert_element_type3A_40, %cond3A_41 : i32
    scf.if %cond3A_42 {
      %get3A_43 = arith.constant 0 : index
      %get3A_44 = arith.constant 0 : index
      %get3A_45 = vector.load %arg7[%get3A_43, %get3A_44] : memref<1x128xf32, #tpu.memory_space<vmem>>, vector<1x128xf32>
      %mul3A_46 = arith.constant 9.99999974E-5 : f32
      %mul3A_47 = vector.broadcast %mul3A_46 : f32 to vector<1x128xf32>
      %mul3A_48 = arith.mulf %get3A_45, %mul3A_47 : vector<1x128xf32>
      %get3A_49 = arith.constant 0 : index
      %get3A_50 = arith.constant 0 : index
      %get3A_51 = vector.load %arg4[%get3A_49, %get3A_50] : memref<128x128xf32, #tpu.memory_space<vmem>>, vector<128x128xf32>
      %dot_general3A = arith.constant dense<0.000000e+00> : vector<1x128xf32>
      %dot_general3A_52 = tpu.matmul %mul3A_48, %get3A_51, %dot_general3A {dimension_numbers = #tpu.dot_dimension_numbers<[1], [0], [0], [1], [0, 0, 1, 1], [], []>, transpose_lhs_hint = false} : vector<1x128xf32>, vector<128x128xf32>, vector<1x128xf32> -> vector<1x128xf32>
      %get3A_53 = arith.constant 0 : index
      %get3A_54 = arith.constant 0 : index
      %get3A_55 = vector.load %arg5[%get3A_53, %get3A_54] : memref<1x128xf32, #tpu.memory_space<vmem>>, vector<1x128xf32>
      %add3A_56 = arith.addf %dot_general3A_52, %get3A_55 : vector<1x128xf32>
      %swap3A_57 = arith.constant 0 : index
      %swap3A_58 = arith.constant 0 : index
      %swap3A_59 = vector.load %arg6[%swap3A_57, %swap3A_58] : memref<1x128xf32, #tpu.memory_space<vmem>>, vector<1x128xf32>
      tpu.vector_store %arg6[%swap3A_57, %swap3A_58], %add3A_56 {strides = array<i32>} : memref<1x128xf32, #tpu.memory_space<vmem>>, vector<1x128xf32>,
    } else {
    }
    return
  }
  func.func @transform_0(%arg0: i32) -> (i32, i32) {
    %c0_i32 = arith.constant 0 : i32
    %c0_i32_0 = arith.constant 0 : i32
    return %arg0, %c0_i32 : i32, i32
  }
  func.func @transform_1(%arg0: i32) -> (i32, i32) {
    %c0_i32 = arith.constant 0 : i32
    %c0_i32_0 = arith.constant 0 : i32
    %c0_i32_1 = arith.constant 0 : i32
    return %c0_i32, %c0_i32_0 : i32, i32
  }
  func.func @transform_2(%arg0: i32) -> (i32, i32) {
    %c0_i32 = arith.constant 0 : i32
    %c0_i32_0 = arith.constant 0 : i32
    %c0_i32_1 = arith.constant 0 : i32
    return %c0_i32, %c0_i32_0 : i32, i32
  }
  func.func @transform_3(%arg0: i32) -> (i32, i32) {
    %c0_i32 = arith.constant 0 : i32
    %c0_i32_0 = arith.constant 0 : i32
    %c0_i32_1 = arith.constant 0 : i32
    return %c0_i32, %c0_i32_0 : i32, i32
  }
  func.func @transform_4(%arg0: i32) -> (i32, i32) {
    %c0_i32 = arith.constant 0 : i32
    %c0_i32_0 = arith.constant 0 : i32
    %c0_i32_1 = arith.constant 0 : i32
    return %c0_i32, %c0_i32_0 : i32, i32
  }
  func.func @transform_5(%arg0: i32) -> (i32, i32) {
    %c0_i32 = arith.constant 0 : i32
    %c0_i32_0 = arith.constant 0 : i32
    %c0_i32_1 = arith.constant 0 : i32
    return %c0_i32, %c0_i32_0 : i32, i32
  }
}

</mosaic_0001>

<sc_bundles>
// kernel: kernel.16.cloned.1.call-start
scs
__scs_entry_jumppad:
0x0: {  	(pc) =	sbr.rel $0x88, $3  }
0x1: {  	(tag) =	ssettag $0x0;
	lr =	simm.s32 $0x1  }
0x2: {  	[smem:$0x3F8D] =	sst lr;
	_ =	strace $0xD0000000  }
0x3: {  	_ = 	snop  }
0x4: {  	_ = 	snop  }
0x5: {  	_ = 	snop  }
0x6: {  	_ = 	snop  }
0x7: {  	_ = 	snop  }
__scs_overlays_trampoline_lowered:
0x8: {  	[smem:$0x3F9C] =	sst s0  }
0x9: {  	[smem:$0x3F9D] =	sst s1  }
0xa: {  	[smem:$0x3F9E] =	sst s2  }
0xb: {  	[smem:$0x3F9F] =	sst s3  }
0xc: {  	[smem:$0x3FA0] =	sst s4  }
0xd: {  	[smem:$0x3FA1] =	sst s5  }
0xe: {  	[smem:$0x3FA2] =	sst s6  }
0xf: {  	[smem:$0x3FA3] =	sst s7  }
0x10: {  	[smem:$0x3FA4] =	sst s8  }
0x11: {  	[smem:$0x3FA5] =	sst s9;
	s0 =	simm.s32 @!p0 $0x0  }
0x12: {  	s1 =	sld [smem:$0x3F8B];
	s0 =	simm.s32 @p0 $0x1  }
0x13: {  	[smem:$0x3FA6] =	sst s0;
	s0 =	simm.s32 @!p1 $0x0  }
0x14: {  	s2 =	sld [smem:$0x3F8A];
	s0 =	simm.s32 @p1 $0x1  }
0x15: {  	[smem:$0x3FA7] =	sst s0;
	s0 =	simm.s32 @!p2 $0x0  }
0x16: {  	s3 =	sld [smem:$0x3FDB];
	s0 =	simm.s32 @p2 $0x1  }
0x17: {  	s4 =	simm.s32 $0x1BF5;
	[smem:$0x3FA9] =	sst s0  }
0x18: {  	s0 =	sld [smem:$0x3F8C];
	_ =	swait.ge [sflag:s4], $0x0  }
0x19: {  	s7 =	sld [smem:$0x3F8D]  }
0x1a: {  	s8 =	sadd.s32 $0xFFFFE003, lr  }
0x1b: {  	s9 =	sadd.s32 $0xFFFFFEF7, lr;
	s5 =	simm.s32 $0xFFFFFFFF;
	p2 =	slt.u32 s8, $0xFFFFF086  }
0x1c: {  	p1 =	slt.u32 s9, $0xF7A;
	s5 =	simm.s32 @!p2 $0x0  }
0x1d: {  	s5 =	simm.s32 @p1 $0x1;
	p0 =	seq.s32 s7, s2  }
0x1e: {  	s7 =	smul.u32 @!p0 $0xF7A, s2;
	p2 =	seq.s32 @!p0 s5, $0x0  }
0x1f: {  	s9 =	smul.u32 $0xF7A, s1;
	s8 =	simm.s32 @!p0 $0x1BF5;
	p2 =	por !p2, p0  }
0x20: {  	[sflag:s8] =	ssyncset.s32 @!p0 $0xFFFFF086;
	s6 =	sadd.s32 @!p0 s3, s7;
	s7 =	simm.s32 @!p0 $0x108  }
0x21: {  	s3 =	sadd.s32 s3, s9;
	s6 =	sadd.s32 @!p0 $0x88, s6;
	s7 =	simm.s32 @p2 $0x1082  }
0x22: {  	[simem:s7], [sflag:s8] =	dma.local @!p0 [hbm:s6], $0xF7A  }
0x23: {  	s9 =	sor.u32 $0xD0000000, s2;
	s6 =	simm.s32 $0x108;
	_ =	swait.ge @!p0 [sflag:s8], $0x0  }
0x24: {  	s3 =	sadd.s32 $0x88, s3;
	s6 =	simm.s32 @!p1 $0x1082;
	[sflag:s4] =	ssyncset.s32 $0xFFFFF086  }
0x25: {  	[simem:s6], [sflag:s4] =	dma.local [hbm:s3], $0xF7A  }
0x26: {  	[smem:$0x3F8D] =	sst s1;
	(tag) =	ssettag s2;
	_ =	strace s9  }
0x27: {  	s1 =	sld [smem:$0x3F9D]  }
0x28: {  	s2 =	sld [smem:$0x3F9E]  }
0x29: {  	s4 =	sld [smem:$0x3FA0]  }
0x2a: {  	p0 =	seq.s32 s5, $0x0;
	s5 =	sld [smem:$0x3FA1]  }
0x2b: {  	s6 =	sld [smem:$0x3FA2]  }
0x2c: {  	s7 =	sld [smem:$0x3FA3]  }
0x2d: {  	s3 =	simm.s32 $0x108;
	s8 =	sld [smem:$0x3FA4]  }
0x2e: {  	s3 =	simm.s32 @!p0 $0x1082;
	s9 =	sld [smem:$0x3FA5]  }
0x2f: {  	lr =	sadd.s32 s0, s3;
	s0 =	sld [smem:$0x3F9C]  }
0x30: {  	s3 =	sld [smem:$0x3F9F]  }
0x31: {  	[smem:$0x3FA8] =	sst s10  }
0x32: {  	s10 =	sld [smem:$0x3FA6];
	_ =	sdelay $0x3  }
0x33: {  	p0 =	seq.s32 s10, $0x1;
	s10 =	sld [smem:$0x3FA8];
	_ =	sdelay $0x3  }
0x34: {  	[smem:$0x3FA8] =	sst s10  }
0x35: {  	s10 =	sld [smem:$0x3FA7];
	_ =	sdelay $0x3  }
0x36: {  	p1 =	seq.s32 s10, $0x1;
	s10 =	sld [smem:$0x3FA8];
	_ =	sdelay $0x3  }
0x37: {  	[smem:$0x3FA8] =	sst s10  }
0x38: {  	s10 =	sld [smem:$0x3FA9]  }
0x39: {  	_ = 	snop;
	(pc) =	sbr.ind lr, $3  }
0x3a: {  	_ = 	snop  }
0x3b: {  	_ = 	snop  }
0x3c: {  	p2 =	seq.s32 s10, $0x1;
	s10 =	sld [smem:$0x3FA8]  }
0x3d: {  	_ =	shalt  }
0x3e: {  	_ =	shalt  }
0x3f: {  	_ =	shalt  }
0x40: {  	_ =	shalt  }
0x41: {  	_ =	shalt  }
0x42: {  	_ =	shalt  }
0x43: {  	_ =	shalt  }
0x44: {  	_ =	shalt  }
0x45: {  	_ =	shalt  }
0x46: {  	_ =	shalt  }
0x47: {  	_ =	shalt  }
0x48: {  	_ =	shalt  }
0x49: {  	_ =	shalt  }
0x4a: {  	_ =	shalt  }
0x4b: {  	_ =	shalt  }
0x4c: {  	_ =	shalt  }
0x4d: {  	_ =	shalt  }
0x4e: {  	_ =	shalt  }
0x4f: {  	_ =	shalt  }
0x50: {  	_ =	shalt  }
0x51: {  	_ =	shalt  }
0x52: {  	_ =	shalt  }
0x53: {  	_ =	shalt  }
0x54: {  	_ =	shalt  }
0x55: {  	_ =	shalt  }
0x56: {  	_ =	shalt  }
0x57: {  	_ =	shalt  }
0x58: {  	_ =	shalt  }
0x59: {  	_ =	shalt  }
0x5a: {  	_ =	shalt  }
0x5b: {  	_ =	shalt  }
0x5c: {  	_ =	shalt  }
0x5d: {  	_ =	shalt  }
0x5e: {  	_ =	shalt  }
0x5f: {  	_ =	shalt  }
0x60: {  	_ =	shalt  }
0x61: {  	_ =	shalt  }
0x62: {  	_ =	shalt  }
0x63: {  	_ =	shalt  }
0x64: {  	_ =	shalt  }
0x65: {  	_ =	shalt  }
0x66: {  	_ =	shalt  }
0x67: {  	_ =	shalt  }
0x68: {  	_ =	shalt  }
0x69: {  	_ =	shalt  }
0x6a: {  	_ =	shalt  }
0x6b: {  	_ =	shalt  }
0x6c: {  	_ =	shalt  }
0x6d: {  	_ =	shalt  }
0x6e: {  	_ =	shalt  }
0x6f: {  	_ =	shalt  }
0x70: {  	_ =	shalt  }
0x71: {  	_ =	shalt  }
0x72: {  	_ =	shalt  }
0x73: {  	_ =	shalt  }
0x74: {  	_ =	shalt  }
0x75: {  	_ =	shalt  }
0x76: {  	_ =	shalt  }
0x77: {  	_ =	shalt  }
0x78: {  	_ =	shalt  }
0x79: {  	_ =	shalt  }
0x7a: {  	_ =	shalt  }
0x7b: {  	_ =	shalt  }
0x7c: {  	_ =	shalt  }
0x7d: {  	_ =	shalt  }
0x7e: {  	_ =	shalt  }
0x7f: {  	_ =	shalt  }
0x80: {  	_ =	shalt  }
0x81: {  	_ =	shalt  }
0x82: {  	_ =	shalt  }
0x83: {  	_ =	shalt  }
0x84: {  	_ =	shalt  }
0x85: {  	_ =	shalt  }
0x86: {  	_ =	shalt  }
0x87: {  	_ =	shalt  }
.Lfunc_end0:
.L_simem_size_0:
called_computation_lowered:
.L_overlay_start_0:
0x88: {  	s2 =	sld [smem:$0x3FD9]  }
0x89: {  	s3 =	sld [smem:$0x3FFE];
	_ =	sdelay $0x1  }
0x8a: {  	s1 =	srdreg.scid  }
0x8b: {  	s0 =	sand.u32 $0x1, s1  }
0x8c: {  	s16 =	sshll.u32 s0, $0xA;
	s2 =	sadd.s32 s3, s2  }
0x8d: {  	s2 =	sadd.s32 s2, s16  }
0x8e: {  	[smem:$0x3FB4] =	sst s2  }
0x8f: {  	_ = 	snop  }
0x90: {  	(tm) =	ssettm $0x1  }
0x91: {  	s17 =	sld [smem:$0x3FFB];
	_ =	sdelay $0x3  }
0x92: {  	_ =	strace s17  }
0x93: {  	s2 =	sld [smem:$0x3FFC];
	_ =	sdelay $0x3  }
0x94: {  	_ =	strace s2  }
0x95: {  	s2 =	sld [smem:$0x3FFD];
	_ =	sdelay $0x3  }
0x96: {  	_ =	strace s2  }
0x97: {  	_ =	strace $0x8FFFFFFF  }
0x98: {  	s18 =	sld [smem:$0x3FDB];
	_ =	sdelay $0x1  }
0x99: {  	s19 =	simm.s32 $_scs_section_size  }
0x9a: {  	s4 =	simm.s32 $_size__tile_overlayer_lowered;
	s5 =	simm.s32 $_tile_overlayer_lowered  }
0x9b: {  	s22 =	simm.s32 $0x1BFF;
	s21 =	sshll.u32 s5, $0x1;
	s2 =	sadd.s32 s19, s18  }
0x9c: {  	s6 =	simm.s32 $0x0;
	s20 =	sshll.u32 s4, $0x1;
	s4 =	sadd.s32 s21, s2  }
0x9d: {  	[timem:s6], [sflag:s22] =	dma.local [hbm:s4], s20  }
0x9e: {  	_ =	swait.ge [sflag:s22], s20  }
0x9f: {  	s3 =	ssub.s32 $0x0, s20;
	[sflag:s22] =	ssyncset.done $0x0  }
0xa0: {  	[sflag:s22] =	ssyncadd.s32 s3;
	_ =	sdelay $0x1  }
0xa1: {  	s23 =	simm.s32 $0x1B8B  }
0xa2: {  	_ =	swait.ge [sflag:s23], $0x1  }
0xa3: {  	[sflag:s23] =	ssyncset.done $0x0  }
0xa4: {  	s25 =	simm.s32 $0x1B8E;
	s24 =	sld [smem:$0x3FFE];
	[sflag:s23] =	ssyncadd.s32 $0xFFFFFFFF  }
0xa5: {  	s26 =	simm.s32 $execute0_lowered;
	[smem:$0x3FD2] =	sst s25  }
0xa6: {  	s4 =	sshll.u32 s26, $0x1;
	_ =	strace $0x80000046;
	[dreg:$0x1] =	wrdreg $0xFFFFFFFF  }
0xa7: {  	s28 =	simm.s32 $_size_execute0_lowered;
	s2 =	sadd.s32 s2, s4;
	[dreg:$0x0] =	wrdreg $0x0  }
0xa8: {  	s4 =	sshll.u32 s28, $0x1;
	[dreg:$0x2] =	wrdreg s2  }
0xa9: {  	[dreg:$0x3] =	wrdreg s4  }
0xaa: {  	[dreg:$0x4] =	wrdreg $0xC0  }
0xab: {  	_ =	task [dreg:s6], $0x5FFFF  }
0xac: {  	[dreg:$0x1] =	wrdreg $0xFFFFFFFF  }
0xad: {  	[dreg:$0x0] =	wrdreg $0x60  }
0xae: {  	[dreg:$0x2] =	wrdreg s24  }
0xaf: {  	[dreg:$0x3] =	wrdreg $0x9  }
0xb0: {  	_ =	task.clear_ibuf [dreg:s6], $0x4FFFF;
	_ =	strace $0x90000046  }
0xb1: {  	s29 =	simm.s32 $0x9;
	_ =	strace $0x80000048  }
0xb2: {  	_ =	swait.ge [sflag:s29], $0x1  }
0xb3: {  	[sflag:s29] =	ssyncadd.s32 $0xFFFFFFFF  }
0xb4: {  	_ =	strace $0x90000048  }
0xb5: {  	_ =	sfence  }
0xb6: {  	s30 =	sld [smem:$0x0];
	_ =	sdelay $0x2  }
0xb7: {  	s31 =	sshll.u32 s1, $0xD;
	s1 =	sshrl.u32 s1, $0x2  }
0xb8: {  	s3 =	sand.u32 $0x4000, s31;
	s1 =	sadd.s32 s1, s30  }
0xb9: {  	s0 =	sor.u32 s3, s0;
	s1 =	sshll.u32 s1, $0x11  }
0xba: {  	s0 =	sor.u32 s1, s0  }
0xbb: {  	s0 =	sadd.s32 $0x8F2B, s0  }
0xbc: {  	[sflag:s0] =	ssyncadd.remote.s32 $0x1  }
0xbd: {  	_ =	sfence.sel $0xFFFF  }
0xbe: {  	[dreg:$0x0] =	wrdreg $0xFFFFFFFF;
	(pc) =	sbr.abs _section_cstart, $3  }
0xbf: {  	[dreg:$0x1] =	wrdreg $0xFFFFFFFF  }
0xc0: {  	_ =	task.clear_ibuf [dreg:s6], $0x2FFFF;
	_ =	strace $0x9FFFFFFF  }
0xc1: {  	(tm) =	ssettm $0x7FFFFFFF  }
tec
execute0_lowered:
.L_overlay_start_1:
0x0: {  	(tag) =	ssettag $0x1  }
0x1: {  	s0 =	rddreg [dreg:$0x0];
	s1 =	srdreg.scid;
	s2 =	simm.s32 $0x0  }
0x2: {  	s14 =	stileid.u32;
	s17 =	simm.s32 $0x80;
	s18 =	simm.s32 $0x5A00  }
0x3: {  	s19 =	simm.s32 $0x6200;
	s20 =	simm.s32 $0x6A00;
	s21 =	simm.s32 $0x7200  }
0x4: {  	s22 =	simm.s32 $0x7A00;
	s28 =	simm.s32 $0x4A00;
	s29 =	simm.s32 $0x50  }
0x5: {  	s30 =	simm.s32 $0xA200;
	s31 =	simm.s32 $0x180;
	s1 =	sand.u32 $0x1, s1  }
0x6: {  	[smem:$0x7FF] =	sst s2;
	s3 =	sadd.s32 $0x46800, s0;
	s5 =	sadd.s32 $0x9400, s0  }
0x7: {  	s25 =	smul.u32 $0x2710, s14;
	_ =	strace $0x80000047;
	[dreg:$0x3] =	wrdreg s17  }
0x8: {  	s8 =	sadd.s32 $0xE2E00, s0;
	s26 =	smul.u32 $0x27100, s14;
	[dreg:$0x4] =	wrdreg s18  }
0x9: {  	s4 =	sshll.u32 s1, $0x4;
	s24 =	smul.u32 $0x27100, s1;
	[dreg:$0x5] =	wrdreg s19  }
0xa: {  	s9 =	ssub.s32 $0x2, s1;
	s13 =	smul.u32 $0x271000, s1;
	[dreg:$0x6] =	wrdreg s20  }
0xb: {  	s1 =	smul.u32 $0x4E2000, s1;
	s17 =	simm.s32 $0x100;
	[dreg:$0x7] =	wrdreg s21  }
0xc: {  	s18 =	simm.s32 $0x200;
	s20 =	simm.s32 $0x1200;
	[dreg:$0x8] =	wrdreg s22  }
0xd: {  	s21 =	simm.s32 $0x1A00;
	s22 =	simm.s32 $0x2200;
	s6 =	sor.u32 s14, s4  }
0xe: {  	s4 =	sadd.s32 $0x94A00, s0;
	s10 =	sshrl.u32 s9, $0x1;
	s7 =	smul.u32 $0x2710, s6  }
0xf: {  	s6 =	sadd.s32 $0x13200, s0;
	s0 =	sadd.s32 $0xAA6E00, s0;
	s9 =	ssub.s32 s9, s10  }
0x10: {  	s1 =	sadd.s32 s1, s8;
	s9 =	smax.u32 s9, $0x1;
	s11 =	sshrl.u32 s7, $0x3  }
0x11: {  	s7 =	sadd.s32 $0x26C0, s7;
	[dreg:$0x11] =	wrdreg s9;
	s23 =	sadd.s32 s5, s11  }
0x12: {  	s9 =	simm.s32 $0x3;
	s11 =	sadd.s32 s6, s11;
	[dreg:$0xd] =	wrdreg s23  }
0x13: {  	s12 =	sshll.u32 s7, $0x5;
	s7 =	sshll.u32 s7, $0x4;
	[dreg:$0xe] =	wrdreg s11  }
0x14: {  	s12 =	sadd.s32 s8, s12;
	s7 =	sadd.s32 s0, s7;
	s11 =	sadd.s32 s25, s24  }
0x15: {  	s0 =	sadd.s32 s13, s0;
	s23 =	simm.s32 $0x8200;
	[dreg:$0xf] =	wrdreg s12  }
0x16: {  	s24 =	simm.s32 $0x8A00;
	s25 =	simm.s32 $0x9200;
	[dreg:$0x10] =	wrdreg s7  }
0x17: {  	s8 =	simm.s32 $0x2;
	s10 =	sadd.s32 $0xA0, s11;
	[dreg:$0x9] =	wrdreg s23  }
0x18: {  	s12 =	smul.u32 $0x4E200, s14;
	s0 =	sadd.s32 s26, s0;
	[dreg:$0xa] =	wrdreg s24  }
0x19: {  	s13 =	sadd.s32 $0x50, s11;
	s11 =	simm.s32 $0xA00;
	[dreg:$0xb] =	wrdreg s25  }
0x1a: {  	s23 =	simm.s32 $0x2A00;
	s26 =	simm.s32 $0x9A00;
	[dreg:$0x12] =	wrdreg s10  }
0x1b: {  	s24 =	simm.s32 $0x3200;
	s25 =	simm.s32 $0x3A00;
	[dreg:$0x2] =	wrdreg s0  }
0x1c: {  	s7 =	simm.s32 $0x1;
	s15 =	sshrl.u32 s13, $0x3;
	[dreg:$0xc] =	wrdreg s26  }
0x1d: {  	s26 =	simm.s32 $0x4200;
	s14 =	sadd.s32 s12, s1;
	s16 =	sadd.s32 s15, s6  }
0x1e: {  	v2 =	vlaneseq.u32;
	s1 =	sadd.s32 s15, s5;
	s12 =	simm.s32 $0x0;
	[dreg:$0x14] =	wrdreg s16  }
0x1f: {  	vm0 =	vmmov $0xffff;
	v1 =	vshrl.u32 v2, $0x3;
	s0 =	sadd.s32 $0xA00, s14;
	[dreg:$0x15] =	wrdreg s1;
	s16 =	simm.s32 $0x5  }
0x20: {  	v0 =	vand.u32 $0x7, v2;
	v2 =	vor.u32 $0x8, v2;
	v1 =	vmul.u32 $0x8, v1;
	s1 =	simm.s32 $0xCA00;
	[dreg:$0x13] =	wrdreg s0;
	s0 =	simm.s32 $0x5200  }
.LBB2_1:
0x21: {  	[dreg:$0x16] =	wrdreg s12  }
0x22: {  	s10 =	rddreg [dreg:$0xd]  }
0x23: {  	[tilespmem:s2], [sflag:$0x5] =	stream.linear.gather [hbm4b:s10+s2], $0x50, $0x38;
	[tilespmem:$0xF200] =	vst v63  }
0x24: {  	_ =	swait.ge [sflag:s16], $0x50  }
0x25: {  	[sflag:s16] =	ssyncset.done $0x0  }
0x26: {  	s19 =	rddreg [dreg:$0xe];
	[sflag:s16] =	ssyncadd.s32 $0xFFFFFFB0  }
0x27: {  	[tilespmem:s17], [sflag:$0x5] =	stream.linear.gather [hbm4b:s19+s2], $0x50, $0x38;
	[tilespmem:$0xF200] =	vst v63  }
0x28: {  	_ =	swait.ge [sflag:s16], $0x50  }
0x29: {  	[sflag:s16] =	ssyncset.done $0x0  }
0x2a: {  	[sflag:s16] =	ssyncadd.s32 $0xFFFFFFB0  }
0x2b: {  	v3 =	vld [tilespmem:$0x0];
	_ =	sdelay $0x4  }
0x2c: {  	v4 =	vshll.u32 v3, $0x1  }
0x2d: {  	v3 =	vand.u32 $0x7, v3;
	v4 =	vand.u32 $0xFFFFFFF0, v4  }
0x2e: {  	v3 =	vor.u32 v3, v4  }
0x2f: {  	v4 =	vperm.xlane v3, v0;
	_ =	sdelay $0x1  }
0x30: {  	v3 =	vperm.xlane v3, v2;
	v4 =	vadd.s32 v1, v4;
	_ =	sdelay $0x1  }
0x31: {  	v3 =	vadd.s32 v1, v3;
	_ =	sdelay $0x2  }
0x32: {  	[tilespmem:s18], [sflag:$0x1] =	stream.indirect_vreg.gather [hbm4b:s3+s2], $0x80, v4, vm0, $0xb8;
	[tilespmem:$0xF200] =	vst v63  }
0x33: {  	_ = 	snop  }
0x34: {  	[tilespmem:s11], [sflag:$0x1] =	stream.indirect_vreg.gather [hbm4b:s3+s2], $0x80, v3, vm0, $0xb8;
	[tilespmem:$0xF200] =	vst v63  }
0x35: {  	v3 =	vld [tilespmem:$0x10];
	_ =	sdelay $0x4  }
0x36: {  	v60 =	vshll.u32 v3, $0x1  }
0x37: {  	v3 =	vand.u32 $0x7, v3;
	v4 =	vand.u32 $0xFFFFFFF0, v60  }
0x38: {  	v3 =	vor.u32 v3, v4  }
0x39: {  	v4 =	vperm.xlane v3, v0;
	_ =	sdelay $0x1  }
0x3a: {  	v3 =	vperm.xlane v3, v2;
	v4 =	vadd.s32 v1, v4;
	_ =	sdelay $0x1  }
0x3b: {  	v3 =	vadd.s32 v1, v3;
	_ =	sdelay $0x2  }
0x3c: {  	[tilespmem:s20], [sflag:$0x1] =	stream.indirect_vreg.gather [hbm4b:s3+s2], $0x80, v4, vm0, $0xb8;
	[tilespmem:$0xF200] =	vst v63  }
0x3d: {  	_ = 	snop  }
0x3e: {  	[tilespmem:s21], [sflag:$0x1] =	stream.indirect_vreg.gather [hbm4b:s3+s2], $0x80, v3, vm0, $0xb8;
	[tilespmem:$0xF200] =	vst v63  }
0x3f: {  	v3 =	vld [tilespmem:$0x20];
	_ =	sdelay $0x4  }
0x40: {  	v61 =	vshll.u32 v3, $0x1  }
0x41: {  	v3 =	vand.u32 $0x7, v3;
	v4 =	vand.u32 $0xFFFFFFF0, v61  }
0x42: {  	v3 =	vor.u32 v3, v4  }
0x43: {  	v4 =	vperm.xlane v3, v0;
	_ =	sdelay $0x1  }
0x44: {  	v3 =	vperm.xlane v3, v2;
	v4 =	vadd.s32 v1, v4;
	_ =	sdelay $0x1  }
0x45: {  	v3 =	vadd.s32 v1, v3;
	_ =	sdelay $0x2  }
0x46: {  	[tilespmem:s22], [sflag:$0x1] =	stream.indirect_vreg.gather [hbm4b:s3+s2], $0x80, v4, vm0, $0xb8;
	[tilespmem:$0xF200] =	vst v63  }
0x47: {  	_ = 	snop  }
0x48: {  	[tilespmem:s23], [sflag:$0x1] =	stream.indirect_vreg.gather [hbm4b:s3+s2], $0x80, v3, vm0, $0xb8;
	[tilespmem:$0xF200] =	vst v63  }
0x49: {  	v3 =	vld [tilespmem:$0x30];
	_ =	sdelay $0x4  }
0x4a: {  	v62 =	vshll.u32 v3, $0x1  }
0x4b: {  	v3 =	vand.u32 $0x7, v3;
	v4 =	vand.u32 $0xFFFFFFF0, v62  }
0x4c: {  	v3 =	vor.u32 v3, v4  }
0x4d: {  	v4 =	vperm.xlane v3, v0;
	_ =	sdelay $0x1  }
0x4e: {  	v3 =	vperm.xlane v3, v2;
	v4 =	vadd.s32 v1, v4;
	_ =	sdelay $0x1  }
0x4f: {  	v3 =	vadd.s32 v1, v3;
	_ =	sdelay $0x2  }
0x50: {  	[tilespmem:s24], [sflag:$0x1] =	stream.indirect_vreg.gather [hbm4b:s3+s2], $0x80, v4, vm0, $0xb8;
	[tilespmem:$0xF200] =	vst v63  }
0x51: {  	_ = 	snop  }
0x52: {  	[tilespmem:s25], [sflag:$0x1] =	stream.indirect_vreg.gather [hbm4b:s3+s2], $0x80, v3, vm0, $0xb8;
	[tilespmem:$0xF200] =	vst v63  }
0x53: {  	v3 =	vld [tilespmem:$0x40];
	_ =	sdelay $0x4  }
0x54: {  	v63 =	vshll.u32 v3, $0x1  }
0x55: {  	v3 =	vand.u32 $0x7, v3;
	v4 =	vand.u32 $0xFFFFFFF0, v63  }
0x56: {  	v3 =	vor.u32 v3, v4  }
0x57: {  	v4 =	vperm.xlane v3, v0;
	_ =	sdelay $0x1  }
0x58: {  	v3 =	vperm.xlane v3, v2;
	v4 =	vadd.s32 v1, v4;
	_ =	sdelay $0x1  }
0x59: {  	v3 =	vadd.s32 v1, v3  }
0x5a: {  	s15 =	rddreg [dreg:$0x15]  }
0x5b: {  	s14 =	rddreg [dreg:$0x14]  }
0x5c: {  	[tilespmem:s26], [sflag:$0x1] =	stream.indirect_vreg.gather [hbm4b:s3+s2], $0x80, v4, vm0, $0xb8;
	[tilespmem:$0xF200] =	vst v63  }
0x5d: {  	s13 =	rddreg [dreg:$0x13]  }
0x5e: {  	[tilespmem:s28], [sflag:$0x1] =	stream.indirect_vreg.gather [hbm4b:s3+s2], $0x80, v3, vm0, $0xb8;
	[tilespmem:$0xF200] =	vst v63  }
0x5f: {  	s10 =	simm.s32 $0x0;
	s12 =	rddreg [dreg:$0x12]  }
0x60: {  	[tilespmem:s30], [sflag:$0x1] =	stream.indirect.gather [hbm4b:s4+s29], $0x80, s17, s29, $0xb8;
	[tilespmem:$0xF200] =	vst v63  }
.LBB2_2:
0x61: {  	p0 =	seq.s32 s10, $0x0  }
0x62: {  	s11 =	simm.s32 @!p0 $0x4  }
0x63: {  	_ =	swait.ge @!p0 [sflag:s11], $0x5000  }
0x64: {  	[sflag:s11] =	ssyncset.done @!p0 $0x0  }
0x65: {  	[sflag:s11] =	ssyncadd.s32 @!p0 $0xFFFFB000  }
0x66: {  	_ =	swait.ge @!p0 [sflag:s11], $0x2800  }
0x67: {  	[sflag:s11] =	ssyncset.done @!p0 $0x0  }
0x68: {  	s19 =	rddreg [dreg:$0x3];
	[sflag:s11] =	ssyncadd.s32 @!p0 $0xFFFFD800  }
0x69: {  	[tilespmem:s19], [sflag:$0x5] =	stream.linear.gather [hbm4b:s15+s2], $0x50, $0x38;
	[tilespmem:$0xF200] =	vst v63  }
0x6a: {  	_ =	swait.ge [sflag:s16], $0x50  }
0x6b: {  	[sflag:s16] =	ssyncset.done $0x0  }
0x6c: {  	[sflag:s16] =	ssyncadd.s32 $0xFFFFFFB0  }
0x6d: {  	[tilespmem:s31], [sflag:$0x5] =	stream.linear.gather [hbm4b:s14+s2], $0x50, $0x38;
	[tilespmem:$0xF200] =	vst v63  }
0x6e: {  	_ =	swait.ge [sflag:s16], $0x50  }
0x6f: {  	[sflag:s16] =	ssyncset.done $0x0  }
0x70: {  	[sflag:s16] =	ssyncadd.s32 $0xFFFFFFB0  }
0x71: {  	v3 =	vld [tilespmem:$0x80];
	_ =	sdelay $0x4  }
0x72: {  	v4 =	vshll.u32 v3, $0x1  }
0x73: {  	v3 =	vand.u32 $0x7, v3;
	v4 =	vand.u32 $0xFFFFFFF0, v4  }
0x74: {  	v3 =	vor.u32 v3, v4  }
0x75: {  	v4 =	vperm.xlane v3, v0;
	_ =	sdelay $0x1  }
0x76: {  	v3 =	vperm.xlane v3, v2;
	v4 =	vadd.s32 v1, v4;
	_ =	sdelay $0x1  }
0x77: {  	v3 =	vadd.s32 v1, v3;
	_ =	sdelay $0x2  }
0x78: {  	[tilespmem:s0], [sflag:$0x2] =	stream.indirect_vreg.gather [hbm4b:s3+s2], $0x80, v4, vm0, $0xb8;
	[tilespmem:$0xF200] =	vst v63  }
0x79: {  	s19 =	rddreg [dreg:$0x4]  }
0x7a: {  	[tilespmem:s19], [sflag:$0x2] =	stream.indirect_vreg.gather [hbm4b:s3+s2], $0x80, v3, vm0, $0xb8;
	[tilespmem:$0xF200] =	vst v63  }
0x7b: {  	v3 =	vld [tilespmem:$0x90];
	_ =	sdelay $0x4  }
0x7c: {  	v55 =	vshll.u32 v3, $0x1  }
0x7d: {  	v3 =	vand.u32 $0x7, v3;
	v4 =	vand.u32 $0xFFFFFFF0, v55  }
0x7e: {  	v3 =	vor.u32 v3, v4  }
0x7f: {  	v4 =	vperm.xlane v3, v0;
	_ =	sdelay $0x1  }
0x80: {  	v3 =	vperm.xlane v3, v2;
	v4 =	vadd.s32 v1, v4;
	_ =	sdelay $0x1  }
0x81: {  	v3 =	vadd.s32 v1, v3;
	_ =	sdelay $0x1  }
0x82: {  	s11 =	rddreg [dreg:$0x5]  }
0x83: {  	[tilespmem:s11], [sflag:$0x2] =	stream.indirect_vreg.gather [hbm4b:s3+s2], $0x80, v4, vm0, $0xb8;
	[tilespmem:$0xF200] =	vst v63  }
0x84: {  	s19 =	rddreg [dreg:$0x6]  }
0x85: {  	[tilespmem:s19], [sflag:$0x2] =	stream.indirect_vreg.gather [hbm4b:s3+s2], $0x80, v3, vm0, $0xb8;
	[tilespmem:$0xF200] =	vst v63  }
0x86: {  	v3 =	vld [tilespmem:$0xA0];
	_ =	sdelay $0x4  }
0x87: {  	v56 =	vshll.u32 v3, $0x1  }
0x88: {  	v3 =	vand.u32 $0x7, v3;
	v4 =	vand.u32 $0xFFFFFFF0, v56  }
0x89: {  	v3 =	vor.u32 v3, v4  }
0x8a: {  	v4 =	vperm.xlane v3, v0;
	_ =	sdelay $0x1  }
0x8b: {  	v3 =	vperm.xlane v3, v2;
	v4 =	vadd.s32 v1, v4;
	_ =	sdelay $0x1  }
0x8c: {  	v3 =	vadd.s32 v1, v3;
	_ =	sdelay $0x1  }
0x8d: {  	s11 =	rddreg [dreg:$0x7]  }
0x8e: {  	[tilespmem:s11], [sflag:$0x2] =	stream.indirect_vreg.gather [hbm4b:s3+s2], $0x80, v4, vm0, $0xb8;
	[tilespmem:$0xF200] =	vst v63  }
0x8f: {  	s19 =	rddreg [dreg:$0x8]  }
0x90: {  	[tilespmem:s19], [sflag:$0x2] =	stream.indirect_vreg.gather [hbm4b:s3+s2], $0x80, v3, vm0, $0xb8;
	[tilespmem:$0xF200] =	vst v63  }
0x91: {  	v3 =	vld [tilespmem:$0xB0];
	_ =	sdelay $0x4  }
0x92: {  	v57 =	vshll.u32 v3, $0x1  }
0x93: {  	v3 =	vand.u32 $0x7, v3;
	v4 =	vand.u32 $0xFFFFFFF0, v57  }
0x94: {  	v3 =	vor.u32 v3, v4  }
0x95: {  	v4 =	vperm.xlane v3, v0;
	_ =	sdelay $0x1  }
0x96: {  	v3 =	vperm.xlane v3, v2;
	v4 =	vadd.s32 v1, v4;
	_ =	sdelay $0x1  }
0x97: {  	v3 =	vadd.s32 v1, v3;
	_ =	sdelay $0x1  }
0x98: {  	s11 =	rddreg [dreg:$0x9]  }
0x99: {  	[tilespmem:s11], [sflag:$0x2] =	stream.indirect_vreg.gather [hbm4b:s3+s2], $0x80, v4, vm0, $0xb8;
	[tilespmem:$0xF200] =	vst v63  }
0x9a: {  	s19 =	rddreg [dreg:$0xa]  }
0x9b: {  	[tilespmem:s19], [sflag:$0x2] =	stream.indirect_vreg.gather [hbm4b:s3+s2], $0x80, v3, vm0, $0xb8;
	[tilespmem:$0xF200] =	vst v63  }
0x9c: {  	v3 =	vld [tilespmem:$0xC0];
	_ =	sdelay $0x4  }
0x9d: {  	v58 =	vshll.u32 v3, $0x1  }
0x9e: {  	v3 =	vand.u32 $0x7, v3;
	v4 =	vand.u32 $0xFFFFFFF0, v58  }
0x9f: {  	v3 =	vor.u32 v3, v4  }
0xa0: {  	v4 =	vperm.xlane v3, v0;
	_ =	sdelay $0x1  }
0xa1: {  	v3 =	vperm.xlane v3, v2;
	v4 =	vadd.s32 v1, v4;
	_ =	sdelay $0x1  }
0xa2: {  	v3 =	vadd.s32 v1, v3;
	_ =	sdelay $0x1  }
0xa3: {  	s11 =	rddreg [dreg:$0xb]  }
0xa4: {  	[tilespmem:s11], [sflag:$0x2] =	stream.indirect_vreg.gather [hbm4b:s3+s2], $0x80, v4, vm0, $0xb8;
	[tilespmem:$0xF200] =	vst v63  }
0xa5: {  	s19 =	rddreg [dreg:$0xc]  }
0xa6: {  	[tilespmem:s19], [sflag:$0x2] =	stream.indirect_vreg.gather [hbm4b:s3+s2], $0x80, v3, vm0, $0xb8;
	[tilespmem:$0xF200] =	vst v63  }
0xa7: {  	_ = 	snop  }
0xa8: {  	[tilespmem:s1], [sflag:$0x2] =	stream.indirect.gather [hbm4b:s4+s29], $0x80, s31, s29, $0xb8;
	[tilespmem:$0xF200] =	vst v63  }
0xa9: {  	_ =	swait.ge [sflag:s7], $0x5000  }
0xaa: {  	[sflag:s7] =	ssyncset.done $0x0  }
0xab: {  	[sflag:s7] =	ssyncadd.s32 $0xFFFFB000  }
0xac: {  	_ =	swait.ge [sflag:s7], $0x2800  }
0xad: {  	[sflag:s7] =	ssyncset.done $0x0  }
0xae: {  	s19 =	sadd.s32 $0xFFFFF600, s13;
	s11 =	rddreg [dreg:$0x2];
	[sflag:s7] =	ssyncadd.s32 $0xFFFFD800  }
0xaf: {  	[hbm4b:s19+s2] =	stream.linear.scatter [tilespmem:s18], [sflag:$0x3], $0x5000, $0x38;
	[tilespmem:$0xF200] =	vst v63  }
0xb0: {  	s11 =	sadd.s32 s10, s11  }
0xb1: {  	[hbm4b:s11+s2] =	stream.linear.scatter [tilespmem:s30], [sflag:$0x3], $0x2800, $0x38;
	[tilespmem:$0xF200] =	vst v63  }
0xb2: {  	_ =	swait.ge [sflag:s8], $0x5000  }
0xb3: {  	[sflag:s8] =	ssyncset.done $0x0  }
0xb4: {  	[sflag:s8] =	ssyncadd.s32 $0xFFFFB000  }
0xb5: {  	_ =	swait.ge [sflag:s8], $0x2800  }
0xb6: {  	[sflag:s8] =	ssyncset.done $0x0  }
0xb7: {  	[sflag:s8] =	ssyncadd.s32 $0xFFFFD800  }
0xb8: {  	[hbm4b:s13+s2] =	stream.linear.scatter [tilespmem:s0], [sflag:$0x4], $0x5000, $0x38;
	[tilespmem:$0xF200] =	vst v63  }
0xb9: {  	s11 =	sadd.s32 $0x500, s11  }
0xba: {  	[hbm4b:s11+s2] =	stream.linear.scatter [tilespmem:s1], [sflag:$0x4], $0x2800, $0x38;
	[tilespmem:$0xF200] =	vst v63  }
0xbb: {  	_ =	swait.ge [sflag:s9], $0x5000  }
0xbc: {  	[sflag:s9] =	ssyncset.done $0x0  }
0xbd: {  	[sflag:s9] =	ssyncadd.s32 $0xFFFFB000  }
0xbe: {  	_ =	swait.ge [sflag:s9], $0x2800  }
0xbf: {  	s11 =	sshrl.u32 s12, $0x3;
	[sflag:s9] =	ssyncset.done $0x0  }
0xc0: {  	s19 =	sadd.s32 s5, s11;
	[sflag:s9] =	ssyncadd.s32 $0xFFFFD800  }
0xc1: {  	[tilespmem:s2], [sflag:$0x5] =	stream.linear.gather [hbm4b:s19+s2], $0x50, $0x38;
	[tilespmem:$0xF200] =	vst v63  }
0xc2: {  	_ =	swait.ge [sflag:s16], $0x50  }
0xc3: {  	[sflag:s16] =	ssyncset.done $0x0  }
0xc4: {  	s11 =	sadd.s32 s6, s11;
	[sflag:s16] =	ssyncadd.s32 $0xFFFFFFB0  }
0xc5: {  	[tilespmem:s17], [sflag:$0x5] =	stream.linear.gather [hbm4b:s11+s2], $0x50, $0x38;
	[tilespmem:$0xF200] =	vst v63  }
0xc6: {  	_ =	swait.ge [sflag:s16], $0x50  }
0xc7: {  	[sflag:s16] =	ssyncset.done $0x0  }
0xc8: {  	[sflag:s16] =	ssyncadd.s32 $0xFFFFFFB0  }
0xc9: {  	v3 =	vld [tilespmem:$0x0];
	_ =	sdelay $0x4  }
0xca: {  	v59 =	vshll.u32 v3, $0x1  }
0xcb: {  	v3 =	vand.u32 $0x7, v3;
	v4 =	vand.u32 $0xFFFFFFF0, v59  }
0xcc: {  	v3 =	vor.u32 v3, v4  }
0xcd: {  	v4 =	vperm.xlane v3, v0;
	_ =	sdelay $0x1  }
0xce: {  	v3 =	vperm.xlane v3, v2;
	v4 =	vadd.s32 v1, v4;
	_ =	sdelay $0x1  }
0xcf: {  	v3 =	vadd.s32 v1, v3;
	_ =	sdelay $0x2  }
0xd0: {  	[tilespmem:s18], [sflag:$0x1] =	stream.indirect_vreg.gather [hbm4b:s3+s2], $0x80, v4, vm0, $0xb8;
	[tilespmem:$0xF200] =	vst v63  }
0xd1: {  	s11 =	simm.s32 $0xA00  }
0xd2: {  	[tilespmem:s11], [sflag:$0x1] =	stream.indirect_vreg.gather [hbm4b:s3+s2], $0x80, v3, vm0, $0xb8;
	[tilespmem:$0xF200] =	vst v63  }
0xd3: {  	v3 =	vld [tilespmem:$0x10];
	_ =	sdelay $0x4  }
0xd4: {  	v60 =	vshll.u32 v3, $0x1  }
0xd5: {  	v3 =	vand.u32 $0x7, v3;
	v4 =	vand.u32 $0xFFFFFFF0, v60  }
0xd6: {  	v3 =	vor.u32 v3, v4  }
0xd7: {  	v4 =	vperm.xlane v3, v0;
	_ =	sdelay $0x1  }
0xd8: {  	v3 =	vperm.xlane v3, v2;
	v4 =	vadd.s32 v1, v4;
	_ =	sdelay $0x1  }
0xd9: {  	v3 =	vadd.s32 v1, v3;
	_ =	sdelay $0x2  }
0xda: {  	[tilespmem:s20], [sflag:$0x1] =	stream.indirect_vreg.gather [hbm4b:s3+s2], $0x80, v4, vm0, $0xb8;
	[tilespmem:$0xF200] =	vst v63  }
0xdb: {  	_ = 	snop  }
0xdc: {  	[tilespmem:s21], [sflag:$0x1] =	stream.indirect_vreg.gather [hbm4b:s3+s2], $0x80, v3, vm0, $0xb8;
	[tilespmem:$0xF200] =	vst v63  }
0xdd: {  	v3 =	vld [tilespmem:$0x20];
	_ =	sdelay $0x4  }
0xde: {  	v61 =	vshll.u32 v3, $0x1  }
0xdf: {  	v3 =	vand.u32 $0x7, v3;
	v4 =	vand.u32 $0xFFFFFFF0, v61  }
0xe0: {  	v3 =	vor.u32 v3, v4  }
0xe1: {  	v4 =	vperm.xlane v3, v0;
	_ =	sdelay $0x1  }
0xe2: {  	v3 =	vperm.xlane v3, v2;
	v4 =	vadd.s32 v1, v4;
	_ =	sdelay $0x1  }
0xe3: {  	v3 =	vadd.s32 v1, v3;
	_ =	sdelay $0x2  }
0xe4: {  	[tilespmem:s22], [sflag:$0x1] =	stream.indirect_vreg.gather [hbm4b:s3+s2], $0x80, v4, vm0, $0xb8;
	[tilespmem:$0xF200] =	vst v63  }
0xe5: {  	_ = 	snop  }
0xe6: {  	[tilespmem:s23], [sflag:$0x1] =	stream.indirect_vreg.gather [hbm4b:s3+s2], $0x80, v3, vm0, $0xb8;
	[tilespmem:$0xF200] =	vst v63  }
0xe7: {  	v3 =	vld [tilespmem:$0x30];
	_ =	sdelay $0x4  }
0xe8: {  	v62 =	vshll.u32 v3, $0x1  }
0xe9: {  	v3 =	vand.u32 $0x7, v3;
	v4 =	vand.u32 $0xFFFFFFF0, v62  }
0xea: {  	v3 =	vor.u32 v3, v4  }
0xeb: {  	v4 =	vperm.xlane v3, v0;
	_ =	sdelay $0x1  }
0xec: {  	v3 =	vperm.xlane v3, v2;
	v4 =	vadd.s32 v1, v4;
	_ =	sdelay $0x1  }
0xed: {  	v3 =	vadd.s32 v1, v3;
	_ =	sdelay $0x2  }
0xee: {  	[tilespmem:s24], [sflag:$0x1] =	stream.indirect_vreg.gather [hbm4b:s3+s2], $0x80, v4, vm0, $0xb8;
	[tilespmem:$0xF200] =	vst v63  }
0xef: {  	_ = 	snop  }
0xf0: {  	[tilespmem:s25], [sflag:$0x1] =	stream.indirect_vreg.gather [hbm4b:s3+s2], $0x80, v3, vm0, $0xb8;
	[tilespmem:$0xF200] =	vst v63  }
0xf1: {  	v3 =	vld [tilespmem:$0x40];
	_ =	sdelay $0x4  }
0xf2: {  	v63 =	vshll.u32 v3, $0x1  }
0xf3: {  	v3 =	vand.u32 $0x7, v3;
	v4 =	vand.u32 $0xFFFFFFF0, v63  }
0xf4: {  	v3 =	vor.u32 v3, v4  }
0xf5: {  	v4 =	vperm.xlane v3, v0;
	_ =	sdelay $0x1  }
0xf6: {  	v4 =	vadd.s32 v1, v4  }
0xf7: {  	v3 =	vperm.xlane v3, v2;
	_ =	sdelay $0x1  }
0xf8: {  	s10 =	sadd.s32 $0xA00, s10;
	v3 =	vadd.s32 v1, v3  }
0xf9: {  	p0 =	sne.s32 s10, $0x26C00  }
0xfa: {  	[tilespmem:s26], [sflag:$0x1] =	stream.indirect_vreg.gather [hbm4b:s3+s2], $0x80, v4, vm0, $0xb8;
	[tilespmem:$0xF200] =	vst v63  }
.Ltmp0:
0xfb: {  	_ = 	snop;
	(pc) =	sbr.rel @p0 .LBB2_2-.Ltmp0, $4  }
0xfc: {  	s15 =	sadd.s32 $0x14, s15  }
0xfd: {  	[tilespmem:s28], [sflag:$0x1] =	stream.indirect_vreg.gather [hbm4b:s3+s2], $0x80, v3, vm0, $0xb8;
	[tilespmem:$0xF200] =	vst v63  }
0xfe: {  	s14 =	sadd.s32 $0x14, s14;
	s13 =	sadd.s32 $0x1400, s13;
	s12 =	sadd.s32 $0xA0, s12  }
0xff: {  	[tilespmem:s30], [sflag:$0x1] =	stream.indirect.gather [hbm4b:s4+s29], $0x80, s17, s29, $0xb8;
	[tilespmem:$0xF200] =	vst v63  }
0x100: {  	_ =	swait.ge [sflag:s7], $0x5000  }
0x101: {  	[sflag:s7] =	ssyncset.done $0x0  }
0x102: {  	[sflag:s7] =	ssyncadd.s32 $0xFFFFB000  }
0x103: {  	_ =	swait.ge [sflag:s7], $0x2800  }
0x104: {  	[sflag:s7] =	ssyncset.done $0x0  }
0x105: {  	s10 =	simm.s32 $0x4;
	[sflag:s7] =	ssyncadd.s32 $0xFFFFD800  }
0x106: {  	_ =	swait.ge [sflag:s10], $0x5000  }
0x107: {  	[sflag:s10] =	ssyncset.done $0x0  }
0x108: {  	[sflag:s10] =	ssyncadd.s32 $0xFFFFB000  }
0x109: {  	_ =	swait.ge [sflag:s10], $0x2800  }
0x10a: {  	[sflag:s10] =	ssyncset.done $0x0  }
0x10b: {  	s14 =	rddreg [dreg:$0xf];
	[sflag:s10] =	ssyncadd.s32 $0xFFFFD800  }
0x10c: {  	[hbm4b:s14+s2] =	stream.linear.scatter [tilespmem:s18], [sflag:$0x3], $0x5000, $0x38;
	[tilespmem:$0xF200] =	vst v63  }
0x10d: {  	s15 =	rddreg [dreg:$0x10]  }
0x10e: {  	[hbm4b:s15+s2] =	stream.linear.scatter [tilespmem:s30], [sflag:$0x3], $0x2800, $0x38;
	[tilespmem:$0xF200] =	vst v63  }
0x10f: {  	_ =	swait.ge [sflag:s9], $0x5000  }
0x110: {  	[sflag:s9] =	ssyncset.done $0x0  }
0x111: {  	[sflag:s9] =	ssyncadd.s32 $0xFFFFB000  }
0x112: {  	_ =	swait.ge [sflag:s9], $0x2800  }
0x113: {  	s12 =	rddreg [dreg:$0x16]  }
0x114: {  	s19 =	rddreg [dreg:$0x11];
	s12 =	sadd.s32 $0x1, s12  }
0x115: {  	p0 =	sne.s32 s12, s19  }
.Ltmp1:
0x116: {  	_ = 	snop;
	(pc) =	sbr.rel @p0 .LBB2_1-.Ltmp1, $3  }
0x117: {  	_ =	sdelay $0x1  }
0x118: {  	[sflag:s9] =	ssyncset.done $0x0  }
0x119: {  	[sflag:s9] =	ssyncadd.s32 $0xFFFFD800  }
0x11a: {  	_ =	sfence.sel $0x180000  }
0x11b: {  	[bflag:$0x0] =	sbarrier.arrive $0xFFFF  }
0x11c: {  	_ =	strace $0x90000047  }
0x11d: {  	s0 =	stileid.u32;
	[bflag:$0x2] =	sbarrier.arrive $0xFFFF  }
0x11e: {  	p0 =	sne.s32 s0, $0x0;
	s0 =	rddreg [dreg:$0x1]  }
0x11f: {  	s0 =	sadd.s32 @!p0 $0x100000, s0  }
0x120: {  	[sflag:s0] =	ssyncadd.tile.s32 @!p0 $0x1;
	_ =	shalt  }
.Lfunc_end2:
_tile_overlayer_lowered:
.L_overlay_start_2:
0x121: {  	(tag) =	ssettag $0x2  }
0x122: {  	s0 =	rddreg [dreg:$0x0];
	s2 =	stileid.u32  }
0x123: {  	s1 =	rddreg [dreg:$0x1];
	p0 =	sne.s32 s2, $0x0  }
0x124: {  	s3 =	rddreg [dreg:$0x2];
	[bflag:$0x3] =	sbarrier.arrive $0xFFFF;
	s2 =	simm.s32 @!p0 $0x1C05  }
0x125: {  	[timem:s3], [sflag:s2] =	dma.local @!p0 [hbm:s0], s1  }
0x126: {  	s0 =	simm.s32 @!p0 $0x5  }
0x127: {  	_ =	swait.ge @!p0 [sflag:s0], s1  }
0x128: {  	s1 =	ssub.s32 @!p0 $0x0, s1;
	[sflag:s0] =	ssyncset.done @!p0 $0x0  }
0x129: {  	[sflag:s0] =	ssyncadd.s32 @!p0 s1  }
0x12a: {  	[bflag:$0x3] =	sbarrier.arrive $0xFFFF  }
0x12b: {  	_ =	shalt  }

// kernel: kernel.19.cloned.1.call-start
scs
__scs_entry_jumppad:
0x0: {  	(pc) =	sbr.rel $0x88, $3  }
0x1: {  	(tag) =	ssettag $0x0;
	lr =	simm.s32 $0x1  }
0x2: {  	[smem:$0x3F8D] =	sst lr;
	_ =	strace $0xD0000000  }
0x3: {  	_ = 	snop  }
0x4: {  	_ = 	snop  }
0x5: {  	_ = 	snop  }
0x6: {  	_ = 	snop  }
0x7: {  	_ = 	snop  }
__scs_overlays_trampoline_lowered:
0x8: {  	[smem:$0x3F9C] =	sst s0  }
0x9: {  	[smem:$0x3F9D] =	sst s1  }
0xa: {  	[smem:$0x3F9E] =	sst s2  }
0xb: {  	[smem:$0x3F9F] =	sst s3  }
0xc: {  	[smem:$0x3FA0] =	sst s4  }
0xd: {  	[smem:$0x3FA1] =	sst s5  }
0xe: {  	[smem:$0x3FA2] =	sst s6  }
0xf: {  	[smem:$0x3FA3] =	sst s7  }
0x10: {  	[smem:$0x3FA4] =	sst s8  }
0x11: {  	[smem:$0x3FA5] =	sst s9;
	s0 =	simm.s32 @!p0 $0x0  }
0x12: {  	s1 =	sld [smem:$0x3F8B];
	s0 =	simm.s32 @p0 $0x1  }
0x13: {  	[smem:$0x3FA6] =	sst s0;
	s0 =	simm.s32 @!p1 $0x0  }
0x14: {  	s2 =	sld [smem:$0x3F8A];
	s0 =	simm.s32 @p1 $0x1  }
0x15: {  	[smem:$0x3FA7] =	sst s0;
	s0 =	simm.s32 @!p2 $0x0  }
0x16: {  	s3 =	sld [smem:$0x3FDB];
	s0 =	simm.s32 @p2 $0x1  }
0x17: {  	s4 =	simm.s32 $0x1BF5;
	[smem:$0x3FA9] =	sst s0  }
0x18: {  	s0 =	sld [smem:$0x3F8C];
	_ =	swait.ge [sflag:s4], $0x0  }
0x19: {  	s7 =	sld [smem:$0x3F8D]  }
0x1a: {  	s8 =	sadd.s32 $0xFFFFE003, lr  }
0x1b: {  	s9 =	sadd.s32 $0xFFFFFEF7, lr;
	s5 =	simm.s32 $0xFFFFFFFF;
	p2 =	slt.u32 s8, $0xFFFFF086  }
0x1c: {  	p1 =	slt.u32 s9, $0xF7A;
	s5 =	simm.s32 @!p2 $0x0  }
0x1d: {  	s5 =	simm.s32 @p1 $0x1;
	p0 =	seq.s32 s7, s2  }
0x1e: {  	s7 =	smul.u32 @!p0 $0xF7A, s2;
	p2 =	seq.s32 @!p0 s5, $0x0  }
0x1f: {  	s9 =	smul.u32 $0xF7A, s1;
	s8 =	simm.s32 @!p0 $0x1BF5;
	p2 =	por !p2, p0  }
0x20: {  	[sflag:s8] =	ssyncset.s32 @!p0 $0xFFFFF086;
	s6 =	sadd.s32 @!p0 s3, s7;
	s7 =	simm.s32 @!p0 $0x108  }
0x21: {  	s3 =	sadd.s32 s3, s9;
	s6 =	sadd.s32 @!p0 $0x88, s6;
	s7 =	simm.s32 @p2 $0x1082  }
0x22: {  	[simem:s7], [sflag:s8] =	dma.local @!p0 [hbm:s6], $0xF7A  }
0x23: {  	s9 =	sor.u32 $0xD0000000, s2;
	s6 =	simm.s32 $0x108;
	_ =	swait.ge @!p0 [sflag:s8], $0x0  }
0x24: {  	s3 =	sadd.s32 $0x88, s3;
	s6 =	simm.s32 @!p1 $0x1082;
	[sflag:s4] =	ssyncset.s32 $0xFFFFF086  }
0x25: {  	[simem:s6], [sflag:s4] =	dma.local [hbm:s3], $0xF7A  }
0x26: {  	[smem:$0x3F8D] =	sst s1;
	(tag) =	ssettag s2;
	_ =	strace s9  }
0x27: {  	s1 =	sld [smem:$0x3F9D]  }
0x28: {  	s2 =	sld [smem:$0x3F9E]  }
0x29: {  	s4 =	sld [smem:$0x3FA0]  }
0x2a: {  	p0 =	seq.s32 s5, $0x0;
	s5 =	sld [smem:$0x3FA1]  }
0x2b: {  	s6 =	sld [smem:$0x3FA2]  }
0x2c: {  	s7 =	sld [smem:$0x3FA3]  }
0x2d: {  	s3 =	simm.s32 $0x108;
	s8 =	sld [smem:$0x3FA4]  }
0x2e: {  	s3 =	simm.s32 @!p0 $0x1082;
	s9 =	sld [smem:$0x3FA5]  }
0x2f: {  	lr =	sadd.s32 s0, s3;
	s0 =	sld [smem:$0x3F9C]  }
0x30: {  	s3 =	sld [smem:$0x3F9F]  }
0x31: {  	[smem:$0x3FA8] =	sst s10  }
0x32: {  	s10 =	sld [smem:$0x3FA6];
	_ =	sdelay $0x3  }
0x33: {  	p0 =	seq.s32 s10, $0x1;
	s10 =	sld [smem:$0x3FA8];
	_ =	sdelay $0x3  }
0x34: {  	[smem:$0x3FA8] =	sst s10  }
0x35: {  	s10 =	sld [smem:$0x3FA7];
	_ =	sdelay $0x3  }
0x36: {  	p1 =	seq.s32 s10, $0x1;
	s10 =	sld [smem:$0x3FA8];
	_ =	sdelay $0x3  }
0x37: {  	[smem:$0x3FA8] =	sst s10  }
0x38: {  	s10 =	sld [smem:$0x3FA9]  }
0x39: {  	_ = 	snop;
	(pc) =	sbr.ind lr, $3  }
0x3a: {  	_ = 	snop  }
0x3b: {  	_ = 	snop  }
0x3c: {  	p2 =	seq.s32 s10, $0x1;
	s10 =	sld [smem:$0x3FA8]  }
0x3d: {  	_ =	shalt  }
0x3e: {  	_ =	shalt  }
0x3f: {  	_ =	shalt  }
0x40: {  	_ =	shalt  }
0x41: {  	_ =	shalt  }
0x42: {  	_ =	shalt  }
0x43: {  	_ =	shalt  }
0x44: {  	_ =	shalt  }
0x45: {  	_ =	shalt  }
0x46: {  	_ =	shalt  }
0x47: {  	_ =	shalt  }
0x48: {  	_ =	shalt  }
0x49: {  	_ =	shalt  }
0x4a: {  	_ =	shalt  }
0x4b: {  	_ =	shalt  }
0x4c: {  	_ =	shalt  }
0x4d: {  	_ =	shalt  }
0x4e: {  	_ =	shalt  }
0x4f: {  	_ =	shalt  }
0x50: {  	_ =	shalt  }
0x51: {  	_ =	shalt  }
0x52: {  	_ =	shalt  }
0x53: {  	_ =	shalt  }
0x54: {  	_ =	shalt  }
0x55: {  	_ =	shalt  }
0x56: {  	_ =	shalt  }
0x57: {  	_ =	shalt  }
0x58: {  	_ =	shalt  }
0x59: {  	_ =	shalt  }
0x5a: {  	_ =	shalt  }
0x5b: {  	_ =	shalt  }
0x5c: {  	_ =	shalt  }
0x5d: {  	_ =	shalt  }
0x5e: {  	_ =	shalt  }
0x5f: {  	_ =	shalt  }
0x60: {  	_ =	shalt  }
0x61: {  	_ =	shalt  }
0x62: {  	_ =	shalt  }
0x63: {  	_ =	shalt  }
0x64: {  	_ =	shalt  }
0x65: {  	_ =	shalt  }
0x66: {  	_ =	shalt  }
0x67: {  	_ =	shalt  }
0x68: {  	_ =	shalt  }
0x69: {  	_ =	shalt  }
0x6a: {  	_ =	shalt  }
0x6b: {  	_ =	shalt  }
0x6c: {  	_ =	shalt  }
0x6d: {  	_ =	shalt  }
0x6e: {  	_ =	shalt  }
0x6f: {  	_ =	shalt  }
0x70: {  	_ =	shalt  }
0x71: {  	_ =	shalt  }
0x72: {  	_ =	shalt  }
0x73: {  	_ =	shalt  }
0x74: {  	_ =	shalt  }
0x75: {  	_ =	shalt  }
0x76: {  	_ =	shalt  }
0x77: {  	_ =	shalt  }
0x78: {  	_ =	shalt  }
0x79: {  	_ =	shalt  }
0x7a: {  	_ =	shalt  }
0x7b: {  	_ =	shalt  }
0x7c: {  	_ =	shalt  }
0x7d: {  	_ =	shalt  }
0x7e: {  	_ =	shalt  }
0x7f: {  	_ =	shalt  }
0x80: {  	_ =	shalt  }
0x81: {  	_ =	shalt  }
0x82: {  	_ =	shalt  }
0x83: {  	_ =	shalt  }
0x84: {  	_ =	shalt  }
0x85: {  	_ =	shalt  }
0x86: {  	_ =	shalt  }
0x87: {  	_ =	shalt  }
.Lfunc_end0:
.L_simem_size_0:
called_computation.1_lowered:
.L_overlay_start_0:
0x88: {  	s2 =	sld [smem:$0x3FD9]  }
0x89: {  	s3 =	sld [smem:$0x3FFE];
	_ =	sdelay $0x1  }
0x8a: {  	s1 =	srdreg.scid  }
0x8b: {  	s0 =	sand.u32 $0x1, s1  }
0x8c: {  	s17 =	sshll.u32 s0, $0xA;
	s2 =	sadd.s32 s3, s2  }
0x8d: {  	s2 =	sadd.s32 s2, s17  }
0x8e: {  	[smem:$0x3FB4] =	sst s2  }
0x8f: {  	_ = 	snop  }
0x90: {  	(tm) =	ssettm $0x1  }
0x91: {  	s18 =	sld [smem:$0x3FFB];
	_ =	sdelay $0x3  }
0x92: {  	_ =	strace s18  }
0x93: {  	s2 =	sld [smem:$0x3FFC];
	_ =	sdelay $0x3  }
0x94: {  	_ =	strace s2  }
0x95: {  	s2 =	sld [smem:$0x3FFD];
	_ =	sdelay $0x3  }
0x96: {  	_ =	strace s2  }
0x97: {  	_ =	strace $0x8FFFFFFF  }
0x98: {  	s19 =	sld [smem:$0x3FDB];
	_ =	sdelay $0x1  }
0x99: {  	s20 =	simm.s32 $_scs_section_size  }
0x9a: {  	s4 =	simm.s32 $_size__tile_overlayer_lowered;
	s5 =	simm.s32 $_tile_overlayer_lowered  }
0x9b: {  	s6 =	simm.s32 $0x1BFF;
	s21 =	sshll.u32 s5, $0x1;
	s3 =	sadd.s32 s20, s19  }
0x9c: {  	s22 =	simm.s32 $0x0;
	s4 =	sshll.u32 s4, $0x1;
	s5 =	sadd.s32 s21, s3  }
0x9d: {  	[timem:s22], [sflag:s6] =	dma.local [hbm:s5], s4  }
0x9e: {  	_ =	swait.ge [sflag:s6], s4  }
0x9f: {  	s4 =	ssub.s32 $0x0, s4;
	[sflag:s6] =	ssyncset.done $0x0  }
0xa0: {  	[sflag:s6] =	ssyncadd.s32 s4;
	_ =	sdelay $0x1  }
0xa1: {  	s23 =	simm.s32 $0x1B8B  }
0xa2: {  	_ =	swait.ge [sflag:s23], $0x1  }
0xa3: {  	[sflag:s23] =	ssyncset.done $0x0  }
0xa4: {  	[sflag:s23] =	ssyncadd.s32 $0xFFFFFFFF  }
0xa5: {  	s4 =	sld [smem:$0x0]  }
0xa6: {  	s5 =	sand.u32 $0xFFFFFFFE, s1  }
0xa7: {  	p0 =	sne.s32 s1, s5  }
0xa8: {  	s5 =	sshll.u32 @p0 s5, $0xE  }
0xa9: {  	s5 =	sadd.s32 @p0 $0x11B8D, s5;
	s6 =	sshll.u32 @p0 s4, $0x11  }
0xaa: {  	s5 =	sor.u32 @p0 s6, s5  }
0xab: {  	[sflag:s5] =	ssyncadd.remote.s32 @p0 $0x1;
	_ =	sdelay $0x1  }
0xac: {  	s5 =	simm.s32 @p0 $0x1B8D  }
0xad: {  	_ =	swait.eq @p0 [sflag:s5], $0x1  }
0xae: {  	[sflag:s5] =	ssyncadd.s32 @p0 $0xFFFFFFFF  }
0xaf: {  	s6 =	sshll.u32 @!p0 s1, $0xE  }
0xb0: {  	s6 =	sor.u32 @!p0 $0x4000, s6;
	s5 =	simm.s32 @!p0 $0x1B8D  }
0xb1: {  	s4 =	sshll.u32 @!p0 s4, $0x11;
	s6 =	sadd.s32 @!p0 $0x11B8D, s6;
	_ =	swait.eq @!p0 [sflag:s5], $0x1  }
0xb2: {  	s4 =	sor.u32 @!p0 s4, s6;
	[sflag:s5] =	ssyncadd.s32 @!p0 $0xFFFFFFFF  }
0xb3: {  	s25 =	simm.s32 $0x1B8E;
	s24 =	sld [smem:$0x3FFE];
	[sflag:s4] =	ssyncadd.remote.s32 @!p0 $0x1  }
0xb4: {  	s26 =	simm.s32 $execute0_lowered;
	[smem:$0x3FD2] =	sst s25  }
0xb5: {  	s5 =	sshll.u32 s26, $0x1;
	_ =	strace $0x8000004C;
	[dreg:$0x1] =	wrdreg $0xFFFFFFFF  }
0xb6: {  	s28 =	simm.s32 $_size_execute0_lowered;
	s3 =	sadd.s32 s3, s5;
	[dreg:$0x0] =	wrdreg $0x0  }
0xb7: {  	s5 =	sshll.u32 s28, $0x1;
	[dreg:$0x2] =	wrdreg s3  }
0xb8: {  	[dreg:$0x3] =	wrdreg s5  }
0xb9: {  	[dreg:$0x4] =	wrdreg $0xC0  }
0xba: {  	_ =	task [dreg:s22], $0x5FFFF  }
0xbb: {  	[dreg:$0x1] =	wrdreg $0xFFFFFFFF  }
0xbc: {  	[dreg:$0x0] =	wrdreg $0x60  }
0xbd: {  	[dreg:$0x2] =	wrdreg s24  }
0xbe: {  	[dreg:$0x3] =	wrdreg $0x0  }
0xbf: {  	[dreg:$0x4] =	wrdreg $0x9  }
0xc0: {  	_ =	task.clear_ibuf [dreg:s22], $0x5FFFF;
	_ =	strace $0x9000004C  }
0xc1: {  	s29 =	simm.s32 $0x9;
	_ =	strace $0x8000004E  }
0xc2: {  	_ =	swait.ge [sflag:s29], $0x1  }
0xc3: {  	[sflag:s29] =	ssyncadd.s32 $0xFFFFFFFF  }
0xc4: {  	_ =	strace $0x9000004E  }
0xc5: {  	_ =	sfence  }
0xc6: {  	s30 =	sld [smem:$0x0];
	_ =	sdelay $0x2  }
0xc7: {  	s31 =	sshll.u32 s1, $0xD;
	s1 =	sshrl.u32 s1, $0x2  }
0xc8: {  	s4 =	sand.u32 $0x4000, s31;
	s1 =	sadd.s32 s1, s30  }
0xc9: {  	s0 =	sor.u32 s4, s0;
	s1 =	sshll.u32 s1, $0x11  }
0xca: {  	s0 =	sor.u32 s1, s0  }
0xcb: {  	s0 =	sadd.s32 $0x8F2B, s0  }
0xcc: {  	[sflag:s0] =	ssyncadd.remote.s32 $0x1  }
0xcd: {  	_ =	sfence.sel $0xFFFF  }
0xce: {  	[dreg:$0x0] =	wrdreg $0xFFFFFFFF;
	(pc) =	sbr.abs _section_cstart, $3  }
0xcf: {  	[dreg:$0x1] =	wrdreg $0xFFFFFFFF  }
0xd0: {  	_ =	task.clear_ibuf [dreg:s22], $0x2FFFF;
	_ =	strace $0x9FFFFFFF  }
0xd1: {  	(tm) =	ssettm $0x7FFFFFFF  }
tec
execute0_lowered:
.L_overlay_start_1:
0x0: {  	(tag) =	ssettag $0x1  }
0x1: {  	s5 =	rddreg [dreg:$0x0]  }
0x2: {  	s1 =	rddreg [dreg:$0x1];
	s2 =	stileid.u32  }
0x3: {  	s0 =	rddreg [dreg:$0x2];
	s7 =	smul.u32 $0x2800, s2  }
0x4: {  	s3 =	simm.s32 $0x0;
	s4 =	srdreg.scid;
	s13 =	smul.u32 $0x50000, s2  }
0x5: {  	s18 =	simm.s32 $0x14080;
	s19 =	simm.s32 $0x16900;
	s28 =	smul.u32 $0x2710, s2  }
0x6: {  	[smem:$0x7FF] =	sst s3;
	s6 =	sand.u32 $0x1, s4;
	s17 =	smul.u32 $0x27100, s2  }
0x7: {  	s9 =	sadd.s32 $0x194E000, s5;
	s25 =	sshll.u32 s2, $0x6;
	s8 =	smul.u32 $0x28000, s6  }
0x8: {  	_ =	strace $0x8000004D;
	s4 =	sshll.u32 s6, $0x4;
	s23 =	smul.u32 $0x271000, s6  }
0x9: {  	s20 =	ssub.s32 $0x2, s6;
	s24 =	smul.u32 $0x27100, s6;
	s6 =	sor.u32 $0x1C03, s25  }
0xa: {  	s10 =	sor.u32 s2, s4;
	s4 =	sadd.s32 $0x13200, s5;
	s11 =	sadd.s32 s7, s5  }
0xb: {  	s21 =	sshrl.u32 s20, $0x1;
	s22 =	sshrl.u32 s13, $0x2;
	s12 =	smul.u32 $0x2710, s10  }
0xc: {  	s7 =	sadd.s32 s7, s8;
	s10 =	smul.u32 $0x27100, s10;
	s15 =	ssub.s32 s20, s21  }
0xd: {  	s16 =	sadd.s32 s22, s1;
	s29 =	sadd.s32 s23, s9;
	s20 =	simm.s32 $0x1  }
0xe: {  	s21 =	simm.s32 $0x50;
	s22 =	simm.s32 $0x2;
	s23 =	simm.s32 $0x0  }
0xf: {  	s14 =	sadd.s32 s7, s5;
	s5 =	sadd.s32 $0x46800, s11;
	s30 =	sadd.s32 s17, s29  }
0x10: {  	s17 =	simm.s32 $0x14100;
	s26 =	sshrl.u32 s12, $0x3;
	s8 =	sadd.s32 s9, s10  }
0x11: {  	s12 =	sadd.s32 s28, s24;
	s9 =	sadd.s32 $0x132E00, s14;
	s10 =	smax.u32 s15, $0x1  }
0x12: {  	s11 =	sadd.s32 $0xA00, s30;
	s14 =	sshrl.u32 s16, $0x3;
	s31 =	sadd.s32 $0x50, s12  }
0x13: {  	s15 =	simm.s32 $0x3;
	s16 =	simm.s32 $0x14000;
	s13 =	sshrl.u32 s31, $0x3  }
0x14: {  	s7 =	sadd.s32 s4, s26;
	s12 =	sadd.s32 $0xA0, s12;
	s13 =	sadd.s32 s13, s4  }
.LBB2_1:
0x15: {  	[spmem:s14], [sflag:s6] =	dma.local [hbm:s5], $0x2800  }
0x16: {  	_ =	swait.ge [sflag:s15], $0x2800  }
0x17: {  	[sflag:s15] =	ssyncset.done $0x0  }
0x18: {  	[sflag:s15] =	ssyncadd.s32 $0xFFFFD800  }
0x19: {  	[bflag:$0x0] =	sbarrier.arrive $0xFFFF  }
0x1a: {  	[tilespmem:s16], [sflag:$0x1] =	stream.linear.gather [hbm4b:s7+s3], $0x50, $0x38;
	[tilespmem:$0x19100] =	vst v63  }
0x1b: {  	_ = 	snop  }
0x1c: {  	[tilespmem:s17], [sflag:$0x1] =	stream.linear.gather [hbm4b:s8+s3], $0x2800, $0x38;
	[tilespmem:$0x19100] =	vst v63  }
0x1d: {  	s24 =	sadd.s32 $0x0, s13  }
0x1e: {  	[tilespmem:s18], [sflag:$0x2] =	stream.linear.gather [hbm4b:s24+s3], $0x50, $0x38;
	[tilespmem:$0x19100] =	vst v63  }
0x1f: {  	s30 =	sadd.s32 $0xFFFFFB00, s11  }
0x20: {  	[tilespmem:s19], [sflag:$0x2] =	stream.linear.gather [hbm4b:s30+s3], $0x2800, $0x38;
	[tilespmem:$0x19100] =	vst v63  }
0x21: {  	_ =	swait.ge [sflag:s20], $0x50  }
0x22: {  	[sflag:s20] =	ssyncset.done $0x0  }
0x23: {  	[sflag:s20] =	ssyncadd.s32 $0xFFFFFFB0  }
0x24: {  	_ =	swait.ge [sflag:s20], $0x2800  }
0x25: {  	[sflag:s20] =	ssyncset.done $0x0  }
0x26: {  	[sflag:s20] =	ssyncadd.s32 $0xFFFFD800  }
0x27: {  	[spmem:s1] =	stream.indirect.scatter.add.f32 [tilespmem:s17], [sflag:$0x3], $0x80, s16, s21, $0xb8;
	[tilespmem:$0x19100] =	vst v63  }
0x28: {  	_ =	swait.ge [sflag:s15], $0x2800  }
0x29: {  	s31 =	sshrl.u32 s12, $0x3;
	[sflag:s15] =	ssyncset.done $0x0  }
0x2a: {  	s24 =	sadd.s32 s4, s31;
	[sflag:s15] =	ssyncadd.s32 $0xFFFFD800  }
0x2b: {  	[tilespmem:s16], [sflag:$0x1] =	stream.linear.gather [hbm4b:s24+s3], $0x50, $0x38;
	[tilespmem:$0x19100] =	vst v63  }
0x2c: {  	_ = 	snop  }
0x2d: {  	[tilespmem:s17], [sflag:$0x1] =	stream.linear.gather [hbm4b:s11+s3], $0x2800, $0x38;
	[tilespmem:$0x19100] =	vst v63  }
0x2e: {  	_ =	swait.ge [sflag:s22], $0x50  }
0x2f: {  	[sflag:s22] =	ssyncset.done $0x0  }
0x30: {  	[sflag:s22] =	ssyncadd.s32 $0xFFFFFFB0  }
0x31: {  	_ =	swait.ge [sflag:s22], $0x2800  }
0x32: {  	[sflag:s22] =	ssyncset.done $0x0  }
0x33: {  	[sflag:s22] =	ssyncadd.s32 $0xFFFFD800  }
0x34: {  	[spmem:s1] =	stream.indirect.scatter.add.f32 [tilespmem:s19], [sflag:$0x3], $0x80, s18, s21, $0xb8;
	[tilespmem:$0x19100] =	vst v63  }
0x35: {  	s26 =	simm.s32 $0x14;
	s28 =	simm.s32 $0x28;
	_ =	swait.ge [sflag:s15], $0x2800  }
0x36: {  	s25 =	sadd.s32 $0xA0, s12;
	s24 =	sadd.s32 $0xA00, s11;
	[sflag:s15] =	ssyncset.done $0x0  }
.LBB2_2:
0x37: {  	s29 =	sadd.s32 s26, s13  }
0x38: {  	[sflag:s15] =	ssyncadd.s32 $0xFFFFD800;
	s26 =	smov.u32 s28;
	s30 =	sadd.s32 $0x14, s28  }
0x39: {  	[tilespmem:s18], [sflag:$0x2] =	stream.linear.gather [hbm4b:s29+s3], $0x50, $0x38;
	[tilespmem:$0x19100] =	vst v63  }
0x3a: {  	p0 =	sne.s32 s28, $0x4C4;
	s28 =	sadd.s32 $0xFFFFFB00, s24  }
0x3b: {  	[tilespmem:s19], [sflag:$0x2] =	stream.linear.gather [hbm4b:s28+s3], $0x2800, $0x38;
	[tilespmem:$0x19100] =	vst v63  }
0x3c: {  	_ =	swait.ge [sflag:s20], $0x50  }
0x3d: {  	[sflag:s20] =	ssyncset.done $0x0  }
0x3e: {  	[sflag:s20] =	ssyncadd.s32 $0xFFFFFFB0  }
0x3f: {  	_ =	swait.ge [sflag:s20], $0x2800  }
0x40: {  	[sflag:s20] =	ssyncset.done $0x0  }
0x41: {  	[sflag:s20] =	ssyncadd.s32 $0xFFFFD800  }
0x42: {  	[spmem:s1] =	stream.indirect.scatter.add.f32 [tilespmem:s17], [sflag:$0x3], $0x80, s16, s21, $0xb8;
	[tilespmem:$0x19100] =	vst v63  }
0x43: {  	_ =	swait.ge [sflag:s15], $0x2800  }
0x44: {  	s28 =	sshrl.u32 s25, $0x3;
	[sflag:s15] =	ssyncset.done $0x0  }
0x45: {  	s28 =	sadd.s32 s4, s28;
	[sflag:s15] =	ssyncadd.s32 $0xFFFFD800  }
0x46: {  	[tilespmem:s16], [sflag:$0x1] =	stream.linear.gather [hbm4b:s28+s3], $0x50, $0x38;
	[tilespmem:$0x19100] =	vst v63  }
0x47: {  	_ = 	snop  }
0x48: {  	[tilespmem:s17], [sflag:$0x1] =	stream.linear.gather [hbm4b:s24+s3], $0x2800, $0x38;
	[tilespmem:$0x19100] =	vst v63  }
0x49: {  	_ =	swait.ge [sflag:s22], $0x50  }
0x4a: {  	[sflag:s22] =	ssyncset.done $0x0  }
0x4b: {  	[sflag:s22] =	ssyncadd.s32 $0xFFFFFFB0  }
0x4c: {  	_ =	swait.ge [sflag:s22], $0x2800  }
.Ltmp0:
0x4d: {  	[sflag:s22] =	ssyncset.done $0x0;
	(pc) =	sbr.rel @p0 .LBB2_2-.Ltmp0, $4  }
0x4e: {  	[sflag:s22] =	ssyncadd.s32 $0xFFFFD800  }
0x4f: {  	[spmem:s1] =	stream.indirect.scatter.add.f32 [tilespmem:s19], [sflag:$0x3], $0x80, s18, s21, $0xb8;
	[tilespmem:$0x19100] =	vst v63  }
0x50: {  	s25 =	sadd.s32 $0xA0, s25;
	_ =	swait.ge [sflag:s15], $0x2800  }
0x51: {  	s28 =	smov.u32 s30;
	s24 =	sadd.s32 $0xA00, s24;
	[sflag:s15] =	ssyncset.done $0x0  }
0x52: {  	s26 =	sadd.s32 s26, s13;
	[sflag:s15] =	ssyncadd.s32 $0xFFFFD800  }
0x53: {  	[tilespmem:s18], [sflag:$0x2] =	stream.linear.gather [hbm4b:s26+s3], $0x50, $0x38;
	[tilespmem:$0x19100] =	vst v63  }
0x54: {  	s31 =	sadd.s32 $0xFFFFFB00, s24  }
0x55: {  	[tilespmem:s19], [sflag:$0x2] =	stream.linear.gather [hbm4b:s31+s3], $0x2800, $0x38;
	[tilespmem:$0x19100] =	vst v63  }
0x56: {  	_ =	swait.ge [sflag:s20], $0x50  }
0x57: {  	[sflag:s20] =	ssyncset.done $0x0  }
0x58: {  	[sflag:s20] =	ssyncadd.s32 $0xFFFFFFB0  }
0x59: {  	_ =	swait.ge [sflag:s20], $0x2800  }
0x5a: {  	[sflag:s20] =	ssyncset.done $0x0  }
0x5b: {  	[sflag:s20] =	ssyncadd.s32 $0xFFFFD800  }
0x5c: {  	[spmem:s1] =	stream.indirect.scatter.add.f32 [tilespmem:s17], [sflag:$0x3], $0x80, s16, s21, $0xb8;
	[tilespmem:$0x19100] =	vst v63  }
0x5d: {  	_ =	swait.ge [sflag:s15], $0x2800  }
0x5e: {  	s25 =	sshrl.u32 s25, $0x3;
	[sflag:s15] =	ssyncset.done $0x0  }
0x5f: {  	s25 =	sadd.s32 s4, s25;
	[sflag:s15] =	ssyncadd.s32 $0xFFFFD800  }
0x60: {  	[tilespmem:s16], [sflag:$0x1] =	stream.linear.gather [hbm4b:s25+s3], $0x50, $0x38;
	[tilespmem:$0x19100] =	vst v63  }
0x61: {  	_ = 	snop  }
0x62: {  	[tilespmem:s17], [sflag:$0x1] =	stream.linear.gather [hbm4b:s24+s3], $0x2800, $0x38;
	[tilespmem:$0x19100] =	vst v63  }
0x63: {  	_ =	swait.ge [sflag:s22], $0x50  }
0x64: {  	[sflag:s22] =	ssyncset.done $0x0  }
0x65: {  	[sflag:s22] =	ssyncadd.s32 $0xFFFFFFB0  }
0x66: {  	_ =	swait.ge [sflag:s22], $0x2800  }
0x67: {  	[sflag:s22] =	ssyncset.done $0x0  }
0x68: {  	[sflag:s22] =	ssyncadd.s32 $0xFFFFD800  }
0x69: {  	[spmem:s1] =	stream.indirect.scatter.add.f32 [tilespmem:s19], [sflag:$0x3], $0x80, s18, s21, $0xb8;
	[tilespmem:$0x19100] =	vst v63  }
0x6a: {  	_ =	swait.ge [sflag:s15], $0x2800  }
0x6b: {  	[sflag:s15] =	ssyncset.done $0x0  }
0x6c: {  	[sflag:s15] =	ssyncadd.s32 $0xFFFFD800  }
0x6d: {  	_ =	swait.ge [sflag:s20], $0x50  }
0x6e: {  	[sflag:s20] =	ssyncset.done $0x0  }
0x6f: {  	[sflag:s20] =	ssyncadd.s32 $0xFFFFFFB0  }
0x70: {  	_ =	swait.ge [sflag:s20], $0x2800  }
0x71: {  	[sflag:s20] =	ssyncset.done $0x0  }
0x72: {  	[sflag:s20] =	ssyncadd.s32 $0xFFFFD800  }
0x73: {  	[spmem:s1] =	stream.indirect.scatter.add.f32 [tilespmem:s17], [sflag:$0x3], $0x80, s16, s21, $0xb8;
	[tilespmem:$0x19100] =	vst v63  }
0x74: {  	_ =	swait.ge [sflag:s15], $0x2800  }
0x75: {  	[sflag:s15] =	ssyncset.done $0x0  }
0x76: {  	s23 =	sadd.s32 $0x1, s23;
	[sflag:s15] =	ssyncadd.s32 $0xFFFFD800  }
0x77: {  	p0 =	sne.s32 s23, s10;
	[bflag:$0x0] =	sbarrier.arrive $0xFFFF  }
0x78: {  	[hbm:s9], [sflag:s6] =	dma.local [spmem:s14], $0x2800  }
.Ltmp1:
0x79: {  	_ =	swait.ge [sflag:s15], $0x2800;
	(pc) =	sbr.rel @p0 .LBB2_1-.Ltmp1, $3  }
0x7a: {  	[sflag:s15] =	ssyncset.done $0x0  }
0x7b: {  	[sflag:s15] =	ssyncadd.s32 $0xFFFFD800  }
0x7c: {  	[bflag:$0x0] =	sbarrier.arrive $0xFFFF;
	_ =	sdelay $0x1  }
0x7d: {  	_ =	sfence.sel $0x180000  }
0x7e: {  	[bflag:$0x0] =	sbarrier.arrive $0xFFFF  }
0x7f: {  	p0 =	sne.s32 s2, $0x0;
	_ =	strace $0x9000004D  }
0x80: {  	s0 =	sadd.s32 @!p0 $0x100000, s0;
	[bflag:$0x2] =	sbarrier.arrive $0xFFFF  }
0x81: {  	[sflag:s0] =	ssyncadd.tile.s32 @!p0 $0x1;
	_ =	shalt  }
.Lfunc_end2:
_tile_overlayer_lowered:
.L_overlay_start_2:
0x82: {  	(tag) =	ssettag $0x2  }
0x83: {  	s0 =	rddreg [dreg:$0x0];
	s2 =	stileid.u32  }
0x84: {  	s1 =	rddreg [dreg:$0x1];
	p0 =	sne.s32 s2, $0x0  }
0x85: {  	s3 =	rddreg [dreg:$0x2];
	[bflag:$0x3] =	sbarrier.arrive $0xFFFF;
	s2 =	simm.s32 @!p0 $0x1C03  }
0x86: {  	[timem:s3], [sflag:s2] =	dma.local @!p0 [hbm:s0], s1  }
0x87: {  	s0 =	simm.s32 @!p0 $0x3  }
0x88: {  	_ =	swait.ge @!p0 [sflag:s0], s1  }
0x89: {  	s1 =	ssub.s32 @!p0 $0x0, s1;
	[sflag:s0] =	ssyncset.done @!p0 $0x0  }
0x8a: {  	[sflag:s0] =	ssyncadd.s32 @!p0 s1  }
0x8b: {  	[bflag:$0x3] =	sbarrier.arrive $0xFFFF  }
0x8c: {  	_ =	shalt  }

// kernel: kernel.22.cloned.1.call-start
scs
__scs_entry_jumppad:
0x0: {  	(pc) =	sbr.rel $0x88, $3  }
0x1: {  	(tag) =	ssettag $0x0;
	lr =	simm.s32 $0x1  }
0x2: {  	[smem:$0x3F8D] =	sst lr;
	_ =	strace $0xD0000000  }
0x3: {  	_ = 	snop  }
0x4: {  	_ = 	snop  }
0x5: {  	_ = 	snop  }
0x6: {  	_ = 	snop  }
0x7: {  	_ = 	snop  }
__scs_overlays_trampoline_lowered:
0x8: {  	[smem:$0x3F9C] =	sst s0  }
0x9: {  	[smem:$0x3F9D] =	sst s1  }
0xa: {  	[smem:$0x3F9E] =	sst s2  }
0xb: {  	[smem:$0x3F9F] =	sst s3  }
0xc: {  	[smem:$0x3FA0] =	sst s4  }
0xd: {  	[smem:$0x3FA1] =	sst s5  }
0xe: {  	[smem:$0x3FA2] =	sst s6  }
0xf: {  	[smem:$0x3FA3] =	sst s7  }
0x10: {  	[smem:$0x3FA4] =	sst s8  }
0x11: {  	[smem:$0x3FA5] =	sst s9;
	s0 =	simm.s32 @!p0 $0x0  }
0x12: {  	s1 =	sld [smem:$0x3F8B];
	s0 =	simm.s32 @p0 $0x1  }
0x13: {  	[smem:$0x3FA6] =	sst s0;
	s0 =	simm.s32 @!p1 $0x0  }
0x14: {  	s2 =	sld [smem:$0x3F8A];
	s0 =	simm.s32 @p1 $0x1  }
0x15: {  	[smem:$0x3FA7] =	sst s0;
	s0 =	simm.s32 @!p2 $0x0  }
0x16: {  	s3 =	sld [smem:$0x3FDB];
	s0 =	simm.s32 @p2 $0x1  }
0x17: {  	s4 =	simm.s32 $0x1BF5;
	[smem:$0x3FA9] =	sst s0  }
0x18: {  	s0 =	sld [smem:$0x3F8C];
	_ =	swait.ge [sflag:s4], $0x0  }
0x19: {  	s7 =	sld [smem:$0x3F8D]  }
0x1a: {  	s8 =	sadd.s32 $0xFFFFE003, lr  }
0x1b: {  	s9 =	sadd.s32 $0xFFFFFEF7, lr;
	s5 =	simm.s32 $0xFFFFFFFF;
	p2 =	slt.u32 s8, $0xFFFFF086  }
0x1c: {  	p1 =	slt.u32 s9, $0xF7A;
	s5 =	simm.s32 @!p2 $0x0  }
0x1d: {  	s5 =	simm.s32 @p1 $0x1;
	p0 =	seq.s32 s7, s2  }
0x1e: {  	s7 =	smul.u32 @!p0 $0xF7A, s2;
	p2 =	seq.s32 @!p0 s5, $0x0  }
0x1f: {  	s9 =	smul.u32 $0xF7A, s1;
	s8 =	simm.s32 @!p0 $0x1BF5;
	p2 =	por !p2, p0  }
0x20: {  	[sflag:s8] =	ssyncset.s32 @!p0 $0xFFFFF086;
	s6 =	sadd.s32 @!p0 s3, s7;
	s7 =	simm.s32 @!p0 $0x108  }
0x21: {  	s3 =	sadd.s32 s3, s9;
	s6 =	sadd.s32 @!p0 $0x88, s6;
	s7 =	simm.s32 @p2 $0x1082  }
0x22: {  	[simem:s7], [sflag:s8] =	dma.local @!p0 [hbm:s6], $0xF7A  }
0x23: {  	s9 =	sor.u32 $0xD0000000, s2;
	s6 =	simm.s32 $0x108;
	_ =	swait.ge @!p0 [sflag:s8], $0x0  }
0x24: {  	s3 =	sadd.s32 $0x88, s3;
	s6 =	simm.s32 @!p1 $0x1082;
	[sflag:s4] =	ssyncset.s32 $0xFFFFF086  }
0x25: {  	[simem:s6], [sflag:s4] =	dma.local [hbm:s3], $0xF7A  }
0x26: {  	[smem:$0x3F8D] =	sst s1;
	(tag) =	ssettag s2;
	_ =	strace s9  }
0x27: {  	s1 =	sld [smem:$0x3F9D]  }
0x28: {  	s2 =	sld [smem:$0x3F9E]  }
0x29: {  	s4 =	sld [smem:$0x3FA0]  }
0x2a: {  	p0 =	seq.s32 s5, $0x0;
	s5 =	sld [smem:$0x3FA1]  }
0x2b: {  	s6 =	sld [smem:$0x3FA2]  }
0x2c: {  	s7 =	sld [smem:$0x3FA3]  }
0x2d: {  	s3 =	simm.s32 $0x108;
	s8 =	sld [smem:$0x3FA4]  }
0x2e: {  	s3 =	simm.s32 @!p0 $0x1082;
	s9 =	sld [smem:$0x3FA5]  }
0x2f: {  	lr =	sadd.s32 s0, s3;
	s0 =	sld [smem:$0x3F9C]  }
0x30: {  	s3 =	sld [smem:$0x3F9F]  }
0x31: {  	[smem:$0x3FA8] =	sst s10  }
0x32: {  	s10 =	sld [smem:$0x3FA6];
	_ =	sdelay $0x3  }
0x33: {  	p0 =	seq.s32 s10, $0x1;
	s10 =	sld [smem:$0x3FA8];
	_ =	sdelay $0x3  }
0x34: {  	[smem:$0x3FA8] =	sst s10  }
0x35: {  	s10 =	sld [smem:$0x3FA7];
	_ =	sdelay $0x3  }
0x36: {  	p1 =	seq.s32 s10, $0x1;
	s10 =	sld [smem:$0x3FA8];
	_ =	sdelay $0x3  }
0x37: {  	[smem:$0x3FA8] =	sst s10  }
0x38: {  	s10 =	sld [smem:$0x3FA9]  }
0x39: {  	_ = 	snop;
	(pc) =	sbr.ind lr, $3  }
0x3a: {  	_ = 	snop  }
0x3b: {  	_ = 	snop  }
0x3c: {  	p2 =	seq.s32 s10, $0x1;
	s10 =	sld [smem:$0x3FA8]  }
0x3d: {  	_ =	shalt  }
0x3e: {  	_ =	shalt  }
0x3f: {  	_ =	shalt  }
0x40: {  	_ =	shalt  }
0x41: {  	_ =	shalt  }
0x42: {  	_ =	shalt  }
0x43: {  	_ =	shalt  }
0x44: {  	_ =	shalt  }
0x45: {  	_ =	shalt  }
0x46: {  	_ =	shalt  }
0x47: {  	_ =	shalt  }
0x48: {  	_ =	shalt  }
0x49: {  	_ =	shalt  }
0x4a: {  	_ =	shalt  }
0x4b: {  	_ =	shalt  }
0x4c: {  	_ =	shalt  }
0x4d: {  	_ =	shalt  }
0x4e: {  	_ =	shalt  }
0x4f: {  	_ =	shalt  }
0x50: {  	_ =	shalt  }
0x51: {  	_ =	shalt  }
0x52: {  	_ =	shalt  }
0x53: {  	_ =	shalt  }
0x54: {  	_ =	shalt  }
0x55: {  	_ =	shalt  }
0x56: {  	_ =	shalt  }
0x57: {  	_ =	shalt  }
0x58: {  	_ =	shalt  }
0x59: {  	_ =	shalt  }
0x5a: {  	_ =	shalt  }
0x5b: {  	_ =	shalt  }
0x5c: {  	_ =	shalt  }
0x5d: {  	_ =	shalt  }
0x5e: {  	_ =	shalt  }
0x5f: {  	_ =	shalt  }
0x60: {  	_ =	shalt  }
0x61: {  	_ =	shalt  }
0x62: {  	_ =	shalt  }
0x63: {  	_ =	shalt  }
0x64: {  	_ =	shalt  }
0x65: {  	_ =	shalt  }
0x66: {  	_ =	shalt  }
0x67: {  	_ =	shalt  }
0x68: {  	_ =	shalt  }
0x69: {  	_ =	shalt  }
0x6a: {  	_ =	shalt  }
0x6b: {  	_ =	shalt  }
0x6c: {  	_ =	shalt  }
0x6d: {  	_ =	shalt  }
0x6e: {  	_ =	shalt  }
0x6f: {  	_ =	shalt  }
0x70: {  	_ =	shalt  }
0x71: {  	_ =	shalt  }
0x72: {  	_ =	shalt  }
0x73: {  	_ =	shalt  }
0x74: {  	_ =	shalt  }
0x75: {  	_ =	shalt  }
0x76: {  	_ =	shalt  }
0x77: {  	_ =	shalt  }
0x78: {  	_ =	shalt  }
0x79: {  	_ =	shalt  }
0x7a: {  	_ =	shalt  }
0x7b: {  	_ =	shalt  }
0x7c: {  	_ =	shalt  }
0x7d: {  	_ =	shalt  }
0x7e: {  	_ =	shalt  }
0x7f: {  	_ =	shalt  }
0x80: {  	_ =	shalt  }
0x81: {  	_ =	shalt  }
0x82: {  	_ =	shalt  }
0x83: {  	_ =	shalt  }
0x84: {  	_ =	shalt  }
0x85: {  	_ =	shalt  }
0x86: {  	_ =	shalt  }
0x87: {  	_ =	shalt  }
.Lfunc_end0:
.L_simem_size_0:
called_computation.2_lowered:
.L_overlay_start_0:
0x88: {  	s2 =	sld [smem:$0x3FD9]  }
0x89: {  	s3 =	sld [smem:$0x3FFE];
	_ =	sdelay $0x1  }
0x8a: {  	s1 =	srdreg.scid  }
0x8b: {  	s0 =	sand.u32 $0x1, s1  }
0x8c: {  	s16 =	sshll.u32 s0, $0xA;
	s2 =	sadd.s32 s3, s2  }
0x8d: {  	s2 =	sadd.s32 s2, s16  }
0x8e: {  	[smem:$0x3FB4] =	sst s2  }
0x8f: {  	_ = 	snop  }
0x90: {  	(tm) =	ssettm $0x1  }
0x91: {  	s17 =	sld [smem:$0x3FFB];
	_ =	sdelay $0x3  }
0x92: {  	_ =	strace s17  }
0x93: {  	s2 =	sld [smem:$0x3FFC];
	_ =	sdelay $0x3  }
0x94: {  	_ =	strace s2  }
0x95: {  	s2 =	sld [smem:$0x3FFD];
	_ =	sdelay $0x3  }
0x96: {  	_ =	strace s2  }
0x97: {  	_ =	strace $0x8FFFFFFF  }
0x98: {  	s18 =	sld [smem:$0x3FDB];
	_ =	sdelay $0x1  }
0x99: {  	s19 =	simm.s32 $_scs_section_size  }
0x9a: {  	s4 =	simm.s32 $_size__tile_overlayer_lowered;
	s5 =	simm.s32 $_tile_overlayer_lowered  }
0x9b: {  	s22 =	simm.s32 $0x1BFF;
	s21 =	sshll.u32 s5, $0x1;
	s2 =	sadd.s32 s19, s18  }
0x9c: {  	s6 =	simm.s32 $0x0;
	s20 =	sshll.u32 s4, $0x1;
	s4 =	sadd.s32 s21, s2  }
0x9d: {  	[timem:s6], [sflag:s22] =	dma.local [hbm:s4], s20  }
0x9e: {  	_ =	swait.ge [sflag:s22], s20  }
0x9f: {  	s3 =	ssub.s32 $0x0, s20;
	[sflag:s22] =	ssyncset.done $0x0  }
0xa0: {  	[sflag:s22] =	ssyncadd.s32 s3;
	_ =	sdelay $0x1  }
0xa1: {  	s23 =	simm.s32 $0x1B8B  }
0xa2: {  	_ =	swait.ge [sflag:s23], $0x1  }
0xa3: {  	[sflag:s23] =	ssyncset.done $0x0  }
0xa4: {  	s25 =	simm.s32 $0x1B8E;
	s24 =	sld [smem:$0x3FFE];
	[sflag:s23] =	ssyncadd.s32 $0xFFFFFFFF  }
0xa5: {  	s26 =	simm.s32 $execute0_lowered;
	[smem:$0x3FD2] =	sst s25  }
0xa6: {  	s4 =	sshll.u32 s26, $0x1;
	_ =	strace $0x80000049;
	[dreg:$0x1] =	wrdreg $0xFFFFFFFF  }
0xa7: {  	s28 =	simm.s32 $_size_execute0_lowered;
	s2 =	sadd.s32 s2, s4;
	[dreg:$0x0] =	wrdreg $0x0  }
0xa8: {  	s4 =	sshll.u32 s28, $0x1;
	[dreg:$0x2] =	wrdreg s2  }
0xa9: {  	[dreg:$0x3] =	wrdreg s4  }
0xaa: {  	[dreg:$0x4] =	wrdreg $0xC0  }
0xab: {  	_ =	task [dreg:s6], $0x5FFFF  }
0xac: {  	[dreg:$0x1] =	wrdreg $0xFFFFFFFF  }
0xad: {  	[dreg:$0x0] =	wrdreg $0x60  }
0xae: {  	[dreg:$0x2] =	wrdreg s24  }
0xaf: {  	[dreg:$0x3] =	wrdreg $0x0  }
0xb0: {  	[dreg:$0x4] =	wrdreg $0xA  }
0xb1: {  	_ =	task.clear_ibuf [dreg:s6], $0x5FFFF;
	_ =	strace $0x90000049  }
0xb2: {  	s29 =	simm.s32 $0xA;
	_ =	strace $0x8000004B  }
0xb3: {  	_ =	swait.ge [sflag:s29], $0x1  }
0xb4: {  	[sflag:s29] =	ssyncadd.s32 $0xFFFFFFFF  }
0xb5: {  	_ =	strace $0x9000004B  }
0xb6: {  	_ =	sfence  }
0xb7: {  	s30 =	sld [smem:$0x0];
	_ =	sdelay $0x2  }
0xb8: {  	s31 =	sshll.u32 s1, $0xD;
	s1 =	sshrl.u32 s1, $0x2  }
0xb9: {  	s3 =	sand.u32 $0x4000, s31;
	s1 =	sadd.s32 s1, s30  }
0xba: {  	s0 =	sor.u32 s3, s0;
	s1 =	sshll.u32 s1, $0x11  }
0xbb: {  	s0 =	sor.u32 s1, s0  }
0xbc: {  	s0 =	sadd.s32 $0x8F2B, s0  }
0xbd: {  	[sflag:s0] =	ssyncadd.remote.s32 $0x1  }
0xbe: {  	_ =	sfence.sel $0xFFFF  }
0xbf: {  	[dreg:$0x0] =	wrdreg $0xFFFFFFFF;
	(pc) =	sbr.abs _section_cstart, $3  }
0xc0: {  	[dreg:$0x1] =	wrdreg $0xFFFFFFFF  }
0xc1: {  	_ =	task.clear_ibuf [dreg:s6], $0x2FFFF;
	_ =	strace $0x9FFFFFFF  }
0xc2: {  	(tm) =	ssettm $0x7FFFFFFF  }
0xc3: {  	_ =	shalt  }
tec
execute0_lowered:
.L_overlay_start_1:
0x0: {  	(tag) =	ssettag $0x1  }
0x1: {  	s5 =	rddreg [dreg:$0x0]  }
0x2: {  	s1 =	rddreg [dreg:$0x1];
	s2 =	stileid.u32  }
0x3: {  	s0 =	rddreg [dreg:$0x2];
	s7 =	smul.u32 $0x2800, s2  }
0x4: {  	s3 =	simm.s32 $0x0;
	s4 =	srdreg.scid;
	s13 =	smul.u32 $0x50000, s2  }
0x5: {  	s18 =	simm.s32 $0x14080;
	s19 =	simm.s32 $0x16900;
	s28 =	smul.u32 $0x2710, s2  }
0x6: {  	[smem:$0x7FF] =	sst s3;
	s6 =	sand.u32 $0x1, s4;
	s17 =	smul.u32 $0x27100, s2  }
0x7: {  	s9 =	sadd.s32 $0x146C000, s5;
	s25 =	sshll.u32 s2, $0x6;
	s8 =	smul.u32 $0x28000, s6  }
0x8: {  	_ =	strace $0x8000004A;
	s4 =	sshll.u32 s6, $0x4;
	s23 =	smul.u32 $0x271000, s6  }
0x9: {  	s20 =	ssub.s32 $0x2, s6;
	s24 =	smul.u32 $0x27100, s6;
	s6 =	sor.u32 $0x1C03, s25  }
0xa: {  	s10 =	sor.u32 s2, s4;
	s4 =	sadd.s32 $0x13200, s5;
	s11 =	sadd.s32 s7, s5  }
0xb: {  	s21 =	sshrl.u32 s20, $0x1;
	s22 =	sshrl.u32 s13, $0x2;
	s12 =	smul.u32 $0x2710, s10  }
0xc: {  	s7 =	sadd.s32 s7, s8;
	s10 =	smul.u32 $0x27100, s10;
	s15 =	ssub.s32 s20, s21  }
0xd: {  	s16 =	sadd.s32 s22, s1;
	s29 =	sadd.s32 s23, s9;
	s20 =	simm.s32 $0x1  }
0xe: {  	s21 =	simm.s32 $0x50;
	s22 =	simm.s32 $0x2;
	s23 =	simm.s32 $0x0  }
0xf: {  	s14 =	sadd.s32 s7, s5;
	s5 =	sadd.s32 $0x46800, s11;
	s30 =	sadd.s32 s17, s29  }
0x10: {  	s17 =	simm.s32 $0x14100;
	s26 =	sshrl.u32 s12, $0x3;
	s8 =	sadd.s32 s9, s10  }
0x11: {  	s12 =	sadd.s32 s28, s24;
	s9 =	sadd.s32 $0xE2E00, s14;
	s10 =	smax.u32 s15, $0x1  }
0x12: {  	s11 =	sadd.s32 $0xA00, s30;
	s14 =	sshrl.u32 s16, $0x3;
	s31 =	sadd.s32 $0x50, s12  }
0x13: {  	s15 =	simm.s32 $0x3;
	s16 =	simm.s32 $0x14000;
	s13 =	sshrl.u32 s31, $0x3  }
0x14: {  	s7 =	sadd.s32 s4, s26;
	s12 =	sadd.s32 $0xA0, s12;
	s13 =	sadd.s32 s13, s4  }
.LBB2_1:
0x15: {  	[spmem:s14], [sflag:s6] =	dma.local [hbm:s5], $0x2800  }
0x16: {  	_ =	swait.ge [sflag:s15], $0x2800  }
0x17: {  	[sflag:s15] =	ssyncset.done $0x0  }
0x18: {  	[sflag:s15] =	ssyncadd.s32 $0xFFFFD800  }
0x19: {  	[bflag:$0x0] =	sbarrier.arrive $0xFFFF  }
0x1a: {  	[tilespmem:s16], [sflag:$0x1] =	stream.linear.gather [hbm4b:s7+s3], $0x50, $0x38;
	[tilespmem:$0x19100] =	vst v63  }
0x1b: {  	_ = 	snop  }
0x1c: {  	[tilespmem:s17], [sflag:$0x1] =	stream.linear.gather [hbm4b:s8+s3], $0x2800, $0x38;
	[tilespmem:$0x19100] =	vst v63  }
0x1d: {  	s24 =	sadd.s32 $0x0, s13  }
0x1e: {  	[tilespmem:s18], [sflag:$0x2] =	stream.linear.gather [hbm4b:s24+s3], $0x50, $0x38;
	[tilespmem:$0x19100] =	vst v63  }
0x1f: {  	s30 =	sadd.s32 $0xFFFFFB00, s11  }
0x20: {  	[tilespmem:s19], [sflag:$0x2] =	stream.linear.gather [hbm4b:s30+s3], $0x2800, $0x38;
	[tilespmem:$0x19100] =	vst v63  }
0x21: {  	_ =	swait.ge [sflag:s20], $0x50  }
0x22: {  	[sflag:s20] =	ssyncset.done $0x0  }
0x23: {  	[sflag:s20] =	ssyncadd.s32 $0xFFFFFFB0  }
0x24: {  	_ =	swait.ge [sflag:s20], $0x2800  }
0x25: {  	[sflag:s20] =	ssyncset.done $0x0  }
0x26: {  	[sflag:s20] =	ssyncadd.s32 $0xFFFFD800  }
0x27: {  	[spmem:s1] =	stream.indirect.scatter.add.f32 [tilespmem:s17], [sflag:$0x3], $0x80, s16, s21, $0xb8;
	[tilespmem:$0x19100] =	vst v63  }
0x28: {  	_ =	swait.ge [sflag:s15], $0x2800  }
0x29: {  	s31 =	sshrl.u32 s12, $0x3;
	[sflag:s15] =	ssyncset.done $0x0  }
0x2a: {  	s24 =	sadd.s32 s4, s31;
	[sflag:s15] =	ssyncadd.s32 $0xFFFFD800  }
0x2b: {  	[tilespmem:s16], [sflag:$0x1] =	stream.linear.gather [hbm4b:s24+s3], $0x50, $0x38;
	[tilespmem:$0x19100] =	vst v63  }
0x2c: {  	_ = 	snop  }
0x2d: {  	[tilespmem:s17], [sflag:$0x1] =	stream.linear.gather [hbm4b:s11+s3], $0x2800, $0x38;
	[tilespmem:$0x19100] =	vst v63  }
0x2e: {  	_ =	swait.ge [sflag:s22], $0x50  }
0x2f: {  	[sflag:s22] =	ssyncset.done $0x0  }
0x30: {  	[sflag:s22] =	ssyncadd.s32 $0xFFFFFFB0  }
0x31: {  	_ =	swait.ge [sflag:s22], $0x2800  }
0x32: {  	[sflag:s22] =	ssyncset.done $0x0  }
0x33: {  	[sflag:s22] =	ssyncadd.s32 $0xFFFFD800  }
0x34: {  	[spmem:s1] =	stream.indirect.scatter.add.f32 [tilespmem:s19], [sflag:$0x3], $0x80, s18, s21, $0xb8;
	[tilespmem:$0x19100] =	vst v63  }
0x35: {  	s26 =	simm.s32 $0x14;
	s28 =	simm.s32 $0x28;
	_ =	swait.ge [sflag:s15], $0x2800  }
0x36: {  	s25 =	sadd.s32 $0xA0, s12;
	s24 =	sadd.s32 $0xA00, s11;
	[sflag:s15] =	ssyncset.done $0x0  }
.LBB2_2:
0x37: {  	s29 =	sadd.s32 s26, s13  }
0x38: {  	[sflag:s15] =	ssyncadd.s32 $0xFFFFD800;
	s26 =	smov.u32 s28;
	s30 =	sadd.s32 $0x14, s28  }
0x39: {  	[tilespmem:s18], [sflag:$0x2] =	stream.linear.gather [hbm4b:s29+s3], $0x50, $0x38;
	[tilespmem:$0x19100] =	vst v63  }
0x3a: {  	p0 =	sne.s32 s28, $0x4C4;
	s28 =	sadd.s32 $0xFFFFFB00, s24  }
0x3b: {  	[tilespmem:s19], [sflag:$0x2] =	stream.linear.gather [hbm4b:s28+s3], $0x2800, $0x38;
	[tilespmem:$0x19100] =	vst v63  }
0x3c: {  	_ =	swait.ge [sflag:s20], $0x50  }
0x3d: {  	[sflag:s20] =	ssyncset.done $0x0  }
0x3e: {  	[sflag:s20] =	ssyncadd.s32 $0xFFFFFFB0  }
0x3f: {  	_ =	swait.ge [sflag:s20], $0x2800  }
0x40: {  	[sflag:s20] =	ssyncset.done $0x0  }
0x41: {  	[sflag:s20] =	ssyncadd.s32 $0xFFFFD800  }
0x42: {  	[spmem:s1] =	stream.indirect.scatter.add.f32 [tilespmem:s17], [sflag:$0x3], $0x80, s16, s21, $0xb8;
	[tilespmem:$0x19100] =	vst v63  }
0x43: {  	_ =	swait.ge [sflag:s15], $0x2800  }
0x44: {  	s28 =	sshrl.u32 s25, $0x3;
	[sflag:s15] =	ssyncset.done $0x0  }
0x45: {  	s28 =	sadd.s32 s4, s28;
	[sflag:s15] =	ssyncadd.s32 $0xFFFFD800  }
0x46: {  	[tilespmem:s16], [sflag:$0x1] =	stream.linear.gather [hbm4b:s28+s3], $0x50, $0x38;
	[tilespmem:$0x19100] =	vst v63  }
0x47: {  	_ = 	snop  }
0x48: {  	[tilespmem:s17], [sflag:$0x1] =	stream.linear.gather [hbm4b:s24+s3], $0x2800, $0x38;
	[tilespmem:$0x19100] =	vst v63  }
0x49: {  	_ =	swait.ge [sflag:s22], $0x50  }
0x4a: {  	[sflag:s22] =	ssyncset.done $0x0  }
0x4b: {  	[sflag:s22] =	ssyncadd.s32 $0xFFFFFFB0  }
0x4c: {  	_ =	swait.ge [sflag:s22], $0x2800  }
.Ltmp0:
0x4d: {  	[sflag:s22] =	ssyncset.done $0x0;
	(pc) =	sbr.rel @p0 .LBB2_2-.Ltmp0, $4  }
0x4e: {  	[sflag:s22] =	ssyncadd.s32 $0xFFFFD800  }
0x4f: {  	[spmem:s1] =	stream.indirect.scatter.add.f32 [tilespmem:s19], [sflag:$0x3], $0x80, s18, s21, $0xb8;
	[tilespmem:$0x19100] =	vst v63  }
0x50: {  	s25 =	sadd.s32 $0xA0, s25;
	_ =	swait.ge [sflag:s15], $0x2800  }
0x51: {  	s28 =	smov.u32 s30;
	s24 =	sadd.s32 $0xA00, s24;
	[sflag:s15] =	ssyncset.done $0x0  }
0x52: {  	s26 =	sadd.s32 s26, s13;
	[sflag:s15] =	ssyncadd.s32 $0xFFFFD800  }
0x53: {  	[tilespmem:s18], [sflag:$0x2] =	stream.linear.gather [hbm4b:s26+s3], $0x50, $0x38;
	[tilespmem:$0x19100] =	vst v63  }
0x54: {  	s31 =	sadd.s32 $0xFFFFFB00, s24  }
0x55: {  	[tilespmem:s19], [sflag:$0x2] =	stream.linear.gather [hbm4b:s31+s3], $0x2800, $0x38;
	[tilespmem:$0x19100] =	vst v63  }
0x56: {  	_ =	swait.ge [sflag:s20], $0x50  }
0x57: {  	[sflag:s20] =	ssyncset.done $0x0  }
0x58: {  	[sflag:s20] =	ssyncadd.s32 $0xFFFFFFB0  }
0x59: {  	_ =	swait.ge [sflag:s20], $0x2800  }
0x5a: {  	[sflag:s20] =	ssyncset.done $0x0  }
0x5b: {  	[sflag:s20] =	ssyncadd.s32 $0xFFFFD800  }
0x5c: {  	[spmem:s1] =	stream.indirect.scatter.add.f32 [tilespmem:s17], [sflag:$0x3], $0x80, s16, s21, $0xb8;
	[tilespmem:$0x19100] =	vst v63  }
0x5d: {  	_ =	swait.ge [sflag:s15], $0x2800  }
0x5e: {  	s25 =	sshrl.u32 s25, $0x3;
	[sflag:s15] =	ssyncset.done $0x0  }
0x5f: {  	s25 =	sadd.s32 s4, s25;
	[sflag:s15] =	ssyncadd.s32 $0xFFFFD800  }
0x60: {  	[tilespmem:s16], [sflag:$0x1] =	stream.linear.gather [hbm4b:s25+s3], $0x50, $0x38;
	[tilespmem:$0x19100] =	vst v63  }
0x61: {  	_ = 	snop  }
0x62: {  	[tilespmem:s17], [sflag:$0x1] =	stream.linear.gather [hbm4b:s24+s3], $0x2800, $0x38;
	[tilespmem:$0x19100] =	vst v63  }
0x63: {  	_ =	swait.ge [sflag:s22], $0x50  }
0x64: {  	[sflag:s22] =	ssyncset.done $0x0  }
0x65: {  	[sflag:s22] =	ssyncadd.s32 $0xFFFFFFB0  }
0x66: {  	_ =	swait.ge [sflag:s22], $0x2800  }
0x67: {  	[sflag:s22] =	ssyncset.done $0x0  }
0x68: {  	[sflag:s22] =	ssyncadd.s32 $0xFFFFD800  }
0x69: {  	[spmem:s1] =	stream.indirect.scatter.add.f32 [tilespmem:s19], [sflag:$0x3], $0x80, s18, s21, $0xb8;
	[tilespmem:$0x19100] =	vst v63  }
0x6a: {  	_ =	swait.ge [sflag:s15], $0x2800  }
0x6b: {  	[sflag:s15] =	ssyncset.done $0x0  }
0x6c: {  	[sflag:s15] =	ssyncadd.s32 $0xFFFFD800  }
0x6d: {  	_ =	swait.ge [sflag:s20], $0x50  }
0x6e: {  	[sflag:s20] =	ssyncset.done $0x0  }
0x6f: {  	[sflag:s20] =	ssyncadd.s32 $0xFFFFFFB0  }
0x70: {  	_ =	swait.ge [sflag:s20], $0x2800  }
0x71: {  	[sflag:s20] =	ssyncset.done $0x0  }
0x72: {  	[sflag:s20] =	ssyncadd.s32 $0xFFFFD800  }
0x73: {  	[spmem:s1] =	stream.indirect.scatter.add.f32 [tilespmem:s17], [sflag:$0x3], $0x80, s16, s21, $0xb8;
	[tilespmem:$0x19100] =	vst v63  }
0x74: {  	_ =	swait.ge [sflag:s15], $0x2800  }
0x75: {  	[sflag:s15] =	ssyncset.done $0x0  }
0x76: {  	s23 =	sadd.s32 $0x1, s23;
	[sflag:s15] =	ssyncadd.s32 $0xFFFFD800  }
0x77: {  	p0 =	sne.s32 s23, s10;
	[bflag:$0x0] =	sbarrier.arrive $0xFFFF  }
0x78: {  	[hbm:s9], [sflag:s6] =	dma.local [spmem:s14], $0x2800  }
.Ltmp1:
0x79: {  	_ =	swait.ge [sflag:s15], $0x2800;
	(pc) =	sbr.rel @p0 .LBB2_1-.Ltmp1, $3  }
0x7a: {  	[sflag:s15] =	ssyncset.done $0x0  }
0x7b: {  	[sflag:s15] =	ssyncadd.s32 $0xFFFFD800  }
0x7c: {  	[bflag:$0x0] =	sbarrier.arrive $0xFFFF;
	_ =	sdelay $0x1  }
0x7d: {  	_ =	sfence.sel $0x180000  }
0x7e: {  	[bflag:$0x0] =	sbarrier.arrive $0xFFFF  }
0x7f: {  	p0 =	sne.s32 s2, $0x0;
	_ =	strace $0x9000004A  }
0x80: {  	s0 =	sadd.s32 @!p0 $0x100000, s0;
	[bflag:$0x2] =	sbarrier.arrive $0xFFFF  }
0x81: {  	[sflag:s0] =	ssyncadd.tile.s32 @!p0 $0x1;
	_ =	shalt  }
.Lfunc_end2:
_tile_overlayer_lowered:
.L_overlay_start_2:
0x82: {  	(tag) =	ssettag $0x2  }
0x83: {  	s0 =	rddreg [dreg:$0x0];
	s2 =	stileid.u32  }
0x84: {  	s1 =	rddreg [dreg:$0x1];
	p0 =	sne.s32 s2, $0x0  }
0x85: {  	s3 =	rddreg [dreg:$0x2];
	[bflag:$0x3] =	sbarrier.arrive $0xFFFF;
	s2 =	simm.s32 @!p0 $0x1C03  }
0x86: {  	[timem:s3], [sflag:s2] =	dma.local @!p0 [hbm:s0], s1  }
0x87: {  	s0 =	simm.s32 @!p0 $0x3  }
0x88: {  	_ =	swait.ge @!p0 [sflag:s0], s1  }
0x89: {  	s1 =	ssub.s32 @!p0 $0x0, s1;
	[sflag:s0] =	ssyncset.done @!p0 $0x0  }
0x8a: {  	[sflag:s0] =	ssyncadd.s32 @!p0 s1  }
0x8b: {  	[bflag:$0x3] =	sbarrier.arrive $0xFFFF  }
0x8c: {  	_ =	shalt  }

// kernel: kernel.25.cloned.1.call-start
scs
__scs_entry_jumppad:
0x0: {  	(pc) =	sbr.rel $0x88, $3  }
0x1: {  	(tag) =	ssettag $0x0;
	lr =	simm.s32 $0x1  }
0x2: {  	[smem:$0x3F8D] =	sst lr;
	_ =	strace $0xD0000000  }
0x3: {  	_ = 	snop  }
0x4: {  	_ = 	snop  }
0x5: {  	_ = 	snop  }
0x6: {  	_ = 	snop  }
0x7: {  	_ = 	snop  }
__scs_overlays_trampoline_lowered:
0x8: {  	[smem:$0x3F9C] =	sst s0  }
0x9: {  	[smem:$0x3F9D] =	sst s1  }
0xa: {  	[smem:$0x3F9E] =	sst s2  }
0xb: {  	[smem:$0x3F9F] =	sst s3  }
0xc: {  	[smem:$0x3FA0] =	sst s4  }
0xd: {  	[smem:$0x3FA1] =	sst s5  }
0xe: {  	[smem:$0x3FA2] =	sst s6  }
0xf: {  	[smem:$0x3FA3] =	sst s7  }
0x10: {  	[smem:$0x3FA4] =	sst s8  }
0x11: {  	[smem:$0x3FA5] =	sst s9;
	s0 =	simm.s32 @!p0 $0x0  }
0x12: {  	s1 =	sld [smem:$0x3F8B];
	s0 =	simm.s32 @p0 $0x1  }
0x13: {  	[smem:$0x3FA6] =	sst s0;
	s0 =	simm.s32 @!p1 $0x0  }
0x14: {  	s2 =	sld [smem:$0x3F8A];
	s0 =	simm.s32 @p1 $0x1  }
0x15: {  	[smem:$0x3FA7] =	sst s0;
	s0 =	simm.s32 @!p2 $0x0  }
0x16: {  	s3 =	sld [smem:$0x3FDB];
	s0 =	simm.s32 @p2 $0x1  }
0x17: {  	s4 =	simm.s32 $0x1BF5;
	[smem:$0x3FA9] =	sst s0  }
0x18: {  	s0 =	sld [smem:$0x3F8C];
	_ =	swait.ge [sflag:s4], $0x0  }
0x19: {  	s7 =	sld [smem:$0x3F8D]  }
0x1a: {  	s8 =	sadd.s32 $0xFFFFE003, lr  }
0x1b: {  	s9 =	sadd.s32 $0xFFFFFEF7, lr;
	s5 =	simm.s32 $0xFFFFFFFF;
	p2 =	slt.u32 s8, $0xFFFFF086  }
0x1c: {  	p1 =	slt.u32 s9, $0xF7A;
	s5 =	simm.s32 @!p2 $0x0  }
0x1d: {  	s5 =	simm.s32 @p1 $0x1;
	p0 =	seq.s32 s7, s2  }
0x1e: {  	s7 =	smul.u32 @!p0 $0xF7A, s2;
	p2 =	seq.s32 @!p0 s5, $0x0  }
0x1f: {  	s9 =	smul.u32 $0xF7A, s1;
	s8 =	simm.s32 @!p0 $0x1BF5;
	p2 =	por !p2, p0  }
0x20: {  	[sflag:s8] =	ssyncset.s32 @!p0 $0xFFFFF086;
	s6 =	sadd.s32 @!p0 s3, s7;
	s7 =	simm.s32 @!p0 $0x108  }
0x21: {  	s3 =	sadd.s32 s3, s9;
	s6 =	sadd.s32 @!p0 $0x88, s6;
	s7 =	simm.s32 @p2 $0x1082  }
0x22: {  	[simem:s7], [sflag:s8] =	dma.local @!p0 [hbm:s6], $0xF7A  }
0x23: {  	s9 =	sor.u32 $0xD0000000, s2;
	s6 =	simm.s32 $0x108;
	_ =	swait.ge @!p0 [sflag:s8], $0x0  }
0x24: {  	s3 =	sadd.s32 $0x88, s3;
	s6 =	simm.s32 @!p1 $0x1082;
	[sflag:s4] =	ssyncset.s32 $0xFFFFF086  }
0x25: {  	[simem:s6], [sflag:s4] =	dma.local [hbm:s3], $0xF7A  }
0x26: {  	[smem:$0x3F8D] =	sst s1;
	(tag) =	ssettag s2;
	_ =	strace s9  }
0x27: {  	s1 =	sld [smem:$0x3F9D]  }
0x28: {  	s2 =	sld [smem:$0x3F9E]  }
0x29: {  	s4 =	sld [smem:$0x3FA0]  }
0x2a: {  	p0 =	seq.s32 s5, $0x0;
	s5 =	sld [smem:$0x3FA1]  }
0x2b: {  	s6 =	sld [smem:$0x3FA2]  }
0x2c: {  	s7 =	sld [smem:$0x3FA3]  }
0x2d: {  	s3 =	simm.s32 $0x108;
	s8 =	sld [smem:$0x3FA4]  }
0x2e: {  	s3 =	simm.s32 @!p0 $0x1082;
	s9 =	sld [smem:$0x3FA5]  }
0x2f: {  	lr =	sadd.s32 s0, s3;
	s0 =	sld [smem:$0x3F9C]  }
0x30: {  	s3 =	sld [smem:$0x3F9F]  }
0x31: {  	[smem:$0x3FA8] =	sst s10  }
0x32: {  	s10 =	sld [smem:$0x3FA6];
	_ =	sdelay $0x3  }
0x33: {  	p0 =	seq.s32 s10, $0x1;
	s10 =	sld [smem:$0x3FA8];
	_ =	sdelay $0x3  }
0x34: {  	[smem:$0x3FA8] =	sst s10  }
0x35: {  	s10 =	sld [smem:$0x3FA7];
	_ =	sdelay $0x3  }
0x36: {  	p1 =	seq.s32 s10, $0x1;
	s10 =	sld [smem:$0x3FA8];
	_ =	sdelay $0x3  }
0x37: {  	[smem:$0x3FA8] =	sst s10  }
0x38: {  	s10 =	sld [smem:$0x3FA9]  }
0x39: {  	_ = 	snop;
	(pc) =	sbr.ind lr, $3  }
0x3a: {  	_ = 	snop  }
0x3b: {  	_ = 	snop  }
0x3c: {  	p2 =	seq.s32 s10, $0x1;
	s10 =	sld [smem:$0x3FA8]  }
0x3d: {  	_ =	shalt  }
0x3e: {  	_ =	shalt  }
0x3f: {  	_ =	shalt  }
0x40: {  	_ =	shalt  }
0x41: {  	_ =	shalt  }
0x42: {  	_ =	shalt  }
0x43: {  	_ =	shalt  }
0x44: {  	_ =	shalt  }
0x45: {  	_ =	shalt  }
0x46: {  	_ =	shalt  }
0x47: {  	_ =	shalt  }
0x48: {  	_ =	shalt  }
0x49: {  	_ =	shalt  }
0x4a: {  	_ =	shalt  }
0x4b: {  	_ =	shalt  }
0x4c: {  	_ =	shalt  }
0x4d: {  	_ =	shalt  }
0x4e: {  	_ =	shalt  }
0x4f: {  	_ =	shalt  }
0x50: {  	_ =	shalt  }
0x51: {  	_ =	shalt  }
0x52: {  	_ =	shalt  }
0x53: {  	_ =	shalt  }
0x54: {  	_ =	shalt  }
0x55: {  	_ =	shalt  }
0x56: {  	_ =	shalt  }
0x57: {  	_ =	shalt  }
0x58: {  	_ =	shalt  }
0x59: {  	_ =	shalt  }
0x5a: {  	_ =	shalt  }
0x5b: {  	_ =	shalt  }
0x5c: {  	_ =	shalt  }
0x5d: {  	_ =	shalt  }
0x5e: {  	_ =	shalt  }
0x5f: {  	_ =	shalt  }
0x60: {  	_ =	shalt  }
0x61: {  	_ =	shalt  }
0x62: {  	_ =	shalt  }
0x63: {  	_ =	shalt  }
0x64: {  	_ =	shalt  }
0x65: {  	_ =	shalt  }
0x66: {  	_ =	shalt  }
0x67: {  	_ =	shalt  }
0x68: {  	_ =	shalt  }
0x69: {  	_ =	shalt  }
0x6a: {  	_ =	shalt  }
0x6b: {  	_ =	shalt  }
0x6c: {  	_ =	shalt  }
0x6d: {  	_ =	shalt  }
0x6e: {  	_ =	shalt  }
0x6f: {  	_ =	shalt  }
0x70: {  	_ =	shalt  }
0x71: {  	_ =	shalt  }
0x72: {  	_ =	shalt  }
0x73: {  	_ =	shalt  }
0x74: {  	_ =	shalt  }
0x75: {  	_ =	shalt  }
0x76: {  	_ =	shalt  }
0x77: {  	_ =	shalt  }
0x78: {  	_ =	shalt  }
0x79: {  	_ =	shalt  }
0x7a: {  	_ =	shalt  }
0x7b: {  	_ =	shalt  }
0x7c: {  	_ =	shalt  }
0x7d: {  	_ =	shalt  }
0x7e: {  	_ =	shalt  }
0x7f: {  	_ =	shalt  }
0x80: {  	_ =	shalt  }
0x81: {  	_ =	shalt  }
0x82: {  	_ =	shalt  }
0x83: {  	_ =	shalt  }
0x84: {  	_ =	shalt  }
0x85: {  	_ =	shalt  }
0x86: {  	_ =	shalt  }
0x87: {  	_ =	shalt  }
.Lfunc_end0:
.L_simem_size_0:
called_computation.3_lowered:
.L_overlay_start_0:
0x88: {  	s2 =	sld [smem:$0x3FD9]  }
0x89: {  	s3 =	sld [smem:$0x3FFE];
	_ =	sdelay $0x1  }
0x8a: {  	s1 =	srdreg.scid  }
0x8b: {  	s0 =	sand.u32 $0x1, s1  }
0x8c: {  	s16 =	sshll.u32 s0, $0xA;
	s2 =	sadd.s32 s3, s2  }
0x8d: {  	s2 =	sadd.s32 s2, s16  }
0x8e: {  	[smem:$0x3FB4] =	sst s2  }
0x8f: {  	_ = 	snop  }
0x90: {  	(tm) =	ssettm $0x1  }
0x91: {  	s17 =	sld [smem:$0x3FFB];
	_ =	sdelay $0x3  }
0x92: {  	_ =	strace s17  }
0x93: {  	s2 =	sld [smem:$0x3FFC];
	_ =	sdelay $0x3  }
0x94: {  	_ =	strace s2  }
0x95: {  	s2 =	sld [smem:$0x3FFD];
	_ =	sdelay $0x3  }
0x96: {  	_ =	strace s2  }
0x97: {  	_ =	strace $0x8FFFFFFF  }
0x98: {  	s18 =	sld [smem:$0x3FDB];
	_ =	sdelay $0x1  }
0x99: {  	s19 =	simm.s32 $_scs_section_size  }
0x9a: {  	s4 =	simm.s32 $_size__tile_overlayer_lowered;
	s5 =	simm.s32 $_tile_overlayer_lowered  }
0x9b: {  	s22 =	simm.s32 $0x1BFF;
	s21 =	sshll.u32 s5, $0x1;
	s2 =	sadd.s32 s19, s18  }
0x9c: {  	s6 =	simm.s32 $0x0;
	s20 =	sshll.u32 s4, $0x1;
	s4 =	sadd.s32 s21, s2  }
0x9d: {  	[timem:s6], [sflag:s22] =	dma.local [hbm:s4], s20  }
0x9e: {  	_ =	swait.ge [sflag:s22], s20  }
0x9f: {  	s3 =	ssub.s32 $0x0, s20;
	[sflag:s22] =	ssyncset.done $0x0  }
0xa0: {  	[sflag:s22] =	ssyncadd.s32 s3;
	_ =	sdelay $0x1  }
0xa1: {  	s23 =	simm.s32 $0x1B8B  }
0xa2: {  	_ =	swait.ge [sflag:s23], $0x1  }
0xa3: {  	[sflag:s23] =	ssyncset.done $0x0  }
0xa4: {  	s25 =	simm.s32 $0x1B8E;
	s24 =	sld [smem:$0x3FFE];
	[sflag:s23] =	ssyncadd.s32 $0xFFFFFFFF  }
0xa5: {  	s26 =	simm.s32 $execute0_lowered;
	[smem:$0x3FD2] =	sst s25  }
0xa6: {  	s4 =	sshll.u32 s26, $0x1;
	_ =	strace $0x8000004F;
	[dreg:$0x1] =	wrdreg $0xFFFFFFFF  }
0xa7: {  	s28 =	simm.s32 $_size_execute0_lowered;
	s2 =	sadd.s32 s2, s4;
	[dreg:$0x0] =	wrdreg $0x0  }
0xa8: {  	s4 =	sshll.u32 s28, $0x1;
	[dreg:$0x2] =	wrdreg s2  }
0xa9: {  	[dreg:$0x3] =	wrdreg s4  }
0xaa: {  	[dreg:$0x4] =	wrdreg $0xC0  }
0xab: {  	_ =	task [dreg:s6], $0x5FFFF  }
0xac: {  	[dreg:$0x1] =	wrdreg $0xFFFFFFFF  }
0xad: {  	[dreg:$0x0] =	wrdreg $0x60  }
0xae: {  	[dreg:$0x2] =	wrdreg s24  }
0xaf: {  	[dreg:$0x3] =	wrdreg $0x9  }
0xb0: {  	_ =	task.clear_ibuf [dreg:s6], $0x4FFFF;
	_ =	strace $0x9000004F  }
0xb1: {  	s29 =	simm.s32 $0x9;
	_ =	strace $0x80000051  }
0xb2: {  	_ =	swait.ge [sflag:s29], $0x1  }
0xb3: {  	[sflag:s29] =	ssyncadd.s32 $0xFFFFFFFF  }
0xb4: {  	_ =	strace $0x90000051  }
0xb5: {  	_ =	sfence  }
0xb6: {  	s30 =	sld [smem:$0x0];
	_ =	sdelay $0x2  }
0xb7: {  	s31 =	sshll.u32 s1, $0xD;
	s1 =	sshrl.u32 s1, $0x2  }
0xb8: {  	s3 =	sand.u32 $0x4000, s31;
	s1 =	sadd.s32 s1, s30  }
0xb9: {  	s0 =	sor.u32 s3, s0;
	s1 =	sshll.u32 s1, $0x11  }
0xba: {  	s0 =	sor.u32 s1, s0  }
0xbb: {  	s0 =	sadd.s32 $0x8F2B, s0  }
0xbc: {  	[sflag:s0] =	ssyncadd.remote.s32 $0x1  }
0xbd: {  	_ =	sfence.sel $0xFFFF  }
0xbe: {  	[dreg:$0x0] =	wrdreg $0xFFFFFFFF;
	(pc) =	sbr.abs _section_cstart, $3  }
0xbf: {  	[dreg:$0x1] =	wrdreg $0xFFFFFFFF  }
0xc0: {  	_ =	task.clear_ibuf [dreg:s6], $0x2FFFF;
	_ =	strace $0x9FFFFFFF  }
0xc1: {  	(tm) =	ssettm $0x7FFFFFFF  }
tec
execute0_lowered:
.L_overlay_start_1:
0x0: {  	(tag) =	ssettag $0x1  }
0x1: {  	s0 =	rddreg [dreg:$0x0];
	s1 =	srdreg.scid;
	s2 =	simm.s32 $0x0  }
0x2: {  	s14 =	stileid.u32;
	s17 =	simm.s32 $0x80;
	s18 =	simm.s32 $0x5A00  }
0x3: {  	s19 =	simm.s32 $0x6200;
	s20 =	simm.s32 $0x6A00;
	s21 =	simm.s32 $0x7200  }
0x4: {  	s22 =	simm.s32 $0x7A00;
	s28 =	simm.s32 $0x4A00;
	s29 =	simm.s32 $0x50  }
0x5: {  	s30 =	simm.s32 $0xA200;
	s31 =	simm.s32 $0x180;
	s1 =	sand.u32 $0x1, s1  }
0x6: {  	[smem:$0x7FF] =	sst s2;
	s3 =	sadd.s32 $0x6E800, s0;
	s5 =	sadd.s32 $0x9400, s0  }
0x7: {  	s25 =	smul.u32 $0x2710, s14;
	_ =	strace $0x80000050;
	[dreg:$0x3] =	wrdreg s17  }
0x8: {  	s8 =	sadd.s32 $0x10AE00, s0;
	s26 =	smul.u32 $0x27100, s14;
	[dreg:$0x4] =	wrdreg s18  }
0x9: {  	s4 =	sshll.u32 s1, $0x4;
	s24 =	smul.u32 $0x27100, s1;
	[dreg:$0x5] =	wrdreg s19  }
0xa: {  	s9 =	ssub.s32 $0x2, s1;
	s13 =	smul.u32 $0x271000, s1;
	[dreg:$0x6] =	wrdreg s20  }
0xb: {  	s1 =	smul.u32 $0x4E2000, s1;
	s17 =	simm.s32 $0x100;
	[dreg:$0x7] =	wrdreg s21  }
0xc: {  	s18 =	simm.s32 $0x200;
	s20 =	simm.s32 $0x1200;
	[dreg:$0x8] =	wrdreg s22  }
0xd: {  	s21 =	simm.s32 $0x1A00;
	s22 =	simm.s32 $0x2200;
	s6 =	sor.u32 s14, s4  }
0xe: {  	s4 =	sadd.s32 $0xBCA00, s0;
	s10 =	sshrl.u32 s9, $0x1;
	s7 =	smul.u32 $0x2710, s6  }
0xf: {  	s6 =	sadd.s32 $0x13200, s0;
	s0 =	sadd.s32 $0x146C000, s0;
	s9 =	ssub.s32 s9, s10  }
0x10: {  	s1 =	sadd.s32 s1, s8;
	s9 =	smax.u32 s9, $0x1;
	s11 =	sshrl.u32 s7, $0x3  }
0x11: {  	s7 =	sadd.s32 $0x26C0, s7;
	[dreg:$0x11] =	wrdreg s9;
	s23 =	sadd.s32 s5, s11  }
0x12: {  	s9 =	simm.s32 $0x3;
	s11 =	sadd.s32 s6, s11;
	[dreg:$0xd] =	wrdreg s23  }
0x13: {  	s12 =	sshll.u32 s7, $0x5;
	s7 =	sshll.u32 s7, $0x4;
	[dreg:$0xe] =	wrdreg s11  }
0x14: {  	s12 =	sadd.s32 s8, s12;
	s7 =	sadd.s32 s0, s7;
	s11 =	sadd.s32 s25, s24  }
0x15: {  	s0 =	sadd.s32 s13, s0;
	s23 =	simm.s32 $0x8200;
	[dreg:$0xf] =	wrdreg s12  }
0x16: {  	s24 =	simm.s32 $0x8A00;
	s25 =	simm.s32 $0x9200;
	[dreg:$0x10] =	wrdreg s7  }
0x17: {  	s8 =	simm.s32 $0x2;
	s10 =	sadd.s32 $0xA0, s11;
	[dreg:$0x9] =	wrdreg s23  }
0x18: {  	s12 =	smul.u32 $0x4E200, s14;
	s0 =	sadd.s32 s26, s0;
	[dreg:$0xa] =	wrdreg s24  }
0x19: {  	s13 =	sadd.s32 $0x50, s11;
	s11 =	simm.s32 $0xA00;
	[dreg:$0xb] =	wrdreg s25  }
0x1a: {  	s23 =	simm.s32 $0x2A00;
	s26 =	simm.s32 $0x9A00;
	[dreg:$0x12] =	wrdreg s10  }
0x1b: {  	s24 =	simm.s32 $0x3200;
	s25 =	simm.s32 $0x3A00;
	[dreg:$0x2] =	wrdreg s0  }
0x1c: {  	s7 =	simm.s32 $0x1;
	s15 =	sshrl.u32 s13, $0x3;
	[dreg:$0xc] =	wrdreg s26  }
0x1d: {  	s26 =	simm.s32 $0x4200;
	s14 =	sadd.s32 s12, s1;
	s16 =	sadd.s32 s15, s6  }
0x1e: {  	v2 =	vlaneseq.u32;
	s1 =	sadd.s32 s15, s5;
	s12 =	simm.s32 $0x0;
	[dreg:$0x14] =	wrdreg s16  }
0x1f: {  	vm0 =	vmmov $0xffff;
	v1 =	vshrl.u32 v2, $0x3;
	s0 =	sadd.s32 $0xA00, s14;
	[dreg:$0x15] =	wrdreg s1;
	s16 =	simm.s32 $0x5  }
0x20: {  	v0 =	vand.u32 $0x7, v2;
	v2 =	vor.u32 $0x8, v2;
	v1 =	vmul.u32 $0x8, v1;
	s1 =	simm.s32 $0xCA00;
	[dreg:$0x13] =	wrdreg s0;
	s0 =	simm.s32 $0x5200  }
.LBB2_1:
0x21: {  	[dreg:$0x16] =	wrdreg s12  }
0x22: {  	s10 =	rddreg [dreg:$0xd]  }
0x23: {  	[tilespmem:s2], [sflag:$0x5] =	stream.linear.gather [hbm4b:s10+s2], $0x50, $0x38;
	[tilespmem:$0xF200] =	vst v63  }
0x24: {  	_ =	swait.ge [sflag:s16], $0x50  }
0x25: {  	[sflag:s16] =	ssyncset.done $0x0  }
0x26: {  	s19 =	rddreg [dreg:$0xe];
	[sflag:s16] =	ssyncadd.s32 $0xFFFFFFB0  }
0x27: {  	[tilespmem:s17], [sflag:$0x5] =	stream.linear.gather [hbm4b:s19+s2], $0x50, $0x38;
	[tilespmem:$0xF200] =	vst v63  }
0x28: {  	_ =	swait.ge [sflag:s16], $0x50  }
0x29: {  	[sflag:s16] =	ssyncset.done $0x0  }
0x2a: {  	[sflag:s16] =	ssyncadd.s32 $0xFFFFFFB0  }
0x2b: {  	v3 =	vld [tilespmem:$0x0];
	_ =	sdelay $0x4  }
0x2c: {  	v4 =	vshll.u32 v3, $0x1  }
0x2d: {  	v3 =	vand.u32 $0x7, v3;
	v4 =	vand.u32 $0xFFFFFFF0, v4  }
0x2e: {  	v3 =	vor.u32 v3, v4  }
0x2f: {  	v4 =	vperm.xlane v3, v0;
	_ =	sdelay $0x1  }
0x30: {  	v3 =	vperm.xlane v3, v2;
	v4 =	vadd.s32 v1, v4;
	_ =	sdelay $0x1  }
0x31: {  	v3 =	vadd.s32 v1, v3;
	_ =	sdelay $0x2  }
0x32: {  	[tilespmem:s18], [sflag:$0x1] =	stream.indirect_vreg.gather [hbm4b:s3+s2], $0x80, v4, vm0, $0xb8;
	[tilespmem:$0xF200] =	vst v63  }
0x33: {  	_ = 	snop  }
0x34: {  	[tilespmem:s11], [sflag:$0x1] =	stream.indirect_vreg.gather [hbm4b:s3+s2], $0x80, v3, vm0, $0xb8;
	[tilespmem:$0xF200] =	vst v63  }
0x35: {  	v3 =	vld [tilespmem:$0x10];
	_ =	sdelay $0x4  }
0x36: {  	v60 =	vshll.u32 v3, $0x1  }
0x37: {  	v3 =	vand.u32 $0x7, v3;
	v4 =	vand.u32 $0xFFFFFFF0, v60  }
0x38: {  	v3 =	vor.u32 v3, v4  }
0x39: {  	v4 =	vperm.xlane v3, v0;
	_ =	sdelay $0x1  }
0x3a: {  	v3 =	vperm.xlane v3, v2;
	v4 =	vadd.s32 v1, v4;
	_ =	sdelay $0x1  }
0x3b: {  	v3 =	vadd.s32 v1, v3;
	_ =	sdelay $0x2  }
0x3c: {  	[tilespmem:s20], [sflag:$0x1] =	stream.indirect_vreg.gather [hbm4b:s3+s2], $0x80, v4, vm0, $0xb8;
	[tilespmem:$0xF200] =	vst v63  }
0x3d: {  	_ = 	snop  }
0x3e: {  	[tilespmem:s21], [sflag:$0x1] =	stream.indirect_vreg.gather [hbm4b:s3+s2], $0x80, v3, vm0, $0xb8;
	[tilespmem:$0xF200] =	vst v63  }
0x3f: {  	v3 =	vld [tilespmem:$0x20];
	_ =	sdelay $0x4  }
0x40: {  	v61 =	vshll.u32 v3, $0x1  }
0x41: {  	v3 =	vand.u32 $0x7, v3;
	v4 =	vand.u32 $0xFFFFFFF0, v61  }
0x42: {  	v3 =	vor.u32 v3, v4  }
0x43: {  	v4 =	vperm.xlane v3, v0;
	_ =	sdelay $0x1  }
0x44: {  	v3 =	vperm.xlane v3, v2;
	v4 =	vadd.s32 v1, v4;
	_ =	sdelay $0x1  }
0x45: {  	v3 =	vadd.s32 v1, v3;
	_ =	sdelay $0x2  }
0x46: {  	[tilespmem:s22], [sflag:$0x1] =	stream.indirect_vreg.gather [hbm4b:s3+s2], $0x80, v4, vm0, $0xb8;
	[tilespmem:$0xF200] =	vst v63  }
0x47: {  	_ = 	snop  }
0x48: {  	[tilespmem:s23], [sflag:$0x1] =	stream.indirect_vreg.gather [hbm4b:s3+s2], $0x80, v3, vm0, $0xb8;
	[tilespmem:$0xF200] =	vst v63  }
0x49: {  	v3 =	vld [tilespmem:$0x30];
	_ =	sdelay $0x4  }
0x4a: {  	v62 =	vshll.u32 v3, $0x1  }
0x4b: {  	v3 =	vand.u32 $0x7, v3;
	v4 =	vand.u32 $0xFFFFFFF0, v62  }
0x4c: {  	v3 =	vor.u32 v3, v4  }
0x4d: {  	v4 =	vperm.xlane v3, v0;
	_ =	sdelay $0x1  }
0x4e: {  	v3 =	vperm.xlane v3, v2;
	v4 =	vadd.s32 v1, v4;
	_ =	sdelay $0x1  }
0x4f: {  	v3 =	vadd.s32 v1, v3;
	_ =	sdelay $0x2  }
0x50: {  	[tilespmem:s24], [sflag:$0x1] =	stream.indirect_vreg.gather [hbm4b:s3+s2], $0x80, v4, vm0, $0xb8;
	[tilespmem:$0xF200] =	vst v63  }
0x51: {  	_ = 	snop  }
0x52: {  	[tilespmem:s25], [sflag:$0x1] =	stream.indirect_vreg.gather [hbm4b:s3+s2], $0x80, v3, vm0, $0xb8;
	[tilespmem:$0xF200] =	vst v63  }
0x53: {  	v3 =	vld [tilespmem:$0x40];
	_ =	sdelay $0x4  }
0x54: {  	v63 =	vshll.u32 v3, $0x1  }
0x55: {  	v3 =	vand.u32 $0x7, v3;
	v4 =	vand.u32 $0xFFFFFFF0, v63  }
0x56: {  	v3 =	vor.u32 v3, v4  }
0x57: {  	v4 =	vperm.xlane v3, v0;
	_ =	sdelay $0x1  }
0x58: {  	v3 =	vperm.xlane v3, v2;
	v4 =	vadd.s32 v1, v4;
	_ =	sdelay $0x1  }
0x59: {  	v3 =	vadd.s32 v1, v3  }
0x5a: {  	s15 =	rddreg [dreg:$0x15]  }
0x5b: {  	s14 =	rddreg [dreg:$0x14]  }
0x5c: {  	[tilespmem:s26], [sflag:$0x1] =	stream.indirect_vreg.gather [hbm4b:s3+s2], $0x80, v4, vm0, $0xb8;
	[tilespmem:$0xF200] =	vst v63  }
0x5d: {  	s13 =	rddreg [dreg:$0x13]  }
0x5e: {  	[tilespmem:s28], [sflag:$0x1] =	stream.indirect_vreg.gather [hbm4b:s3+s2], $0x80, v3, vm0, $0xb8;
	[tilespmem:$0xF200] =	vst v63  }
0x5f: {  	s10 =	simm.s32 $0x0;
	s12 =	rddreg [dreg:$0x12]  }
0x60: {  	[tilespmem:s30], [sflag:$0x1] =	stream.indirect.gather [hbm4b:s4+s29], $0x80, s17, s29, $0xb8;
	[tilespmem:$0xF200] =	vst v63  }
.LBB2_2:
0x61: {  	p0 =	seq.s32 s10, $0x0  }
0x62: {  	s11 =	simm.s32 @!p0 $0x4  }
0x63: {  	_ =	swait.ge @!p0 [sflag:s11], $0x5000  }
0x64: {  	[sflag:s11] =	ssyncset.done @!p0 $0x0  }
0x65: {  	[sflag:s11] =	ssyncadd.s32 @!p0 $0xFFFFB000  }
0x66: {  	_ =	swait.ge @!p0 [sflag:s11], $0x2800  }
0x67: {  	[sflag:s11] =	ssyncset.done @!p0 $0x0  }
0x68: {  	s19 =	rddreg [dreg:$0x3];
	[sflag:s11] =	ssyncadd.s32 @!p0 $0xFFFFD800  }
0x69: {  	[tilespmem:s19], [sflag:$0x5] =	stream.linear.gather [hbm4b:s15+s2], $0x50, $0x38;
	[tilespmem:$0xF200] =	vst v63  }
0x6a: {  	_ =	swait.ge [sflag:s16], $0x50  }
0x6b: {  	[sflag:s16] =	ssyncset.done $0x0  }
0x6c: {  	[sflag:s16] =	ssyncadd.s32 $0xFFFFFFB0  }
0x6d: {  	[tilespmem:s31], [sflag:$0x5] =	stream.linear.gather [hbm4b:s14+s2], $0x50, $0x38;
	[tilespmem:$0xF200] =	vst v63  }
0x6e: {  	_ =	swait.ge [sflag:s16], $0x50  }
0x6f: {  	[sflag:s16] =	ssyncset.done $0x0  }
0x70: {  	[sflag:s16] =	ssyncadd.s32 $0xFFFFFFB0  }
0x71: {  	v3 =	vld [tilespmem:$0x80];
	_ =	sdelay $0x4  }
0x72: {  	v4 =	vshll.u32 v3, $0x1  }
0x73: {  	v3 =	vand.u32 $0x7, v3;
	v4 =	vand.u32 $0xFFFFFFF0, v4  }
0x74: {  	v3 =	vor.u32 v3, v4  }
0x75: {  	v4 =	vperm.xlane v3, v0;
	_ =	sdelay $0x1  }
0x76: {  	v3 =	vperm.xlane v3, v2;
	v4 =	vadd.s32 v1, v4;
	_ =	sdelay $0x1  }
0x77: {  	v3 =	vadd.s32 v1, v3;
	_ =	sdelay $0x2  }
0x78: {  	[tilespmem:s0], [sflag:$0x2] =	stream.indirect_vreg.gather [hbm4b:s3+s2], $0x80, v4, vm0, $0xb8;
	[tilespmem:$0xF200] =	vst v63  }
0x79: {  	s19 =	rddreg [dreg:$0x4]  }
0x7a: {  	[tilespmem:s19], [sflag:$0x2] =	stream.indirect_vreg.gather [hbm4b:s3+s2], $0x80, v3, vm0, $0xb8;
	[tilespmem:$0xF200] =	vst v63  }
0x7b: {  	v3 =	vld [tilespmem:$0x90];
	_ =	sdelay $0x4  }
0x7c: {  	v55 =	vshll.u32 v3, $0x1  }
0x7d: {  	v3 =	vand.u32 $0x7, v3;
	v4 =	vand.u32 $0xFFFFFFF0, v55  }
0x7e: {  	v3 =	vor.u32 v3, v4  }
0x7f: {  	v4 =	vperm.xlane v3, v0;
	_ =	sdelay $0x1  }
0x80: {  	v3 =	vperm.xlane v3, v2;
	v4 =	vadd.s32 v1, v4;
	_ =	sdelay $0x1  }
0x81: {  	v3 =	vadd.s32 v1, v3;
	_ =	sdelay $0x1  }
0x82: {  	s11 =	rddreg [dreg:$0x5]  }
0x83: {  	[tilespmem:s11], [sflag:$0x2] =	stream.indirect_vreg.gather [hbm4b:s3+s2], $0x80, v4, vm0, $0xb8;
	[tilespmem:$0xF200] =	vst v63  }
0x84: {  	s19 =	rddreg [dreg:$0x6]  }
0x85: {  	[tilespmem:s19], [sflag:$0x2] =	stream.indirect_vreg.gather [hbm4b:s3+s2], $0x80, v3, vm0, $0xb8;
	[tilespmem:$0xF200] =	vst v63  }
0x86: {  	v3 =	vld [tilespmem:$0xA0];
	_ =	sdelay $0x4  }
0x87: {  	v56 =	vshll.u32 v3, $0x1  }
0x88: {  	v3 =	vand.u32 $0x7, v3;
	v4 =	vand.u32 $0xFFFFFFF0, v56  }
0x89: {  	v3 =	vor.u32 v3, v4  }
0x8a: {  	v4 =	vperm.xlane v3, v0;
	_ =	sdelay $0x1  }
0x8b: {  	v3 =	vperm.xlane v3, v2;
	v4 =	vadd.s32 v1, v4;
	_ =	sdelay $0x1  }
0x8c: {  	v3 =	vadd.s32 v1, v3;
	_ =	sdelay $0x1  }
0x8d: {  	s11 =	rddreg [dreg:$0x7]  }
0x8e: {  	[tilespmem:s11], [sflag:$0x2] =	stream.indirect_vreg.gather [hbm4b:s3+s2], $0x80, v4, vm0, $0xb8;
	[tilespmem:$0xF200] =	vst v63  }
0x8f: {  	s19 =	rddreg [dreg:$0x8]  }
0x90: {  	[tilespmem:s19], [sflag:$0x2] =	stream.indirect_vreg.gather [hbm4b:s3+s2], $0x80, v3, vm0, $0xb8;
	[tilespmem:$0xF200] =	vst v63  }
0x91: {  	v3 =	vld [tilespmem:$0xB0];
	_ =	sdelay $0x4  }
0x92: {  	v57 =	vshll.u32 v3, $0x1  }
0x93: {  	v3 =	vand.u32 $0x7, v3;
	v4 =	vand.u32 $0xFFFFFFF0, v57  }
0x94: {  	v3 =	vor.u32 v3, v4  }
0x95: {  	v4 =	vperm.xlane v3, v0;
	_ =	sdelay $0x1  }
0x96: {  	v3 =	vperm.xlane v3, v2;
	v4 =	vadd.s32 v1, v4;
	_ =	sdelay $0x1  }
0x97: {  	v3 =	vadd.s32 v1, v3;
	_ =	sdelay $0x1  }
0x98: {  	s11 =	rddreg [dreg:$0x9]  }
0x99: {  	[tilespmem:s11], [sflag:$0x2] =	stream.indirect_vreg.gather [hbm4b:s3+s2], $0x80, v4, vm0, $0xb8;
	[tilespmem:$0xF200] =	vst v63  }
0x9a: {  	s19 =	rddreg [dreg:$0xa]  }
0x9b: {  	[tilespmem:s19], [sflag:$0x2] =	stream.indirect_vreg.gather [hbm4b:s3+s2], $0x80, v3, vm0, $0xb8;
	[tilespmem:$0xF200] =	vst v63  }
0x9c: {  	v3 =	vld [tilespmem:$0xC0];
	_ =	sdelay $0x4  }
0x9d: {  	v58 =	vshll.u32 v3, $0x1  }
0x9e: {  	v3 =	vand.u32 $0x7, v3;
	v4 =	vand.u32 $0xFFFFFFF0, v58  }
0x9f: {  	v3 =	vor.u32 v3, v4  }
0xa0: {  	v4 =	vperm.xlane v3, v0;
	_ =	sdelay $0x1  }
0xa1: {  	v3 =	vperm.xlane v3, v2;
	v4 =	vadd.s32 v1, v4;
	_ =	sdelay $0x1  }
0xa2: {  	v3 =	vadd.s32 v1, v3;
	_ =	sdelay $0x1  }
0xa3: {  	s11 =	rddreg [dreg:$0xb]  }
0xa4: {  	[tilespmem:s11], [sflag:$0x2] =	stream.indirect_vreg.gather [hbm4b:s3+s2], $0x80, v4, vm0, $0xb8;
	[tilespmem:$0xF200] =	vst v63  }
0xa5: {  	s19 =	rddreg [dreg:$0xc]  }
0xa6: {  	[tilespmem:s19], [sflag:$0x2] =	stream.indirect_vreg.gather [hbm4b:s3+s2], $0x80, v3, vm0, $0xb8;
	[tilespmem:$0xF200] =	vst v63  }
0xa7: {  	_ = 	snop  }
0xa8: {  	[tilespmem:s1], [sflag:$0x2] =	stream.indirect.gather [hbm4b:s4+s29], $0x80, s31, s29, $0xb8;
	[tilespmem:$0xF200] =	vst v63  }
0xa9: {  	_ =	swait.ge [sflag:s7], $0x5000  }
0xaa: {  	[sflag:s7] =	ssyncset.done $0x0  }
0xab: {  	[sflag:s7] =	ssyncadd.s32 $0xFFFFB000  }
0xac: {  	_ =	swait.ge [sflag:s7], $0x2800  }
0xad: {  	[sflag:s7] =	ssyncset.done $0x0  }
0xae: {  	s19 =	sadd.s32 $0xFFFFF600, s13;
	s11 =	rddreg [dreg:$0x2];
	[sflag:s7] =	ssyncadd.s32 $0xFFFFD800  }
0xaf: {  	[hbm4b:s19+s2] =	stream.linear.scatter [tilespmem:s18], [sflag:$0x3], $0x5000, $0x38;
	[tilespmem:$0xF200] =	vst v63  }
0xb0: {  	s11 =	sadd.s32 s10, s11  }
0xb1: {  	[hbm4b:s11+s2] =	stream.linear.scatter [tilespmem:s30], [sflag:$0x3], $0x2800, $0x38;
	[tilespmem:$0xF200] =	vst v63  }
0xb2: {  	_ =	swait.ge [sflag:s8], $0x5000  }
0xb3: {  	[sflag:s8] =	ssyncset.done $0x0  }
0xb4: {  	[sflag:s8] =	ssyncadd.s32 $0xFFFFB000  }
0xb5: {  	_ =	swait.ge [sflag:s8], $0x2800  }
0xb6: {  	[sflag:s8] =	ssyncset.done $0x0  }
0xb7: {  	[sflag:s8] =	ssyncadd.s32 $0xFFFFD800  }
0xb8: {  	[hbm4b:s13+s2] =	stream.linear.scatter [tilespmem:s0], [sflag:$0x4], $0x5000, $0x38;
	[tilespmem:$0xF200] =	vst v63  }
0xb9: {  	s11 =	sadd.s32 $0x500, s11  }
0xba: {  	[hbm4b:s11+s2] =	stream.linear.scatter [tilespmem:s1], [sflag:$0x4], $0x2800, $0x38;
	[tilespmem:$0xF200] =	vst v63  }
0xbb: {  	_ =	swait.ge [sflag:s9], $0x5000  }
0xbc: {  	[sflag:s9] =	ssyncset.done $0x0  }
0xbd: {  	[sflag:s9] =	ssyncadd.s32 $0xFFFFB000  }
0xbe: {  	_ =	swait.ge [sflag:s9], $0x2800  }
0xbf: {  	s11 =	sshrl.u32 s12, $0x3;
	[sflag:s9] =	ssyncset.done $0x0  }
0xc0: {  	s19 =	sadd.s32 s5, s11;
	[sflag:s9] =	ssyncadd.s32 $0xFFFFD800  }
0xc1: {  	[tilespmem:s2], [sflag:$0x5] =	stream.linear.gather [hbm4b:s19+s2], $0x50, $0x38;
	[tilespmem:$0xF200] =	vst v63  }
0xc2: {  	_ =	swait.ge [sflag:s16], $0x50  }
0xc3: {  	[sflag:s16] =	ssyncset.done $0x0  }
0xc4: {  	s11 =	sadd.s32 s6, s11;
	[sflag:s16] =	ssyncadd.s32 $0xFFFFFFB0  }
0xc5: {  	[tilespmem:s17], [sflag:$0x5] =	stream.linear.gather [hbm4b:s11+s2], $0x50, $0x38;
	[tilespmem:$0xF200] =	vst v63  }
0xc6: {  	_ =	swait.ge [sflag:s16], $0x50  }
0xc7: {  	[sflag:s16] =	ssyncset.done $0x0  }
0xc8: {  	[sflag:s16] =	ssyncadd.s32 $0xFFFFFFB0  }
0xc9: {  	v3 =	vld [tilespmem:$0x0];
	_ =	sdelay $0x4  }
0xca: {  	v59 =	vshll.u32 v3, $0x1  }
0xcb: {  	v3 =	vand.u32 $0x7, v3;
	v4 =	vand.u32 $0xFFFFFFF0, v59  }
0xcc: {  	v3 =	vor.u32 v3, v4  }
0xcd: {  	v4 =	vperm.xlane v3, v0;
	_ =	sdelay $0x1  }
0xce: {  	v3 =	vperm.xlane v3, v2;
	v4 =	vadd.s32 v1, v4;
	_ =	sdelay $0x1  }
0xcf: {  	v3 =	vadd.s32 v1, v3;
	_ =	sdelay $0x2  }
0xd0: {  	[tilespmem:s18], [sflag:$0x1] =	stream.indirect_vreg.gather [hbm4b:s3+s2], $0x80, v4, vm0, $0xb8;
	[tilespmem:$0xF200] =	vst v63  }
0xd1: {  	s11 =	simm.s32 $0xA00  }
0xd2: {  	[tilespmem:s11], [sflag:$0x1] =	stream.indirect_vreg.gather [hbm4b:s3+s2], $0x80, v3, vm0, $0xb8;
	[tilespmem:$0xF200] =	vst v63  }
0xd3: {  	v3 =	vld [tilespmem:$0x10];
	_ =	sdelay $0x4  }
0xd4: {  	v60 =	vshll.u32 v3, $0x1  }
0xd5: {  	v3 =	vand.u32 $0x7, v3;
	v4 =	vand.u32 $0xFFFFFFF0, v60  }
0xd6: {  	v3 =	vor.u32 v3, v4  }
0xd7: {  	v4 =	vperm.xlane v3, v0;
	_ =	sdelay $0x1  }
0xd8: {  	v3 =	vperm.xlane v3, v2;
	v4 =	vadd.s32 v1, v4;
	_ =	sdelay $0x1  }
0xd9: {  	v3 =	vadd.s32 v1, v3;
	_ =	sdelay $0x2  }
0xda: {  	[tilespmem:s20], [sflag:$0x1] =	stream.indirect_vreg.gather [hbm4b:s3+s2], $0x80, v4, vm0, $0xb8;
	[tilespmem:$0xF200] =	vst v63  }
0xdb: {  	_ = 	snop  }
0xdc: {  	[tilespmem:s21], [sflag:$0x1] =	stream.indirect_vreg.gather [hbm4b:s3+s2], $0x80, v3, vm0, $0xb8;
	[tilespmem:$0xF200] =	vst v63  }
0xdd: {  	v3 =	vld [tilespmem:$0x20];
	_ =	sdelay $0x4  }
0xde: {  	v61 =	vshll.u32 v3, $0x1  }
0xdf: {  	v3 =	vand.u32 $0x7, v3;
	v4 =	vand.u32 $0xFFFFFFF0, v61  }
0xe0: {  	v3 =	vor.u32 v3, v4  }
0xe1: {  	v4 =	vperm.xlane v3, v0;
	_ =	sdelay $0x1  }
0xe2: {  	v3 =	vperm.xlane v3, v2;
	v4 =	vadd.s32 v1, v4;
	_ =	sdelay $0x1  }
0xe3: {  	v3 =	vadd.s32 v1, v3;
	_ =	sdelay $0x2  }
0xe4: {  	[tilespmem:s22], [sflag:$0x1] =	stream.indirect_vreg.gather [hbm4b:s3+s2], $0x80, v4, vm0, $0xb8;
	[tilespmem:$0xF200] =	vst v63  }
0xe5: {  	_ = 	snop  }
0xe6: {  	[tilespmem:s23], [sflag:$0x1] =	stream.indirect_vreg.gather [hbm4b:s3+s2], $0x80, v3, vm0, $0xb8;
	[tilespmem:$0xF200] =	vst v63  }
0xe7: {  	v3 =	vld [tilespmem:$0x30];
	_ =	sdelay $0x4  }
0xe8: {  	v62 =	vshll.u32 v3, $0x1  }
0xe9: {  	v3 =	vand.u32 $0x7, v3;
	v4 =	vand.u32 $0xFFFFFFF0, v62  }
0xea: {  	v3 =	vor.u32 v3, v4  }
0xeb: {  	v4 =	vperm.xlane v3, v0;
	_ =	sdelay $0x1  }
0xec: {  	v3 =	vperm.xlane v3, v2;
	v4 =	vadd.s32 v1, v4;
	_ =	sdelay $0x1  }
0xed: {  	v3 =	vadd.s32 v1, v3;
	_ =	sdelay $0x2  }
0xee: {  	[tilespmem:s24], [sflag:$0x1] =	stream.indirect_vreg.gather [hbm4b:s3+s2], $0x80, v4, vm0, $0xb8;
	[tilespmem:$0xF200] =	vst v63  }
0xef: {  	_ = 	snop  }
0xf0: {  	[tilespmem:s25], [sflag:$0x1] =	stream.indirect_vreg.gather [hbm4b:s3+s2], $0x80, v3, vm0, $0xb8;
	[tilespmem:$0xF200] =	vst v63  }
0xf1: {  	v3 =	vld [tilespmem:$0x40];
	_ =	sdelay $0x4  }
0xf2: {  	v63 =	vshll.u32 v3, $0x1  }
0xf3: {  	v3 =	vand.u32 $0x7, v3;
	v4 =	vand.u32 $0xFFFFFFF0, v63  }
0xf4: {  	v3 =	vor.u32 v3, v4  }
0xf5: {  	v4 =	vperm.xlane v3, v0;
	_ =	sdelay $0x1  }
0xf6: {  	v4 =	vadd.s32 v1, v4  }
0xf7: {  	v3 =	vperm.xlane v3, v2;
	_ =	sdelay $0x1  }
0xf8: {  	s10 =	sadd.s32 $0xA00, s10;
	v3 =	vadd.s32 v1, v3  }
0xf9: {  	p0 =	sne.s32 s10, $0x26C00  }
0xfa: {  	[tilespmem:s26], [sflag:$0x1] =	stream.indirect_vreg.gather [hbm4b:s3+s2], $0x80, v4, vm0, $0xb8;
	[tilespmem:$0xF200] =	vst v63  }
.Ltmp0:
0xfb: {  	_ = 	snop;
	(pc) =	sbr.rel @p0 .LBB2_2-.Ltmp0, $4  }
0xfc: {  	s15 =	sadd.s32 $0x14, s15  }
0xfd: {  	[tilespmem:s28], [sflag:$0x1] =	stream.indirect_vreg.gather [hbm4b:s3+s2], $0x80, v3, vm0, $0xb8;
	[tilespmem:$0xF200] =	vst v63  }
0xfe: {  	s14 =	sadd.s32 $0x14, s14;
	s13 =	sadd.s32 $0x1400, s13;
	s12 =	sadd.s32 $0xA0, s12  }
0xff: {  	[tilespmem:s30], [sflag:$0x1] =	stream.indirect.gather [hbm4b:s4+s29], $0x80, s17, s29, $0xb8;
	[tilespmem:$0xF200] =	vst v63  }
0x100: {  	_ =	swait.ge [sflag:s7], $0x5000  }
0x101: {  	[sflag:s7] =	ssyncset.done $0x0  }
0x102: {  	[sflag:s7] =	ssyncadd.s32 $0xFFFFB000  }
0x103: {  	_ =	swait.ge [sflag:s7], $0x2800  }
0x104: {  	[sflag:s7] =	ssyncset.done $0x0  }
0x105: {  	s10 =	simm.s32 $0x4;
	[sflag:s7] =	ssyncadd.s32 $0xFFFFD800  }
0x106: {  	_ =	swait.ge [sflag:s10], $0x5000  }
0x107: {  	[sflag:s10] =	ssyncset.done $0x0  }
0x108: {  	[sflag:s10] =	ssyncadd.s32 $0xFFFFB000  }
0x109: {  	_ =	swait.ge [sflag:s10], $0x2800  }
0x10a: {  	[sflag:s10] =	ssyncset.done $0x0  }
0x10b: {  	s14 =	rddreg [dreg:$0xf];
	[sflag:s10] =	ssyncadd.s32 $0xFFFFD800  }
0x10c: {  	[hbm4b:s14+s2] =	stream.linear.scatter [tilespmem:s18], [sflag:$0x3], $0x5000, $0x38;
	[tilespmem:$0xF200] =	vst v63  }
0x10d: {  	s15 =	rddreg [dreg:$0x10]  }
0x10e: {  	[hbm4b:s15+s2] =	stream.linear.scatter [tilespmem:s30], [sflag:$0x3], $0x2800, $0x38;
	[tilespmem:$0xF200] =	vst v63  }
0x10f: {  	_ =	swait.ge [sflag:s9], $0x5000  }
0x110: {  	[sflag:s9] =	ssyncset.done $0x0  }
0x111: {  	[sflag:s9] =	ssyncadd.s32 $0xFFFFB000  }
0x112: {  	_ =	swait.ge [sflag:s9], $0x2800  }
0x113: {  	s12 =	rddreg [dreg:$0x16]  }
0x114: {  	s19 =	rddreg [dreg:$0x11];
	s12 =	sadd.s32 $0x1, s12  }
0x115: {  	p0 =	sne.s32 s12, s19  }
.Ltmp1:
0x116: {  	_ = 	snop;
	(pc) =	sbr.rel @p0 .LBB2_1-.Ltmp1, $3  }
0x117: {  	_ =	sdelay $0x1  }
0x118: {  	[sflag:s9] =	ssyncset.done $0x0  }
0x119: {  	[sflag:s9] =	ssyncadd.s32 $0xFFFFD800  }
0x11a: {  	_ =	sfence.sel $0x180000  }
0x11b: {  	[bflag:$0x0] =	sbarrier.arrive $0xFFFF  }
0x11c: {  	_ =	strace $0x90000050  }
0x11d: {  	s0 =	stileid.u32;
	[bflag:$0x2] =	sbarrier.arrive $0xFFFF  }
0x11e: {  	p0 =	sne.s32 s0, $0x0;
	s0 =	rddreg [dreg:$0x1]  }
0x11f: {  	s0 =	sadd.s32 @!p0 $0x100000, s0  }
0x120: {  	[sflag:s0] =	ssyncadd.tile.s32 @!p0 $0x1;
	_ =	shalt  }
.Lfunc_end2:
_tile_overlayer_lowered:
.L_overlay_start_2:
0x121: {  	(tag) =	ssettag $0x2  }
0x122: {  	s0 =	rddreg [dreg:$0x0];
	s2 =	stileid.u32  }
0x123: {  	s1 =	rddreg [dreg:$0x1];
	p0 =	sne.s32 s2, $0x0  }
0x124: {  	s3 =	rddreg [dreg:$0x2];
	[bflag:$0x3] =	sbarrier.arrive $0xFFFF;
	s2 =	simm.s32 @!p0 $0x1C05  }
0x125: {  	[timem:s3], [sflag:s2] =	dma.local @!p0 [hbm:s0], s1  }
0x126: {  	s0 =	simm.s32 @!p0 $0x5  }
0x127: {  	_ =	swait.ge @!p0 [sflag:s0], s1  }
0x128: {  	s1 =	ssub.s32 @!p0 $0x0, s1;
	[sflag:s0] =	ssyncset.done @!p0 $0x0  }
0x129: {  	[sflag:s0] =	ssyncadd.s32 @!p0 s1  }
0x12a: {  	[bflag:$0x3] =	sbarrier.arrive $0xFFFF  }
0x12b: {  	_ =	shalt  }

// kernel: kernel.28.cloned.1.call-start
scs
__scs_entry_jumppad:
0x0: {  	(pc) =	sbr.rel $0x88, $3  }
0x1: {  	(tag) =	ssettag $0x0;
	lr =	simm.s32 $0x1  }
0x2: {  	[smem:$0x3F8D] =	sst lr;
	_ =	strace $0xD0000000  }
0x3: {  	_ = 	snop  }
0x4: {  	_ = 	snop  }
0x5: {  	_ = 	snop  }
0x6: {  	_ = 	snop  }
0x7: {  	_ = 	snop  }
__scs_overlays_trampoline_lowered:
0x8: {  	[smem:$0x3F9C] =	sst s0  }
0x9: {  	[smem:$0x3F9D] =	sst s1  }
0xa: {  	[smem:$0x3F9E] =	sst s2  }
0xb: {  	[smem:$0x3F9F] =	sst s3  }
0xc: {  	[smem:$0x3FA0] =	sst s4  }
0xd: {  	[smem:$0x3FA1] =	sst s5  }
0xe: {  	[smem:$0x3FA2] =	sst s6  }
0xf: {  	[smem:$0x3FA3] =	sst s7  }
0x10: {  	[smem:$0x3FA4] =	sst s8  }
0x11: {  	[smem:$0x3FA5] =	sst s9;
	s0 =	simm.s32 @!p0 $0x0  }
0x12: {  	s1 =	sld [smem:$0x3F8B];
	s0 =	simm.s32 @p0 $0x1  }
0x13: {  	[smem:$0x3FA6] =	sst s0;
	s0 =	simm.s32 @!p1 $0x0  }
0x14: {  	s2 =	sld [smem:$0x3F8A];
	s0 =	simm.s32 @p1 $0x1  }
0x15: {  	[smem:$0x3FA7] =	sst s0;
	s0 =	simm.s32 @!p2 $0x0  }
0x16: {  	s3 =	sld [smem:$0x3FDB];
	s0 =	simm.s32 @p2 $0x1  }
0x17: {  	s4 =	simm.s32 $0x1BF5;
	[smem:$0x3FA9] =	sst s0  }
0x18: {  	s0 =	sld [smem:$0x3F8C];
	_ =	swait.ge [sflag:s4], $0x0  }
0x19: {  	s7 =	sld [smem:$0x3F8D]  }
0x1a: {  	s8 =	sadd.s32 $0xFFFFE003, lr  }
0x1b: {  	s9 =	sadd.s32 $0xFFFFFEF7, lr;
	s5 =	simm.s32 $0xFFFFFFFF;
	p2 =	slt.u32 s8, $0xFFFFF086  }
0x1c: {  	p1 =	slt.u32 s9, $0xF7A;
	s5 =	simm.s32 @!p2 $0x0  }
0x1d: {  	s5 =	simm.s32 @p1 $0x1;
	p0 =	seq.s32 s7, s2  }
0x1e: {  	s7 =	smul.u32 @!p0 $0xF7A, s2;
	p2 =	seq.s32 @!p0 s5, $0x0  }
0x1f: {  	s9 =	smul.u32 $0xF7A, s1;
	s8 =	simm.s32 @!p0 $0x1BF5;
	p2 =	por !p2, p0  }
0x20: {  	[sflag:s8] =	ssyncset.s32 @!p0 $0xFFFFF086;
	s6 =	sadd.s32 @!p0 s3, s7;
	s7 =	simm.s32 @!p0 $0x108  }
0x21: {  	s3 =	sadd.s32 s3, s9;
	s6 =	sadd.s32 @!p0 $0x88, s6;
	s7 =	simm.s32 @p2 $0x1082  }
0x22: {  	[simem:s7], [sflag:s8] =	dma.local @!p0 [hbm:s6], $0xF7A  }
0x23: {  	s9 =	sor.u32 $0xD0000000, s2;
	s6 =	simm.s32 $0x108;
	_ =	swait.ge @!p0 [sflag:s8], $0x0  }
0x24: {  	s3 =	sadd.s32 $0x88, s3;
	s6 =	simm.s32 @!p1 $0x1082;
	[sflag:s4] =	ssyncset.s32 $0xFFFFF086  }
0x25: {  	[simem:s6], [sflag:s4] =	dma.local [hbm:s3], $0xF7A  }
0x26: {  	[smem:$0x3F8D] =	sst s1;
	(tag) =	ssettag s2;
	_ =	strace s9  }
0x27: {  	s1 =	sld [smem:$0x3F9D]  }
0x28: {  	s2 =	sld [smem:$0x3F9E]  }
0x29: {  	s4 =	sld [smem:$0x3FA0]  }
0x2a: {  	p0 =	seq.s32 s5, $0x0;
	s5 =	sld [smem:$0x3FA1]  }
0x2b: {  	s6 =	sld [smem:$0x3FA2]  }
0x2c: {  	s7 =	sld [smem:$0x3FA3]  }
0x2d: {  	s3 =	simm.s32 $0x108;
	s8 =	sld [smem:$0x3FA4]  }
0x2e: {  	s3 =	simm.s32 @!p0 $0x1082;
	s9 =	sld [smem:$0x3FA5]  }
0x2f: {  	lr =	sadd.s32 s0, s3;
	s0 =	sld [smem:$0x3F9C]  }
0x30: {  	s3 =	sld [smem:$0x3F9F]  }
0x31: {  	[smem:$0x3FA8] =	sst s10  }
0x32: {  	s10 =	sld [smem:$0x3FA6];
	_ =	sdelay $0x3  }
0x33: {  	p0 =	seq.s32 s10, $0x1;
	s10 =	sld [smem:$0x3FA8];
	_ =	sdelay $0x3  }
0x34: {  	[smem:$0x3FA8] =	sst s10  }
0x35: {  	s10 =	sld [smem:$0x3FA7];
	_ =	sdelay $0x3  }
0x36: {  	p1 =	seq.s32 s10, $0x1;
	s10 =	sld [smem:$0x3FA8];
	_ =	sdelay $0x3  }
0x37: {  	[smem:$0x3FA8] =	sst s10  }
0x38: {  	s10 =	sld [smem:$0x3FA9]  }
0x39: {  	_ = 	snop;
	(pc) =	sbr.ind lr, $3  }
0x3a: {  	_ = 	snop  }
0x3b: {  	_ = 	snop  }
0x3c: {  	p2 =	seq.s32 s10, $0x1;
	s10 =	sld [smem:$0x3FA8]  }
0x3d: {  	_ =	shalt  }
0x3e: {  	_ =	shalt  }
0x3f: {  	_ =	shalt  }
0x40: {  	_ =	shalt  }
0x41: {  	_ =	shalt  }
0x42: {  	_ =	shalt  }
0x43: {  	_ =	shalt  }
0x44: {  	_ =	shalt  }
0x45: {  	_ =	shalt  }
0x46: {  	_ =	shalt  }
0x47: {  	_ =	shalt  }
0x48: {  	_ =	shalt  }
0x49: {  	_ =	shalt  }
0x4a: {  	_ =	shalt  }
0x4b: {  	_ =	shalt  }
0x4c: {  	_ =	shalt  }
0x4d: {  	_ =	shalt  }
0x4e: {  	_ =	shalt  }
0x4f: {  	_ =	shalt  }
0x50: {  	_ =	shalt  }
0x51: {  	_ =	shalt  }
0x52: {  	_ =	shalt  }
0x53: {  	_ =	shalt  }
0x54: {  	_ =	shalt  }
0x55: {  	_ =	shalt  }
0x56: {  	_ =	shalt  }
0x57: {  	_ =	shalt  }
0x58: {  	_ =	shalt  }
0x59: {  	_ =	shalt  }
0x5a: {  	_ =	shalt  }
0x5b: {  	_ =	shalt  }
0x5c: {  	_ =	shalt  }
0x5d: {  	_ =	shalt  }
0x5e: {  	_ =	shalt  }
0x5f: {  	_ =	shalt  }
0x60: {  	_ =	shalt  }
0x61: {  	_ =	shalt  }
0x62: {  	_ =	shalt  }
0x63: {  	_ =	shalt  }
0x64: {  	_ =	shalt  }
0x65: {  	_ =	shalt  }
0x66: {  	_ =	shalt  }
0x67: {  	_ =	shalt  }
0x68: {  	_ =	shalt  }
0x69: {  	_ =	shalt  }
0x6a: {  	_ =	shalt  }
0x6b: {  	_ =	shalt  }
0x6c: {  	_ =	shalt  }
0x6d: {  	_ =	shalt  }
0x6e: {  	_ =	shalt  }
0x6f: {  	_ =	shalt  }
0x70: {  	_ =	shalt  }
0x71: {  	_ =	shalt  }
0x72: {  	_ =	shalt  }
0x73: {  	_ =	shalt  }
0x74: {  	_ =	shalt  }
0x75: {  	_ =	shalt  }
0x76: {  	_ =	shalt  }
0x77: {  	_ =	shalt  }
0x78: {  	_ =	shalt  }
0x79: {  	_ =	shalt  }
0x7a: {  	_ =	shalt  }
0x7b: {  	_ =	shalt  }
0x7c: {  	_ =	shalt  }
0x7d: {  	_ =	shalt  }
0x7e: {  	_ =	shalt  }
0x7f: {  	_ =	shalt  }
0x80: {  	_ =	shalt  }
0x81: {  	_ =	shalt  }
0x82: {  	_ =	shalt  }
0x83: {  	_ =	shalt  }
0x84: {  	_ =	shalt  }
0x85: {  	_ =	shalt  }
0x86: {  	_ =	shalt  }
0x87: {  	_ =	shalt  }
.Lfunc_end0:
.L_simem_size_0:
called_computation.4_lowered:
.L_overlay_start_0:
0x88: {  	s2 =	sld [smem:$0x3FD9]  }
0x89: {  	s3 =	sld [smem:$0x3FFE];
	_ =	sdelay $0x1  }
0x8a: {  	s1 =	srdreg.scid  }
0x8b: {  	s0 =	sand.u32 $0x1, s1  }
0x8c: {  	s17 =	sshll.u32 s0, $0xA;
	s2 =	sadd.s32 s3, s2  }
0x8d: {  	s2 =	sadd.s32 s2, s17  }
0x8e: {  	[smem:$0x3FB4] =	sst s2  }
0x8f: {  	_ = 	snop  }
0x90: {  	(tm) =	ssettm $0x1  }
0x91: {  	s18 =	sld [smem:$0x3FFB];
	_ =	sdelay $0x3  }
0x92: {  	_ =	strace s18  }
0x93: {  	s2 =	sld [smem:$0x3FFC];
	_ =	sdelay $0x3  }
0x94: {  	_ =	strace s2  }
0x95: {  	s2 =	sld [smem:$0x3FFD];
	_ =	sdelay $0x3  }
0x96: {  	_ =	strace s2  }
0x97: {  	_ =	strace $0x8FFFFFFF  }
0x98: {  	s19 =	sld [smem:$0x3FDB];
	_ =	sdelay $0x1  }
0x99: {  	s20 =	simm.s32 $_scs_section_size  }
0x9a: {  	s4 =	simm.s32 $_size__tile_overlayer_lowered;
	s5 =	simm.s32 $_tile_overlayer_lowered  }
0x9b: {  	s6 =	simm.s32 $0x1BFF;
	s21 =	sshll.u32 s5, $0x1;
	s3 =	sadd.s32 s20, s19  }
0x9c: {  	s22 =	simm.s32 $0x0;
	s4 =	sshll.u32 s4, $0x1;
	s5 =	sadd.s32 s21, s3  }
0x9d: {  	[timem:s22], [sflag:s6] =	dma.local [hbm:s5], s4  }
0x9e: {  	_ =	swait.ge [sflag:s6], s4  }
0x9f: {  	s4 =	ssub.s32 $0x0, s4;
	[sflag:s6] =	ssyncset.done $0x0  }
0xa0: {  	[sflag:s6] =	ssyncadd.s32 s4;
	_ =	sdelay $0x1  }
0xa1: {  	s23 =	simm.s32 $0x1B8B  }
0xa2: {  	_ =	swait.ge [sflag:s23], $0x1  }
0xa3: {  	[sflag:s23] =	ssyncset.done $0x0  }
0xa4: {  	[sflag:s23] =	ssyncadd.s32 $0xFFFFFFFF  }
0xa5: {  	s4 =	sld [smem:$0x0]  }
0xa6: {  	s5 =	sand.u32 $0xFFFFFFFE, s1  }
0xa7: {  	p0 =	sne.s32 s1, s5  }
0xa8: {  	s5 =	sshll.u32 @p0 s5, $0xE  }
0xa9: {  	s5 =	sadd.s32 @p0 $0x11B8D, s5;
	s6 =	sshll.u32 @p0 s4, $0x11  }
0xaa: {  	s5 =	sor.u32 @p0 s6, s5  }
0xab: {  	[sflag:s5] =	ssyncadd.remote.s32 @p0 $0x1;
	_ =	sdelay $0x1  }
0xac: {  	s5 =	simm.s32 @p0 $0x1B8D  }
0xad: {  	_ =	swait.eq @p0 [sflag:s5], $0x1  }
0xae: {  	[sflag:s5] =	ssyncadd.s32 @p0 $0xFFFFFFFF  }
0xaf: {  	s6 =	sshll.u32 @!p0 s1, $0xE  }
0xb0: {  	s6 =	sor.u32 @!p0 $0x4000, s6;
	s5 =	simm.s32 @!p0 $0x1B8D  }
0xb1: {  	s4 =	sshll.u32 @!p0 s4, $0x11;
	s6 =	sadd.s32 @!p0 $0x11B8D, s6;
	_ =	swait.eq @!p0 [sflag:s5], $0x1  }
0xb2: {  	s4 =	sor.u32 @!p0 s4, s6;
	[sflag:s5] =	ssyncadd.s32 @!p0 $0xFFFFFFFF  }
0xb3: {  	s25 =	simm.s32 $0x1B8E;
	s24 =	sld [smem:$0x3FFE];
	[sflag:s4] =	ssyncadd.remote.s32 @!p0 $0x1  }
0xb4: {  	s26 =	simm.s32 $execute0_lowered;
	[smem:$0x3FD2] =	sst s25  }
0xb5: {  	s5 =	sshll.u32 s26, $0x1;
	_ =	strace $0x80000055;
	[dreg:$0x1] =	wrdreg $0xFFFFFFFF  }
0xb6: {  	s28 =	simm.s32 $_size_execute0_lowered;
	s3 =	sadd.s32 s3, s5;
	[dreg:$0x0] =	wrdreg $0x0  }
0xb7: {  	s5 =	sshll.u32 s28, $0x1;
	[dreg:$0x2] =	wrdreg s3  }
0xb8: {  	[dreg:$0x3] =	wrdreg s5  }
0xb9: {  	[dreg:$0x4] =	wrdreg $0xC0  }
0xba: {  	_ =	task [dreg:s22], $0x5FFFF  }
0xbb: {  	[dreg:$0x1] =	wrdreg $0xFFFFFFFF  }
0xbc: {  	[dreg:$0x0] =	wrdreg $0x60  }
0xbd: {  	[dreg:$0x2] =	wrdreg s24  }
0xbe: {  	[dreg:$0x3] =	wrdreg $0x0  }
0xbf: {  	[dreg:$0x4] =	wrdreg $0x9  }
0xc0: {  	_ =	task.clear_ibuf [dreg:s22], $0x5FFFF;
	_ =	strace $0x90000055  }
0xc1: {  	s29 =	simm.s32 $0x9;
	_ =	strace $0x80000057  }
0xc2: {  	_ =	swait.ge [sflag:s29], $0x1  }
0xc3: {  	[sflag:s29] =	ssyncadd.s32 $0xFFFFFFFF  }
0xc4: {  	_ =	strace $0x90000057  }
0xc5: {  	_ =	sfence  }
0xc6: {  	s30 =	sld [smem:$0x0];
	_ =	sdelay $0x2  }
0xc7: {  	s31 =	sshll.u32 s1, $0xD;
	s1 =	sshrl.u32 s1, $0x2  }
0xc8: {  	s4 =	sand.u32 $0x4000, s31;
	s1 =	sadd.s32 s1, s30  }
0xc9: {  	s0 =	sor.u32 s4, s0;
	s1 =	sshll.u32 s1, $0x11  }
0xca: {  	s0 =	sor.u32 s1, s0  }
0xcb: {  	s0 =	sadd.s32 $0x8F2B, s0  }
0xcc: {  	[sflag:s0] =	ssyncadd.remote.s32 $0x1  }
0xcd: {  	_ =	sfence.sel $0xFFFF  }
0xce: {  	[dreg:$0x0] =	wrdreg $0xFFFFFFFF;
	(pc) =	sbr.abs _section_cstart, $3  }
0xcf: {  	[dreg:$0x1] =	wrdreg $0xFFFFFFFF  }
0xd0: {  	_ =	task.clear_ibuf [dreg:s22], $0x2FFFF;
	_ =	strace $0x9FFFFFFF  }
0xd1: {  	(tm) =	ssettm $0x7FFFFFFF  }
tec
execute0_lowered:
.L_overlay_start_1:
0x0: {  	(tag) =	ssettag $0x1  }
0x1: {  	s5 =	rddreg [dreg:$0x0]  }
0x2: {  	s1 =	rddreg [dreg:$0x1];
	s2 =	stileid.u32  }
0x3: {  	s0 =	rddreg [dreg:$0x2];
	s7 =	smul.u32 $0x2800, s2  }
0x4: {  	s3 =	simm.s32 $0x0;
	s4 =	srdreg.scid;
	s13 =	smul.u32 $0x50000, s2  }
0x5: {  	s18 =	simm.s32 $0x14080;
	s19 =	simm.s32 $0x16900;
	s28 =	smul.u32 $0x2710, s2  }
0x6: {  	[smem:$0x7FF] =	sst s3;
	s6 =	sand.u32 $0x1, s4;
	s17 =	smul.u32 $0x27100, s2  }
0x7: {  	s9 =	sadd.s32 $0x1E30000, s5;
	s25 =	sshll.u32 s2, $0x6;
	s8 =	smul.u32 $0x28000, s6  }
0x8: {  	_ =	strace $0x80000056;
	s4 =	sshll.u32 s6, $0x4;
	s23 =	smul.u32 $0x271000, s6  }
0x9: {  	s20 =	ssub.s32 $0x2, s6;
	s24 =	smul.u32 $0x27100, s6;
	s6 =	sor.u32 $0x1C03, s25  }
0xa: {  	s10 =	sor.u32 s2, s4;
	s4 =	sadd.s32 $0x13200, s5;
	s11 =	sadd.s32 s7, s5  }
0xb: {  	s21 =	sshrl.u32 s20, $0x1;
	s22 =	sshrl.u32 s13, $0x2;
	s12 =	smul.u32 $0x2710, s10  }
0xc: {  	s7 =	sadd.s32 s7, s8;
	s10 =	smul.u32 $0x27100, s10;
	s15 =	ssub.s32 s20, s21  }
0xd: {  	s16 =	sadd.s32 s22, s1;
	s29 =	sadd.s32 s23, s9;
	s20 =	simm.s32 $0x1  }
0xe: {  	s21 =	simm.s32 $0x50;
	s22 =	simm.s32 $0x2;
	s23 =	simm.s32 $0x0  }
0xf: {  	s14 =	sadd.s32 s7, s5;
	s5 =	sadd.s32 $0x46800, s11;
	s30 =	sadd.s32 s17, s29  }
0x10: {  	s17 =	simm.s32 $0x14100;
	s26 =	sshrl.u32 s12, $0x3;
	s8 =	sadd.s32 s9, s10  }
0x11: {  	s12 =	sadd.s32 s28, s24;
	s9 =	sadd.s32 $0x10AE00, s14;
	s10 =	smax.u32 s15, $0x1  }
0x12: {  	s11 =	sadd.s32 $0xA00, s30;
	s14 =	sshrl.u32 s16, $0x3;
	s31 =	sadd.s32 $0x50, s12  }
0x13: {  	s15 =	simm.s32 $0x3;
	s16 =	simm.s32 $0x14000;
	s13 =	sshrl.u32 s31, $0x3  }
0x14: {  	s7 =	sadd.s32 s4, s26;
	s12 =	sadd.s32 $0xA0, s12;
	s13 =	sadd.s32 s13, s4  }
.LBB2_1:
0x15: {  	[spmem:s14], [sflag:s6] =	dma.local [hbm:s5], $0x2800  }
0x16: {  	_ =	swait.ge [sflag:s15], $0x2800  }
0x17: {  	[sflag:s15] =	ssyncset.done $0x0  }
0x18: {  	[sflag:s15] =	ssyncadd.s32 $0xFFFFD800  }
0x19: {  	[bflag:$0x0] =	sbarrier.arrive $0xFFFF  }
0x1a: {  	[tilespmem:s16], [sflag:$0x1] =	stream.linear.gather [hbm4b:s7+s3], $0x50, $0x38;
	[tilespmem:$0x19100] =	vst v63  }
0x1b: {  	_ = 	snop  }
0x1c: {  	[tilespmem:s17], [sflag:$0x1] =	stream.linear.gather [hbm4b:s8+s3], $0x2800, $0x38;
	[tilespmem:$0x19100] =	vst v63  }
0x1d: {  	s24 =	sadd.s32 $0x0, s13  }
0x1e: {  	[tilespmem:s18], [sflag:$0x2] =	stream.linear.gather [hbm4b:s24+s3], $0x50, $0x38;
	[tilespmem:$0x19100] =	vst v63  }
0x1f: {  	s30 =	sadd.s32 $0xFFFFFB00, s11  }
0x20: {  	[tilespmem:s19], [sflag:$0x2] =	stream.linear.gather [hbm4b:s30+s3], $0x2800, $0x38;
	[tilespmem:$0x19100] =	vst v63  }
0x21: {  	_ =	swait.ge [sflag:s20], $0x50  }
0x22: {  	[sflag:s20] =	ssyncset.done $0x0  }
0x23: {  	[sflag:s20] =	ssyncadd.s32 $0xFFFFFFB0  }
0x24: {  	_ =	swait.ge [sflag:s20], $0x2800  }
0x25: {  	[sflag:s20] =	ssyncset.done $0x0  }
0x26: {  	[sflag:s20] =	ssyncadd.s32 $0xFFFFD800  }
0x27: {  	[spmem:s1] =	stream.indirect.scatter.add.f32 [tilespmem:s17], [sflag:$0x3], $0x80, s16, s21, $0xb8;
	[tilespmem:$0x19100] =	vst v63  }
0x28: {  	_ =	swait.ge [sflag:s15], $0x2800  }
0x29: {  	s31 =	sshrl.u32 s12, $0x3;
	[sflag:s15] =	ssyncset.done $0x0  }
0x2a: {  	s24 =	sadd.s32 s4, s31;
	[sflag:s15] =	ssyncadd.s32 $0xFFFFD800  }
0x2b: {  	[tilespmem:s16], [sflag:$0x1] =	stream.linear.gather [hbm4b:s24+s3], $0x50, $0x38;
	[tilespmem:$0x19100] =	vst v63  }
0x2c: {  	_ = 	snop  }
0x2d: {  	[tilespmem:s17], [sflag:$0x1] =	stream.linear.gather [hbm4b:s11+s3], $0x2800, $0x38;
	[tilespmem:$0x19100] =	vst v63  }
0x2e: {  	_ =	swait.ge [sflag:s22], $0x50  }
0x2f: {  	[sflag:s22] =	ssyncset.done $0x0  }
0x30: {  	[sflag:s22] =	ssyncadd.s32 $0xFFFFFFB0  }
0x31: {  	_ =	swait.ge [sflag:s22], $0x2800  }
0x32: {  	[sflag:s22] =	ssyncset.done $0x0  }
0x33: {  	[sflag:s22] =	ssyncadd.s32 $0xFFFFD800  }
0x34: {  	[spmem:s1] =	stream.indirect.scatter.add.f32 [tilespmem:s19], [sflag:$0x3], $0x80, s18, s21, $0xb8;
	[tilespmem:$0x19100] =	vst v63  }
0x35: {  	s26 =	simm.s32 $0x14;
	s28 =	simm.s32 $0x28;
	_ =	swait.ge [sflag:s15], $0x2800  }
0x36: {  	s25 =	sadd.s32 $0xA0, s12;
	s24 =	sadd.s32 $0xA00, s11;
	[sflag:s15] =	ssyncset.done $0x0  }
.LBB2_2:
0x37: {  	s29 =	sadd.s32 s26, s13  }
0x38: {  	[sflag:s15] =	ssyncadd.s32 $0xFFFFD800;
	s26 =	smov.u32 s28;
	s30 =	sadd.s32 $0x14, s28  }
0x39: {  	[tilespmem:s18], [sflag:$0x2] =	stream.linear.gather [hbm4b:s29+s3], $0x50, $0x38;
	[tilespmem:$0x19100] =	vst v63  }
0x3a: {  	p0 =	sne.s32 s28, $0x4C4;
	s28 =	sadd.s32 $0xFFFFFB00, s24  }
0x3b: {  	[tilespmem:s19], [sflag:$0x2] =	stream.linear.gather [hbm4b:s28+s3], $0x2800, $0x38;
	[tilespmem:$0x19100] =	vst v63  }
0x3c: {  	_ =	swait.ge [sflag:s20], $0x50  }
0x3d: {  	[sflag:s20] =	ssyncset.done $0x0  }
0x3e: {  	[sflag:s20] =	ssyncadd.s32 $0xFFFFFFB0  }
0x3f: {  	_ =	swait.ge [sflag:s20], $0x2800  }
0x40: {  	[sflag:s20] =	ssyncset.done $0x0  }
0x41: {  	[sflag:s20] =	ssyncadd.s32 $0xFFFFD800  }
0x42: {  	[spmem:s1] =	stream.indirect.scatter.add.f32 [tilespmem:s17], [sflag:$0x3], $0x80, s16, s21, $0xb8;
	[tilespmem:$0x19100] =	vst v63  }
0x43: {  	_ =	swait.ge [sflag:s15], $0x2800  }
0x44: {  	s28 =	sshrl.u32 s25, $0x3;
	[sflag:s15] =	ssyncset.done $0x0  }
0x45: {  	s28 =	sadd.s32 s4, s28;
	[sflag:s15] =	ssyncadd.s32 $0xFFFFD800  }
0x46: {  	[tilespmem:s16], [sflag:$0x1] =	stream.linear.gather [hbm4b:s28+s3], $0x50, $0x38;
	[tilespmem:$0x19100] =	vst v63  }
0x47: {  	_ = 	snop  }
0x48: {  	[tilespmem:s17], [sflag:$0x1] =	stream.linear.gather [hbm4b:s24+s3], $0x2800, $0x38;
	[tilespmem:$0x19100] =	vst v63  }
0x49: {  	_ =	swait.ge [sflag:s22], $0x50  }
0x4a: {  	[sflag:s22] =	ssyncset.done $0x0  }
0x4b: {  	[sflag:s22] =	ssyncadd.s32 $0xFFFFFFB0  }
0x4c: {  	_ =	swait.ge [sflag:s22], $0x2800  }
.Ltmp0:
0x4d: {  	[sflag:s22] =	ssyncset.done $0x0;
	(pc) =	sbr.rel @p0 .LBB2_2-.Ltmp0, $4  }
0x4e: {  	[sflag:s22] =	ssyncadd.s32 $0xFFFFD800  }
0x4f: {  	[spmem:s1] =	stream.indirect.scatter.add.f32 [tilespmem:s19], [sflag:$0x3], $0x80, s18, s21, $0xb8;
	[tilespmem:$0x19100] =	vst v63  }
0x50: {  	s25 =	sadd.s32 $0xA0, s25;
	_ =	swait.ge [sflag:s15], $0x2800  }
0x51: {  	s28 =	smov.u32 s30;
	s24 =	sadd.s32 $0xA00, s24;
	[sflag:s15] =	ssyncset.done $0x0  }
0x52: {  	s26 =	sadd.s32 s26, s13;
	[sflag:s15] =	ssyncadd.s32 $0xFFFFD800  }
0x53: {  	[tilespmem:s18], [sflag:$0x2] =	stream.linear.gather [hbm4b:s26+s3], $0x50, $0x38;
	[tilespmem:$0x19100] =	vst v63  }
0x54: {  	s31 =	sadd.s32 $0xFFFFFB00, s24  }
0x55: {  	[tilespmem:s19], [sflag:$0x2] =	stream.linear.gather [hbm4b:s31+s3], $0x2800, $0x38;
	[tilespmem:$0x19100] =	vst v63  }
0x56: {  	_ =	swait.ge [sflag:s20], $0x50  }
0x57: {  	[sflag:s20] =	ssyncset.done $0x0  }
0x58: {  	[sflag:s20] =	ssyncadd.s32 $0xFFFFFFB0  }
0x59: {  	_ =	swait.ge [sflag:s20], $0x2800  }
0x5a: {  	[sflag:s20] =	ssyncset.done $0x0  }
0x5b: {  	[sflag:s20] =	ssyncadd.s32 $0xFFFFD800  }
0x5c: {  	[spmem:s1] =	stream.indirect.scatter.add.f32 [tilespmem:s17], [sflag:$0x3], $0x80, s16, s21, $0xb8;
	[tilespmem:$0x19100] =	vst v63  }
0x5d: {  	_ =	swait.ge [sflag:s15], $0x2800  }
0x5e: {  	s25 =	sshrl.u32 s25, $0x3;
	[sflag:s15] =	ssyncset.done $0x0  }
0x5f: {  	s25 =	sadd.s32 s4, s25;
	[sflag:s15] =	ssyncadd.s32 $0xFFFFD800  }
0x60: {  	[tilespmem:s16], [sflag:$0x1] =	stream.linear.gather [hbm4b:s25+s3], $0x50, $0x38;
	[tilespmem:$0x19100] =	vst v63  }
0x61: {  	_ = 	snop  }
0x62: {  	[tilespmem:s17], [sflag:$0x1] =	stream.linear.gather [hbm4b:s24+s3], $0x2800, $0x38;
	[tilespmem:$0x19100] =	vst v63  }
0x63: {  	_ =	swait.ge [sflag:s22], $0x50  }
0x64: {  	[sflag:s22] =	ssyncset.done $0x0  }
0x65: {  	[sflag:s22] =	ssyncadd.s32 $0xFFFFFFB0  }
0x66: {  	_ =	swait.ge [sflag:s22], $0x2800  }
0x67: {  	[sflag:s22] =	ssyncset.done $0x0  }
0x68: {  	[sflag:s22] =	ssyncadd.s32 $0xFFFFD800  }
0x69: {  	[spmem:s1] =	stream.indirect.scatter.add.f32 [tilespmem:s19], [sflag:$0x3], $0x80, s18, s21, $0xb8;
	[tilespmem:$0x19100] =	vst v63  }
0x6a: {  	_ =	swait.ge [sflag:s15], $0x2800  }
0x6b: {  	[sflag:s15] =	ssyncset.done $0x0  }
0x6c: {  	[sflag:s15] =	ssyncadd.s32 $0xFFFFD800  }
0x6d: {  	_ =	swait.ge [sflag:s20], $0x50  }
0x6e: {  	[sflag:s20] =	ssyncset.done $0x0  }
0x6f: {  	[sflag:s20] =	ssyncadd.s32 $0xFFFFFFB0  }
0x70: {  	_ =	swait.ge [sflag:s20], $0x2800  }
0x71: {  	[sflag:s20] =	ssyncset.done $0x0  }
0x72: {  	[sflag:s20] =	ssyncadd.s32 $0xFFFFD800  }
0x73: {  	[spmem:s1] =	stream.indirect.scatter.add.f32 [tilespmem:s17], [sflag:$0x3], $0x80, s16, s21, $0xb8;
	[tilespmem:$0x19100] =	vst v63  }
0x74: {  	_ =	swait.ge [sflag:s15], $0x2800  }
0x75: {  	[sflag:s15] =	ssyncset.done $0x0  }
0x76: {  	s23 =	sadd.s32 $0x1, s23;
	[sflag:s15] =	ssyncadd.s32 $0xFFFFD800  }
0x77: {  	p0 =	sne.s32 s23, s10;
	[bflag:$0x0] =	sbarrier.arrive $0xFFFF  }
0x78: {  	[hbm:s9], [sflag:s6] =	dma.local [spmem:s14], $0x2800  }
.Ltmp1:
0x79: {  	_ =	swait.ge [sflag:s15], $0x2800;
	(pc) =	sbr.rel @p0 .LBB2_1-.Ltmp1, $3  }
0x7a: {  	[sflag:s15] =	ssyncset.done $0x0  }
0x7b: {  	[sflag:s15] =	ssyncadd.s32 $0xFFFFD800  }
0x7c: {  	[bflag:$0x0] =	sbarrier.arrive $0xFFFF;
	_ =	sdelay $0x1  }
0x7d: {  	_ =	sfence.sel $0x180000  }
0x7e: {  	[bflag:$0x0] =	sbarrier.arrive $0xFFFF  }
0x7f: {  	p0 =	sne.s32 s2, $0x0;
	_ =	strace $0x90000056  }
0x80: {  	s0 =	sadd.s32 @!p0 $0x100000, s0;
	[bflag:$0x2] =	sbarrier.arrive $0xFFFF  }
0x81: {  	[sflag:s0] =	ssyncadd.tile.s32 @!p0 $0x1;
	_ =	shalt  }
.Lfunc_end2:
_tile_overlayer_lowered:
.L_overlay_start_2:
0x82: {  	(tag) =	ssettag $0x2  }
0x83: {  	s0 =	rddreg [dreg:$0x0];
	s2 =	stileid.u32  }
0x84: {  	s1 =	rddreg [dreg:$0x1];
	p0 =	sne.s32 s2, $0x0  }
0x85: {  	s3 =	rddreg [dreg:$0x2];
	[bflag:$0x3] =	sbarrier.arrive $0xFFFF;
	s2 =	simm.s32 @!p0 $0x1C03  }
0x86: {  	[timem:s3], [sflag:s2] =	dma.local @!p0 [hbm:s0], s1  }
0x87: {  	s0 =	simm.s32 @!p0 $0x3  }
0x88: {  	_ =	swait.ge @!p0 [sflag:s0], s1  }
0x89: {  	s1 =	ssub.s32 @!p0 $0x0, s1;
	[sflag:s0] =	ssyncset.done @!p0 $0x0  }
0x8a: {  	[sflag:s0] =	ssyncadd.s32 @!p0 s1  }
0x8b: {  	[bflag:$0x3] =	sbarrier.arrive $0xFFFF  }
0x8c: {  	_ =	shalt  }

// kernel: kernel.31.cloned.1.call-start
scs
__scs_entry_jumppad:
0x0: {  	(pc) =	sbr.rel $0x88, $3  }
0x1: {  	(tag) =	ssettag $0x0;
	lr =	simm.s32 $0x1  }
0x2: {  	[smem:$0x3F8D] =	sst lr;
	_ =	strace $0xD0000000  }
0x3: {  	_ = 	snop  }
0x4: {  	_ = 	snop  }
0x5: {  	_ = 	snop  }
0x6: {  	_ = 	snop  }
0x7: {  	_ = 	snop  }
__scs_overlays_trampoline_lowered:
0x8: {  	[smem:$0x3F9C] =	sst s0  }
0x9: {  	[smem:$0x3F9D] =	sst s1  }
0xa: {  	[smem:$0x3F9E] =	sst s2  }
0xb: {  	[smem:$0x3F9F] =	sst s3  }
0xc: {  	[smem:$0x3FA0] =	sst s4  }
0xd: {  	[smem:$0x3FA1] =	sst s5  }
0xe: {  	[smem:$0x3FA2] =	sst s6  }
0xf: {  	[smem:$0x3FA3] =	sst s7  }
0x10: {  	[smem:$0x3FA4] =	sst s8  }
0x11: {  	[smem:$0x3FA5] =	sst s9;
	s0 =	simm.s32 @!p0 $0x0  }
0x12: {  	s1 =	sld [smem:$0x3F8B];
	s0 =	simm.s32 @p0 $0x1  }
0x13: {  	[smem:$0x3FA6] =	sst s0;
	s0 =	simm.s32 @!p1 $0x0  }
0x14: {  	s2 =	sld [smem:$0x3F8A];
	s0 =	simm.s32 @p1 $0x1  }
0x15: {  	[smem:$0x3FA7] =	sst s0;
	s0 =	simm.s32 @!p2 $0x0  }
0x16: {  	s3 =	sld [smem:$0x3FDB];
	s0 =	simm.s32 @p2 $0x1  }
0x17: {  	s4 =	simm.s32 $0x1BF5;
	[smem:$0x3FA9] =	sst s0  }
0x18: {  	s0 =	sld [smem:$0x3F8C];
	_ =	swait.ge [sflag:s4], $0x0  }
0x19: {  	s7 =	sld [smem:$0x3F8D]  }
0x1a: {  	s8 =	sadd.s32 $0xFFFFE003, lr  }
0x1b: {  	s9 =	sadd.s32 $0xFFFFFEF7, lr;
	s5 =	simm.s32 $0xFFFFFFFF;
	p2 =	slt.u32 s8, $0xFFFFF086  }
0x1c: {  	p1 =	slt.u32 s9, $0xF7A;
	s5 =	simm.s32 @!p2 $0x0  }
0x1d: {  	s5 =	simm.s32 @p1 $0x1;
	p0 =	seq.s32 s7, s2  }
0x1e: {  	s7 =	smul.u32 @!p0 $0xF7A, s2;
	p2 =	seq.s32 @!p0 s5, $0x0  }
0x1f: {  	s9 =	smul.u32 $0xF7A, s1;
	s8 =	simm.s32 @!p0 $0x1BF5;
	p2 =	por !p2, p0  }
0x20: {  	[sflag:s8] =	ssyncset.s32 @!p0 $0xFFFFF086;
	s6 =	sadd.s32 @!p0 s3, s7;
	s7 =	simm.s32 @!p0 $0x108  }
0x21: {  	s3 =	sadd.s32 s3, s9;
	s6 =	sadd.s32 @!p0 $0x88, s6;
	s7 =	simm.s32 @p2 $0x1082  }
0x22: {  	[simem:s7], [sflag:s8] =	dma.local @!p0 [hbm:s6], $0xF7A  }
0x23: {  	s9 =	sor.u32 $0xD0000000, s2;
	s6 =	simm.s32 $0x108;
	_ =	swait.ge @!p0 [sflag:s8], $0x0  }
0x24: {  	s3 =	sadd.s32 $0x88, s3;
	s6 =	simm.s32 @!p1 $0x1082;
	[sflag:s4] =	ssyncset.s32 $0xFFFFF086  }
0x25: {  	[simem:s6], [sflag:s4] =	dma.local [hbm:s3], $0xF7A  }
0x26: {  	[smem:$0x3F8D] =	sst s1;
	(tag) =	ssettag s2;
	_ =	strace s9  }
0x27: {  	s1 =	sld [smem:$0x3F9D]  }
0x28: {  	s2 =	sld [smem:$0x3F9E]  }
0x29: {  	s4 =	sld [smem:$0x3FA0]  }
0x2a: {  	p0 =	seq.s32 s5, $0x0;
	s5 =	sld [smem:$0x3FA1]  }
0x2b: {  	s6 =	sld [smem:$0x3FA2]  }
0x2c: {  	s7 =	sld [smem:$0x3FA3]  }
0x2d: {  	s3 =	simm.s32 $0x108;
	s8 =	sld [smem:$0x3FA4]  }
0x2e: {  	s3 =	simm.s32 @!p0 $0x1082;
	s9 =	sld [smem:$0x3FA5]  }
0x2f: {  	lr =	sadd.s32 s0, s3;
	s0 =	sld [smem:$0x3F9C]  }
0x30: {  	s3 =	sld [smem:$0x3F9F]  }
0x31: {  	[smem:$0x3FA8] =	sst s10  }
0x32: {  	s10 =	sld [smem:$0x3FA6];
	_ =	sdelay $0x3  }
0x33: {  	p0 =	seq.s32 s10, $0x1;
	s10 =	sld [smem:$0x3FA8];
	_ =	sdelay $0x3  }
0x34: {  	[smem:$0x3FA8] =	sst s10  }
0x35: {  	s10 =	sld [smem:$0x3FA7];
	_ =	sdelay $0x3  }
0x36: {  	p1 =	seq.s32 s10, $0x1;
	s10 =	sld [smem:$0x3FA8];
	_ =	sdelay $0x3  }
0x37: {  	[smem:$0x3FA8] =	sst s10  }
0x38: {  	s10 =	sld [smem:$0x3FA9]  }
0x39: {  	_ = 	snop;
	(pc) =	sbr.ind lr, $3  }
0x3a: {  	_ = 	snop  }
0x3b: {  	_ = 	snop  }
0x3c: {  	p2 =	seq.s32 s10, $0x1;
	s10 =	sld [smem:$0x3FA8]  }
0x3d: {  	_ =	shalt  }
0x3e: {  	_ =	shalt  }
0x3f: {  	_ =	shalt  }
0x40: {  	_ =	shalt  }
0x41: {  	_ =	shalt  }
0x42: {  	_ =	shalt  }
0x43: {  	_ =	shalt  }
0x44: {  	_ =	shalt  }
0x45: {  	_ =	shalt  }
0x46: {  	_ =	shalt  }
0x47: {  	_ =	shalt  }
0x48: {  	_ =	shalt  }
0x49: {  	_ =	shalt  }
0x4a: {  	_ =	shalt  }
0x4b: {  	_ =	shalt  }
0x4c: {  	_ =	shalt  }
0x4d: {  	_ =	shalt  }
0x4e: {  	_ =	shalt  }
0x4f: {  	_ =	shalt  }
0x50: {  	_ =	shalt  }
0x51: {  	_ =	shalt  }
0x52: {  	_ =	shalt  }
0x53: {  	_ =	shalt  }
0x54: {  	_ =	shalt  }
0x55: {  	_ =	shalt  }
0x56: {  	_ =	shalt  }
0x57: {  	_ =	shalt  }
0x58: {  	_ =	shalt  }
0x59: {  	_ =	shalt  }
0x5a: {  	_ =	shalt  }
0x5b: {  	_ =	shalt  }
0x5c: {  	_ =	shalt  }
0x5d: {  	_ =	shalt  }
0x5e: {  	_ =	shalt  }
0x5f: {  	_ =	shalt  }
0x60: {  	_ =	shalt  }
0x61: {  	_ =	shalt  }
0x62: {  	_ =	shalt  }
0x63: {  	_ =	shalt  }
0x64: {  	_ =	shalt  }
0x65: {  	_ =	shalt  }
0x66: {  	_ =	shalt  }
0x67: {  	_ =	shalt  }
0x68: {  	_ =	shalt  }
0x69: {  	_ =	shalt  }
0x6a: {  	_ =	shalt  }
0x6b: {  	_ =	shalt  }
0x6c: {  	_ =	shalt  }
0x6d: {  	_ =	shalt  }
0x6e: {  	_ =	shalt  }
0x6f: {  	_ =	shalt  }
0x70: {  	_ =	shalt  }
0x71: {  	_ =	shalt  }
0x72: {  	_ =	shalt  }
0x73: {  	_ =	shalt  }
0x74: {  	_ =	shalt  }
0x75: {  	_ =	shalt  }
0x76: {  	_ =	shalt  }
0x77: {  	_ =	shalt  }
0x78: {  	_ =	shalt  }
0x79: {  	_ =	shalt  }
0x7a: {  	_ =	shalt  }
0x7b: {  	_ =	shalt  }
0x7c: {  	_ =	shalt  }
0x7d: {  	_ =	shalt  }
0x7e: {  	_ =	shalt  }
0x7f: {  	_ =	shalt  }
0x80: {  	_ =	shalt  }
0x81: {  	_ =	shalt  }
0x82: {  	_ =	shalt  }
0x83: {  	_ =	shalt  }
0x84: {  	_ =	shalt  }
0x85: {  	_ =	shalt  }
0x86: {  	_ =	shalt  }
0x87: {  	_ =	shalt  }
.Lfunc_end0:
.L_simem_size_0:
called_computation.5_lowered:
.L_overlay_start_0:
0x88: {  	s2 =	sld [smem:$0x3FD9]  }
0x89: {  	s3 =	sld [smem:$0x3FFE];
	_ =	sdelay $0x1  }
0x8a: {  	s1 =	srdreg.scid  }
0x8b: {  	s0 =	sand.u32 $0x1, s1  }
0x8c: {  	s16 =	sshll.u32 s0, $0xA;
	s2 =	sadd.s32 s3, s2  }
0x8d: {  	s2 =	sadd.s32 s2, s16  }
0x8e: {  	[smem:$0x3FB4] =	sst s2  }
0x8f: {  	_ = 	snop  }
0x90: {  	(tm) =	ssettm $0x1  }
0x91: {  	s17 =	sld [smem:$0x3FFB];
	_ =	sdelay $0x3  }
0x92: {  	_ =	strace s17  }
0x93: {  	s2 =	sld [smem:$0x3FFC];
	_ =	sdelay $0x3  }
0x94: {  	_ =	strace s2  }
0x95: {  	s2 =	sld [smem:$0x3FFD];
	_ =	sdelay $0x3  }
0x96: {  	_ =	strace s2  }
0x97: {  	_ =	strace $0x8FFFFFFF  }
0x98: {  	s18 =	sld [smem:$0x3FDB];
	_ =	sdelay $0x1  }
0x99: {  	s19 =	simm.s32 $_scs_section_size  }
0x9a: {  	s4 =	simm.s32 $_size__tile_overlayer_lowered;
	s5 =	simm.s32 $_tile_overlayer_lowered  }
0x9b: {  	s22 =	simm.s32 $0x1BFF;
	s21 =	sshll.u32 s5, $0x1;
	s2 =	sadd.s32 s19, s18  }
0x9c: {  	s6 =	simm.s32 $0x0;
	s20 =	sshll.u32 s4, $0x1;
	s4 =	sadd.s32 s21, s2  }
0x9d: {  	[timem:s6], [sflag:s22] =	dma.local [hbm:s4], s20  }
0x9e: {  	_ =	swait.ge [sflag:s22], s20  }
0x9f: {  	s3 =	ssub.s32 $0x0, s20;
	[sflag:s22] =	ssyncset.done $0x0  }
0xa0: {  	[sflag:s22] =	ssyncadd.s32 s3;
	_ =	sdelay $0x1  }
0xa1: {  	s23 =	simm.s32 $0x1B8B  }
0xa2: {  	_ =	swait.ge [sflag:s23], $0x1  }
0xa3: {  	[sflag:s23] =	ssyncset.done $0x0  }
0xa4: {  	s25 =	simm.s32 $0x1B8E;
	s24 =	sld [smem:$0x3FFE];
	[sflag:s23] =	ssyncadd.s32 $0xFFFFFFFF  }
0xa5: {  	s26 =	simm.s32 $execute0_lowered;
	[smem:$0x3FD2] =	sst s25  }
0xa6: {  	s4 =	sshll.u32 s26, $0x1;
	_ =	strace $0x80000052;
	[dreg:$0x1] =	wrdreg $0xFFFFFFFF  }
0xa7: {  	s28 =	simm.s32 $_size_execute0_lowered;
	s2 =	sadd.s32 s2, s4;
	[dreg:$0x0] =	wrdreg $0x0  }
0xa8: {  	s4 =	sshll.u32 s28, $0x1;
	[dreg:$0x2] =	wrdreg s2  }
0xa9: {  	[dreg:$0x3] =	wrdreg s4  }
0xaa: {  	[dreg:$0x4] =	wrdreg $0xC0  }
0xab: {  	_ =	task [dreg:s6], $0x5FFFF  }
0xac: {  	[dreg:$0x1] =	wrdreg $0xFFFFFFFF  }
0xad: {  	[dreg:$0x0] =	wrdreg $0x60  }
0xae: {  	[dreg:$0x2] =	wrdreg s24  }
0xaf: {  	[dreg:$0x3] =	wrdreg $0x0  }
0xb0: {  	[dreg:$0x4] =	wrdreg $0xA  }
0xb1: {  	_ =	task.clear_ibuf [dreg:s6], $0x5FFFF;
	_ =	strace $0x90000052  }
0xb2: {  	s29 =	simm.s32 $0xA;
	_ =	strace $0x80000054  }
0xb3: {  	_ =	swait.ge [sflag:s29], $0x1  }
0xb4: {  	[sflag:s29] =	ssyncadd.s32 $0xFFFFFFFF  }
0xb5: {  	_ =	strace $0x90000054  }
0xb6: {  	_ =	sfence  }
0xb7: {  	s30 =	sld [smem:$0x0];
	_ =	sdelay $0x2  }
0xb8: {  	s31 =	sshll.u32 s1, $0xD;
	s1 =	sshrl.u32 s1, $0x2  }
0xb9: {  	s3 =	sand.u32 $0x4000, s31;
	s1 =	sadd.s32 s1, s30  }
0xba: {  	s0 =	sor.u32 s3, s0;
	s1 =	sshll.u32 s1, $0x11  }
0xbb: {  	s0 =	sor.u32 s1, s0  }
0xbc: {  	s0 =	sadd.s32 $0x8F2B, s0  }
0xbd: {  	[sflag:s0] =	ssyncadd.remote.s32 $0x1  }
0xbe: {  	_ =	sfence.sel $0xFFFF  }
0xbf: {  	[dreg:$0x0] =	wrdreg $0xFFFFFFFF;
	(pc) =	sbr.abs _section_cstart, $3  }
0xc0: {  	[dreg:$0x1] =	wrdreg $0xFFFFFFFF  }
0xc1: {  	_ =	task.clear_ibuf [dreg:s6], $0x2FFFF;
	_ =	strace $0x9FFFFFFF  }
0xc2: {  	(tm) =	ssettm $0x7FFFFFFF  }
0xc3: {  	_ =	shalt  }
tec
execute0_lowered:
.L_overlay_start_1:
0x0: {  	(tag) =	ssettag $0x1  }
0x1: {  	s5 =	rddreg [dreg:$0x0]  }
0x2: {  	s1 =	rddreg [dreg:$0x1];
	s2 =	stileid.u32  }
0x3: {  	s0 =	rddreg [dreg:$0x2];
	s7 =	smul.u32 $0x2800, s2  }
0x4: {  	s3 =	simm.s32 $0x0;
	s4 =	srdreg.scid;
	s13 =	smul.u32 $0x50000, s2  }
0x5: {  	s18 =	simm.s32 $0x14080;
	s19 =	simm.s32 $0x16900;
	s28 =	smul.u32 $0x2710, s2  }
0x6: {  	[smem:$0x7FF] =	sst s3;
	s6 =	sand.u32 $0x1, s4;
	s17 =	smul.u32 $0x27100, s2  }
0x7: {  	s9 =	sadd.s32 $0x194E000, s5;
	s25 =	sshll.u32 s2, $0x6;
	s8 =	smul.u32 $0x28000, s6  }
0x8: {  	_ =	strace $0x80000053;
	s4 =	sshll.u32 s6, $0x4;
	s23 =	smul.u32 $0x271000, s6  }
0x9: {  	s20 =	ssub.s32 $0x2, s6;
	s24 =	smul.u32 $0x27100, s6;
	s6 =	sor.u32 $0x1C03, s25  }
0xa: {  	s10 =	sor.u32 s2, s4;
	s4 =	sadd.s32 $0x13200, s5;
	s11 =	sadd.s32 s7, s5  }
0xb: {  	s21 =	sshrl.u32 s20, $0x1;
	s22 =	sshrl.u32 s13, $0x2;
	s12 =	smul.u32 $0x2710, s10  }
0xc: {  	s7 =	sadd.s32 s7, s8;
	s10 =	smul.u32 $0x27100, s10;
	s15 =	ssub.s32 s20, s21  }
0xd: {  	s16 =	sadd.s32 s22, s1;
	s29 =	sadd.s32 s23, s9;
	s20 =	simm.s32 $0x1  }
0xe: {  	s21 =	simm.s32 $0x50;
	s22 =	simm.s32 $0x2;
	s23 =	simm.s32 $0x0  }
0xf: {  	s14 =	sadd.s32 s7, s5;
	s5 =	sadd.s32 $0x46800, s11;
	s30 =	sadd.s32 s17, s29  }
0x10: {  	s17 =	simm.s32 $0x14100;
	s26 =	sshrl.u32 s12, $0x3;
	s8 =	sadd.s32 s9, s10  }
0x11: {  	s12 =	sadd.s32 s28, s24;
	s9 =	sadd.s32 $0x6E800, s14;
	s10 =	smax.u32 s15, $0x1  }
0x12: {  	s11 =	sadd.s32 $0xA00, s30;
	s14 =	sshrl.u32 s16, $0x3;
	s31 =	sadd.s32 $0x50, s12  }
0x13: {  	s15 =	simm.s32 $0x3;
	s16 =	simm.s32 $0x14000;
	s13 =	sshrl.u32 s31, $0x3  }
0x14: {  	s7 =	sadd.s32 s4, s26;
	s12 =	sadd.s32 $0xA0, s12;
	s13 =	sadd.s32 s13, s4  }
.LBB2_1:
0x15: {  	[spmem:s14], [sflag:s6] =	dma.local [hbm:s5], $0x2800  }
0x16: {  	_ =	swait.ge [sflag:s15], $0x2800  }
0x17: {  	[sflag:s15] =	ssyncset.done $0x0  }
0x18: {  	[sflag:s15] =	ssyncadd.s32 $0xFFFFD800  }
0x19: {  	[bflag:$0x0] =	sbarrier.arrive $0xFFFF  }
0x1a: {  	[tilespmem:s16], [sflag:$0x1] =	stream.linear.gather [hbm4b:s7+s3], $0x50, $0x38;
	[tilespmem:$0x19100] =	vst v63  }
0x1b: {  	_ = 	snop  }
0x1c: {  	[tilespmem:s17], [sflag:$0x1] =	stream.linear.gather [hbm4b:s8+s3], $0x2800, $0x38;
	[tilespmem:$0x19100] =	vst v63  }
0x1d: {  	s24 =	sadd.s32 $0x0, s13  }
0x1e: {  	[tilespmem:s18], [sflag:$0x2] =	stream.linear.gather [hbm4b:s24+s3], $0x50, $0x38;
	[tilespmem:$0x19100] =	vst v63  }
0x1f: {  	s30 =	sadd.s32 $0xFFFFFB00, s11  }
0x20: {  	[tilespmem:s19], [sflag:$0x2] =	stream.linear.gather [hbm4b:s30+s3], $0x2800, $0x38;
	[tilespmem:$0x19100] =	vst v63  }
0x21: {  	_ =	swait.ge [sflag:s20], $0x50  }
0x22: {  	[sflag:s20] =	ssyncset.done $0x0  }
0x23: {  	[sflag:s20] =	ssyncadd.s32 $0xFFFFFFB0  }
0x24: {  	_ =	swait.ge [sflag:s20], $0x2800  }
0x25: {  	[sflag:s20] =	ssyncset.done $0x0  }
0x26: {  	[sflag:s20] =	ssyncadd.s32 $0xFFFFD800  }
0x27: {  	[spmem:s1] =	stream.indirect.scatter.add.f32 [tilespmem:s17], [sflag:$0x3], $0x80, s16, s21, $0xb8;
	[tilespmem:$0x19100] =	vst v63  }
0x28: {  	_ =	swait.ge [sflag:s15], $0x2800  }
0x29: {  	s31 =	sshrl.u32 s12, $0x3;
	[sflag:s15] =	ssyncset.done $0x0  }
0x2a: {  	s24 =	sadd.s32 s4, s31;
	[sflag:s15] =	ssyncadd.s32 $0xFFFFD800  }
0x2b: {  	[tilespmem:s16], [sflag:$0x1] =	stream.linear.gather [hbm4b:s24+s3], $0x50, $0x38;
	[tilespmem:$0x19100] =	vst v63  }
0x2c: {  	_ = 	snop  }
0x2d: {  	[tilespmem:s17], [sflag:$0x1] =	stream.linear.gather [hbm4b:s11+s3], $0x2800, $0x38;
	[tilespmem:$0x19100] =	vst v63  }
0x2e: {  	_ =	swait.ge [sflag:s22], $0x50  }
0x2f: {  	[sflag:s22] =	ssyncset.done $0x0  }
0x30: {  	[sflag:s22] =	ssyncadd.s32 $0xFFFFFFB0  }
0x31: {  	_ =	swait.ge [sflag:s22], $0x2800  }
0x32: {  	[sflag:s22] =	ssyncset.done $0x0  }
0x33: {  	[sflag:s22] =	ssyncadd.s32 $0xFFFFD800  }
0x34: {  	[spmem:s1] =	stream.indirect.scatter.add.f32 [tilespmem:s19], [sflag:$0x3], $0x80, s18, s21, $0xb8;
	[tilespmem:$0x19100] =	vst v63  }
0x35: {  	s26 =	simm.s32 $0x14;
	s28 =	simm.s32 $0x28;
	_ =	swait.ge [sflag:s15], $0x2800  }
0x36: {  	s25 =	sadd.s32 $0xA0, s12;
	s24 =	sadd.s32 $0xA00, s11;
	[sflag:s15] =	ssyncset.done $0x0  }
.LBB2_2:
0x37: {  	s29 =	sadd.s32 s26, s13  }
0x38: {  	[sflag:s15] =	ssyncadd.s32 $0xFFFFD800;
	s26 =	smov.u32 s28;
	s30 =	sadd.s32 $0x14, s28  }
0x39: {  	[tilespmem:s18], [sflag:$0x2] =	stream.linear.gather [hbm4b:s29+s3], $0x50, $0x38;
	[tilespmem:$0x19100] =	vst v63  }
0x3a: {  	p0 =	sne.s32 s28, $0x4C4;
	s28 =	sadd.s32 $0xFFFFFB00, s24  }
0x3b: {  	[tilespmem:s19], [sflag:$0x2] =	stream.linear.gather [hbm4b:s28+s3], $0x2800, $0x38;
	[tilespmem:$0x19100] =	vst v63  }
0x3c: {  	_ =	swait.ge [sflag:s20], $0x50  }
0x3d: {  	[sflag:s20] =	ssyncset.done $0x0  }
0x3e: {  	[sflag:s20] =	ssyncadd.s32 $0xFFFFFFB0  }
0x3f: {  	_ =	swait.ge [sflag:s20], $0x2800  }
0x40: {  	[sflag:s20] =	ssyncset.done $0x0  }
0x41: {  	[sflag:s20] =	ssyncadd.s32 $0xFFFFD800  }
0x42: {  	[spmem:s1] =	stream.indirect.scatter.add.f32 [tilespmem:s17], [sflag:$0x3], $0x80, s16, s21, $0xb8;
	[tilespmem:$0x19100] =	vst v63  }
0x43: {  	_ =	swait.ge [sflag:s15], $0x2800  }
0x44: {  	s28 =	sshrl.u32 s25, $0x3;
	[sflag:s15] =	ssyncset.done $0x0  }
0x45: {  	s28 =	sadd.s32 s4, s28;
	[sflag:s15] =	ssyncadd.s32 $0xFFFFD800  }
0x46: {  	[tilespmem:s16], [sflag:$0x1] =	stream.linear.gather [hbm4b:s28+s3], $0x50, $0x38;
	[tilespmem:$0x19100] =	vst v63  }
0x47: {  	_ = 	snop  }
0x48: {  	[tilespmem:s17], [sflag:$0x1] =	stream.linear.gather [hbm4b:s24+s3], $0x2800, $0x38;
	[tilespmem:$0x19100] =	vst v63  }
0x49: {  	_ =	swait.ge [sflag:s22], $0x50  }
0x4a: {  	[sflag:s22] =	ssyncset.done $0x0  }
0x4b: {  	[sflag:s22] =	ssyncadd.s32 $0xFFFFFFB0  }
0x4c: {  	_ =	swait.ge [sflag:s22], $0x2800  }
.Ltmp0:
0x4d: {  	[sflag:s22] =	ssyncset.done $0x0;
	(pc) =	sbr.rel @p0 .LBB2_2-.Ltmp0, $4  }
0x4e: {  	[sflag:s22] =	ssyncadd.s32 $0xFFFFD800  }
0x4f: {  	[spmem:s1] =	stream.indirect.scatter.add.f32 [tilespmem:s19], [sflag:$0x3], $0x80, s18, s21, $0xb8;
	[tilespmem:$0x19100] =	vst v63  }
0x50: {  	s25 =	sadd.s32 $0xA0, s25;
	_ =	swait.ge [sflag:s15], $0x2800  }
0x51: {  	s28 =	smov.u32 s30;
	s24 =	sadd.s32 $0xA00, s24;
	[sflag:s15] =	ssyncset.done $0x0  }
0x52: {  	s26 =	sadd.s32 s26, s13;
	[sflag:s15] =	ssyncadd.s32 $0xFFFFD800  }
0x53: {  	[tilespmem:s18], [sflag:$0x2] =	stream.linear.gather [hbm4b:s26+s3], $0x50, $0x38;
	[tilespmem:$0x19100] =	vst v63  }
0x54: {  	s31 =	sadd.s32 $0xFFFFFB00, s24  }
0x55: {  	[tilespmem:s19], [sflag:$0x2] =	stream.linear.gather [hbm4b:s31+s3], $0x2800, $0x38;
	[tilespmem:$0x19100] =	vst v63  }
0x56: {  	_ =	swait.ge [sflag:s20], $0x50  }
0x57: {  	[sflag:s20] =	ssyncset.done $0x0  }
0x58: {  	[sflag:s20] =	ssyncadd.s32 $0xFFFFFFB0  }
0x59: {  	_ =	swait.ge [sflag:s20], $0x2800  }
0x5a: {  	[sflag:s20] =	ssyncset.done $0x0  }
0x5b: {  	[sflag:s20] =	ssyncadd.s32 $0xFFFFD800  }
0x5c: {  	[spmem:s1] =	stream.indirect.scatter.add.f32 [tilespmem:s17], [sflag:$0x3], $0x80, s16, s21, $0xb8;
	[tilespmem:$0x19100] =	vst v63  }
0x5d: {  	_ =	swait.ge [sflag:s15], $0x2800  }
0x5e: {  	s25 =	sshrl.u32 s25, $0x3;
	[sflag:s15] =	ssyncset.done $0x0  }
0x5f: {  	s25 =	sadd.s32 s4, s25;
	[sflag:s15] =	ssyncadd.s32 $0xFFFFD800  }
0x60: {  	[tilespmem:s16], [sflag:$0x1] =	stream.linear.gather [hbm4b:s25+s3], $0x50, $0x38;
	[tilespmem:$0x19100] =	vst v63  }
0x61: {  	_ = 	snop  }
0x62: {  	[tilespmem:s17], [sflag:$0x1] =	stream.linear.gather [hbm4b:s24+s3], $0x2800, $0x38;
	[tilespmem:$0x19100] =	vst v63  }
0x63: {  	_ =	swait.ge [sflag:s22], $0x50  }
0x64: {  	[sflag:s22] =	ssyncset.done $0x0  }
0x65: {  	[sflag:s22] =	ssyncadd.s32 $0xFFFFFFB0  }
0x66: {  	_ =	swait.ge [sflag:s22], $0x2800  }
0x67: {  	[sflag:s22] =	ssyncset.done $0x0  }
0x68: {  	[sflag:s22] =	ssyncadd.s32 $0xFFFFD800  }
0x69: {  	[spmem:s1] =	stream.indirect.scatter.add.f32 [tilespmem:s19], [sflag:$0x3], $0x80, s18, s21, $0xb8;
	[tilespmem:$0x19100] =	vst v63  }
0x6a: {  	_ =	swait.ge [sflag:s15], $0x2800  }
0x6b: {  	[sflag:s15] =	ssyncset.done $0x0  }
0x6c: {  	[sflag:s15] =	ssyncadd.s32 $0xFFFFD800  }
0x6d: {  	_ =	swait.ge [sflag:s20], $0x50  }
0x6e: {  	[sflag:s20] =	ssyncset.done $0x0  }
0x6f: {  	[sflag:s20] =	ssyncadd.s32 $0xFFFFFFB0  }
0x70: {  	_ =	swait.ge [sflag:s20], $0x2800  }
0x71: {  	[sflag:s20] =	ssyncset.done $0x0  }
0x72: {  	[sflag:s20] =	ssyncadd.s32 $0xFFFFD800  }
0x73: {  	[spmem:s1] =	stream.indirect.scatter.add.f32 [tilespmem:s17], [sflag:$0x3], $0x80, s16, s21, $0xb8;
	[tilespmem:$0x19100] =	vst v63  }
0x74: {  	_ =	swait.ge [sflag:s15], $0x2800  }
0x75: {  	[sflag:s15] =	ssyncset.done $0x0  }
0x76: {  	s23 =	sadd.s32 $0x1, s23;
	[sflag:s15] =	ssyncadd.s32 $0xFFFFD800  }
0x77: {  	p0 =	sne.s32 s23, s10;
	[bflag:$0x0] =	sbarrier.arrive $0xFFFF  }
0x78: {  	[hbm:s9], [sflag:s6] =	dma.local [spmem:s14], $0x2800  }
.Ltmp1:
0x79: {  	_ =	swait.ge [sflag:s15], $0x2800;
	(pc) =	sbr.rel @p0 .LBB2_1-.Ltmp1, $3  }
0x7a: {  	[sflag:s15] =	ssyncset.done $0x0  }
0x7b: {  	[sflag:s15] =	ssyncadd.s32 $0xFFFFD800  }
0x7c: {  	[bflag:$0x0] =	sbarrier.arrive $0xFFFF;
	_ =	sdelay $0x1  }
0x7d: {  	_ =	sfence.sel $0x180000  }
0x7e: {  	[bflag:$0x0] =	sbarrier.arrive $0xFFFF  }
0x7f: {  	p0 =	sne.s32 s2, $0x0;
	_ =	strace $0x90000053  }
0x80: {  	s0 =	sadd.s32 @!p0 $0x100000, s0;
	[bflag:$0x2] =	sbarrier.arrive $0xFFFF  }
0x81: {  	[sflag:s0] =	ssyncadd.tile.s32 @!p0 $0x1;
	_ =	shalt  }
.Lfunc_end2:
_tile_overlayer_lowered:
.L_overlay_start_2:
0x82: {  	(tag) =	ssettag $0x2  }
0x83: {  	s0 =	rddreg [dreg:$0x0];
	s2 =	stileid.u32  }
0x84: {  	s1 =	rddreg [dreg:$0x1];
	p0 =	sne.s32 s2, $0x0  }
0x85: {  	s3 =	rddreg [dreg:$0x2];
	[bflag:$0x3] =	sbarrier.arrive $0xFFFF;
	s2 =	simm.s32 @!p0 $0x1C03  }
0x86: {  	[timem:s3], [sflag:s2] =	dma.local @!p0 [hbm:s0], s1  }
0x87: {  	s0 =	simm.s32 @!p0 $0x3  }
0x88: {  	_ =	swait.ge @!p0 [sflag:s0], s1  }
0x89: {  	s1 =	ssub.s32 @!p0 $0x0, s1;
	[sflag:s0] =	ssyncset.done @!p0 $0x0  }
0x8a: {  	[sflag:s0] =	ssyncadd.s32 @!p0 s1  }
0x8b: {  	[bflag:$0x3] =	sbarrier.arrive $0xFFFF  }
0x8c: {  	_ =	shalt  }

</sc_bundles>
